<compile_context>
chip_gen: v7x
topology: tpu7x:2x2x1
jax: 0.10.2.dev20260603
libtpu: 0.0.44.dev20260713+nightly
codegen_flags: <defaults>
</compile_context>

<pallas_src>
import functools

import jax
import jax.numpy as jnp
from jax import lax
from jax.experimental import pallas as pl
from jax.experimental.pallas import tpu as pltpu
from jax.experimental.pallas import tpu_sc as plsc

GW = 128
NBUF = 4


def _tc_precompute(table_t, W, b):
    feat, n = table_t.shape
    blk = 2048

    def body(t_ref, w_ref, b_ref, o_ref):
        o_ref[...] = lax.dot_general(
            t_ref[...], w_ref[...], (((0,), (0,)), ((), ())),
            preferred_element_type=jnp.float32) + b_ref[...]

    return pl.pallas_call(
        body,
        grid=(n // blk,),
        in_specs=[
            pl.BlockSpec((feat, blk), lambda i: (0, i)),
            pl.BlockSpec((feat, 2 * feat), lambda i: (0, 0)),
            pl.BlockSpec((1, 2 * feat), lambda i: (0, 0)),
        ],
        out_specs=pl.BlockSpec((blk, 2 * feat), lambda i: (i, 0)),
        out_shape=jax.ShapeDtypeStruct((n, 2 * feat), jnp.float32),
    )(table_t, W, b)


def _sc_gather(t, idx2d, base_group, chunk_groups):
    info = plsc.get_sparse_core_info()
    nc, ns = info.num_cores, info.num_subcores
    nw = nc * ns
    gw = idx2d.shape[1]
    width = t.shape[1]
    g_per_w = chunk_groups // nw
    mesh = plsc.VectorSubcoreMesh(core_axis_name="c", subcore_axis_name="s")

    @functools.partial(
        pl.kernel, mesh=mesh,
        out_type=jax.ShapeDtypeStruct((chunk_groups * gw, width), jnp.float32),
        scratch_types=[
            pltpu.VMEM((g_per_w, gw), jnp.int32),
            [pltpu.VMEM((gw, width), jnp.float32) for _ in range(NBUF)],
            [pltpu.SemaphoreType.DMA for _ in range(NBUF)],
        ],
    )
    def k(t_hbm, idx_hbm, out_hbm, idx_v, bufs, sems):
        wid = lax.axis_index("s") * nc + lax.axis_index("c")
        gbase = wid * g_per_w
        pltpu.sync_copy(idx_hbm.at[pl.ds(base_group + gbase, g_per_w)], idx_v)

        def start(j, b):
            pltpu.async_copy(t_hbm.at[idx_v.at[j]], bufs[b], sems[b])

        def finish(j, b):
            pltpu.make_async_copy(t_hbm.at[idx_v.at[j]], bufs[b],
                                  sems[b]).wait()
            pltpu.sync_copy(bufs[b], out_hbm.at[pl.ds((gbase + j) * gw, gw)])

        for b in range(NBUF):
            start(b, b)

        def body(j0, carry):
            for b in range(NBUF):
                j = j0 * NBUF + b
                finish(j, b)
                start(j + NBUF, b)
            return carry

        lax.fori_loop(0, g_per_w // NBUF - 1, body, 0)
        for b in range(NBUF):
            finish(g_per_w - NBUF + b, b)

    return k(t, idx2d)


def _tc_film_batch(g, x3, batch, prev):
    nb, feat, p = x3.shape
    blk = 2048
    jblocks = p // blk

    def body(g_ref, x_ref, *rest):
        o_ref = rest[-1]
        gv = g_ref[...]
        scale = jnp.transpose(gv[:, :feat])
        shift = jnp.transpose(gv[:, feat:])
        o_ref[0] = (x_ref[0] * scale) + shift

    in_specs = [
        pl.BlockSpec((blk, 2 * feat), lambda j: (j, 0)),
        pl.BlockSpec((1, feat, blk), lambda j: (batch, 0, j)),
    ]
    operands = [g, x3]
    aliases = {}
    if prev is not None:
        in_specs.append(pl.BlockSpec(memory_space=pl.ANY))
        operands.append(prev)
        aliases = {2: 0}

    return pl.pallas_call(
        body,
        grid=(jblocks,),
        in_specs=in_specs,
        out_specs=pl.BlockSpec((1, feat, blk), lambda j: (batch, 0, j)),
        out_shape=jax.ShapeDtypeStruct((nb, feat, p), jnp.float32),
        input_output_aliases=aliases,
    )(*operands)


def kernel(x_zoom7, idx, group_idx, embeddings, W, b):
    nb, _, _, p, feat = x_zoom7.shape
    table_t = jnp.transpose(embeddings, (0, 2, 1))[0]
    t = _tc_precompute(table_t, W, b.reshape(1, -1))
    idx2d = idx.reshape(-1, GW)
    x3 = jnp.transpose(x_zoom7, (0, 1, 2, 4, 3)).reshape(nb, feat, p)
    gpb = idx2d.shape[0] // nb

    gathered = [_sc_gather(t, idx2d, bi * gpb, gpb) for bi in range(nb)]
    out3 = None
    for bi in range(nb):
        out3 = _tc_film_batch(gathered[bi], x3, bi, out3)
    return jnp.transpose(out3.reshape(nb, 1, 1, feat, p), (0, 1, 2, 4, 3))

# --- scband reference (transcript-rebuilt; emitter-appended) ---
"""Pipeline reference for scband-mgembedding-29411936043440 (READ-ONLY COPY).

The authoritative reference and input builder live on the scoring server;
editing this copy changes nothing except your own understanding.
"""

import jax, jax.numpy as jnp
import numpy as np

# HEALPix-like grid at zoom=7: N = 12 * 4**7 = 196608 nodes.
# MGEmbedding with n_groups=1, single zoom equal to emb_zoom (downsample_embs path),
# layer modeled as Linear(features -> 2*features) producing FiLM scale/shift.
B, P, N, F, G = 4, 65536, 196608, 64, 1

def setup_inputs(seed: int = 0) -> dict:
    key = jax.random.key(seed)
    k1, k2, k3, k4 = jax.random.split(key, 4)
    x_zoom7 = jax.random.normal(k1, (B, 1, 1, P, F), dtype=jnp.float32)
    idx = jax.random.randint(k2, (B, P), 0, N, dtype=jnp.int32)
    group_idx = jnp.zeros((B, 1, 1), dtype=jnp.int32)
    embeddings = jax.random.normal(k3, (G, N, F), dtype=jnp.float32)
    W = jax.random.normal(k4, (F, 2 * F), dtype=jnp.float32) / np.sqrt(F)
    b = jnp.zeros((2 * F,), dtype=jnp.float32)
    return {"x_zoom7": x_zoom7, "idx": idx, "group_idx": group_idx, "embeddings": embeddings, "W": W, "b": b}

def reference(x_zoom7, idx, group_idx, embeddings, W, b):
    # get_embeddings: self.embeddings[emb['GroupEmbedder'] * 0] -> [B,1,1,N,F]
    embs = jnp.take(embeddings, group_idx * 0, axis=0)
    # idx.view(B,1,1,P,1).expand(..., F); torch.gather(dim=-2)
    idx5 = idx.reshape(idx.shape[0], 1, 1, -1, 1)
    idx5 = jnp.broadcast_to(idx5, (idx.shape[0], 1, 1, idx.shape[1], embs.shape[-1]))
    gathered = jnp.take_along_axis(embs, idx5.astype(jnp.int32), axis=-2)  # [B,1,1,P,F]
    # layer: Linear F -> 2F
    h = gathered @ W + b  # [B,1,1,P,2F]
    # embs.view(*embs.shape[:3], -1, 2*F)
    h = h.reshape(h.shape[0], h.shape[1], h.shape[2], -1, 2 * embs.shape[-1])
    scale, shift = jnp.split(h, 2, axis=-1)
    return x_zoom7 * scale + shift

if __name__ == "__main__":
    import jax
    _d = setup_inputs()
    print(jax.jit(kernel)(*tuple(_d.values())))

</pallas_src>

<mosaic_0001>
#map = affine_map<(d0, d1) -> (0, 0)>
module attributes {stable_mosaic.version = 14 : i64} {
  func.func @k(%arg0: i32, %arg1: i32, %arg2: memref<196608x128xf32, #tpu.memory_space<hbm>>, %arg3: memref<2048x128xi32, #tpu.memory_space<hbm>>, %arg4: memref<65536x128xf32, #tpu.memory_space<hbm>>, %arg5: memref<16x128xi32, #tpu.memory_space<vmem>>, %arg6: memref<128x128xf32, #tpu.memory_space<vmem>>, %arg7: memref<128x128xf32, #tpu.memory_space<vmem>>, %arg8: memref<128x128xf32, #tpu.memory_space<vmem>>, %arg9: memref<128x128xf32, #tpu.memory_space<vmem>>, %arg10: memref<!tpu.dma_semaphore, #tpu.memory_space<semaphore_mem>>, %arg11: memref<!tpu.dma_semaphore, #tpu.memory_space<semaphore_mem>>, %arg12: memref<!tpu.dma_semaphore, #tpu.memory_space<semaphore_mem>>, %arg13: memref<!tpu.dma_semaphore, #tpu.memory_space<semaphore_mem>>) attributes {dimension_semantics = [#tpu.dimension_semantics<core_parallel>, #tpu.dimension_semantics<subcore_parallel>], iteration_bounds = array<i64: 2, 16>, scalar_prefetch = 0 : i64, scratch_operands = 9 : i64, tpu.core_type = #tpu.core_type<sc_vector_subcore>, window_params = [{transform_indices = #map}, {transform_indices = #map}, {transform_indices = #map}]} {
    %mul3A = arith.constant 2 : i32
    %mul3A_0 = arith.muli %arg1, %mul3A : i32
    %add3A = arith.addi %mul3A_0, %arg0 : i32
    %mul3A_1 = arith.constant 16 : i32
    %mul3A_2 = arith.muli %add3A, %mul3A_1 : i32
    %add3A_3 = arith.constant 512 : i32
    %add3A_4 = arith.addi %add3A_3, %mul3A_2 : i32
    "tpu.region"() ({
      %run_scoped3A = tpu.sem_alloc : memref<!tpu.dma_semaphore, #tpu.memory_space<semaphore_mem>>
      %dma_start3A_80 = arith.constant 0 : i32
      %dma_start3A_81 = tpu.memref_slice %arg3[%add3A_4, %dma_start3A_80] : memref<2048x128xi32, #tpu.memory_space<hbm>> -> memref<16x128xi32, #tpu.memory_space<hbm>>
      %dma_start3A_82 = arith.constant 0 : i32
      %dma_start3A_83 = tpu.memref_slice %arg3[%add3A_4, %dma_start3A_82] : memref<2048x128xi32, #tpu.memory_space<hbm>> -> memref<16x128xi32, #tpu.memory_space<hbm>>
      tpu.enqueue_dma source(%dma_start3A_83 : memref<16x128xi32, #tpu.memory_space<hbm>>) target(%arg5 : memref<16x128xi32, #tpu.memory_space<vmem>>) target_semaphore(%run_scoped3A : memref<!tpu.dma_semaphore, #tpu.memory_space<semaphore_mem>>)
      %dma_wait3A_84 = arith.constant 0 : i32
      %dma_wait3A_85 = tpu.memref_slice %arg3[%add3A_4, %dma_wait3A_84] : memref<2048x128xi32, #tpu.memory_space<hbm>> -> memref<16x128xi32, #tpu.memory_space<hbm>>
      %dma_wait3A_86 = arith.constant 0 : i32
      %dma_wait3A_87 = tpu.memref_slice %arg3[%add3A_4, %dma_wait3A_86] : memref<2048x128xi32, #tpu.memory_space<hbm>> -> memref<16x128xi32, #tpu.memory_space<hbm>>
      tpu.wait_dma2 semaphore(%run_scoped3A : memref<!tpu.dma_semaphore, #tpu.memory_space<semaphore_mem>>) src(%dma_wait3A_87 : memref<16x128xi32, #tpu.memory_space<hbm>>) dst(%arg5 : memref<16x128xi32, #tpu.memory_space<vmem>>)
      tpu.yield
    }) : () -> ()
    %dma_start3A = arith.constant 0 : i32
    %dma_start3A_5 = arith.constant 0 : i32
    %dma_start3A_6 = tpu.memref_slice %arg5[%dma_start3A, %dma_start3A_5] : memref<16x128xi32, #tpu.memory_space<vmem>> -> memref<1x128xi32, #tpu.memory_space<vmem>>
    %dma_start3A_7 = tpu.memref_squeeze %dma_start3A_6 : memref<1x128xi32, #tpu.memory_space<vmem>> -> memref<128xi32, #tpu.memory_space<vmem>>
    %dma_start3A_8 = arith.constant 0 : i32
    %dma_start3A_9 = arith.constant 0 : i32
    %dma_start3A_10 = tpu.memref_slice %arg2[%dma_start3A_8, %dma_start3A_9] : memref<196608x128xf32, #tpu.memory_space<hbm>> -> memref<196608x128xf32, #tpu.memory_space<hbm>>
    tpu.enqueue_indirect_dma source(%dma_start3A_10 : memref<196608x128xf32, #tpu.memory_space<hbm>>) target(%arg6 : memref<128x128xf32, #tpu.memory_space<vmem>>) offsets(%dma_start3A_7 : memref<128xi32, #tpu.memory_space<vmem>>) semaphore(%arg10 : memref<!tpu.dma_semaphore, #tpu.memory_space<semaphore_mem>>)
    %dma_start3A_11 = arith.constant 1 : i32
    %dma_start3A_12 = arith.constant 0 : i32
    %dma_start3A_13 = tpu.memref_slice %arg5[%dma_start3A_11, %dma_start3A_12] : memref<16x128xi32, #tpu.memory_space<vmem>> -> memref<1x128xi32, #tpu.memory_space<vmem>>
    %dma_start3A_14 = tpu.memref_squeeze %dma_start3A_13 : memref<1x128xi32, #tpu.memory_space<vmem>> -> memref<128xi32, #tpu.memory_space<vmem>>
    %dma_start3A_15 = arith.constant 0 : i32
    %dma_start3A_16 = arith.constant 0 : i32
    %dma_start3A_17 = tpu.memref_slice %arg2[%dma_start3A_15, %dma_start3A_16] : memref<196608x128xf32, #tpu.memory_space<hbm>> -> memref<196608x128xf32, #tpu.memory_space<hbm>>
    tpu.enqueue_indirect_dma source(%dma_start3A_17 : memref<196608x128xf32, #tpu.memory_space<hbm>>) target(%arg7 : memref<128x128xf32, #tpu.memory_space<vmem>>) offsets(%dma_start3A_14 : memref<128xi32, #tpu.memory_space<vmem>>) semaphore(%arg11 : memref<!tpu.dma_semaphore, #tpu.memory_space<semaphore_mem>>)
    %dma_start3A_18 = arith.constant 2 : i32
    %dma_start3A_19 = arith.constant 0 : i32
    %dma_start3A_20 = tpu.memref_slice %arg5[%dma_start3A_18, %dma_start3A_19] : memref<16x128xi32, #tpu.memory_space<vmem>> -> memref<1x128xi32, #tpu.memory_space<vmem>>
    %dma_start3A_21 = tpu.memref_squeeze %dma_start3A_20 : memref<1x128xi32, #tpu.memory_space<vmem>> -> memref<128xi32, #tpu.memory_space<vmem>>
    %dma_start3A_22 = arith.constant 0 : i32
    %dma_start3A_23 = arith.constant 0 : i32
    %dma_start3A_24 = tpu.memref_slice %arg2[%dma_start3A_22, %dma_start3A_23] : memref<196608x128xf32, #tpu.memory_space<hbm>> -> memref<196608x128xf32, #tpu.memory_space<hbm>>
    tpu.enqueue_indirect_dma source(%dma_start3A_24 : memref<196608x128xf32, #tpu.memory_space<hbm>>) target(%arg8 : memref<128x128xf32, #tpu.memory_space<vmem>>) offsets(%dma_start3A_21 : memref<128xi32, #tpu.memory_space<vmem>>) semaphore(%arg12 : memref<!tpu.dma_semaphore, #tpu.memory_space<semaphore_mem>>)
    %dma_start3A_25 = arith.constant 3 : i32
    %dma_start3A_26 = arith.constant 0 : i32
    %dma_start3A_27 = tpu.memref_slice %arg5[%dma_start3A_25, %dma_start3A_26] : memref<16x128xi32, #tpu.memory_space<vmem>> -> memref<1x128xi32, #tpu.memory_space<vmem>>
    %dma_start3A_28 = tpu.memref_squeeze %dma_start3A_27 : memref<1x128xi32, #tpu.memory_space<vmem>> -> memref<128xi32, #tpu.memory_space<vmem>>
    %dma_start3A_29 = arith.constant 0 : i32
    %dma_start3A_30 = arith.constant 0 : i32
    %dma_start3A_31 = tpu.memref_slice %arg2[%dma_start3A_29, %dma_start3A_30] : memref<196608x128xf32, #tpu.memory_space<hbm>> -> memref<196608x128xf32, #tpu.memory_space<hbm>>
    tpu.enqueue_indirect_dma source(%dma_start3A_31 : memref<196608x128xf32, #tpu.memory_space<hbm>>) target(%arg9 : memref<128x128xf32, #tpu.memory_space<vmem>>) offsets(%dma_start3A_28 : memref<128xi32, #tpu.memory_space<vmem>>) semaphore(%arg13 : memref<!tpu.dma_semaphore, #tpu.memory_space<semaphore_mem>>)
    %scan3A = arith.constant 0 : i32
    %scan3A_32 = arith.constant 0 : i32
    %scan3A_33 = arith.constant 3 : i32
    %scan3A_34 = arith.addi %scan3A_32, %scan3A_33 : i32
    %scan3A_35 = arith.constant 1 : i32
    scf.for %scan3A_80 = %scan3A_32 to %scan3A_34 step %scan3A_35  : i32 {
      %mul3A_81 = arith.constant 4 : i32
      %mul3A_82 = arith.muli %scan3A_80, %mul3A_81 : i32
      %add3A_83 = arith.constant 0 : i32
      %add3A_84 = arith.addi %mul3A_82, %add3A_83 : i32
      %dma_wait3A_85 = arith.constant 0 : i32
      %dma_wait3A_86 = tpu.memref_slice %arg5[%add3A_84, %dma_wait3A_85] : memref<16x128xi32, #tpu.memory_space<vmem>> -> memref<1x128xi32, #tpu.memory_space<vmem>>
      %dma_wait3A_87 = tpu.memref_squeeze %dma_wait3A_86 : memref<1x128xi32, #tpu.memory_space<vmem>> -> memref<128xi32, #tpu.memory_space<vmem>>
      %dma_wait3A_88 = arith.constant 0 : i32
      %dma_wait3A_89 = arith.constant 0 : i32
      %dma_wait3A_90 = tpu.memref_slice %arg2[%dma_wait3A_88, %dma_wait3A_89] : memref<196608x128xf32, #tpu.memory_space<hbm>> -> memref<196608x128xf32, #tpu.memory_space<hbm>>
      tpu.wait_indirect_dma semaphore(%arg10 : memref<!tpu.dma_semaphore, #tpu.memory_space<semaphore_mem>>) src(%dma_wait3A_90 : memref<196608x128xf32, #tpu.memory_space<hbm>>) dst(%arg6 : memref<128x128xf32, #tpu.memory_space<vmem>>)
      %add3A_91 = arith.addi %mul3A_2, %add3A_84 : i32
      %mul3A_92 = arith.constant 128 : i32
      %mul3A_93 = arith.muli %add3A_91, %mul3A_92 : i32
      "tpu.region"() ({
        %run_scoped3A = tpu.sem_alloc : memref<!tpu.dma_semaphore, #tpu.memory_space<semaphore_mem>>
        %dma_start3A_165 = arith.constant 0 : i32
        %dma_start3A_166 = tpu.memref_slice %arg4[%mul3A_93, %dma_start3A_165] : memref<65536x128xf32, #tpu.memory_space<hbm>> -> memref<128x128xf32, #tpu.memory_space<hbm>>
        %dma_start3A_167 = arith.constant 0 : i32
        %dma_start3A_168 = tpu.memref_slice %arg4[%mul3A_93, %dma_start3A_167] : memref<65536x128xf32, #tpu.memory_space<hbm>> -> memref<128x128xf32, #tpu.memory_space<hbm>>
        tpu.enqueue_dma source(%arg6 : memref<128x128xf32, #tpu.memory_space<vmem>>) target(%dma_start3A_168 : memref<128x128xf32, #tpu.memory_space<hbm>>) target_semaphore(%run_scoped3A : memref<!tpu.dma_semaphore, #tpu.memory_space<semaphore_mem>>)
        %dma_wait3A_169 = arith.constant 0 : i32
        %dma_wait3A_170 = tpu.memref_slice %arg4[%mul3A_93, %dma_wait3A_169] : memref<65536x128xf32, #tpu.memory_space<hbm>> -> memref<128x128xf32, #tpu.memory_space<hbm>>
        %dma_wait3A_171 = arith.constant 0 : i32
        %dma_wait3A_172 = tpu.memref_slice %arg4[%mul3A_93, %dma_wait3A_171] : memref<65536x128xf32, #tpu.memory_space<hbm>> -> memref<128x128xf32, #tpu.memory_space<hbm>>
        tpu.wait_dma2 semaphore(%run_scoped3A : memref<!tpu.dma_semaphore, #tpu.memory_space<semaphore_mem>>) src(%arg6 : memref<128x128xf32, #tpu.memory_space<vmem>>) dst(%dma_wait3A_172 : memref<128x128xf32, #tpu.memory_space<hbm>>)
        tpu.yield
      }) : () -> ()
      %add3A_94 = arith.constant 4 : i32
      %add3A_95 = arith.addi %add3A_84, %add3A_94 : i32
      %dma_start3A_96 = arith.constant 0 : i32
      %dma_start3A_97 = tpu.memref_slice %arg5[%add3A_95, %dma_start3A_96] : memref<16x128xi32, #tpu.memory_space<vmem>> -> memref<1x128xi32, #tpu.memory_space<vmem>>
      %dma_start3A_98 = tpu.memref_squeeze %dma_start3A_97 : memref<1x128xi32, #tpu.memory_space<vmem>> -> memref<128xi32, #tpu.memory_space<vmem>>
      %dma_start3A_99 = arith.constant 0 : i32
      %dma_start3A_100 = arith.constant 0 : i32
      %dma_start3A_101 = tpu.memref_slice %arg2[%dma_start3A_99, %dma_start3A_100] : memref<196608x128xf32, #tpu.memory_space<hbm>> -> memref<196608x128xf32, #tpu.memory_space<hbm>>
      tpu.enqueue_indirect_dma source(%dma_start3A_101 : memref<196608x128xf32, #tpu.memory_space<hbm>>) target(%arg6 : memref<128x128xf32, #tpu.memory_space<vmem>>) offsets(%dma_start3A_98 : memref<128xi32, #tpu.memory_space<vmem>>) semaphore(%arg10 : memref<!tpu.dma_semaphore, #tpu.memory_space<semaphore_mem>>)
      %mul3A_102 = arith.constant 4 : i32
      %mul3A_103 = arith.muli %scan3A_80, %mul3A_102 : i32
      %add3A_104 = arith.constant 1 : i32
      %add3A_105 = arith.addi %mul3A_103, %add3A_104 : i32
      %dma_wait3A_106 = arith.constant 0 : i32
      %dma_wait3A_107 = tpu.memref_slice %arg5[%add3A_105, %dma_wait3A_106] : memref<16x128xi32, #tpu.memory_space<vmem>> -> memref<1x128xi32, #tpu.memory_space<vmem>>
      %dma_wait3A_108 = tpu.memref_squeeze %dma_wait3A_107 : memref<1x128xi32, #tpu.memory_space<vmem>> -> memref<128xi32, #tpu.memory_space<vmem>>
      %dma_wait3A_109 = arith.constant 0 : i32
      %dma_wait3A_110 = arith.constant 0 : i32
      %dma_wait3A_111 = tpu.memref_slice %arg2[%dma_wait3A_109, %dma_wait3A_110] : memref<196608x128xf32, #tpu.memory_space<hbm>> -> memref<196608x128xf32, #tpu.memory_space<hbm>>
      tpu.wait_indirect_dma semaphore(%arg11 : memref<!tpu.dma_semaphore, #tpu.memory_space<semaphore_mem>>) src(%dma_wait3A_111 : memref<196608x128xf32, #tpu.memory_space<hbm>>) dst(%arg7 : memref<128x128xf32, #tpu.memory_space<vmem>>)
      %add3A_112 = arith.addi %mul3A_2, %add3A_105 : i32
      %mul3A_113 = arith.constant 128 : i32
      %mul3A_114 = arith.muli %add3A_112, %mul3A_113 : i32
      "tpu.region"() ({
        %run_scoped3A = tpu.sem_alloc : memref<!tpu.dma_semaphore, #tpu.memory_space<semaphore_mem>>
        %dma_start3A_165 = arith.constant 0 : i32
        %dma_start3A_166 = tpu.memref_slice %arg4[%mul3A_114, %dma_start3A_165] : memref<65536x128xf32, #tpu.memory_space<hbm>> -> memref<128x128xf32, #tpu.memory_space<hbm>>
        %dma_start3A_167 = arith.constant 0 : i32
        %dma_start3A_168 = tpu.memref_slice %arg4[%mul3A_114, %dma_start3A_167] : memref<65536x128xf32, #tpu.memory_space<hbm>> -> memref<128x128xf32, #tpu.memory_space<hbm>>
        tpu.enqueue_dma source(%arg7 : memref<128x128xf32, #tpu.memory_space<vmem>>) target(%dma_start3A_168 : memref<128x128xf32, #tpu.memory_space<hbm>>) target_semaphore(%run_scoped3A : memref<!tpu.dma_semaphore, #tpu.memory_space<semaphore_mem>>)
        %dma_wait3A_169 = arith.constant 0 : i32
        %dma_wait3A_170 = tpu.memref_slice %arg4[%mul3A_114, %dma_wait3A_169] : memref<65536x128xf32, #tpu.memory_space<hbm>> -> memref<128x128xf32, #tpu.memory_space<hbm>>
        %dma_wait3A_171 = arith.constant 0 : i32
        %dma_wait3A_172 = tpu.memref_slice %arg4[%mul3A_114, %dma_wait3A_171] : memref<65536x128xf32, #tpu.memory_space<hbm>> -> memref<128x128xf32, #tpu.memory_space<hbm>>
        tpu.wait_dma2 semaphore(%run_scoped3A : memref<!tpu.dma_semaphore, #tpu.memory_space<semaphore_mem>>) src(%arg7 : memref<128x128xf32, #tpu.memory_space<vmem>>) dst(%dma_wait3A_172 : memref<128x128xf32, #tpu.memory_space<hbm>>)
        tpu.yield
      }) : () -> ()
      %add3A_115 = arith.constant 4 : i32
      %add3A_116 = arith.addi %add3A_105, %add3A_115 : i32
      %dma_start3A_117 = arith.constant 0 : i32
      %dma_start3A_118 = tpu.memref_slice %arg5[%add3A_116, %dma_start3A_117] : memref<16x128xi32, #tpu.memory_space<vmem>> -> memref<1x128xi32, #tpu.memory_space<vmem>>
      %dma_start3A_119 = tpu.memref_squeeze %dma_start3A_118 : memref<1x128xi32, #tpu.memory_space<vmem>> -> memref<128xi32, #tpu.memory_space<vmem>>
      %dma_start3A_120 = arith.constant 0 : i32
      %dma_start3A_121 = arith.constant 0 : i32
      %dma_start3A_122 = tpu.memref_slice %arg2[%dma_start3A_120, %dma_start3A_121] : memref<196608x128xf32, #tpu.memory_space<hbm>> -> memref<196608x128xf32, #tpu.memory_space<hbm>>
      tpu.enqueue_indirect_dma source(%dma_start3A_122 : memref<196608x128xf32, #tpu.memory_space<hbm>>) target(%arg7 : memref<128x128xf32, #tpu.memory_space<vmem>>) offsets(%dma_start3A_119 : memref<128xi32, #tpu.memory_space<vmem>>) semaphore(%arg11 : memref<!tpu.dma_semaphore, #tpu.memory_space<semaphore_mem>>)
      %mul3A_123 = arith.constant 4 : i32
      %mul3A_124 = arith.muli %scan3A_80, %mul3A_123 : i32
      %add3A_125 = arith.constant 2 : i32
      %add3A_126 = arith.addi %mul3A_124, %add3A_125 : i32
      %dma_wait3A_127 = arith.constant 0 : i32
      %dma_wait3A_128 = tpu.memref_slice %arg5[%add3A_126, %dma_wait3A_127] : memref<16x128xi32, #tpu.memory_space<vmem>> -> memref<1x128xi32, #tpu.memory_space<vmem>>
      %dma_wait3A_129 = tpu.memref_squeeze %dma_wait3A_128 : memref<1x128xi32, #tpu.memory_space<vmem>> -> memref<128xi32, #tpu.memory_space<vmem>>
      %dma_wait3A_130 = arith.constant 0 : i32
      %dma_wait3A_131 = arith.constant 0 : i32
      %dma_wait3A_132 = tpu.memref_slice %arg2[%dma_wait3A_130, %dma_wait3A_131] : memref<196608x128xf32, #tpu.memory_space<hbm>> -> memref<196608x128xf32, #tpu.memory_space<hbm>>
      tpu.wait_indirect_dma semaphore(%arg12 : memref<!tpu.dma_semaphore, #tpu.memory_space<semaphore_mem>>) src(%dma_wait3A_132 : memref<196608x128xf32, #tpu.memory_space<hbm>>) dst(%arg8 : memref<128x128xf32, #tpu.memory_space<vmem>>)
      %add3A_133 = arith.addi %mul3A_2, %add3A_126 : i32
      %mul3A_134 = arith.constant 128 : i32
      %mul3A_135 = arith.muli %add3A_133, %mul3A_134 : i32
      "tpu.region"() ({
        %run_scoped3A = tpu.sem_alloc : memref<!tpu.dma_semaphore, #tpu.memory_space<semaphore_mem>>
        %dma_start3A_165 = arith.constant 0 : i32
        %dma_start3A_166 = tpu.memref_slice %arg4[%mul3A_135, %dma_start3A_165] : memref<65536x128xf32, #tpu.memory_space<hbm>> -> memref<128x128xf32, #tpu.memory_space<hbm>>
        %dma_start3A_167 = arith.constant 0 : i32
        %dma_start3A_168 = tpu.memref_slice %arg4[%mul3A_135, %dma_start3A_167] : memref<65536x128xf32, #tpu.memory_space<hbm>> -> memref<128x128xf32, #tpu.memory_space<hbm>>
        tpu.enqueue_dma source(%arg8 : memref<128x128xf32, #tpu.memory_space<vmem>>) target(%dma_start3A_168 : memref<128x128xf32, #tpu.memory_space<hbm>>) target_semaphore(%run_scoped3A : memref<!tpu.dma_semaphore, #tpu.memory_space<semaphore_mem>>)
        %dma_wait3A_169 = arith.constant 0 : i32
        %dma_wait3A_170 = tpu.memref_slice %arg4[%mul3A_135, %dma_wait3A_169] : memref<65536x128xf32, #tpu.memory_space<hbm>> -> memref<128x128xf32, #tpu.memory_space<hbm>>
        %dma_wait3A_171 = arith.constant 0 : i32
        %dma_wait3A_172 = tpu.memref_slice %arg4[%mul3A_135, %dma_wait3A_171] : memref<65536x128xf32, #tpu.memory_space<hbm>> -> memref<128x128xf32, #tpu.memory_space<hbm>>
        tpu.wait_dma2 semaphore(%run_scoped3A : memref<!tpu.dma_semaphore, #tpu.memory_space<semaphore_mem>>) src(%arg8 : memref<128x128xf32, #tpu.memory_space<vmem>>) dst(%dma_wait3A_172 : memref<128x128xf32, #tpu.memory_space<hbm>>)
        tpu.yield
      }) : () -> ()
      %add3A_136 = arith.constant 4 : i32
      %add3A_137 = arith.addi %add3A_126, %add3A_136 : i32
      %dma_start3A_138 = arith.constant 0 : i32
      %dma_start3A_139 = tpu.memref_slice %arg5[%add3A_137, %dma_start3A_138] : memref<16x128xi32, #tpu.memory_space<vmem>> -> memref<1x128xi32, #tpu.memory_space<vmem>>
      %dma_start3A_140 = tpu.memref_squeeze %dma_start3A_139 : memref<1x128xi32, #tpu.memory_space<vmem>> -> memref<128xi32, #tpu.memory_space<vmem>>
      %dma_start3A_141 = arith.constant 0 : i32
      %dma_start3A_142 = arith.constant 0 : i32
      %dma_start3A_143 = tpu.memref_slice %arg2[%dma_start3A_141, %dma_start3A_142] : memref<196608x128xf32, #tpu.memory_space<hbm>> -> memref<196608x128xf32, #tpu.memory_space<hbm>>
      tpu.enqueue_indirect_dma source(%dma_start3A_143 : memref<196608x128xf32, #tpu.memory_space<hbm>>) target(%arg8 : memref<128x128xf32, #tpu.memory_space<vmem>>) offsets(%dma_start3A_140 : memref<128xi32, #tpu.memory_space<vmem>>) semaphore(%arg12 : memref<!tpu.dma_semaphore, #tpu.memory_space<semaphore_mem>>)
      %mul3A_144 = arith.constant 4 : i32
      %mul3A_145 = arith.muli %scan3A_80, %mul3A_144 : i32
      %add3A_146 = arith.constant 3 : i32
      %add3A_147 = arith.addi %mul3A_145, %add3A_146 : i32
      %dma_wait3A_148 = arith.constant 0 : i32
      %dma_wait3A_149 = tpu.memref_slice %arg5[%add3A_147, %dma_wait3A_148] : memref<16x128xi32, #tpu.memory_space<vmem>> -> memref<1x128xi32, #tpu.memory_space<vmem>>
      %dma_wait3A_150 = tpu.memref_squeeze %dma_wait3A_149 : memref<1x128xi32, #tpu.memory_space<vmem>> -> memref<128xi32, #tpu.memory_space<vmem>>
      %dma_wait3A_151 = arith.constant 0 : i32
      %dma_wait3A_152 = arith.constant 0 : i32
      %dma_wait3A_153 = tpu.memref_slice %arg2[%dma_wait3A_151, %dma_wait3A_152] : memref<196608x128xf32, #tpu.memory_space<hbm>> -> memref<196608x128xf32, #tpu.memory_space<hbm>>
      tpu.wait_indirect_dma semaphore(%arg13 : memref<!tpu.dma_semaphore, #tpu.memory_space<semaphore_mem>>) src(%dma_wait3A_153 : memref<196608x128xf32, #tpu.memory_space<hbm>>) dst(%arg9 : memref<128x128xf32, #tpu.memory_space<vmem>>)
      %add3A_154 = arith.addi %mul3A_2, %add3A_147 : i32
      %mul3A_155 = arith.constant 128 : i32
      %mul3A_156 = arith.muli %add3A_154, %mul3A_155 : i32
      "tpu.region"() ({
        %run_scoped3A = tpu.sem_alloc : memref<!tpu.dma_semaphore, #tpu.memory_space<semaphore_mem>>
        %dma_start3A_165 = arith.constant 0 : i32
        %dma_start3A_166 = tpu.memref_slice %arg4[%mul3A_156, %dma_start3A_165] : memref<65536x128xf32, #tpu.memory_space<hbm>> -> memref<128x128xf32, #tpu.memory_space<hbm>>
        %dma_start3A_167 = arith.constant 0 : i32
        %dma_start3A_168 = tpu.memref_slice %arg4[%mul3A_156, %dma_start3A_167] : memref<65536x128xf32, #tpu.memory_space<hbm>> -> memref<128x128xf32, #tpu.memory_space<hbm>>
        tpu.enqueue_dma source(%arg9 : memref<128x128xf32, #tpu.memory_space<vmem>>) target(%dma_start3A_168 : memref<128x128xf32, #tpu.memory_space<hbm>>) target_semaphore(%run_scoped3A : memref<!tpu.dma_semaphore, #tpu.memory_space<semaphore_mem>>)
        %dma_wait3A_169 = arith.constant 0 : i32
        %dma_wait3A_170 = tpu.memref_slice %arg4[%mul3A_156, %dma_wait3A_169] : memref<65536x128xf32, #tpu.memory_space<hbm>> -> memref<128x128xf32, #tpu.memory_space<hbm>>
        %dma_wait3A_171 = arith.constant 0 : i32
        %dma_wait3A_172 = tpu.memref_slice %arg4[%mul3A_156, %dma_wait3A_171] : memref<65536x128xf32, #tpu.memory_space<hbm>> -> memref<128x128xf32, #tpu.memory_space<hbm>>
        tpu.wait_dma2 semaphore(%run_scoped3A : memref<!tpu.dma_semaphore, #tpu.memory_space<semaphore_mem>>) src(%arg9 : memref<128x128xf32, #tpu.memory_space<vmem>>) dst(%dma_wait3A_172 : memref<128x128xf32, #tpu.memory_space<hbm>>)
        tpu.yield
      }) : () -> ()
      %add3A_157 = arith.constant 4 : i32
      %add3A_158 = arith.addi %add3A_147, %add3A_157 : i32
      %dma_start3A_159 = arith.constant 0 : i32
      %dma_start3A_160 = tpu.memref_slice %arg5[%add3A_158, %dma_start3A_159] : memref<16x128xi32, #tpu.memory_space<vmem>> -> memref<1x128xi32, #tpu.memory_space<vmem>>
      %dma_start3A_161 = tpu.memref_squeeze %dma_start3A_160 : memref<1x128xi32, #tpu.memory_space<vmem>> -> memref<128xi32, #tpu.memory_space<vmem>>
      %dma_start3A_162 = arith.constant 0 : i32
      %dma_start3A_163 = arith.constant 0 : i32
      %dma_start3A_164 = tpu.memref_slice %arg2[%dma_start3A_162, %dma_start3A_163] : memref<196608x128xf32, #tpu.memory_space<hbm>> -> memref<196608x128xf32, #tpu.memory_space<hbm>>
      tpu.enqueue_indirect_dma source(%dma_start3A_164 : memref<196608x128xf32, #tpu.memory_space<hbm>>) target(%arg9 : memref<128x128xf32, #tpu.memory_space<vmem>>) offsets(%dma_start3A_161 : memref<128xi32, #tpu.memory_space<vmem>>) semaphore(%arg13 : memref<!tpu.dma_semaphore, #tpu.memory_space<semaphore_mem>>)
    }
    %scan3A_36 = arith.constant 3 : i32
    %dma_wait3A = arith.constant 12 : i32
    %dma_wait3A_37 = arith.constant 0 : i32
    %dma_wait3A_38 = tpu.memref_slice %arg5[%dma_wait3A, %dma_wait3A_37] : memref<16x128xi32, #tpu.memory_space<vmem>> -> memref<1x128xi32, #tpu.memory_space<vmem>>
    %dma_wait3A_39 = tpu.memref_squeeze %dma_wait3A_38 : memref<1x128xi32, #tpu.memory_space<vmem>> -> memref<128xi32, #tpu.memory_space<vmem>>
    %dma_wait3A_40 = arith.constant 0 : i32
    %dma_wait3A_41 = arith.constant 0 : i32
    %dma_wait3A_42 = tpu.memref_slice %arg2[%dma_wait3A_40, %dma_wait3A_41] : memref<196608x128xf32, #tpu.memory_space<hbm>> -> memref<196608x128xf32, #tpu.memory_space<hbm>>
    tpu.wait_indirect_dma semaphore(%arg10 : memref<!tpu.dma_semaphore, #tpu.memory_space<semaphore_mem>>) src(%dma_wait3A_42 : memref<196608x128xf32, #tpu.memory_space<hbm>>) dst(%arg6 : memref<128x128xf32, #tpu.memory_space<vmem>>)
    %add3A_43 = arith.constant 12 : i32
    %add3A_44 = arith.addi %mul3A_2, %add3A_43 : i32
    %mul3A_45 = arith.constant 128 : i32
    %mul3A_46 = arith.muli %add3A_44, %mul3A_45 : i32
    "tpu.region"() ({
      %run_scoped3A = tpu.sem_alloc : memref<!tpu.dma_semaphore, #tpu.memory_space<semaphore_mem>>
      %dma_start3A_80 = arith.constant 0 : i32
      %dma_start3A_81 = tpu.memref_slice %arg4[%mul3A_46, %dma_start3A_80] : memref<65536x128xf32, #tpu.memory_space<hbm>> -> memref<128x128xf32, #tpu.memory_space<hbm>>
      %dma_start3A_82 = arith.constant 0 : i32
      %dma_start3A_83 = tpu.memref_slice %arg4[%mul3A_46, %dma_start3A_82] : memref<65536x128xf32, #tpu.memory_space<hbm>> -> memref<128x128xf32, #tpu.memory_space<hbm>>
      tpu.enqueue_dma source(%arg6 : memref<128x128xf32, #tpu.memory_space<vmem>>) target(%dma_start3A_83 : memref<128x128xf32, #tpu.memory_space<hbm>>) target_semaphore(%run_scoped3A : memref<!tpu.dma_semaphore, #tpu.memory_space<semaphore_mem>>)
      %dma_wait3A_84 = arith.constant 0 : i32
      %dma_wait3A_85 = tpu.memref_slice %arg4[%mul3A_46, %dma_wait3A_84] : memref<65536x128xf32, #tpu.memory_space<hbm>> -> memref<128x128xf32, #tpu.memory_space<hbm>>
      %dma_wait3A_86 = arith.constant 0 : i32
      %dma_wait3A_87 = tpu.memref_slice %arg4[%mul3A_46, %dma_wait3A_86] : memref<65536x128xf32, #tpu.memory_space<hbm>> -> memref<128x128xf32, #tpu.memory_space<hbm>>
      tpu.wait_dma2 semaphore(%run_scoped3A : memref<!tpu.dma_semaphore, #tpu.memory_space<semaphore_mem>>) src(%arg6 : memref<128x128xf32, #tpu.memory_space<vmem>>) dst(%dma_wait3A_87 : memref<128x128xf32, #tpu.memory_space<hbm>>)
      tpu.yield
    }) : () -> ()
    %dma_wait3A_47 = arith.constant 13 : i32
    %dma_wait3A_48 = arith.constant 0 : i32
    %dma_wait3A_49 = tpu.memref_slice %arg5[%dma_wait3A_47, %dma_wait3A_48] : memref<16x128xi32, #tpu.memory_space<vmem>> -> memref<1x128xi32, #tpu.memory_space<vmem>>
    %dma_wait3A_50 = tpu.memref_squeeze %dma_wait3A_49 : memref<1x128xi32, #tpu.memory_space<vmem>> -> memref<128xi32, #tpu.memory_space<vmem>>
    %dma_wait3A_51 = arith.constant 0 : i32
    %dma_wait3A_52 = arith.constant 0 : i32
    %dma_wait3A_53 = tpu.memref_slice %arg2[%dma_wait3A_51, %dma_wait3A_52] : memref<196608x128xf32, #tpu.memory_space<hbm>> -> memref<196608x128xf32, #tpu.memory_space<hbm>>
    tpu.wait_indirect_dma semaphore(%arg11 : memref<!tpu.dma_semaphore, #tpu.memory_space<semaphore_mem>>) src(%dma_wait3A_53 : memref<196608x128xf32, #tpu.memory_space<hbm>>) dst(%arg7 : memref<128x128xf32, #tpu.memory_space<vmem>>)
    %add3A_54 = arith.constant 13 : i32
    %add3A_55 = arith.addi %mul3A_2, %add3A_54 : i32
    %mul3A_56 = arith.constant 128 : i32
    %mul3A_57 = arith.muli %add3A_55, %mul3A_56 : i32
    "tpu.region"() ({
      %run_scoped3A = tpu.sem_alloc : memref<!tpu.dma_semaphore, #tpu.memory_space<semaphore_mem>>
      %dma_start3A_80 = arith.constant 0 : i32
      %dma_start3A_81 = tpu.memref_slice %arg4[%mul3A_57, %dma_start3A_80] : memref<65536x128xf32, #tpu.memory_space<hbm>> -> memref<128x128xf32, #tpu.memory_space<hbm>>
      %dma_start3A_82 = arith.constant 0 : i32
      %dma_start3A_83 = tpu.memref_slice %arg4[%mul3A_57, %dma_start3A_82] : memref<65536x128xf32, #tpu.memory_space<hbm>> -> memref<128x128xf32, #tpu.memory_space<hbm>>
      tpu.enqueue_dma source(%arg7 : memref<128x128xf32, #tpu.memory_space<vmem>>) target(%dma_start3A_83 : memref<128x128xf32, #tpu.memory_space<hbm>>) target_semaphore(%run_scoped3A : memref<!tpu.dma_semaphore, #tpu.memory_space<semaphore_mem>>)
      %dma_wait3A_84 = arith.constant 0 : i32
      %dma_wait3A_85 = tpu.memref_slice %arg4[%mul3A_57, %dma_wait3A_84] : memref<65536x128xf32, #tpu.memory_space<hbm>> -> memref<128x128xf32, #tpu.memory_space<hbm>>
      %dma_wait3A_86 = arith.constant 0 : i32
      %dma_wait3A_87 = tpu.memref_slice %arg4[%mul3A_57, %dma_wait3A_86] : memref<65536x128xf32, #tpu.memory_space<hbm>> -> memref<128x128xf32, #tpu.memory_space<hbm>>
      tpu.wait_dma2 semaphore(%run_scoped3A : memref<!tpu.dma_semaphore, #tpu.memory_space<semaphore_mem>>) src(%arg7 : memref<128x128xf32, #tpu.memory_space<vmem>>) dst(%dma_wait3A_87 : memref<128x128xf32, #tpu.memory_space<hbm>>)
      tpu.yield
    }) : () -> ()
    %dma_wait3A_58 = arith.constant 14 : i32
    %dma_wait3A_59 = arith.constant 0 : i32
    %dma_wait3A_60 = tpu.memref_slice %arg5[%dma_wait3A_58, %dma_wait3A_59] : memref<16x128xi32, #tpu.memory_space<vmem>> -> memref<1x128xi32, #tpu.memory_space<vmem>>
    %dma_wait3A_61 = tpu.memref_squeeze %dma_wait3A_60 : memref<1x128xi32, #tpu.memory_space<vmem>> -> memref<128xi32, #tpu.memory_space<vmem>>
    %dma_wait3A_62 = arith.constant 0 : i32
    %dma_wait3A_63 = arith.constant 0 : i32
    %dma_wait3A_64 = tpu.memref_slice %arg2[%dma_wait3A_62, %dma_wait3A_63] : memref<196608x128xf32, #tpu.memory_space<hbm>> -> memref<196608x128xf32, #tpu.memory_space<hbm>>
    tpu.wait_indirect_dma semaphore(%arg12 : memref<!tpu.dma_semaphore, #tpu.memory_space<semaphore_mem>>) src(%dma_wait3A_64 : memref<196608x128xf32, #tpu.memory_space<hbm>>) dst(%arg8 : memref<128x128xf32, #tpu.memory_space<vmem>>)
    %add3A_65 = arith.constant 14 : i32
    %add3A_66 = arith.addi %mul3A_2, %add3A_65 : i32
    %mul3A_67 = arith.constant 128 : i32
    %mul3A_68 = arith.muli %add3A_66, %mul3A_67 : i32
    "tpu.region"() ({
      %run_scoped3A = tpu.sem_alloc : memref<!tpu.dma_semaphore, #tpu.memory_space<semaphore_mem>>
      %dma_start3A_80 = arith.constant 0 : i32
      %dma_start3A_81 = tpu.memref_slice %arg4[%mul3A_68, %dma_start3A_80] : memref<65536x128xf32, #tpu.memory_space<hbm>> -> memref<128x128xf32, #tpu.memory_space<hbm>>
      %dma_start3A_82 = arith.constant 0 : i32
      %dma_start3A_83 = tpu.memref_slice %arg4[%mul3A_68, %dma_start3A_82] : memref<65536x128xf32, #tpu.memory_space<hbm>> -> memref<128x128xf32, #tpu.memory_space<hbm>>
      tpu.enqueue_dma source(%arg8 : memref<128x128xf32, #tpu.memory_space<vmem>>) target(%dma_start3A_83 : memref<128x128xf32, #tpu.memory_space<hbm>>) target_semaphore(%run_scoped3A : memref<!tpu.dma_semaphore, #tpu.memory_space<semaphore_mem>>)
      %dma_wait3A_84 = arith.constant 0 : i32
      %dma_wait3A_85 = tpu.memref_slice %arg4[%mul3A_68, %dma_wait3A_84] : memref<65536x128xf32, #tpu.memory_space<hbm>> -> memref<128x128xf32, #tpu.memory_space<hbm>>
      %dma_wait3A_86 = arith.constant 0 : i32
      %dma_wait3A_87 = tpu.memref_slice %arg4[%mul3A_68, %dma_wait3A_86] : memref<65536x128xf32, #tpu.memory_space<hbm>> -> memref<128x128xf32, #tpu.memory_space<hbm>>
      tpu.wait_dma2 semaphore(%run_scoped3A : memref<!tpu.dma_semaphore, #tpu.memory_space<semaphore_mem>>) src(%arg8 : memref<128x128xf32, #tpu.memory_space<vmem>>) dst(%dma_wait3A_87 : memref<128x128xf32, #tpu.memory_space<hbm>>)
      tpu.yield
    }) : () -> ()
    %dma_wait3A_69 = arith.constant 15 : i32
    %dma_wait3A_70 = arith.constant 0 : i32
    %dma_wait3A_71 = tpu.memref_slice %arg5[%dma_wait3A_69, %dma_wait3A_70] : memref<16x128xi32, #tpu.memory_space<vmem>> -> memref<1x128xi32, #tpu.memory_space<vmem>>
    %dma_wait3A_72 = tpu.memref_squeeze %dma_wait3A_71 : memref<1x128xi32, #tpu.memory_space<vmem>> -> memref<128xi32, #tpu.memory_space<vmem>>
    %dma_wait3A_73 = arith.constant 0 : i32
    %dma_wait3A_74 = arith.constant 0 : i32
    %dma_wait3A_75 = tpu.memref_slice %arg2[%dma_wait3A_73, %dma_wait3A_74] : memref<196608x128xf32, #tpu.memory_space<hbm>> -> memref<196608x128xf32, #tpu.memory_space<hbm>>
    tpu.wait_indirect_dma semaphore(%arg13 : memref<!tpu.dma_semaphore, #tpu.memory_space<semaphore_mem>>) src(%dma_wait3A_75 : memref<196608x128xf32, #tpu.memory_space<hbm>>) dst(%arg9 : memref<128x128xf32, #tpu.memory_space<vmem>>)
    %add3A_76 = arith.constant 15 : i32
    %add3A_77 = arith.addi %mul3A_2, %add3A_76 : i32
    %mul3A_78 = arith.constant 128 : i32
    %mul3A_79 = arith.muli %add3A_77, %mul3A_78 : i32
    "tpu.region"() ({
      %run_scoped3A = tpu.sem_alloc : memref<!tpu.dma_semaphore, #tpu.memory_space<semaphore_mem>>
      %dma_start3A_80 = arith.constant 0 : i32
      %dma_start3A_81 = tpu.memref_slice %arg4[%mul3A_79, %dma_start3A_80] : memref<65536x128xf32, #tpu.memory_space<hbm>> -> memref<128x128xf32, #tpu.memory_space<hbm>>
      %dma_start3A_82 = arith.constant 0 : i32
      %dma_start3A_83 = tpu.memref_slice %arg4[%mul3A_79, %dma_start3A_82] : memref<65536x128xf32, #tpu.memory_space<hbm>> -> memref<128x128xf32, #tpu.memory_space<hbm>>
      tpu.enqueue_dma source(%arg9 : memref<128x128xf32, #tpu.memory_space<vmem>>) target(%dma_start3A_83 : memref<128x128xf32, #tpu.memory_space<hbm>>) target_semaphore(%run_scoped3A : memref<!tpu.dma_semaphore, #tpu.memory_space<semaphore_mem>>)
      %dma_wait3A_84 = arith.constant 0 : i32
      %dma_wait3A_85 = tpu.memref_slice %arg4[%mul3A_79, %dma_wait3A_84] : memref<65536x128xf32, #tpu.memory_space<hbm>> -> memref<128x128xf32, #tpu.memory_space<hbm>>
      %dma_wait3A_86 = arith.constant 0 : i32
      %dma_wait3A_87 = tpu.memref_slice %arg4[%mul3A_79, %dma_wait3A_86] : memref<65536x128xf32, #tpu.memory_space<hbm>> -> memref<128x128xf32, #tpu.memory_space<hbm>>
      tpu.wait_dma2 semaphore(%run_scoped3A : memref<!tpu.dma_semaphore, #tpu.memory_space<semaphore_mem>>) src(%arg9 : memref<128x128xf32, #tpu.memory_space<vmem>>) dst(%dma_wait3A_87 : memref<128x128xf32, #tpu.memory_space<hbm>>)
      tpu.yield
    }) : () -> ()
    return
  }
}

#map = affine_map<(d0, d1) -> (0, 0)>
module attributes {stable_mosaic.version = 14 : i64} {
  func.func @k(%arg0: i32, %arg1: i32, %arg2: memref<196608x128xf32, #tpu.memory_space<hbm>>, %arg3: memref<2048x128xi32, #tpu.memory_space<hbm>>, %arg4: memref<65536x128xf32, #tpu.memory_space<hbm>>, %arg5: memref<16x128xi32, #tpu.memory_space<vmem>>, %arg6: memref<128x128xf32, #tpu.memory_space<vmem>>, %arg7: memref<128x128xf32, #tpu.memory_space<vmem>>, %arg8: memref<128x128xf32, #tpu.memory_space<vmem>>, %arg9: memref<128x128xf32, #tpu.memory_space<vmem>>, %arg10: memref<!tpu.dma_semaphore, #tpu.memory_space<semaphore_mem>>, %arg11: memref<!tpu.dma_semaphore, #tpu.memory_space<semaphore_mem>>, %arg12: memref<!tpu.dma_semaphore, #tpu.memory_space<semaphore_mem>>, %arg13: memref<!tpu.dma_semaphore, #tpu.memory_space<semaphore_mem>>) attributes {dimension_semantics = [#tpu.dimension_semantics<core_parallel>, #tpu.dimension_semantics<subcore_parallel>], iteration_bounds = array<i64: 2, 16>, scalar_prefetch = 0 : i64, scratch_operands = 9 : i64, tpu.core_type = #tpu.core_type<sc_vector_subcore>, window_params = [{transform_indices = #map}, {transform_indices = #map}, {transform_indices = #map}]} {
    %mul3A = arith.constant 2 : i32
    %mul3A_0 = arith.muli %arg1, %mul3A : i32
    %add3A = arith.addi %mul3A_0, %arg0 : i32
    %mul3A_1 = arith.constant 16 : i32
    %mul3A_2 = arith.muli %add3A, %mul3A_1 : i32
    %add3A_3 = arith.constant 0 : i32
    %add3A_4 = arith.addi %add3A_3, %mul3A_2 : i32
    "tpu.region"() ({
      %run_scoped3A = tpu.sem_alloc : memref<!tpu.dma_semaphore, #tpu.memory_space<semaphore_mem>>
      %dma_start3A_80 = arith.constant 0 : i32
      %dma_start3A_81 = tpu.memref_slice %arg3[%add3A_4, %dma_start3A_80] : memref<2048x128xi32, #tpu.memory_space<hbm>> -> memref<16x128xi32, #tpu.memory_space<hbm>>
      %dma_start3A_82 = arith.constant 0 : i32
      %dma_start3A_83 = tpu.memref_slice %arg3[%add3A_4, %dma_start3A_82] : memref<2048x128xi32, #tpu.memory_space<hbm>> -> memref<16x128xi32, #tpu.memory_space<hbm>>
      tpu.enqueue_dma source(%dma_start3A_83 : memref<16x128xi32, #tpu.memory_space<hbm>>) target(%arg5 : memref<16x128xi32, #tpu.memory_space<vmem>>) target_semaphore(%run_scoped3A : memref<!tpu.dma_semaphore, #tpu.memory_space<semaphore_mem>>)
      %dma_wait3A_84 = arith.constant 0 : i32
      %dma_wait3A_85 = tpu.memref_slice %arg3[%add3A_4, %dma_wait3A_84] : memref<2048x128xi32, #tpu.memory_space<hbm>> -> memref<16x128xi32, #tpu.memory_space<hbm>>
      %dma_wait3A_86 = arith.constant 0 : i32
      %dma_wait3A_87 = tpu.memref_slice %arg3[%add3A_4, %dma_wait3A_86] : memref<2048x128xi32, #tpu.memory_space<hbm>> -> memref<16x128xi32, #tpu.memory_space<hbm>>
      tpu.wait_dma2 semaphore(%run_scoped3A : memref<!tpu.dma_semaphore, #tpu.memory_space<semaphore_mem>>) src(%dma_wait3A_87 : memref<16x128xi32, #tpu.memory_space<hbm>>) dst(%arg5 : memref<16x128xi32, #tpu.memory_space<vmem>>)
      tpu.yield
    }) : () -> ()
    %dma_start3A = arith.constant 0 : i32
    %dma_start3A_5 = arith.constant 0 : i32
    %dma_start3A_6 = tpu.memref_slice %arg5[%dma_start3A, %dma_start3A_5] : memref<16x128xi32, #tpu.memory_space<vmem>> -> memref<1x128xi32, #tpu.memory_space<vmem>>
    %dma_start3A_7 = tpu.memref_squeeze %dma_start3A_6 : memref<1x128xi32, #tpu.memory_space<vmem>> -> memref<128xi32, #tpu.memory_space<vmem>>
    %dma_start3A_8 = arith.constant 0 : i32
    %dma_start3A_9 = arith.constant 0 : i32
    %dma_start3A_10 = tpu.memref_slice %arg2[%dma_start3A_8, %dma_start3A_9] : memref<196608x128xf32, #tpu.memory_space<hbm>> -> memref<196608x128xf32, #tpu.memory_space<hbm>>
    tpu.enqueue_indirect_dma source(%dma_start3A_10 : memref<196608x128xf32, #tpu.memory_space<hbm>>) target(%arg6 : memref<128x128xf32, #tpu.memory_space<vmem>>) offsets(%dma_start3A_7 : memref<128xi32, #tpu.memory_space<vmem>>) semaphore(%arg10 : memref<!tpu.dma_semaphore, #tpu.memory_space<semaphore_mem>>)
    %dma_start3A_11 = arith.constant 1 : i32
    %dma_start3A_12 = arith.constant 0 : i32
    %dma_start3A_13 = tpu.memref_slice %arg5[%dma_start3A_11, %dma_start3A_12] : memref<16x128xi32, #tpu.memory_space<vmem>> -> memref<1x128xi32, #tpu.memory_space<vmem>>
    %dma_start3A_14 = tpu.memref_squeeze %dma_start3A_13 : memref<1x128xi32, #tpu.memory_space<vmem>> -> memref<128xi32, #tpu.memory_space<vmem>>
    %dma_start3A_15 = arith.constant 0 : i32
    %dma_start3A_16 = arith.constant 0 : i32
    %dma_start3A_17 = tpu.memref_slice %arg2[%dma_start3A_15, %dma_start3A_16] : memref<196608x128xf32, #tpu.memory_space<hbm>> -> memref<196608x128xf32, #tpu.memory_space<hbm>>
    tpu.enqueue_indirect_dma source(%dma_start3A_17 : memref<196608x128xf32, #tpu.memory_space<hbm>>) target(%arg7 : memref<128x128xf32, #tpu.memory_space<vmem>>) offsets(%dma_start3A_14 : memref<128xi32, #tpu.memory_space<vmem>>) semaphore(%arg11 : memref<!tpu.dma_semaphore, #tpu.memory_space<semaphore_mem>>)
    %dma_start3A_18 = arith.constant 2 : i32
    %dma_start3A_19 = arith.constant 0 : i32
    %dma_start3A_20 = tpu.memref_slice %arg5[%dma_start3A_18, %dma_start3A_19] : memref<16x128xi32, #tpu.memory_space<vmem>> -> memref<1x128xi32, #tpu.memory_space<vmem>>
    %dma_start3A_21 = tpu.memref_squeeze %dma_start3A_20 : memref<1x128xi32, #tpu.memory_space<vmem>> -> memref<128xi32, #tpu.memory_space<vmem>>
    %dma_start3A_22 = arith.constant 0 : i32
    %dma_start3A_23 = arith.constant 0 : i32
    %dma_start3A_24 = tpu.memref_slice %arg2[%dma_start3A_22, %dma_start3A_23] : memref<196608x128xf32, #tpu.memory_space<hbm>> -> memref<196608x128xf32, #tpu.memory_space<hbm>>
    tpu.enqueue_indirect_dma source(%dma_start3A_24 : memref<196608x128xf32, #tpu.memory_space<hbm>>) target(%arg8 : memref<128x128xf32, #tpu.memory_space<vmem>>) offsets(%dma_start3A_21 : memref<128xi32, #tpu.memory_space<vmem>>) semaphore(%arg12 : memref<!tpu.dma_semaphore, #tpu.memory_space<semaphore_mem>>)
    %dma_start3A_25 = arith.constant 3 : i32
    %dma_start3A_26 = arith.constant 0 : i32
    %dma_start3A_27 = tpu.memref_slice %arg5[%dma_start3A_25, %dma_start3A_26] : memref<16x128xi32, #tpu.memory_space<vmem>> -> memref<1x128xi32, #tpu.memory_space<vmem>>
    %dma_start3A_28 = tpu.memref_squeeze %dma_start3A_27 : memref<1x128xi32, #tpu.memory_space<vmem>> -> memref<128xi32, #tpu.memory_space<vmem>>
    %dma_start3A_29 = arith.constant 0 : i32
    %dma_start3A_30 = arith.constant 0 : i32
    %dma_start3A_31 = tpu.memref_slice %arg2[%dma_start3A_29, %dma_start3A_30] : memref<196608x128xf32, #tpu.memory_space<hbm>> -> memref<196608x128xf32, #tpu.memory_space<hbm>>
    tpu.enqueue_indirect_dma source(%dma_start3A_31 : memref<196608x128xf32, #tpu.memory_space<hbm>>) target(%arg9 : memref<128x128xf32, #tpu.memory_space<vmem>>) offsets(%dma_start3A_28 : memref<128xi32, #tpu.memory_space<vmem>>) semaphore(%arg13 : memref<!tpu.dma_semaphore, #tpu.memory_space<semaphore_mem>>)
    %scan3A = arith.constant 0 : i32
    %scan3A_32 = arith.constant 0 : i32
    %scan3A_33 = arith.constant 3 : i32
    %scan3A_34 = arith.addi %scan3A_32, %scan3A_33 : i32
    %scan3A_35 = arith.constant 1 : i32
    scf.for %scan3A_80 = %scan3A_32 to %scan3A_34 step %scan3A_35  : i32 {
      %mul3A_81 = arith.constant 4 : i32
      %mul3A_82 = arith.muli %scan3A_80, %mul3A_81 : i32
      %add3A_83 = arith.constant 0 : i32
      %add3A_84 = arith.addi %mul3A_82, %add3A_83 : i32
      %dma_wait3A_85 = arith.constant 0 : i32
      %dma_wait3A_86 = tpu.memref_slice %arg5[%add3A_84, %dma_wait3A_85] : memref<16x128xi32, #tpu.memory_space<vmem>> -> memref<1x128xi32, #tpu.memory_space<vmem>>
      %dma_wait3A_87 = tpu.memref_squeeze %dma_wait3A_86 : memref<1x128xi32, #tpu.memory_space<vmem>> -> memref<128xi32, #tpu.memory_space<vmem>>
      %dma_wait3A_88 = arith.constant 0 : i32
      %dma_wait3A_89 = arith.constant 0 : i32
      %dma_wait3A_90 = tpu.memref_slice %arg2[%dma_wait3A_88, %dma_wait3A_89] : memref<196608x128xf32, #tpu.memory_space<hbm>> -> memref<196608x128xf32, #tpu.memory_space<hbm>>
      tpu.wait_indirect_dma semaphore(%arg10 : memref<!tpu.dma_semaphore, #tpu.memory_space<semaphore_mem>>) src(%dma_wait3A_90 : memref<196608x128xf32, #tpu.memory_space<hbm>>) dst(%arg6 : memref<128x128xf32, #tpu.memory_space<vmem>>)
      %add3A_91 = arith.addi %mul3A_2, %add3A_84 : i32
      %mul3A_92 = arith.constant 128 : i32
      %mul3A_93 = arith.muli %add3A_91, %mul3A_92 : i32
      "tpu.region"() ({
        %run_scoped3A = tpu.sem_alloc : memref<!tpu.dma_semaphore, #tpu.memory_space<semaphore_mem>>
        %dma_start3A_165 = arith.constant 0 : i32
        %dma_start3A_166 = tpu.memref_slice %arg4[%mul3A_93, %dma_start3A_165] : memref<65536x128xf32, #tpu.memory_space<hbm>> -> memref<128x128xf32, #tpu.memory_space<hbm>>
        %dma_start3A_167 = arith.constant 0 : i32
        %dma_start3A_168 = tpu.memref_slice %arg4[%mul3A_93, %dma_start3A_167] : memref<65536x128xf32, #tpu.memory_space<hbm>> -> memref<128x128xf32, #tpu.memory_space<hbm>>
        tpu.enqueue_dma source(%arg6 : memref<128x128xf32, #tpu.memory_space<vmem>>) target(%dma_start3A_168 : memref<128x128xf32, #tpu.memory_space<hbm>>) target_semaphore(%run_scoped3A : memref<!tpu.dma_semaphore, #tpu.memory_space<semaphore_mem>>)
        %dma_wait3A_169 = arith.constant 0 : i32
        %dma_wait3A_170 = tpu.memref_slice %arg4[%mul3A_93, %dma_wait3A_169] : memref<65536x128xf32, #tpu.memory_space<hbm>> -> memref<128x128xf32, #tpu.memory_space<hbm>>
        %dma_wait3A_171 = arith.constant 0 : i32
        %dma_wait3A_172 = tpu.memref_slice %arg4[%mul3A_93, %dma_wait3A_171] : memref<65536x128xf32, #tpu.memory_space<hbm>> -> memref<128x128xf32, #tpu.memory_space<hbm>>
        tpu.wait_dma2 semaphore(%run_scoped3A : memref<!tpu.dma_semaphore, #tpu.memory_space<semaphore_mem>>) src(%arg6 : memref<128x128xf32, #tpu.memory_space<vmem>>) dst(%dma_wait3A_172 : memref<128x128xf32, #tpu.memory_space<hbm>>)
        tpu.yield
      }) : () -> ()
      %add3A_94 = arith.constant 4 : i32
      %add3A_95 = arith.addi %add3A_84, %add3A_94 : i32
      %dma_start3A_96 = arith.constant 0 : i32
      %dma_start3A_97 = tpu.memref_slice %arg5[%add3A_95, %dma_start3A_96] : memref<16x128xi32, #tpu.memory_space<vmem>> -> memref<1x128xi32, #tpu.memory_space<vmem>>
      %dma_start3A_98 = tpu.memref_squeeze %dma_start3A_97 : memref<1x128xi32, #tpu.memory_space<vmem>> -> memref<128xi32, #tpu.memory_space<vmem>>
      %dma_start3A_99 = arith.constant 0 : i32
      %dma_start3A_100 = arith.constant 0 : i32
      %dma_start3A_101 = tpu.memref_slice %arg2[%dma_start3A_99, %dma_start3A_100] : memref<196608x128xf32, #tpu.memory_space<hbm>> -> memref<196608x128xf32, #tpu.memory_space<hbm>>
      tpu.enqueue_indirect_dma source(%dma_start3A_101 : memref<196608x128xf32, #tpu.memory_space<hbm>>) target(%arg6 : memref<128x128xf32, #tpu.memory_space<vmem>>) offsets(%dma_start3A_98 : memref<128xi32, #tpu.memory_space<vmem>>) semaphore(%arg10 : memref<!tpu.dma_semaphore, #tpu.memory_space<semaphore_mem>>)
      %mul3A_102 = arith.constant 4 : i32
      %mul3A_103 = arith.muli %scan3A_80, %mul3A_102 : i32
      %add3A_104 = arith.constant 1 : i32
      %add3A_105 = arith.addi %mul3A_103, %add3A_104 : i32
      %dma_wait3A_106 = arith.constant 0 : i32
      %dma_wait3A_107 = tpu.memref_slice %arg5[%add3A_105, %dma_wait3A_106] : memref<16x128xi32, #tpu.memory_space<vmem>> -> memref<1x128xi32, #tpu.memory_space<vmem>>
      %dma_wait3A_108 = tpu.memref_squeeze %dma_wait3A_107 : memref<1x128xi32, #tpu.memory_space<vmem>> -> memref<128xi32, #tpu.memory_space<vmem>>
      %dma_wait3A_109 = arith.constant 0 : i32
      %dma_wait3A_110 = arith.constant 0 : i32
      %dma_wait3A_111 = tpu.memref_slice %arg2[%dma_wait3A_109, %dma_wait3A_110] : memref<196608x128xf32, #tpu.memory_space<hbm>> -> memref<196608x128xf32, #tpu.memory_space<hbm>>
      tpu.wait_indirect_dma semaphore(%arg11 : memref<!tpu.dma_semaphore, #tpu.memory_space<semaphore_mem>>) src(%dma_wait3A_111 : memref<196608x128xf32, #tpu.memory_space<hbm>>) dst(%arg7 : memref<128x128xf32, #tpu.memory_space<vmem>>)
      %add3A_112 = arith.addi %mul3A_2, %add3A_105 : i32
      %mul3A_113 = arith.constant 128 : i32
      %mul3A_114 = arith.muli %add3A_112, %mul3A_113 : i32
      "tpu.region"() ({
        %run_scoped3A = tpu.sem_alloc : memref<!tpu.dma_semaphore, #tpu.memory_space<semaphore_mem>>
        %dma_start3A_165 = arith.constant 0 : i32
        %dma_start3A_166 = tpu.memref_slice %arg4[%mul3A_114, %dma_start3A_165] : memref<65536x128xf32, #tpu.memory_space<hbm>> -> memref<128x128xf32, #tpu.memory_space<hbm>>
        %dma_start3A_167 = arith.constant 0 : i32
        %dma_start3A_168 = tpu.memref_slice %arg4[%mul3A_114, %dma_start3A_167] : memref<65536x128xf32, #tpu.memory_space<hbm>> -> memref<128x128xf32, #tpu.memory_space<hbm>>
        tpu.enqueue_dma source(%arg7 : memref<128x128xf32, #tpu.memory_space<vmem>>) target(%dma_start3A_168 : memref<128x128xf32, #tpu.memory_space<hbm>>) target_semaphore(%run_scoped3A : memref<!tpu.dma_semaphore, #tpu.memory_space<semaphore_mem>>)
        %dma_wait3A_169 = arith.constant 0 : i32
        %dma_wait3A_170 = tpu.memref_slice %arg4[%mul3A_114, %dma_wait3A_169] : memref<65536x128xf32, #tpu.memory_space<hbm>> -> memref<128x128xf32, #tpu.memory_space<hbm>>
        %dma_wait3A_171 = arith.constant 0 : i32
        %dma_wait3A_172 = tpu.memref_slice %arg4[%mul3A_114, %dma_wait3A_171] : memref<65536x128xf32, #tpu.memory_space<hbm>> -> memref<128x128xf32, #tpu.memory_space<hbm>>
        tpu.wait_dma2 semaphore(%run_scoped3A : memref<!tpu.dma_semaphore, #tpu.memory_space<semaphore_mem>>) src(%arg7 : memref<128x128xf32, #tpu.memory_space<vmem>>) dst(%dma_wait3A_172 : memref<128x128xf32, #tpu.memory_space<hbm>>)
        tpu.yield
      }) : () -> ()
      %add3A_115 = arith.constant 4 : i32
      %add3A_116 = arith.addi %add3A_105, %add3A_115 : i32
      %dma_start3A_117 = arith.constant 0 : i32
      %dma_start3A_118 = tpu.memref_slice %arg5[%add3A_116, %dma_start3A_117] : memref<16x128xi32, #tpu.memory_space<vmem>> -> memref<1x128xi32, #tpu.memory_space<vmem>>
      %dma_start3A_119 = tpu.memref_squeeze %dma_start3A_118 : memref<1x128xi32, #tpu.memory_space<vmem>> -> memref<128xi32, #tpu.memory_space<vmem>>
      %dma_start3A_120 = arith.constant 0 : i32
      %dma_start3A_121 = arith.constant 0 : i32
      %dma_start3A_122 = tpu.memref_slice %arg2[%dma_start3A_120, %dma_start3A_121] : memref<196608x128xf32, #tpu.memory_space<hbm>> -> memref<196608x128xf32, #tpu.memory_space<hbm>>
      tpu.enqueue_indirect_dma source(%dma_start3A_122 : memref<196608x128xf32, #tpu.memory_space<hbm>>) target(%arg7 : memref<128x128xf32, #tpu.memory_space<vmem>>) offsets(%dma_start3A_119 : memref<128xi32, #tpu.memory_space<vmem>>) semaphore(%arg11 : memref<!tpu.dma_semaphore, #tpu.memory_space<semaphore_mem>>)
      %mul3A_123 = arith.constant 4 : i32
      %mul3A_124 = arith.muli %scan3A_80, %mul3A_123 : i32
      %add3A_125 = arith.constant 2 : i32
      %add3A_126 = arith.addi %mul3A_124, %add3A_125 : i32
      %dma_wait3A_127 = arith.constant 0 : i32
      %dma_wait3A_128 = tpu.memref_slice %arg5[%add3A_126, %dma_wait3A_127] : memref<16x128xi32, #tpu.memory_space<vmem>> -> memref<1x128xi32, #tpu.memory_space<vmem>>
      %dma_wait3A_129 = tpu.memref_squeeze %dma_wait3A_128 : memref<1x128xi32, #tpu.memory_space<vmem>> -> memref<128xi32, #tpu.memory_space<vmem>>
      %dma_wait3A_130 = arith.constant 0 : i32
      %dma_wait3A_131 = arith.constant 0 : i32
      %dma_wait3A_132 = tpu.memref_slice %arg2[%dma_wait3A_130, %dma_wait3A_131] : memref<196608x128xf32, #tpu.memory_space<hbm>> -> memref<196608x128xf32, #tpu.memory_space<hbm>>
      tpu.wait_indirect_dma semaphore(%arg12 : memref<!tpu.dma_semaphore, #tpu.memory_space<semaphore_mem>>) src(%dma_wait3A_132 : memref<196608x128xf32, #tpu.memory_space<hbm>>) dst(%arg8 : memref<128x128xf32, #tpu.memory_space<vmem>>)
      %add3A_133 = arith.addi %mul3A_2, %add3A_126 : i32
      %mul3A_134 = arith.constant 128 : i32
      %mul3A_135 = arith.muli %add3A_133, %mul3A_134 : i32
      "tpu.region"() ({
        %run_scoped3A = tpu.sem_alloc : memref<!tpu.dma_semaphore, #tpu.memory_space<semaphore_mem>>
        %dma_start3A_165 = arith.constant 0 : i32
        %dma_start3A_166 = tpu.memref_slice %arg4[%mul3A_135, %dma_start3A_165] : memref<65536x128xf32, #tpu.memory_space<hbm>> -> memref<128x128xf32, #tpu.memory_space<hbm>>
        %dma_start3A_167 = arith.constant 0 : i32
        %dma_start3A_168 = tpu.memref_slice %arg4[%mul3A_135, %dma_start3A_167] : memref<65536x128xf32, #tpu.memory_space<hbm>> -> memref<128x128xf32, #tpu.memory_space<hbm>>
        tpu.enqueue_dma source(%arg8 : memref<128x128xf32, #tpu.memory_space<vmem>>) target(%dma_start3A_168 : memref<128x128xf32, #tpu.memory_space<hbm>>) target_semaphore(%run_scoped3A : memref<!tpu.dma_semaphore, #tpu.memory_space<semaphore_mem>>)
        %dma_wait3A_169 = arith.constant 0 : i32
        %dma_wait3A_170 = tpu.memref_slice %arg4[%mul3A_135, %dma_wait3A_169] : memref<65536x128xf32, #tpu.memory_space<hbm>> -> memref<128x128xf32, #tpu.memory_space<hbm>>
        %dma_wait3A_171 = arith.constant 0 : i32
        %dma_wait3A_172 = tpu.memref_slice %arg4[%mul3A_135, %dma_wait3A_171] : memref<65536x128xf32, #tpu.memory_space<hbm>> -> memref<128x128xf32, #tpu.memory_space<hbm>>
        tpu.wait_dma2 semaphore(%run_scoped3A : memref<!tpu.dma_semaphore, #tpu.memory_space<semaphore_mem>>) src(%arg8 : memref<128x128xf32, #tpu.memory_space<vmem>>) dst(%dma_wait3A_172 : memref<128x128xf32, #tpu.memory_space<hbm>>)
        tpu.yield
      }) : () -> ()
      %add3A_136 = arith.constant 4 : i32
      %add3A_137 = arith.addi %add3A_126, %add3A_136 : i32
      %dma_start3A_138 = arith.constant 0 : i32
      %dma_start3A_139 = tpu.memref_slice %arg5[%add3A_137, %dma_start3A_138] : memref<16x128xi32, #tpu.memory_space<vmem>> -> memref<1x128xi32, #tpu.memory_space<vmem>>
      %dma_start3A_140 = tpu.memref_squeeze %dma_start3A_139 : memref<1x128xi32, #tpu.memory_space<vmem>> -> memref<128xi32, #tpu.memory_space<vmem>>
      %dma_start3A_141 = arith.constant 0 : i32
      %dma_start3A_142 = arith.constant 0 : i32
      %dma_start3A_143 = tpu.memref_slice %arg2[%dma_start3A_141, %dma_start3A_142] : memref<196608x128xf32, #tpu.memory_space<hbm>> -> memref<196608x128xf32, #tpu.memory_space<hbm>>
      tpu.enqueue_indirect_dma source(%dma_start3A_143 : memref<196608x128xf32, #tpu.memory_space<hbm>>) target(%arg8 : memref<128x128xf32, #tpu.memory_space<vmem>>) offsets(%dma_start3A_140 : memref<128xi32, #tpu.memory_space<vmem>>) semaphore(%arg12 : memref<!tpu.dma_semaphore, #tpu.memory_space<semaphore_mem>>)
      %mul3A_144 = arith.constant 4 : i32
      %mul3A_145 = arith.muli %scan3A_80, %mul3A_144 : i32
      %add3A_146 = arith.constant 3 : i32
      %add3A_147 = arith.addi %mul3A_145, %add3A_146 : i32
      %dma_wait3A_148 = arith.constant 0 : i32
      %dma_wait3A_149 = tpu.memref_slice %arg5[%add3A_147, %dma_wait3A_148] : memref<16x128xi32, #tpu.memory_space<vmem>> -> memref<1x128xi32, #tpu.memory_space<vmem>>
      %dma_wait3A_150 = tpu.memref_squeeze %dma_wait3A_149 : memref<1x128xi32, #tpu.memory_space<vmem>> -> memref<128xi32, #tpu.memory_space<vmem>>
      %dma_wait3A_151 = arith.constant 0 : i32
      %dma_wait3A_152 = arith.constant 0 : i32
      %dma_wait3A_153 = tpu.memref_slice %arg2[%dma_wait3A_151, %dma_wait3A_152] : memref<196608x128xf32, #tpu.memory_space<hbm>> -> memref<196608x128xf32, #tpu.memory_space<hbm>>
      tpu.wait_indirect_dma semaphore(%arg13 : memref<!tpu.dma_semaphore, #tpu.memory_space<semaphore_mem>>) src(%dma_wait3A_153 : memref<196608x128xf32, #tpu.memory_space<hbm>>) dst(%arg9 : memref<128x128xf32, #tpu.memory_space<vmem>>)
      %add3A_154 = arith.addi %mul3A_2, %add3A_147 : i32
      %mul3A_155 = arith.constant 128 : i32
      %mul3A_156 = arith.muli %add3A_154, %mul3A_155 : i32
      "tpu.region"() ({
        %run_scoped3A = tpu.sem_alloc : memref<!tpu.dma_semaphore, #tpu.memory_space<semaphore_mem>>
        %dma_start3A_165 = arith.constant 0 : i32
        %dma_start3A_166 = tpu.memref_slice %arg4[%mul3A_156, %dma_start3A_165] : memref<65536x128xf32, #tpu.memory_space<hbm>> -> memref<128x128xf32, #tpu.memory_space<hbm>>
        %dma_start3A_167 = arith.constant 0 : i32
        %dma_start3A_168 = tpu.memref_slice %arg4[%mul3A_156, %dma_start3A_167] : memref<65536x128xf32, #tpu.memory_space<hbm>> -> memref<128x128xf32, #tpu.memory_space<hbm>>
        tpu.enqueue_dma source(%arg9 : memref<128x128xf32, #tpu.memory_space<vmem>>) target(%dma_start3A_168 : memref<128x128xf32, #tpu.memory_space<hbm>>) target_semaphore(%run_scoped3A : memref<!tpu.dma_semaphore, #tpu.memory_space<semaphore_mem>>)
        %dma_wait3A_169 = arith.constant 0 : i32
        %dma_wait3A_170 = tpu.memref_slice %arg4[%mul3A_156, %dma_wait3A_169] : memref<65536x128xf32, #tpu.memory_space<hbm>> -> memref<128x128xf32, #tpu.memory_space<hbm>>
        %dma_wait3A_171 = arith.constant 0 : i32
        %dma_wait3A_172 = tpu.memref_slice %arg4[%mul3A_156, %dma_wait3A_171] : memref<65536x128xf32, #tpu.memory_space<hbm>> -> memref<128x128xf32, #tpu.memory_space<hbm>>
        tpu.wait_dma2 semaphore(%run_scoped3A : memref<!tpu.dma_semaphore, #tpu.memory_space<semaphore_mem>>) src(%arg9 : memref<128x128xf32, #tpu.memory_space<vmem>>) dst(%dma_wait3A_172 : memref<128x128xf32, #tpu.memory_space<hbm>>)
        tpu.yield
      }) : () -> ()
      %add3A_157 = arith.constant 4 : i32
      %add3A_158 = arith.addi %add3A_147, %add3A_157 : i32
      %dma_start3A_159 = arith.constant 0 : i32
      %dma_start3A_160 = tpu.memref_slice %arg5[%add3A_158, %dma_start3A_159] : memref<16x128xi32, #tpu.memory_space<vmem>> -> memref<1x128xi32, #tpu.memory_space<vmem>>
      %dma_start3A_161 = tpu.memref_squeeze %dma_start3A_160 : memref<1x128xi32, #tpu.memory_space<vmem>> -> memref<128xi32, #tpu.memory_space<vmem>>
      %dma_start3A_162 = arith.constant 0 : i32
      %dma_start3A_163 = arith.constant 0 : i32
      %dma_start3A_164 = tpu.memref_slice %arg2[%dma_start3A_162, %dma_start3A_163] : memref<196608x128xf32, #tpu.memory_space<hbm>> -> memref<196608x128xf32, #tpu.memory_space<hbm>>
      tpu.enqueue_indirect_dma source(%dma_start3A_164 : memref<196608x128xf32, #tpu.memory_space<hbm>>) target(%arg9 : memref<128x128xf32, #tpu.memory_space<vmem>>) offsets(%dma_start3A_161 : memref<128xi32, #tpu.memory_space<vmem>>) semaphore(%arg13 : memref<!tpu.dma_semaphore, #tpu.memory_space<semaphore_mem>>)
    }
    %scan3A_36 = arith.constant 3 : i32
    %dma_wait3A = arith.constant 12 : i32
    %dma_wait3A_37 = arith.constant 0 : i32
    %dma_wait3A_38 = tpu.memref_slice %arg5[%dma_wait3A, %dma_wait3A_37] : memref<16x128xi32, #tpu.memory_space<vmem>> -> memref<1x128xi32, #tpu.memory_space<vmem>>
    %dma_wait3A_39 = tpu.memref_squeeze %dma_wait3A_38 : memref<1x128xi32, #tpu.memory_space<vmem>> -> memref<128xi32, #tpu.memory_space<vmem>>
    %dma_wait3A_40 = arith.constant 0 : i32
    %dma_wait3A_41 = arith.constant 0 : i32
    %dma_wait3A_42 = tpu.memref_slice %arg2[%dma_wait3A_40, %dma_wait3A_41] : memref<196608x128xf32, #tpu.memory_space<hbm>> -> memref<196608x128xf32, #tpu.memory_space<hbm>>
    tpu.wait_indirect_dma semaphore(%arg10 : memref<!tpu.dma_semaphore, #tpu.memory_space<semaphore_mem>>) src(%dma_wait3A_42 : memref<196608x128xf32, #tpu.memory_space<hbm>>) dst(%arg6 : memref<128x128xf32, #tpu.memory_space<vmem>>)
    %add3A_43 = arith.constant 12 : i32
    %add3A_44 = arith.addi %mul3A_2, %add3A_43 : i32
    %mul3A_45 = arith.constant 128 : i32
    %mul3A_46 = arith.muli %add3A_44, %mul3A_45 : i32
    "tpu.region"() ({
      %run_scoped3A = tpu.sem_alloc : memref<!tpu.dma_semaphore, #tpu.memory_space<semaphore_mem>>
      %dma_start3A_80 = arith.constant 0 : i32
      %dma_start3A_81 = tpu.memref_slice %arg4[%mul3A_46, %dma_start3A_80] : memref<65536x128xf32, #tpu.memory_space<hbm>> -> memref<128x128xf32, #tpu.memory_space<hbm>>
      %dma_start3A_82 = arith.constant 0 : i32
      %dma_start3A_83 = tpu.memref_slice %arg4[%mul3A_46, %dma_start3A_82] : memref<65536x128xf32, #tpu.memory_space<hbm>> -> memref<128x128xf32, #tpu.memory_space<hbm>>
      tpu.enqueue_dma source(%arg6 : memref<128x128xf32, #tpu.memory_space<vmem>>) target(%dma_start3A_83 : memref<128x128xf32, #tpu.memory_space<hbm>>) target_semaphore(%run_scoped3A : memref<!tpu.dma_semaphore, #tpu.memory_space<semaphore_mem>>)
      %dma_wait3A_84 = arith.constant 0 : i32
      %dma_wait3A_85 = tpu.memref_slice %arg4[%mul3A_46, %dma_wait3A_84] : memref<65536x128xf32, #tpu.memory_space<hbm>> -> memref<128x128xf32, #tpu.memory_space<hbm>>
      %dma_wait3A_86 = arith.constant 0 : i32
      %dma_wait3A_87 = tpu.memref_slice %arg4[%mul3A_46, %dma_wait3A_86] : memref<65536x128xf32, #tpu.memory_space<hbm>> -> memref<128x128xf32, #tpu.memory_space<hbm>>
      tpu.wait_dma2 semaphore(%run_scoped3A : memref<!tpu.dma_semaphore, #tpu.memory_space<semaphore_mem>>) src(%arg6 : memref<128x128xf32, #tpu.memory_space<vmem>>) dst(%dma_wait3A_87 : memref<128x128xf32, #tpu.memory_space<hbm>>)
      tpu.yield
    }) : () -> ()
    %dma_wait3A_47 = arith.constant 13 : i32
    %dma_wait3A_48 = arith.constant 0 : i32
    %dma_wait3A_49 = tpu.memref_slice %arg5[%dma_wait3A_47, %dma_wait3A_48] : memref<16x128xi32, #tpu.memory_space<vmem>> -> memref<1x128xi32, #tpu.memory_space<vmem>>
    %dma_wait3A_50 = tpu.memref_squeeze %dma_wait3A_49 : memref<1x128xi32, #tpu.memory_space<vmem>> -> memref<128xi32, #tpu.memory_space<vmem>>
    %dma_wait3A_51 = arith.constant 0 : i32
    %dma_wait3A_52 = arith.constant 0 : i32
    %dma_wait3A_53 = tpu.memref_slice %arg2[%dma_wait3A_51, %dma_wait3A_52] : memref<196608x128xf32, #tpu.memory_space<hbm>> -> memref<196608x128xf32, #tpu.memory_space<hbm>>
    tpu.wait_indirect_dma semaphore(%arg11 : memref<!tpu.dma_semaphore, #tpu.memory_space<semaphore_mem>>) src(%dma_wait3A_53 : memref<196608x128xf32, #tpu.memory_space<hbm>>) dst(%arg7 : memref<128x128xf32, #tpu.memory_space<vmem>>)
    %add3A_54 = arith.constant 13 : i32
    %add3A_55 = arith.addi %mul3A_2, %add3A_54 : i32
    %mul3A_56 = arith.constant 128 : i32
    %mul3A_57 = arith.muli %add3A_55, %mul3A_56 : i32
    "tpu.region"() ({
      %run_scoped3A = tpu.sem_alloc : memref<!tpu.dma_semaphore, #tpu.memory_space<semaphore_mem>>
      %dma_start3A_80 = arith.constant 0 : i32
      %dma_start3A_81 = tpu.memref_slice %arg4[%mul3A_57, %dma_start3A_80] : memref<65536x128xf32, #tpu.memory_space<hbm>> -> memref<128x128xf32, #tpu.memory_space<hbm>>
      %dma_start3A_82 = arith.constant 0 : i32
      %dma_start3A_83 = tpu.memref_slice %arg4[%mul3A_57, %dma_start3A_82] : memref<65536x128xf32, #tpu.memory_space<hbm>> -> memref<128x128xf32, #tpu.memory_space<hbm>>
      tpu.enqueue_dma source(%arg7 : memref<128x128xf32, #tpu.memory_space<vmem>>) target(%dma_start3A_83 : memref<128x128xf32, #tpu.memory_space<hbm>>) target_semaphore(%run_scoped3A : memref<!tpu.dma_semaphore, #tpu.memory_space<semaphore_mem>>)
      %dma_wait3A_84 = arith.constant 0 : i32
      %dma_wait3A_85 = tpu.memref_slice %arg4[%mul3A_57, %dma_wait3A_84] : memref<65536x128xf32, #tpu.memory_space<hbm>> -> memref<128x128xf32, #tpu.memory_space<hbm>>
      %dma_wait3A_86 = arith.constant 0 : i32
      %dma_wait3A_87 = tpu.memref_slice %arg4[%mul3A_57, %dma_wait3A_86] : memref<65536x128xf32, #tpu.memory_space<hbm>> -> memref<128x128xf32, #tpu.memory_space<hbm>>
      tpu.wait_dma2 semaphore(%run_scoped3A : memref<!tpu.dma_semaphore, #tpu.memory_space<semaphore_mem>>) src(%arg7 : memref<128x128xf32, #tpu.memory_space<vmem>>) dst(%dma_wait3A_87 : memref<128x128xf32, #tpu.memory_space<hbm>>)
      tpu.yield
    }) : () -> ()
    %dma_wait3A_58 = arith.constant 14 : i32
    %dma_wait3A_59 = arith.constant 0 : i32
    %dma_wait3A_60 = tpu.memref_slice %arg5[%dma_wait3A_58, %dma_wait3A_59] : memref<16x128xi32, #tpu.memory_space<vmem>> -> memref<1x128xi32, #tpu.memory_space<vmem>>
    %dma_wait3A_61 = tpu.memref_squeeze %dma_wait3A_60 : memref<1x128xi32, #tpu.memory_space<vmem>> -> memref<128xi32, #tpu.memory_space<vmem>>
    %dma_wait3A_62 = arith.constant 0 : i32
    %dma_wait3A_63 = arith.constant 0 : i32
    %dma_wait3A_64 = tpu.memref_slice %arg2[%dma_wait3A_62, %dma_wait3A_63] : memref<196608x128xf32, #tpu.memory_space<hbm>> -> memref<196608x128xf32, #tpu.memory_space<hbm>>
    tpu.wait_indirect_dma semaphore(%arg12 : memref<!tpu.dma_semaphore, #tpu.memory_space<semaphore_mem>>) src(%dma_wait3A_64 : memref<196608x128xf32, #tpu.memory_space<hbm>>) dst(%arg8 : memref<128x128xf32, #tpu.memory_space<vmem>>)
    %add3A_65 = arith.constant 14 : i32
    %add3A_66 = arith.addi %mul3A_2, %add3A_65 : i32
    %mul3A_67 = arith.constant 128 : i32
    %mul3A_68 = arith.muli %add3A_66, %mul3A_67 : i32
    "tpu.region"() ({
      %run_scoped3A = tpu.sem_alloc : memref<!tpu.dma_semaphore, #tpu.memory_space<semaphore_mem>>
      %dma_start3A_80 = arith.constant 0 : i32
      %dma_start3A_81 = tpu.memref_slice %arg4[%mul3A_68, %dma_start3A_80] : memref<65536x128xf32, #tpu.memory_space<hbm>> -> memref<128x128xf32, #tpu.memory_space<hbm>>
      %dma_start3A_82 = arith.constant 0 : i32
      %dma_start3A_83 = tpu.memref_slice %arg4[%mul3A_68, %dma_start3A_82] : memref<65536x128xf32, #tpu.memory_space<hbm>> -> memref<128x128xf32, #tpu.memory_space<hbm>>
      tpu.enqueue_dma source(%arg8 : memref<128x128xf32, #tpu.memory_space<vmem>>) target(%dma_start3A_83 : memref<128x128xf32, #tpu.memory_space<hbm>>) target_semaphore(%run_scoped3A : memref<!tpu.dma_semaphore, #tpu.memory_space<semaphore_mem>>)
      %dma_wait3A_84 = arith.constant 0 : i32
      %dma_wait3A_85 = tpu.memref_slice %arg4[%mul3A_68, %dma_wait3A_84] : memref<65536x128xf32, #tpu.memory_space<hbm>> -> memref<128x128xf32, #tpu.memory_space<hbm>>
      %dma_wait3A_86 = arith.constant 0 : i32
      %dma_wait3A_87 = tpu.memref_slice %arg4[%mul3A_68, %dma_wait3A_86] : memref<65536x128xf32, #tpu.memory_space<hbm>> -> memref<128x128xf32, #tpu.memory_space<hbm>>
      tpu.wait_dma2 semaphore(%run_scoped3A : memref<!tpu.dma_semaphore, #tpu.memory_space<semaphore_mem>>) src(%arg8 : memref<128x128xf32, #tpu.memory_space<vmem>>) dst(%dma_wait3A_87 : memref<128x128xf32, #tpu.memory_space<hbm>>)
      tpu.yield
    }) : () -> ()
    %dma_wait3A_69 = arith.constant 15 : i32
    %dma_wait3A_70 = arith.constant 0 : i32
    %dma_wait3A_71 = tpu.memref_slice %arg5[%dma_wait3A_69, %dma_wait3A_70] : memref<16x128xi32, #tpu.memory_space<vmem>> -> memref<1x128xi32, #tpu.memory_space<vmem>>
    %dma_wait3A_72 = tpu.memref_squeeze %dma_wait3A_71 : memref<1x128xi32, #tpu.memory_space<vmem>> -> memref<128xi32, #tpu.memory_space<vmem>>
    %dma_wait3A_73 = arith.constant 0 : i32
    %dma_wait3A_74 = arith.constant 0 : i32
    %dma_wait3A_75 = tpu.memref_slice %arg2[%dma_wait3A_73, %dma_wait3A_74] : memref<196608x128xf32, #tpu.memory_space<hbm>> -> memref<196608x128xf32, #tpu.memory_space<hbm>>
    tpu.wait_indirect_dma semaphore(%arg13 : memref<!tpu.dma_semaphore, #tpu.memory_space<semaphore_mem>>) src(%dma_wait3A_75 : memref<196608x128xf32, #tpu.memory_space<hbm>>) dst(%arg9 : memref<128x128xf32, #tpu.memory_space<vmem>>)
    %add3A_76 = arith.constant 15 : i32
    %add3A_77 = arith.addi %mul3A_2, %add3A_76 : i32
    %mul3A_78 = arith.constant 128 : i32
    %mul3A_79 = arith.muli %add3A_77, %mul3A_78 : i32
    "tpu.region"() ({
      %run_scoped3A = tpu.sem_alloc : memref<!tpu.dma_semaphore, #tpu.memory_space<semaphore_mem>>
      %dma_start3A_80 = arith.constant 0 : i32
      %dma_start3A_81 = tpu.memref_slice %arg4[%mul3A_79, %dma_start3A_80] : memref<65536x128xf32, #tpu.memory_space<hbm>> -> memref<128x128xf32, #tpu.memory_space<hbm>>
      %dma_start3A_82 = arith.constant 0 : i32
      %dma_start3A_83 = tpu.memref_slice %arg4[%mul3A_79, %dma_start3A_82] : memref<65536x128xf32, #tpu.memory_space<hbm>> -> memref<128x128xf32, #tpu.memory_space<hbm>>
      tpu.enqueue_dma source(%arg9 : memref<128x128xf32, #tpu.memory_space<vmem>>) target(%dma_start3A_83 : memref<128x128xf32, #tpu.memory_space<hbm>>) target_semaphore(%run_scoped3A : memref<!tpu.dma_semaphore, #tpu.memory_space<semaphore_mem>>)
      %dma_wait3A_84 = arith.constant 0 : i32
      %dma_wait3A_85 = tpu.memref_slice %arg4[%mul3A_79, %dma_wait3A_84] : memref<65536x128xf32, #tpu.memory_space<hbm>> -> memref<128x128xf32, #tpu.memory_space<hbm>>
      %dma_wait3A_86 = arith.constant 0 : i32
      %dma_wait3A_87 = tpu.memref_slice %arg4[%mul3A_79, %dma_wait3A_86] : memref<65536x128xf32, #tpu.memory_space<hbm>> -> memref<128x128xf32, #tpu.memory_space<hbm>>
      tpu.wait_dma2 semaphore(%run_scoped3A : memref<!tpu.dma_semaphore, #tpu.memory_space<semaphore_mem>>) src(%arg9 : memref<128x128xf32, #tpu.memory_space<vmem>>) dst(%dma_wait3A_87 : memref<128x128xf32, #tpu.memory_space<hbm>>)
      tpu.yield
    }) : () -> ()
    return
  }
}

#map = affine_map<(d0, d1) -> (0, 0)>
module attributes {stable_mosaic.version = 14 : i64} {
  func.func @k(%arg0: i32, %arg1: i32, %arg2: memref<196608x128xf32, #tpu.memory_space<hbm>>, %arg3: memref<2048x128xi32, #tpu.memory_space<hbm>>, %arg4: memref<65536x128xf32, #tpu.memory_space<hbm>>, %arg5: memref<16x128xi32, #tpu.memory_space<vmem>>, %arg6: memref<128x128xf32, #tpu.memory_space<vmem>>, %arg7: memref<128x128xf32, #tpu.memory_space<vmem>>, %arg8: memref<128x128xf32, #tpu.memory_space<vmem>>, %arg9: memref<128x128xf32, #tpu.memory_space<vmem>>, %arg10: memref<!tpu.dma_semaphore, #tpu.memory_space<semaphore_mem>>, %arg11: memref<!tpu.dma_semaphore, #tpu.memory_space<semaphore_mem>>, %arg12: memref<!tpu.dma_semaphore, #tpu.memory_space<semaphore_mem>>, %arg13: memref<!tpu.dma_semaphore, #tpu.memory_space<semaphore_mem>>) attributes {dimension_semantics = [#tpu.dimension_semantics<core_parallel>, #tpu.dimension_semantics<subcore_parallel>], iteration_bounds = array<i64: 2, 16>, scalar_prefetch = 0 : i64, scratch_operands = 9 : i64, tpu.core_type = #tpu.core_type<sc_vector_subcore>, window_params = [{transform_indices = #map}, {transform_indices = #map}, {transform_indices = #map}]} {
    %mul3A = arith.constant 2 : i32
    %mul3A_0 = arith.muli %arg1, %mul3A : i32
    %add3A = arith.addi %mul3A_0, %arg0 : i32
    %mul3A_1 = arith.constant 16 : i32
    %mul3A_2 = arith.muli %add3A, %mul3A_1 : i32
    %add3A_3 = arith.constant 1536 : i32
    %add3A_4 = arith.addi %add3A_3, %mul3A_2 : i32
    "tpu.region"() ({
      %run_scoped3A = tpu.sem_alloc : memref<!tpu.dma_semaphore, #tpu.memory_space<semaphore_mem>>
      %dma_start3A_80 = arith.constant 0 : i32
      %dma_start3A_81 = tpu.memref_slice %arg3[%add3A_4, %dma_start3A_80] : memref<2048x128xi32, #tpu.memory_space<hbm>> -> memref<16x128xi32, #tpu.memory_space<hbm>>
      %dma_start3A_82 = arith.constant 0 : i32
      %dma_start3A_83 = tpu.memref_slice %arg3[%add3A_4, %dma_start3A_82] : memref<2048x128xi32, #tpu.memory_space<hbm>> -> memref<16x128xi32, #tpu.memory_space<hbm>>
      tpu.enqueue_dma source(%dma_start3A_83 : memref<16x128xi32, #tpu.memory_space<hbm>>) target(%arg5 : memref<16x128xi32, #tpu.memory_space<vmem>>) target_semaphore(%run_scoped3A : memref<!tpu.dma_semaphore, #tpu.memory_space<semaphore_mem>>)
      %dma_wait3A_84 = arith.constant 0 : i32
      %dma_wait3A_85 = tpu.memref_slice %arg3[%add3A_4, %dma_wait3A_84] : memref<2048x128xi32, #tpu.memory_space<hbm>> -> memref<16x128xi32, #tpu.memory_space<hbm>>
      %dma_wait3A_86 = arith.constant 0 : i32
      %dma_wait3A_87 = tpu.memref_slice %arg3[%add3A_4, %dma_wait3A_86] : memref<2048x128xi32, #tpu.memory_space<hbm>> -> memref<16x128xi32, #tpu.memory_space<hbm>>
      tpu.wait_dma2 semaphore(%run_scoped3A : memref<!tpu.dma_semaphore, #tpu.memory_space<semaphore_mem>>) src(%dma_wait3A_87 : memref<16x128xi32, #tpu.memory_space<hbm>>) dst(%arg5 : memref<16x128xi32, #tpu.memory_space<vmem>>)
      tpu.yield
    }) : () -> ()
    %dma_start3A = arith.constant 0 : i32
    %dma_start3A_5 = arith.constant 0 : i32
    %dma_start3A_6 = tpu.memref_slice %arg5[%dma_start3A, %dma_start3A_5] : memref<16x128xi32, #tpu.memory_space<vmem>> -> memref<1x128xi32, #tpu.memory_space<vmem>>
    %dma_start3A_7 = tpu.memref_squeeze %dma_start3A_6 : memref<1x128xi32, #tpu.memory_space<vmem>> -> memref<128xi32, #tpu.memory_space<vmem>>
    %dma_start3A_8 = arith.constant 0 : i32
    %dma_start3A_9 = arith.constant 0 : i32
    %dma_start3A_10 = tpu.memref_slice %arg2[%dma_start3A_8, %dma_start3A_9] : memref<196608x128xf32, #tpu.memory_space<hbm>> -> memref<196608x128xf32, #tpu.memory_space<hbm>>
    tpu.enqueue_indirect_dma source(%dma_start3A_10 : memref<196608x128xf32, #tpu.memory_space<hbm>>) target(%arg6 : memref<128x128xf32, #tpu.memory_space<vmem>>) offsets(%dma_start3A_7 : memref<128xi32, #tpu.memory_space<vmem>>) semaphore(%arg10 : memref<!tpu.dma_semaphore, #tpu.memory_space<semaphore_mem>>)
    %dma_start3A_11 = arith.constant 1 : i32
    %dma_start3A_12 = arith.constant 0 : i32
    %dma_start3A_13 = tpu.memref_slice %arg5[%dma_start3A_11, %dma_start3A_12] : memref<16x128xi32, #tpu.memory_space<vmem>> -> memref<1x128xi32, #tpu.memory_space<vmem>>
    %dma_start3A_14 = tpu.memref_squeeze %dma_start3A_13 : memref<1x128xi32, #tpu.memory_space<vmem>> -> memref<128xi32, #tpu.memory_space<vmem>>
    %dma_start3A_15 = arith.constant 0 : i32
    %dma_start3A_16 = arith.constant 0 : i32
    %dma_start3A_17 = tpu.memref_slice %arg2[%dma_start3A_15, %dma_start3A_16] : memref<196608x128xf32, #tpu.memory_space<hbm>> -> memref<196608x128xf32, #tpu.memory_space<hbm>>
    tpu.enqueue_indirect_dma source(%dma_start3A_17 : memref<196608x128xf32, #tpu.memory_space<hbm>>) target(%arg7 : memref<128x128xf32, #tpu.memory_space<vmem>>) offsets(%dma_start3A_14 : memref<128xi32, #tpu.memory_space<vmem>>) semaphore(%arg11 : memref<!tpu.dma_semaphore, #tpu.memory_space<semaphore_mem>>)
    %dma_start3A_18 = arith.constant 2 : i32
    %dma_start3A_19 = arith.constant 0 : i32
    %dma_start3A_20 = tpu.memref_slice %arg5[%dma_start3A_18, %dma_start3A_19] : memref<16x128xi32, #tpu.memory_space<vmem>> -> memref<1x128xi32, #tpu.memory_space<vmem>>
    %dma_start3A_21 = tpu.memref_squeeze %dma_start3A_20 : memref<1x128xi32, #tpu.memory_space<vmem>> -> memref<128xi32, #tpu.memory_space<vmem>>
    %dma_start3A_22 = arith.constant 0 : i32
    %dma_start3A_23 = arith.constant 0 : i32
    %dma_start3A_24 = tpu.memref_slice %arg2[%dma_start3A_22, %dma_start3A_23] : memref<196608x128xf32, #tpu.memory_space<hbm>> -> memref<196608x128xf32, #tpu.memory_space<hbm>>
    tpu.enqueue_indirect_dma source(%dma_start3A_24 : memref<196608x128xf32, #tpu.memory_space<hbm>>) target(%arg8 : memref<128x128xf32, #tpu.memory_space<vmem>>) offsets(%dma_start3A_21 : memref<128xi32, #tpu.memory_space<vmem>>) semaphore(%arg12 : memref<!tpu.dma_semaphore, #tpu.memory_space<semaphore_mem>>)
    %dma_start3A_25 = arith.constant 3 : i32
    %dma_start3A_26 = arith.constant 0 : i32
    %dma_start3A_27 = tpu.memref_slice %arg5[%dma_start3A_25, %dma_start3A_26] : memref<16x128xi32, #tpu.memory_space<vmem>> -> memref<1x128xi32, #tpu.memory_space<vmem>>
    %dma_start3A_28 = tpu.memref_squeeze %dma_start3A_27 : memref<1x128xi32, #tpu.memory_space<vmem>> -> memref<128xi32, #tpu.memory_space<vmem>>
    %dma_start3A_29 = arith.constant 0 : i32
    %dma_start3A_30 = arith.constant 0 : i32
    %dma_start3A_31 = tpu.memref_slice %arg2[%dma_start3A_29, %dma_start3A_30] : memref<196608x128xf32, #tpu.memory_space<hbm>> -> memref<196608x128xf32, #tpu.memory_space<hbm>>
    tpu.enqueue_indirect_dma source(%dma_start3A_31 : memref<196608x128xf32, #tpu.memory_space<hbm>>) target(%arg9 : memref<128x128xf32, #tpu.memory_space<vmem>>) offsets(%dma_start3A_28 : memref<128xi32, #tpu.memory_space<vmem>>) semaphore(%arg13 : memref<!tpu.dma_semaphore, #tpu.memory_space<semaphore_mem>>)
    %scan3A = arith.constant 0 : i32
    %scan3A_32 = arith.constant 0 : i32
    %scan3A_33 = arith.constant 3 : i32
    %scan3A_34 = arith.addi %scan3A_32, %scan3A_33 : i32
    %scan3A_35 = arith.constant 1 : i32
    scf.for %scan3A_80 = %scan3A_32 to %scan3A_34 step %scan3A_35  : i32 {
      %mul3A_81 = arith.constant 4 : i32
      %mul3A_82 = arith.muli %scan3A_80, %mul3A_81 : i32
      %add3A_83 = arith.constant 0 : i32
      %add3A_84 = arith.addi %mul3A_82, %add3A_83 : i32
      %dma_wait3A_85 = arith.constant 0 : i32
      %dma_wait3A_86 = tpu.memref_slice %arg5[%add3A_84, %dma_wait3A_85] : memref<16x128xi32, #tpu.memory_space<vmem>> -> memref<1x128xi32, #tpu.memory_space<vmem>>
      %dma_wait3A_87 = tpu.memref_squeeze %dma_wait3A_86 : memref<1x128xi32, #tpu.memory_space<vmem>> -> memref<128xi32, #tpu.memory_space<vmem>>
      %dma_wait3A_88 = arith.constant 0 : i32
      %dma_wait3A_89 = arith.constant 0 : i32
      %dma_wait3A_90 = tpu.memref_slice %arg2[%dma_wait3A_88, %dma_wait3A_89] : memref<196608x128xf32, #tpu.memory_space<hbm>> -> memref<196608x128xf32, #tpu.memory_space<hbm>>
      tpu.wait_indirect_dma semaphore(%arg10 : memref<!tpu.dma_semaphore, #tpu.memory_space<semaphore_mem>>) src(%dma_wait3A_90 : memref<196608x128xf32, #tpu.memory_space<hbm>>) dst(%arg6 : memref<128x128xf32, #tpu.memory_space<vmem>>)
      %add3A_91 = arith.addi %mul3A_2, %add3A_84 : i32
      %mul3A_92 = arith.constant 128 : i32
      %mul3A_93 = arith.muli %add3A_91, %mul3A_92 : i32
      "tpu.region"() ({
        %run_scoped3A = tpu.sem_alloc : memref<!tpu.dma_semaphore, #tpu.memory_space<semaphore_mem>>
        %dma_start3A_165 = arith.constant 0 : i32
        %dma_start3A_166 = tpu.memref_slice %arg4[%mul3A_93, %dma_start3A_165] : memref<65536x128xf32, #tpu.memory_space<hbm>> -> memref<128x128xf32, #tpu.memory_space<hbm>>
        %dma_start3A_167 = arith.constant 0 : i32
        %dma_start3A_168 = tpu.memref_slice %arg4[%mul3A_93, %dma_start3A_167] : memref<65536x128xf32, #tpu.memory_space<hbm>> -> memref<128x128xf32, #tpu.memory_space<hbm>>
        tpu.enqueue_dma source(%arg6 : memref<128x128xf32, #tpu.memory_space<vmem>>) target(%dma_start3A_168 : memref<128x128xf32, #tpu.memory_space<hbm>>) target_semaphore(%run_scoped3A : memref<!tpu.dma_semaphore, #tpu.memory_space<semaphore_mem>>)
        %dma_wait3A_169 = arith.constant 0 : i32
        %dma_wait3A_170 = tpu.memref_slice %arg4[%mul3A_93, %dma_wait3A_169] : memref<65536x128xf32, #tpu.memory_space<hbm>> -> memref<128x128xf32, #tpu.memory_space<hbm>>
        %dma_wait3A_171 = arith.constant 0 : i32
        %dma_wait3A_172 = tpu.memref_slice %arg4[%mul3A_93, %dma_wait3A_171] : memref<65536x128xf32, #tpu.memory_space<hbm>> -> memref<128x128xf32, #tpu.memory_space<hbm>>
        tpu.wait_dma2 semaphore(%run_scoped3A : memref<!tpu.dma_semaphore, #tpu.memory_space<semaphore_mem>>) src(%arg6 : memref<128x128xf32, #tpu.memory_space<vmem>>) dst(%dma_wait3A_172 : memref<128x128xf32, #tpu.memory_space<hbm>>)
        tpu.yield
      }) : () -> ()
      %add3A_94 = arith.constant 4 : i32
      %add3A_95 = arith.addi %add3A_84, %add3A_94 : i32
      %dma_start3A_96 = arith.constant 0 : i32
      %dma_start3A_97 = tpu.memref_slice %arg5[%add3A_95, %dma_start3A_96] : memref<16x128xi32, #tpu.memory_space<vmem>> -> memref<1x128xi32, #tpu.memory_space<vmem>>
      %dma_start3A_98 = tpu.memref_squeeze %dma_start3A_97 : memref<1x128xi32, #tpu.memory_space<vmem>> -> memref<128xi32, #tpu.memory_space<vmem>>
      %dma_start3A_99 = arith.constant 0 : i32
      %dma_start3A_100 = arith.constant 0 : i32
      %dma_start3A_101 = tpu.memref_slice %arg2[%dma_start3A_99, %dma_start3A_100] : memref<196608x128xf32, #tpu.memory_space<hbm>> -> memref<196608x128xf32, #tpu.memory_space<hbm>>
      tpu.enqueue_indirect_dma source(%dma_start3A_101 : memref<196608x128xf32, #tpu.memory_space<hbm>>) target(%arg6 : memref<128x128xf32, #tpu.memory_space<vmem>>) offsets(%dma_start3A_98 : memref<128xi32, #tpu.memory_space<vmem>>) semaphore(%arg10 : memref<!tpu.dma_semaphore, #tpu.memory_space<semaphore_mem>>)
      %mul3A_102 = arith.constant 4 : i32
      %mul3A_103 = arith.muli %scan3A_80, %mul3A_102 : i32
      %add3A_104 = arith.constant 1 : i32
      %add3A_105 = arith.addi %mul3A_103, %add3A_104 : i32
      %dma_wait3A_106 = arith.constant 0 : i32
      %dma_wait3A_107 = tpu.memref_slice %arg5[%add3A_105, %dma_wait3A_106] : memref<16x128xi32, #tpu.memory_space<vmem>> -> memref<1x128xi32, #tpu.memory_space<vmem>>
      %dma_wait3A_108 = tpu.memref_squeeze %dma_wait3A_107 : memref<1x128xi32, #tpu.memory_space<vmem>> -> memref<128xi32, #tpu.memory_space<vmem>>
      %dma_wait3A_109 = arith.constant 0 : i32
      %dma_wait3A_110 = arith.constant 0 : i32
      %dma_wait3A_111 = tpu.memref_slice %arg2[%dma_wait3A_109, %dma_wait3A_110] : memref<196608x128xf32, #tpu.memory_space<hbm>> -> memref<196608x128xf32, #tpu.memory_space<hbm>>
      tpu.wait_indirect_dma semaphore(%arg11 : memref<!tpu.dma_semaphore, #tpu.memory_space<semaphore_mem>>) src(%dma_wait3A_111 : memref<196608x128xf32, #tpu.memory_space<hbm>>) dst(%arg7 : memref<128x128xf32, #tpu.memory_space<vmem>>)
      %add3A_112 = arith.addi %mul3A_2, %add3A_105 : i32
      %mul3A_113 = arith.constant 128 : i32
      %mul3A_114 = arith.muli %add3A_112, %mul3A_113 : i32
      "tpu.region"() ({
        %run_scoped3A = tpu.sem_alloc : memref<!tpu.dma_semaphore, #tpu.memory_space<semaphore_mem>>
        %dma_start3A_165 = arith.constant 0 : i32
        %dma_start3A_166 = tpu.memref_slice %arg4[%mul3A_114, %dma_start3A_165] : memref<65536x128xf32, #tpu.memory_space<hbm>> -> memref<128x128xf32, #tpu.memory_space<hbm>>
        %dma_start3A_167 = arith.constant 0 : i32
        %dma_start3A_168 = tpu.memref_slice %arg4[%mul3A_114, %dma_start3A_167] : memref<65536x128xf32, #tpu.memory_space<hbm>> -> memref<128x128xf32, #tpu.memory_space<hbm>>
        tpu.enqueue_dma source(%arg7 : memref<128x128xf32, #tpu.memory_space<vmem>>) target(%dma_start3A_168 : memref<128x128xf32, #tpu.memory_space<hbm>>) target_semaphore(%run_scoped3A : memref<!tpu.dma_semaphore, #tpu.memory_space<semaphore_mem>>)
        %dma_wait3A_169 = arith.constant 0 : i32
        %dma_wait3A_170 = tpu.memref_slice %arg4[%mul3A_114, %dma_wait3A_169] : memref<65536x128xf32, #tpu.memory_space<hbm>> -> memref<128x128xf32, #tpu.memory_space<hbm>>
        %dma_wait3A_171 = arith.constant 0 : i32
        %dma_wait3A_172 = tpu.memref_slice %arg4[%mul3A_114, %dma_wait3A_171] : memref<65536x128xf32, #tpu.memory_space<hbm>> -> memref<128x128xf32, #tpu.memory_space<hbm>>
        tpu.wait_dma2 semaphore(%run_scoped3A : memref<!tpu.dma_semaphore, #tpu.memory_space<semaphore_mem>>) src(%arg7 : memref<128x128xf32, #tpu.memory_space<vmem>>) dst(%dma_wait3A_172 : memref<128x128xf32, #tpu.memory_space<hbm>>)
        tpu.yield
      }) : () -> ()
      %add3A_115 = arith.constant 4 : i32
      %add3A_116 = arith.addi %add3A_105, %add3A_115 : i32
      %dma_start3A_117 = arith.constant 0 : i32
      %dma_start3A_118 = tpu.memref_slice %arg5[%add3A_116, %dma_start3A_117] : memref<16x128xi32, #tpu.memory_space<vmem>> -> memref<1x128xi32, #tpu.memory_space<vmem>>
      %dma_start3A_119 = tpu.memref_squeeze %dma_start3A_118 : memref<1x128xi32, #tpu.memory_space<vmem>> -> memref<128xi32, #tpu.memory_space<vmem>>
      %dma_start3A_120 = arith.constant 0 : i32
      %dma_start3A_121 = arith.constant 0 : i32
      %dma_start3A_122 = tpu.memref_slice %arg2[%dma_start3A_120, %dma_start3A_121] : memref<196608x128xf32, #tpu.memory_space<hbm>> -> memref<196608x128xf32, #tpu.memory_space<hbm>>
      tpu.enqueue_indirect_dma source(%dma_start3A_122 : memref<196608x128xf32, #tpu.memory_space<hbm>>) target(%arg7 : memref<128x128xf32, #tpu.memory_space<vmem>>) offsets(%dma_start3A_119 : memref<128xi32, #tpu.memory_space<vmem>>) semaphore(%arg11 : memref<!tpu.dma_semaphore, #tpu.memory_space<semaphore_mem>>)
      %mul3A_123 = arith.constant 4 : i32
      %mul3A_124 = arith.muli %scan3A_80, %mul3A_123 : i32
      %add3A_125 = arith.constant 2 : i32
      %add3A_126 = arith.addi %mul3A_124, %add3A_125 : i32
      %dma_wait3A_127 = arith.constant 0 : i32
      %dma_wait3A_128 = tpu.memref_slice %arg5[%add3A_126, %dma_wait3A_127] : memref<16x128xi32, #tpu.memory_space<vmem>> -> memref<1x128xi32, #tpu.memory_space<vmem>>
      %dma_wait3A_129 = tpu.memref_squeeze %dma_wait3A_128 : memref<1x128xi32, #tpu.memory_space<vmem>> -> memref<128xi32, #tpu.memory_space<vmem>>
      %dma_wait3A_130 = arith.constant 0 : i32
      %dma_wait3A_131 = arith.constant 0 : i32
      %dma_wait3A_132 = tpu.memref_slice %arg2[%dma_wait3A_130, %dma_wait3A_131] : memref<196608x128xf32, #tpu.memory_space<hbm>> -> memref<196608x128xf32, #tpu.memory_space<hbm>>
      tpu.wait_indirect_dma semaphore(%arg12 : memref<!tpu.dma_semaphore, #tpu.memory_space<semaphore_mem>>) src(%dma_wait3A_132 : memref<196608x128xf32, #tpu.memory_space<hbm>>) dst(%arg8 : memref<128x128xf32, #tpu.memory_space<vmem>>)
      %add3A_133 = arith.addi %mul3A_2, %add3A_126 : i32
      %mul3A_134 = arith.constant 128 : i32
      %mul3A_135 = arith.muli %add3A_133, %mul3A_134 : i32
      "tpu.region"() ({
        %run_scoped3A = tpu.sem_alloc : memref<!tpu.dma_semaphore, #tpu.memory_space<semaphore_mem>>
        %dma_start3A_165 = arith.constant 0 : i32
        %dma_start3A_166 = tpu.memref_slice %arg4[%mul3A_135, %dma_start3A_165] : memref<65536x128xf32, #tpu.memory_space<hbm>> -> memref<128x128xf32, #tpu.memory_space<hbm>>
        %dma_start3A_167 = arith.constant 0 : i32
        %dma_start3A_168 = tpu.memref_slice %arg4[%mul3A_135, %dma_start3A_167] : memref<65536x128xf32, #tpu.memory_space<hbm>> -> memref<128x128xf32, #tpu.memory_space<hbm>>
        tpu.enqueue_dma source(%arg8 : memref<128x128xf32, #tpu.memory_space<vmem>>) target(%dma_start3A_168 : memref<128x128xf32, #tpu.memory_space<hbm>>) target_semaphore(%run_scoped3A : memref<!tpu.dma_semaphore, #tpu.memory_space<semaphore_mem>>)
        %dma_wait3A_169 = arith.constant 0 : i32
        %dma_wait3A_170 = tpu.memref_slice %arg4[%mul3A_135, %dma_wait3A_169] : memref<65536x128xf32, #tpu.memory_space<hbm>> -> memref<128x128xf32, #tpu.memory_space<hbm>>
        %dma_wait3A_171 = arith.constant 0 : i32
        %dma_wait3A_172 = tpu.memref_slice %arg4[%mul3A_135, %dma_wait3A_171] : memref<65536x128xf32, #tpu.memory_space<hbm>> -> memref<128x128xf32, #tpu.memory_space<hbm>>
        tpu.wait_dma2 semaphore(%run_scoped3A : memref<!tpu.dma_semaphore, #tpu.memory_space<semaphore_mem>>) src(%arg8 : memref<128x128xf32, #tpu.memory_space<vmem>>) dst(%dma_wait3A_172 : memref<128x128xf32, #tpu.memory_space<hbm>>)
        tpu.yield
      }) : () -> ()
      %add3A_136 = arith.constant 4 : i32
      %add3A_137 = arith.addi %add3A_126, %add3A_136 : i32
      %dma_start3A_138 = arith.constant 0 : i32
      %dma_start3A_139 = tpu.memref_slice %arg5[%add3A_137, %dma_start3A_138] : memref<16x128xi32, #tpu.memory_space<vmem>> -> memref<1x128xi32, #tpu.memory_space<vmem>>
      %dma_start3A_140 = tpu.memref_squeeze %dma_start3A_139 : memref<1x128xi32, #tpu.memory_space<vmem>> -> memref<128xi32, #tpu.memory_space<vmem>>
      %dma_start3A_141 = arith.constant 0 : i32
      %dma_start3A_142 = arith.constant 0 : i32
      %dma_start3A_143 = tpu.memref_slice %arg2[%dma_start3A_141, %dma_start3A_142] : memref<196608x128xf32, #tpu.memory_space<hbm>> -> memref<196608x128xf32, #tpu.memory_space<hbm>>
      tpu.enqueue_indirect_dma source(%dma_start3A_143 : memref<196608x128xf32, #tpu.memory_space<hbm>>) target(%arg8 : memref<128x128xf32, #tpu.memory_space<vmem>>) offsets(%dma_start3A_140 : memref<128xi32, #tpu.memory_space<vmem>>) semaphore(%arg12 : memref<!tpu.dma_semaphore, #tpu.memory_space<semaphore_mem>>)
      %mul3A_144 = arith.constant 4 : i32
      %mul3A_145 = arith.muli %scan3A_80, %mul3A_144 : i32
      %add3A_146 = arith.constant 3 : i32
      %add3A_147 = arith.addi %mul3A_145, %add3A_146 : i32
      %dma_wait3A_148 = arith.constant 0 : i32
      %dma_wait3A_149 = tpu.memref_slice %arg5[%add3A_147, %dma_wait3A_148] : memref<16x128xi32, #tpu.memory_space<vmem>> -> memref<1x128xi32, #tpu.memory_space<vmem>>
      %dma_wait3A_150 = tpu.memref_squeeze %dma_wait3A_149 : memref<1x128xi32, #tpu.memory_space<vmem>> -> memref<128xi32, #tpu.memory_space<vmem>>
      %dma_wait3A_151 = arith.constant 0 : i32
      %dma_wait3A_152 = arith.constant 0 : i32
      %dma_wait3A_153 = tpu.memref_slice %arg2[%dma_wait3A_151, %dma_wait3A_152] : memref<196608x128xf32, #tpu.memory_space<hbm>> -> memref<196608x128xf32, #tpu.memory_space<hbm>>
      tpu.wait_indirect_dma semaphore(%arg13 : memref<!tpu.dma_semaphore, #tpu.memory_space<semaphore_mem>>) src(%dma_wait3A_153 : memref<196608x128xf32, #tpu.memory_space<hbm>>) dst(%arg9 : memref<128x128xf32, #tpu.memory_space<vmem>>)
      %add3A_154 = arith.addi %mul3A_2, %add3A_147 : i32
      %mul3A_155 = arith.constant 128 : i32
      %mul3A_156 = arith.muli %add3A_154, %mul3A_155 : i32
      "tpu.region"() ({
        %run_scoped3A = tpu.sem_alloc : memref<!tpu.dma_semaphore, #tpu.memory_space<semaphore_mem>>
        %dma_start3A_165 = arith.constant 0 : i32
        %dma_start3A_166 = tpu.memref_slice %arg4[%mul3A_156, %dma_start3A_165] : memref<65536x128xf32, #tpu.memory_space<hbm>> -> memref<128x128xf32, #tpu.memory_space<hbm>>
        %dma_start3A_167 = arith.constant 0 : i32
        %dma_start3A_168 = tpu.memref_slice %arg4[%mul3A_156, %dma_start3A_167] : memref<65536x128xf32, #tpu.memory_space<hbm>> -> memref<128x128xf32, #tpu.memory_space<hbm>>
        tpu.enqueue_dma source(%arg9 : memref<128x128xf32, #tpu.memory_space<vmem>>) target(%dma_start3A_168 : memref<128x128xf32, #tpu.memory_space<hbm>>) target_semaphore(%run_scoped3A : memref<!tpu.dma_semaphore, #tpu.memory_space<semaphore_mem>>)
        %dma_wait3A_169 = arith.constant 0 : i32
        %dma_wait3A_170 = tpu.memref_slice %arg4[%mul3A_156, %dma_wait3A_169] : memref<65536x128xf32, #tpu.memory_space<hbm>> -> memref<128x128xf32, #tpu.memory_space<hbm>>
        %dma_wait3A_171 = arith.constant 0 : i32
        %dma_wait3A_172 = tpu.memref_slice %arg4[%mul3A_156, %dma_wait3A_171] : memref<65536x128xf32, #tpu.memory_space<hbm>> -> memref<128x128xf32, #tpu.memory_space<hbm>>
        tpu.wait_dma2 semaphore(%run_scoped3A : memref<!tpu.dma_semaphore, #tpu.memory_space<semaphore_mem>>) src(%arg9 : memref<128x128xf32, #tpu.memory_space<vmem>>) dst(%dma_wait3A_172 : memref<128x128xf32, #tpu.memory_space<hbm>>)
        tpu.yield
      }) : () -> ()
      %add3A_157 = arith.constant 4 : i32
      %add3A_158 = arith.addi %add3A_147, %add3A_157 : i32
      %dma_start3A_159 = arith.constant 0 : i32
      %dma_start3A_160 = tpu.memref_slice %arg5[%add3A_158, %dma_start3A_159] : memref<16x128xi32, #tpu.memory_space<vmem>> -> memref<1x128xi32, #tpu.memory_space<vmem>>
      %dma_start3A_161 = tpu.memref_squeeze %dma_start3A_160 : memref<1x128xi32, #tpu.memory_space<vmem>> -> memref<128xi32, #tpu.memory_space<vmem>>
      %dma_start3A_162 = arith.constant 0 : i32
      %dma_start3A_163 = arith.constant 0 : i32
      %dma_start3A_164 = tpu.memref_slice %arg2[%dma_start3A_162, %dma_start3A_163] : memref<196608x128xf32, #tpu.memory_space<hbm>> -> memref<196608x128xf32, #tpu.memory_space<hbm>>
      tpu.enqueue_indirect_dma source(%dma_start3A_164 : memref<196608x128xf32, #tpu.memory_space<hbm>>) target(%arg9 : memref<128x128xf32, #tpu.memory_space<vmem>>) offsets(%dma_start3A_161 : memref<128xi32, #tpu.memory_space<vmem>>) semaphore(%arg13 : memref<!tpu.dma_semaphore, #tpu.memory_space<semaphore_mem>>)
    }
    %scan3A_36 = arith.constant 3 : i32
    %dma_wait3A = arith.constant 12 : i32
    %dma_wait3A_37 = arith.constant 0 : i32
    %dma_wait3A_38 = tpu.memref_slice %arg5[%dma_wait3A, %dma_wait3A_37] : memref<16x128xi32, #tpu.memory_space<vmem>> -> memref<1x128xi32, #tpu.memory_space<vmem>>
    %dma_wait3A_39 = tpu.memref_squeeze %dma_wait3A_38 : memref<1x128xi32, #tpu.memory_space<vmem>> -> memref<128xi32, #tpu.memory_space<vmem>>
    %dma_wait3A_40 = arith.constant 0 : i32
    %dma_wait3A_41 = arith.constant 0 : i32
    %dma_wait3A_42 = tpu.memref_slice %arg2[%dma_wait3A_40, %dma_wait3A_41] : memref<196608x128xf32, #tpu.memory_space<hbm>> -> memref<196608x128xf32, #tpu.memory_space<hbm>>
    tpu.wait_indirect_dma semaphore(%arg10 : memref<!tpu.dma_semaphore, #tpu.memory_space<semaphore_mem>>) src(%dma_wait3A_42 : memref<196608x128xf32, #tpu.memory_space<hbm>>) dst(%arg6 : memref<128x128xf32, #tpu.memory_space<vmem>>)
    %add3A_43 = arith.constant 12 : i32
    %add3A_44 = arith.addi %mul3A_2, %add3A_43 : i32
    %mul3A_45 = arith.constant 128 : i32
    %mul3A_46 = arith.muli %add3A_44, %mul3A_45 : i32
    "tpu.region"() ({
      %run_scoped3A = tpu.sem_alloc : memref<!tpu.dma_semaphore, #tpu.memory_space<semaphore_mem>>
      %dma_start3A_80 = arith.constant 0 : i32
      %dma_start3A_81 = tpu.memref_slice %arg4[%mul3A_46, %dma_start3A_80] : memref<65536x128xf32, #tpu.memory_space<hbm>> -> memref<128x128xf32, #tpu.memory_space<hbm>>
      %dma_start3A_82 = arith.constant 0 : i32
      %dma_start3A_83 = tpu.memref_slice %arg4[%mul3A_46, %dma_start3A_82] : memref<65536x128xf32, #tpu.memory_space<hbm>> -> memref<128x128xf32, #tpu.memory_space<hbm>>
      tpu.enqueue_dma source(%arg6 : memref<128x128xf32, #tpu.memory_space<vmem>>) target(%dma_start3A_83 : memref<128x128xf32, #tpu.memory_space<hbm>>) target_semaphore(%run_scoped3A : memref<!tpu.dma_semaphore, #tpu.memory_space<semaphore_mem>>)
      %dma_wait3A_84 = arith.constant 0 : i32
      %dma_wait3A_85 = tpu.memref_slice %arg4[%mul3A_46, %dma_wait3A_84] : memref<65536x128xf32, #tpu.memory_space<hbm>> -> memref<128x128xf32, #tpu.memory_space<hbm>>
      %dma_wait3A_86 = arith.constant 0 : i32
      %dma_wait3A_87 = tpu.memref_slice %arg4[%mul3A_46, %dma_wait3A_86] : memref<65536x128xf32, #tpu.memory_space<hbm>> -> memref<128x128xf32, #tpu.memory_space<hbm>>
      tpu.wait_dma2 semaphore(%run_scoped3A : memref<!tpu.dma_semaphore, #tpu.memory_space<semaphore_mem>>) src(%arg6 : memref<128x128xf32, #tpu.memory_space<vmem>>) dst(%dma_wait3A_87 : memref<128x128xf32, #tpu.memory_space<hbm>>)
      tpu.yield
    }) : () -> ()
    %dma_wait3A_47 = arith.constant 13 : i32
    %dma_wait3A_48 = arith.constant 0 : i32
    %dma_wait3A_49 = tpu.memref_slice %arg5[%dma_wait3A_47, %dma_wait3A_48] : memref<16x128xi32, #tpu.memory_space<vmem>> -> memref<1x128xi32, #tpu.memory_space<vmem>>
    %dma_wait3A_50 = tpu.memref_squeeze %dma_wait3A_49 : memref<1x128xi32, #tpu.memory_space<vmem>> -> memref<128xi32, #tpu.memory_space<vmem>>
    %dma_wait3A_51 = arith.constant 0 : i32
    %dma_wait3A_52 = arith.constant 0 : i32
    %dma_wait3A_53 = tpu.memref_slice %arg2[%dma_wait3A_51, %dma_wait3A_52] : memref<196608x128xf32, #tpu.memory_space<hbm>> -> memref<196608x128xf32, #tpu.memory_space<hbm>>
    tpu.wait_indirect_dma semaphore(%arg11 : memref<!tpu.dma_semaphore, #tpu.memory_space<semaphore_mem>>) src(%dma_wait3A_53 : memref<196608x128xf32, #tpu.memory_space<hbm>>) dst(%arg7 : memref<128x128xf32, #tpu.memory_space<vmem>>)
    %add3A_54 = arith.constant 13 : i32
    %add3A_55 = arith.addi %mul3A_2, %add3A_54 : i32
    %mul3A_56 = arith.constant 128 : i32
    %mul3A_57 = arith.muli %add3A_55, %mul3A_56 : i32
    "tpu.region"() ({
      %run_scoped3A = tpu.sem_alloc : memref<!tpu.dma_semaphore, #tpu.memory_space<semaphore_mem>>
      %dma_start3A_80 = arith.constant 0 : i32
      %dma_start3A_81 = tpu.memref_slice %arg4[%mul3A_57, %dma_start3A_80] : memref<65536x128xf32, #tpu.memory_space<hbm>> -> memref<128x128xf32, #tpu.memory_space<hbm>>
      %dma_start3A_82 = arith.constant 0 : i32
      %dma_start3A_83 = tpu.memref_slice %arg4[%mul3A_57, %dma_start3A_82] : memref<65536x128xf32, #tpu.memory_space<hbm>> -> memref<128x128xf32, #tpu.memory_space<hbm>>
      tpu.enqueue_dma source(%arg7 : memref<128x128xf32, #tpu.memory_space<vmem>>) target(%dma_start3A_83 : memref<128x128xf32, #tpu.memory_space<hbm>>) target_semaphore(%run_scoped3A : memref<!tpu.dma_semaphore, #tpu.memory_space<semaphore_mem>>)
      %dma_wait3A_84 = arith.constant 0 : i32
      %dma_wait3A_85 = tpu.memref_slice %arg4[%mul3A_57, %dma_wait3A_84] : memref<65536x128xf32, #tpu.memory_space<hbm>> -> memref<128x128xf32, #tpu.memory_space<hbm>>
      %dma_wait3A_86 = arith.constant 0 : i32
      %dma_wait3A_87 = tpu.memref_slice %arg4[%mul3A_57, %dma_wait3A_86] : memref<65536x128xf32, #tpu.memory_space<hbm>> -> memref<128x128xf32, #tpu.memory_space<hbm>>
      tpu.wait_dma2 semaphore(%run_scoped3A : memref<!tpu.dma_semaphore, #tpu.memory_space<semaphore_mem>>) src(%arg7 : memref<128x128xf32, #tpu.memory_space<vmem>>) dst(%dma_wait3A_87 : memref<128x128xf32, #tpu.memory_space<hbm>>)
      tpu.yield
    }) : () -> ()
    %dma_wait3A_58 = arith.constant 14 : i32
    %dma_wait3A_59 = arith.constant 0 : i32
    %dma_wait3A_60 = tpu.memref_slice %arg5[%dma_wait3A_58, %dma_wait3A_59] : memref<16x128xi32, #tpu.memory_space<vmem>> -> memref<1x128xi32, #tpu.memory_space<vmem>>
    %dma_wait3A_61 = tpu.memref_squeeze %dma_wait3A_60 : memref<1x128xi32, #tpu.memory_space<vmem>> -> memref<128xi32, #tpu.memory_space<vmem>>
    %dma_wait3A_62 = arith.constant 0 : i32
    %dma_wait3A_63 = arith.constant 0 : i32
    %dma_wait3A_64 = tpu.memref_slice %arg2[%dma_wait3A_62, %dma_wait3A_63] : memref<196608x128xf32, #tpu.memory_space<hbm>> -> memref<196608x128xf32, #tpu.memory_space<hbm>>
    tpu.wait_indirect_dma semaphore(%arg12 : memref<!tpu.dma_semaphore, #tpu.memory_space<semaphore_mem>>) src(%dma_wait3A_64 : memref<196608x128xf32, #tpu.memory_space<hbm>>) dst(%arg8 : memref<128x128xf32, #tpu.memory_space<vmem>>)
    %add3A_65 = arith.constant 14 : i32
    %add3A_66 = arith.addi %mul3A_2, %add3A_65 : i32
    %mul3A_67 = arith.constant 128 : i32
    %mul3A_68 = arith.muli %add3A_66, %mul3A_67 : i32
    "tpu.region"() ({
      %run_scoped3A = tpu.sem_alloc : memref<!tpu.dma_semaphore, #tpu.memory_space<semaphore_mem>>
      %dma_start3A_80 = arith.constant 0 : i32
      %dma_start3A_81 = tpu.memref_slice %arg4[%mul3A_68, %dma_start3A_80] : memref<65536x128xf32, #tpu.memory_space<hbm>> -> memref<128x128xf32, #tpu.memory_space<hbm>>
      %dma_start3A_82 = arith.constant 0 : i32
      %dma_start3A_83 = tpu.memref_slice %arg4[%mul3A_68, %dma_start3A_82] : memref<65536x128xf32, #tpu.memory_space<hbm>> -> memref<128x128xf32, #tpu.memory_space<hbm>>
      tpu.enqueue_dma source(%arg8 : memref<128x128xf32, #tpu.memory_space<vmem>>) target(%dma_start3A_83 : memref<128x128xf32, #tpu.memory_space<hbm>>) target_semaphore(%run_scoped3A : memref<!tpu.dma_semaphore, #tpu.memory_space<semaphore_mem>>)
      %dma_wait3A_84 = arith.constant 0 : i32
      %dma_wait3A_85 = tpu.memref_slice %arg4[%mul3A_68, %dma_wait3A_84] : memref<65536x128xf32, #tpu.memory_space<hbm>> -> memref<128x128xf32, #tpu.memory_space<hbm>>
      %dma_wait3A_86 = arith.constant 0 : i32
      %dma_wait3A_87 = tpu.memref_slice %arg4[%mul3A_68, %dma_wait3A_86] : memref<65536x128xf32, #tpu.memory_space<hbm>> -> memref<128x128xf32, #tpu.memory_space<hbm>>
      tpu.wait_dma2 semaphore(%run_scoped3A : memref<!tpu.dma_semaphore, #tpu.memory_space<semaphore_mem>>) src(%arg8 : memref<128x128xf32, #tpu.memory_space<vmem>>) dst(%dma_wait3A_87 : memref<128x128xf32, #tpu.memory_space<hbm>>)
      tpu.yield
    }) : () -> ()
    %dma_wait3A_69 = arith.constant 15 : i32
    %dma_wait3A_70 = arith.constant 0 : i32
    %dma_wait3A_71 = tpu.memref_slice %arg5[%dma_wait3A_69, %dma_wait3A_70] : memref<16x128xi32, #tpu.memory_space<vmem>> -> memref<1x128xi32, #tpu.memory_space<vmem>>
    %dma_wait3A_72 = tpu.memref_squeeze %dma_wait3A_71 : memref<1x128xi32, #tpu.memory_space<vmem>> -> memref<128xi32, #tpu.memory_space<vmem>>
    %dma_wait3A_73 = arith.constant 0 : i32
    %dma_wait3A_74 = arith.constant 0 : i32
    %dma_wait3A_75 = tpu.memref_slice %arg2[%dma_wait3A_73, %dma_wait3A_74] : memref<196608x128xf32, #tpu.memory_space<hbm>> -> memref<196608x128xf32, #tpu.memory_space<hbm>>
    tpu.wait_indirect_dma semaphore(%arg13 : memref<!tpu.dma_semaphore, #tpu.memory_space<semaphore_mem>>) src(%dma_wait3A_75 : memref<196608x128xf32, #tpu.memory_space<hbm>>) dst(%arg9 : memref<128x128xf32, #tpu.memory_space<vmem>>)
    %add3A_76 = arith.constant 15 : i32
    %add3A_77 = arith.addi %mul3A_2, %add3A_76 : i32
    %mul3A_78 = arith.constant 128 : i32
    %mul3A_79 = arith.muli %add3A_77, %mul3A_78 : i32
    "tpu.region"() ({
      %run_scoped3A = tpu.sem_alloc : memref<!tpu.dma_semaphore, #tpu.memory_space<semaphore_mem>>
      %dma_start3A_80 = arith.constant 0 : i32
      %dma_start3A_81 = tpu.memref_slice %arg4[%mul3A_79, %dma_start3A_80] : memref<65536x128xf32, #tpu.memory_space<hbm>> -> memref<128x128xf32, #tpu.memory_space<hbm>>
      %dma_start3A_82 = arith.constant 0 : i32
      %dma_start3A_83 = tpu.memref_slice %arg4[%mul3A_79, %dma_start3A_82] : memref<65536x128xf32, #tpu.memory_space<hbm>> -> memref<128x128xf32, #tpu.memory_space<hbm>>
      tpu.enqueue_dma source(%arg9 : memref<128x128xf32, #tpu.memory_space<vmem>>) target(%dma_start3A_83 : memref<128x128xf32, #tpu.memory_space<hbm>>) target_semaphore(%run_scoped3A : memref<!tpu.dma_semaphore, #tpu.memory_space<semaphore_mem>>)
      %dma_wait3A_84 = arith.constant 0 : i32
      %dma_wait3A_85 = tpu.memref_slice %arg4[%mul3A_79, %dma_wait3A_84] : memref<65536x128xf32, #tpu.memory_space<hbm>> -> memref<128x128xf32, #tpu.memory_space<hbm>>
      %dma_wait3A_86 = arith.constant 0 : i32
      %dma_wait3A_87 = tpu.memref_slice %arg4[%mul3A_79, %dma_wait3A_86] : memref<65536x128xf32, #tpu.memory_space<hbm>> -> memref<128x128xf32, #tpu.memory_space<hbm>>
      tpu.wait_dma2 semaphore(%run_scoped3A : memref<!tpu.dma_semaphore, #tpu.memory_space<semaphore_mem>>) src(%arg9 : memref<128x128xf32, #tpu.memory_space<vmem>>) dst(%dma_wait3A_87 : memref<128x128xf32, #tpu.memory_space<hbm>>)
      tpu.yield
    }) : () -> ()
    return
  }
}

#map = affine_map<(d0, d1) -> (0, 0)>
module attributes {stable_mosaic.version = 14 : i64} {
  func.func @k(%arg0: i32, %arg1: i32, %arg2: memref<196608x128xf32, #tpu.memory_space<hbm>>, %arg3: memref<2048x128xi32, #tpu.memory_space<hbm>>, %arg4: memref<65536x128xf32, #tpu.memory_space<hbm>>, %arg5: memref<16x128xi32, #tpu.memory_space<vmem>>, %arg6: memref<128x128xf32, #tpu.memory_space<vmem>>, %arg7: memref<128x128xf32, #tpu.memory_space<vmem>>, %arg8: memref<128x128xf32, #tpu.memory_space<vmem>>, %arg9: memref<128x128xf32, #tpu.memory_space<vmem>>, %arg10: memref<!tpu.dma_semaphore, #tpu.memory_space<semaphore_mem>>, %arg11: memref<!tpu.dma_semaphore, #tpu.memory_space<semaphore_mem>>, %arg12: memref<!tpu.dma_semaphore, #tpu.memory_space<semaphore_mem>>, %arg13: memref<!tpu.dma_semaphore, #tpu.memory_space<semaphore_mem>>) attributes {dimension_semantics = [#tpu.dimension_semantics<core_parallel>, #tpu.dimension_semantics<subcore_parallel>], iteration_bounds = array<i64: 2, 16>, scalar_prefetch = 0 : i64, scratch_operands = 9 : i64, tpu.core_type = #tpu.core_type<sc_vector_subcore>, window_params = [{transform_indices = #map}, {transform_indices = #map}, {transform_indices = #map}]} {
    %mul3A = arith.constant 2 : i32
    %mul3A_0 = arith.muli %arg1, %mul3A : i32
    %add3A = arith.addi %mul3A_0, %arg0 : i32
    %mul3A_1 = arith.constant 16 : i32
    %mul3A_2 = arith.muli %add3A, %mul3A_1 : i32
    %add3A_3 = arith.constant 1024 : i32
    %add3A_4 = arith.addi %add3A_3, %mul3A_2 : i32
    "tpu.region"() ({
      %run_scoped3A = tpu.sem_alloc : memref<!tpu.dma_semaphore, #tpu.memory_space<semaphore_mem>>
      %dma_start3A_80 = arith.constant 0 : i32
      %dma_start3A_81 = tpu.memref_slice %arg3[%add3A_4, %dma_start3A_80] : memref<2048x128xi32, #tpu.memory_space<hbm>> -> memref<16x128xi32, #tpu.memory_space<hbm>>
      %dma_start3A_82 = arith.constant 0 : i32
      %dma_start3A_83 = tpu.memref_slice %arg3[%add3A_4, %dma_start3A_82] : memref<2048x128xi32, #tpu.memory_space<hbm>> -> memref<16x128xi32, #tpu.memory_space<hbm>>
      tpu.enqueue_dma source(%dma_start3A_83 : memref<16x128xi32, #tpu.memory_space<hbm>>) target(%arg5 : memref<16x128xi32, #tpu.memory_space<vmem>>) target_semaphore(%run_scoped3A : memref<!tpu.dma_semaphore, #tpu.memory_space<semaphore_mem>>)
      %dma_wait3A_84 = arith.constant 0 : i32
      %dma_wait3A_85 = tpu.memref_slice %arg3[%add3A_4, %dma_wait3A_84] : memref<2048x128xi32, #tpu.memory_space<hbm>> -> memref<16x128xi32, #tpu.memory_space<hbm>>
      %dma_wait3A_86 = arith.constant 0 : i32
      %dma_wait3A_87 = tpu.memref_slice %arg3[%add3A_4, %dma_wait3A_86] : memref<2048x128xi32, #tpu.memory_space<hbm>> -> memref<16x128xi32, #tpu.memory_space<hbm>>
      tpu.wait_dma2 semaphore(%run_scoped3A : memref<!tpu.dma_semaphore, #tpu.memory_space<semaphore_mem>>) src(%dma_wait3A_87 : memref<16x128xi32, #tpu.memory_space<hbm>>) dst(%arg5 : memref<16x128xi32, #tpu.memory_space<vmem>>)
      tpu.yield
    }) : () -> ()
    %dma_start3A = arith.constant 0 : i32
    %dma_start3A_5 = arith.constant 0 : i32
    %dma_start3A_6 = tpu.memref_slice %arg5[%dma_start3A, %dma_start3A_5] : memref<16x128xi32, #tpu.memory_space<vmem>> -> memref<1x128xi32, #tpu.memory_space<vmem>>
    %dma_start3A_7 = tpu.memref_squeeze %dma_start3A_6 : memref<1x128xi32, #tpu.memory_space<vmem>> -> memref<128xi32, #tpu.memory_space<vmem>>
    %dma_start3A_8 = arith.constant 0 : i32
    %dma_start3A_9 = arith.constant 0 : i32
    %dma_start3A_10 = tpu.memref_slice %arg2[%dma_start3A_8, %dma_start3A_9] : memref<196608x128xf32, #tpu.memory_space<hbm>> -> memref<196608x128xf32, #tpu.memory_space<hbm>>
    tpu.enqueue_indirect_dma source(%dma_start3A_10 : memref<196608x128xf32, #tpu.memory_space<hbm>>) target(%arg6 : memref<128x128xf32, #tpu.memory_space<vmem>>) offsets(%dma_start3A_7 : memref<128xi32, #tpu.memory_space<vmem>>) semaphore(%arg10 : memref<!tpu.dma_semaphore, #tpu.memory_space<semaphore_mem>>)
    %dma_start3A_11 = arith.constant 1 : i32
    %dma_start3A_12 = arith.constant 0 : i32
    %dma_start3A_13 = tpu.memref_slice %arg5[%dma_start3A_11, %dma_start3A_12] : memref<16x128xi32, #tpu.memory_space<vmem>> -> memref<1x128xi32, #tpu.memory_space<vmem>>
    %dma_start3A_14 = tpu.memref_squeeze %dma_start3A_13 : memref<1x128xi32, #tpu.memory_space<vmem>> -> memref<128xi32, #tpu.memory_space<vmem>>
    %dma_start3A_15 = arith.constant 0 : i32
    %dma_start3A_16 = arith.constant 0 : i32
    %dma_start3A_17 = tpu.memref_slice %arg2[%dma_start3A_15, %dma_start3A_16] : memref<196608x128xf32, #tpu.memory_space<hbm>> -> memref<196608x128xf32, #tpu.memory_space<hbm>>
    tpu.enqueue_indirect_dma source(%dma_start3A_17 : memref<196608x128xf32, #tpu.memory_space<hbm>>) target(%arg7 : memref<128x128xf32, #tpu.memory_space<vmem>>) offsets(%dma_start3A_14 : memref<128xi32, #tpu.memory_space<vmem>>) semaphore(%arg11 : memref<!tpu.dma_semaphore, #tpu.memory_space<semaphore_mem>>)
    %dma_start3A_18 = arith.constant 2 : i32
    %dma_start3A_19 = arith.constant 0 : i32
    %dma_start3A_20 = tpu.memref_slice %arg5[%dma_start3A_18, %dma_start3A_19] : memref<16x128xi32, #tpu.memory_space<vmem>> -> memref<1x128xi32, #tpu.memory_space<vmem>>
    %dma_start3A_21 = tpu.memref_squeeze %dma_start3A_20 : memref<1x128xi32, #tpu.memory_space<vmem>> -> memref<128xi32, #tpu.memory_space<vmem>>
    %dma_start3A_22 = arith.constant 0 : i32
    %dma_start3A_23 = arith.constant 0 : i32
    %dma_start3A_24 = tpu.memref_slice %arg2[%dma_start3A_22, %dma_start3A_23] : memref<196608x128xf32, #tpu.memory_space<hbm>> -> memref<196608x128xf32, #tpu.memory_space<hbm>>
    tpu.enqueue_indirect_dma source(%dma_start3A_24 : memref<196608x128xf32, #tpu.memory_space<hbm>>) target(%arg8 : memref<128x128xf32, #tpu.memory_space<vmem>>) offsets(%dma_start3A_21 : memref<128xi32, #tpu.memory_space<vmem>>) semaphore(%arg12 : memref<!tpu.dma_semaphore, #tpu.memory_space<semaphore_mem>>)
    %dma_start3A_25 = arith.constant 3 : i32
    %dma_start3A_26 = arith.constant 0 : i32
    %dma_start3A_27 = tpu.memref_slice %arg5[%dma_start3A_25, %dma_start3A_26] : memref<16x128xi32, #tpu.memory_space<vmem>> -> memref<1x128xi32, #tpu.memory_space<vmem>>
    %dma_start3A_28 = tpu.memref_squeeze %dma_start3A_27 : memref<1x128xi32, #tpu.memory_space<vmem>> -> memref<128xi32, #tpu.memory_space<vmem>>
    %dma_start3A_29 = arith.constant 0 : i32
    %dma_start3A_30 = arith.constant 0 : i32
    %dma_start3A_31 = tpu.memref_slice %arg2[%dma_start3A_29, %dma_start3A_30] : memref<196608x128xf32, #tpu.memory_space<hbm>> -> memref<196608x128xf32, #tpu.memory_space<hbm>>
    tpu.enqueue_indirect_dma source(%dma_start3A_31 : memref<196608x128xf32, #tpu.memory_space<hbm>>) target(%arg9 : memref<128x128xf32, #tpu.memory_space<vmem>>) offsets(%dma_start3A_28 : memref<128xi32, #tpu.memory_space<vmem>>) semaphore(%arg13 : memref<!tpu.dma_semaphore, #tpu.memory_space<semaphore_mem>>)
    %scan3A = arith.constant 0 : i32
    %scan3A_32 = arith.constant 0 : i32
    %scan3A_33 = arith.constant 3 : i32
    %scan3A_34 = arith.addi %scan3A_32, %scan3A_33 : i32
    %scan3A_35 = arith.constant 1 : i32
    scf.for %scan3A_80 = %scan3A_32 to %scan3A_34 step %scan3A_35  : i32 {
      %mul3A_81 = arith.constant 4 : i32
      %mul3A_82 = arith.muli %scan3A_80, %mul3A_81 : i32
      %add3A_83 = arith.constant 0 : i32
      %add3A_84 = arith.addi %mul3A_82, %add3A_83 : i32
      %dma_wait3A_85 = arith.constant 0 : i32
      %dma_wait3A_86 = tpu.memref_slice %arg5[%add3A_84, %dma_wait3A_85] : memref<16x128xi32, #tpu.memory_space<vmem>> -> memref<1x128xi32, #tpu.memory_space<vmem>>
      %dma_wait3A_87 = tpu.memref_squeeze %dma_wait3A_86 : memref<1x128xi32, #tpu.memory_space<vmem>> -> memref<128xi32, #tpu.memory_space<vmem>>
      %dma_wait3A_88 = arith.constant 0 : i32
      %dma_wait3A_89 = arith.constant 0 : i32
      %dma_wait3A_90 = tpu.memref_slice %arg2[%dma_wait3A_88, %dma_wait3A_89] : memref<196608x128xf32, #tpu.memory_space<hbm>> -> memref<196608x128xf32, #tpu.memory_space<hbm>>
      tpu.wait_indirect_dma semaphore(%arg10 : memref<!tpu.dma_semaphore, #tpu.memory_space<semaphore_mem>>) src(%dma_wait3A_90 : memref<196608x128xf32, #tpu.memory_space<hbm>>) dst(%arg6 : memref<128x128xf32, #tpu.memory_space<vmem>>)
      %add3A_91 = arith.addi %mul3A_2, %add3A_84 : i32
      %mul3A_92 = arith.constant 128 : i32
      %mul3A_93 = arith.muli %add3A_91, %mul3A_92 : i32
      "tpu.region"() ({
        %run_scoped3A = tpu.sem_alloc : memref<!tpu.dma_semaphore, #tpu.memory_space<semaphore_mem>>
        %dma_start3A_165 = arith.constant 0 : i32
        %dma_start3A_166 = tpu.memref_slice %arg4[%mul3A_93, %dma_start3A_165] : memref<65536x128xf32, #tpu.memory_space<hbm>> -> memref<128x128xf32, #tpu.memory_space<hbm>>
        %dma_start3A_167 = arith.constant 0 : i32
        %dma_start3A_168 = tpu.memref_slice %arg4[%mul3A_93, %dma_start3A_167] : memref<65536x128xf32, #tpu.memory_space<hbm>> -> memref<128x128xf32, #tpu.memory_space<hbm>>
        tpu.enqueue_dma source(%arg6 : memref<128x128xf32, #tpu.memory_space<vmem>>) target(%dma_start3A_168 : memref<128x128xf32, #tpu.memory_space<hbm>>) target_semaphore(%run_scoped3A : memref<!tpu.dma_semaphore, #tpu.memory_space<semaphore_mem>>)
        %dma_wait3A_169 = arith.constant 0 : i32
        %dma_wait3A_170 = tpu.memref_slice %arg4[%mul3A_93, %dma_wait3A_169] : memref<65536x128xf32, #tpu.memory_space<hbm>> -> memref<128x128xf32, #tpu.memory_space<hbm>>
        %dma_wait3A_171 = arith.constant 0 : i32
        %dma_wait3A_172 = tpu.memref_slice %arg4[%mul3A_93, %dma_wait3A_171] : memref<65536x128xf32, #tpu.memory_space<hbm>> -> memref<128x128xf32, #tpu.memory_space<hbm>>
        tpu.wait_dma2 semaphore(%run_scoped3A : memref<!tpu.dma_semaphore, #tpu.memory_space<semaphore_mem>>) src(%arg6 : memref<128x128xf32, #tpu.memory_space<vmem>>) dst(%dma_wait3A_172 : memref<128x128xf32, #tpu.memory_space<hbm>>)
        tpu.yield
      }) : () -> ()
      %add3A_94 = arith.constant 4 : i32
      %add3A_95 = arith.addi %add3A_84, %add3A_94 : i32
      %dma_start3A_96 = arith.constant 0 : i32
      %dma_start3A_97 = tpu.memref_slice %arg5[%add3A_95, %dma_start3A_96] : memref<16x128xi32, #tpu.memory_space<vmem>> -> memref<1x128xi32, #tpu.memory_space<vmem>>
      %dma_start3A_98 = tpu.memref_squeeze %dma_start3A_97 : memref<1x128xi32, #tpu.memory_space<vmem>> -> memref<128xi32, #tpu.memory_space<vmem>>
      %dma_start3A_99 = arith.constant 0 : i32
      %dma_start3A_100 = arith.constant 0 : i32
      %dma_start3A_101 = tpu.memref_slice %arg2[%dma_start3A_99, %dma_start3A_100] : memref<196608x128xf32, #tpu.memory_space<hbm>> -> memref<196608x128xf32, #tpu.memory_space<hbm>>
      tpu.enqueue_indirect_dma source(%dma_start3A_101 : memref<196608x128xf32, #tpu.memory_space<hbm>>) target(%arg6 : memref<128x128xf32, #tpu.memory_space<vmem>>) offsets(%dma_start3A_98 : memref<128xi32, #tpu.memory_space<vmem>>) semaphore(%arg10 : memref<!tpu.dma_semaphore, #tpu.memory_space<semaphore_mem>>)
      %mul3A_102 = arith.constant 4 : i32
      %mul3A_103 = arith.muli %scan3A_80, %mul3A_102 : i32
      %add3A_104 = arith.constant 1 : i32
      %add3A_105 = arith.addi %mul3A_103, %add3A_104 : i32
      %dma_wait3A_106 = arith.constant 0 : i32
      %dma_wait3A_107 = tpu.memref_slice %arg5[%add3A_105, %dma_wait3A_106] : memref<16x128xi32, #tpu.memory_space<vmem>> -> memref<1x128xi32, #tpu.memory_space<vmem>>
      %dma_wait3A_108 = tpu.memref_squeeze %dma_wait3A_107 : memref<1x128xi32, #tpu.memory_space<vmem>> -> memref<128xi32, #tpu.memory_space<vmem>>
      %dma_wait3A_109 = arith.constant 0 : i32
      %dma_wait3A_110 = arith.constant 0 : i32
      %dma_wait3A_111 = tpu.memref_slice %arg2[%dma_wait3A_109, %dma_wait3A_110] : memref<196608x128xf32, #tpu.memory_space<hbm>> -> memref<196608x128xf32, #tpu.memory_space<hbm>>
      tpu.wait_indirect_dma semaphore(%arg11 : memref<!tpu.dma_semaphore, #tpu.memory_space<semaphore_mem>>) src(%dma_wait3A_111 : memref<196608x128xf32, #tpu.memory_space<hbm>>) dst(%arg7 : memref<128x128xf32, #tpu.memory_space<vmem>>)
      %add3A_112 = arith.addi %mul3A_2, %add3A_105 : i32
      %mul3A_113 = arith.constant 128 : i32
      %mul3A_114 = arith.muli %add3A_112, %mul3A_113 : i32
      "tpu.region"() ({
        %run_scoped3A = tpu.sem_alloc : memref<!tpu.dma_semaphore, #tpu.memory_space<semaphore_mem>>
        %dma_start3A_165 = arith.constant 0 : i32
        %dma_start3A_166 = tpu.memref_slice %arg4[%mul3A_114, %dma_start3A_165] : memref<65536x128xf32, #tpu.memory_space<hbm>> -> memref<128x128xf32, #tpu.memory_space<hbm>>
        %dma_start3A_167 = arith.constant 0 : i32
        %dma_start3A_168 = tpu.memref_slice %arg4[%mul3A_114, %dma_start3A_167] : memref<65536x128xf32, #tpu.memory_space<hbm>> -> memref<128x128xf32, #tpu.memory_space<hbm>>
        tpu.enqueue_dma source(%arg7 : memref<128x128xf32, #tpu.memory_space<vmem>>) target(%dma_start3A_168 : memref<128x128xf32, #tpu.memory_space<hbm>>) target_semaphore(%run_scoped3A : memref<!tpu.dma_semaphore, #tpu.memory_space<semaphore_mem>>)
        %dma_wait3A_169 = arith.constant 0 : i32
        %dma_wait3A_170 = tpu.memref_slice %arg4[%mul3A_114, %dma_wait3A_169] : memref<65536x128xf32, #tpu.memory_space<hbm>> -> memref<128x128xf32, #tpu.memory_space<hbm>>
        %dma_wait3A_171 = arith.constant 0 : i32
        %dma_wait3A_172 = tpu.memref_slice %arg4[%mul3A_114, %dma_wait3A_171] : memref<65536x128xf32, #tpu.memory_space<hbm>> -> memref<128x128xf32, #tpu.memory_space<hbm>>
        tpu.wait_dma2 semaphore(%run_scoped3A : memref<!tpu.dma_semaphore, #tpu.memory_space<semaphore_mem>>) src(%arg7 : memref<128x128xf32, #tpu.memory_space<vmem>>) dst(%dma_wait3A_172 : memref<128x128xf32, #tpu.memory_space<hbm>>)
        tpu.yield
      }) : () -> ()
      %add3A_115 = arith.constant 4 : i32
      %add3A_116 = arith.addi %add3A_105, %add3A_115 : i32
      %dma_start3A_117 = arith.constant 0 : i32
      %dma_start3A_118 = tpu.memref_slice %arg5[%add3A_116, %dma_start3A_117] : memref<16x128xi32, #tpu.memory_space<vmem>> -> memref<1x128xi32, #tpu.memory_space<vmem>>
      %dma_start3A_119 = tpu.memref_squeeze %dma_start3A_118 : memref<1x128xi32, #tpu.memory_space<vmem>> -> memref<128xi32, #tpu.memory_space<vmem>>
      %dma_start3A_120 = arith.constant 0 : i32
      %dma_start3A_121 = arith.constant 0 : i32
      %dma_start3A_122 = tpu.memref_slice %arg2[%dma_start3A_120, %dma_start3A_121] : memref<196608x128xf32, #tpu.memory_space<hbm>> -> memref<196608x128xf32, #tpu.memory_space<hbm>>
      tpu.enqueue_indirect_dma source(%dma_start3A_122 : memref<196608x128xf32, #tpu.memory_space<hbm>>) target(%arg7 : memref<128x128xf32, #tpu.memory_space<vmem>>) offsets(%dma_start3A_119 : memref<128xi32, #tpu.memory_space<vmem>>) semaphore(%arg11 : memref<!tpu.dma_semaphore, #tpu.memory_space<semaphore_mem>>)
      %mul3A_123 = arith.constant 4 : i32
      %mul3A_124 = arith.muli %scan3A_80, %mul3A_123 : i32
      %add3A_125 = arith.constant 2 : i32
      %add3A_126 = arith.addi %mul3A_124, %add3A_125 : i32
      %dma_wait3A_127 = arith.constant 0 : i32
      %dma_wait3A_128 = tpu.memref_slice %arg5[%add3A_126, %dma_wait3A_127] : memref<16x128xi32, #tpu.memory_space<vmem>> -> memref<1x128xi32, #tpu.memory_space<vmem>>
      %dma_wait3A_129 = tpu.memref_squeeze %dma_wait3A_128 : memref<1x128xi32, #tpu.memory_space<vmem>> -> memref<128xi32, #tpu.memory_space<vmem>>
      %dma_wait3A_130 = arith.constant 0 : i32
      %dma_wait3A_131 = arith.constant 0 : i32
      %dma_wait3A_132 = tpu.memref_slice %arg2[%dma_wait3A_130, %dma_wait3A_131] : memref<196608x128xf32, #tpu.memory_space<hbm>> -> memref<196608x128xf32, #tpu.memory_space<hbm>>
      tpu.wait_indirect_dma semaphore(%arg12 : memref<!tpu.dma_semaphore, #tpu.memory_space<semaphore_mem>>) src(%dma_wait3A_132 : memref<196608x128xf32, #tpu.memory_space<hbm>>) dst(%arg8 : memref<128x128xf32, #tpu.memory_space<vmem>>)
      %add3A_133 = arith.addi %mul3A_2, %add3A_126 : i32
      %mul3A_134 = arith.constant 128 : i32
      %mul3A_135 = arith.muli %add3A_133, %mul3A_134 : i32
      "tpu.region"() ({
        %run_scoped3A = tpu.sem_alloc : memref<!tpu.dma_semaphore, #tpu.memory_space<semaphore_mem>>
        %dma_start3A_165 = arith.constant 0 : i32
        %dma_start3A_166 = tpu.memref_slice %arg4[%mul3A_135, %dma_start3A_165] : memref<65536x128xf32, #tpu.memory_space<hbm>> -> memref<128x128xf32, #tpu.memory_space<hbm>>
        %dma_start3A_167 = arith.constant 0 : i32
        %dma_start3A_168 = tpu.memref_slice %arg4[%mul3A_135, %dma_start3A_167] : memref<65536x128xf32, #tpu.memory_space<hbm>> -> memref<128x128xf32, #tpu.memory_space<hbm>>
        tpu.enqueue_dma source(%arg8 : memref<128x128xf32, #tpu.memory_space<vmem>>) target(%dma_start3A_168 : memref<128x128xf32, #tpu.memory_space<hbm>>) target_semaphore(%run_scoped3A : memref<!tpu.dma_semaphore, #tpu.memory_space<semaphore_mem>>)
        %dma_wait3A_169 = arith.constant 0 : i32
        %dma_wait3A_170 = tpu.memref_slice %arg4[%mul3A_135, %dma_wait3A_169] : memref<65536x128xf32, #tpu.memory_space<hbm>> -> memref<128x128xf32, #tpu.memory_space<hbm>>
        %dma_wait3A_171 = arith.constant 0 : i32
        %dma_wait3A_172 = tpu.memref_slice %arg4[%mul3A_135, %dma_wait3A_171] : memref<65536x128xf32, #tpu.memory_space<hbm>> -> memref<128x128xf32, #tpu.memory_space<hbm>>
        tpu.wait_dma2 semaphore(%run_scoped3A : memref<!tpu.dma_semaphore, #tpu.memory_space<semaphore_mem>>) src(%arg8 : memref<128x128xf32, #tpu.memory_space<vmem>>) dst(%dma_wait3A_172 : memref<128x128xf32, #tpu.memory_space<hbm>>)
        tpu.yield
      }) : () -> ()
      %add3A_136 = arith.constant 4 : i32
      %add3A_137 = arith.addi %add3A_126, %add3A_136 : i32
      %dma_start3A_138 = arith.constant 0 : i32
      %dma_start3A_139 = tpu.memref_slice %arg5[%add3A_137, %dma_start3A_138] : memref<16x128xi32, #tpu.memory_space<vmem>> -> memref<1x128xi32, #tpu.memory_space<vmem>>
      %dma_start3A_140 = tpu.memref_squeeze %dma_start3A_139 : memref<1x128xi32, #tpu.memory_space<vmem>> -> memref<128xi32, #tpu.memory_space<vmem>>
      %dma_start3A_141 = arith.constant 0 : i32
      %dma_start3A_142 = arith.constant 0 : i32
      %dma_start3A_143 = tpu.memref_slice %arg2[%dma_start3A_141, %dma_start3A_142] : memref<196608x128xf32, #tpu.memory_space<hbm>> -> memref<196608x128xf32, #tpu.memory_space<hbm>>
      tpu.enqueue_indirect_dma source(%dma_start3A_143 : memref<196608x128xf32, #tpu.memory_space<hbm>>) target(%arg8 : memref<128x128xf32, #tpu.memory_space<vmem>>) offsets(%dma_start3A_140 : memref<128xi32, #tpu.memory_space<vmem>>) semaphore(%arg12 : memref<!tpu.dma_semaphore, #tpu.memory_space<semaphore_mem>>)
      %mul3A_144 = arith.constant 4 : i32
      %mul3A_145 = arith.muli %scan3A_80, %mul3A_144 : i32
      %add3A_146 = arith.constant 3 : i32
      %add3A_147 = arith.addi %mul3A_145, %add3A_146 : i32
      %dma_wait3A_148 = arith.constant 0 : i32
      %dma_wait3A_149 = tpu.memref_slice %arg5[%add3A_147, %dma_wait3A_148] : memref<16x128xi32, #tpu.memory_space<vmem>> -> memref<1x128xi32, #tpu.memory_space<vmem>>
      %dma_wait3A_150 = tpu.memref_squeeze %dma_wait3A_149 : memref<1x128xi32, #tpu.memory_space<vmem>> -> memref<128xi32, #tpu.memory_space<vmem>>
      %dma_wait3A_151 = arith.constant 0 : i32
      %dma_wait3A_152 = arith.constant 0 : i32
      %dma_wait3A_153 = tpu.memref_slice %arg2[%dma_wait3A_151, %dma_wait3A_152] : memref<196608x128xf32, #tpu.memory_space<hbm>> -> memref<196608x128xf32, #tpu.memory_space<hbm>>
      tpu.wait_indirect_dma semaphore(%arg13 : memref<!tpu.dma_semaphore, #tpu.memory_space<semaphore_mem>>) src(%dma_wait3A_153 : memref<196608x128xf32, #tpu.memory_space<hbm>>) dst(%arg9 : memref<128x128xf32, #tpu.memory_space<vmem>>)
      %add3A_154 = arith.addi %mul3A_2, %add3A_147 : i32
      %mul3A_155 = arith.constant 128 : i32
      %mul3A_156 = arith.muli %add3A_154, %mul3A_155 : i32
      "tpu.region"() ({
        %run_scoped3A = tpu.sem_alloc : memref<!tpu.dma_semaphore, #tpu.memory_space<semaphore_mem>>
        %dma_start3A_165 = arith.constant 0 : i32
        %dma_start3A_166 = tpu.memref_slice %arg4[%mul3A_156, %dma_start3A_165] : memref<65536x128xf32, #tpu.memory_space<hbm>> -> memref<128x128xf32, #tpu.memory_space<hbm>>
        %dma_start3A_167 = arith.constant 0 : i32
        %dma_start3A_168 = tpu.memref_slice %arg4[%mul3A_156, %dma_start3A_167] : memref<65536x128xf32, #tpu.memory_space<hbm>> -> memref<128x128xf32, #tpu.memory_space<hbm>>
        tpu.enqueue_dma source(%arg9 : memref<128x128xf32, #tpu.memory_space<vmem>>) target(%dma_start3A_168 : memref<128x128xf32, #tpu.memory_space<hbm>>) target_semaphore(%run_scoped3A : memref<!tpu.dma_semaphore, #tpu.memory_space<semaphore_mem>>)
        %dma_wait3A_169 = arith.constant 0 : i32
        %dma_wait3A_170 = tpu.memref_slice %arg4[%mul3A_156, %dma_wait3A_169] : memref<65536x128xf32, #tpu.memory_space<hbm>> -> memref<128x128xf32, #tpu.memory_space<hbm>>
        %dma_wait3A_171 = arith.constant 0 : i32
        %dma_wait3A_172 = tpu.memref_slice %arg4[%mul3A_156, %dma_wait3A_171] : memref<65536x128xf32, #tpu.memory_space<hbm>> -> memref<128x128xf32, #tpu.memory_space<hbm>>
        tpu.wait_dma2 semaphore(%run_scoped3A : memref<!tpu.dma_semaphore, #tpu.memory_space<semaphore_mem>>) src(%arg9 : memref<128x128xf32, #tpu.memory_space<vmem>>) dst(%dma_wait3A_172 : memref<128x128xf32, #tpu.memory_space<hbm>>)
        tpu.yield
      }) : () -> ()
      %add3A_157 = arith.constant 4 : i32
      %add3A_158 = arith.addi %add3A_147, %add3A_157 : i32
      %dma_start3A_159 = arith.constant 0 : i32
      %dma_start3A_160 = tpu.memref_slice %arg5[%add3A_158, %dma_start3A_159] : memref<16x128xi32, #tpu.memory_space<vmem>> -> memref<1x128xi32, #tpu.memory_space<vmem>>
      %dma_start3A_161 = tpu.memref_squeeze %dma_start3A_160 : memref<1x128xi32, #tpu.memory_space<vmem>> -> memref<128xi32, #tpu.memory_space<vmem>>
      %dma_start3A_162 = arith.constant 0 : i32
      %dma_start3A_163 = arith.constant 0 : i32
      %dma_start3A_164 = tpu.memref_slice %arg2[%dma_start3A_162, %dma_start3A_163] : memref<196608x128xf32, #tpu.memory_space<hbm>> -> memref<196608x128xf32, #tpu.memory_space<hbm>>
      tpu.enqueue_indirect_dma source(%dma_start3A_164 : memref<196608x128xf32, #tpu.memory_space<hbm>>) target(%arg9 : memref<128x128xf32, #tpu.memory_space<vmem>>) offsets(%dma_start3A_161 : memref<128xi32, #tpu.memory_space<vmem>>) semaphore(%arg13 : memref<!tpu.dma_semaphore, #tpu.memory_space<semaphore_mem>>)
    }
    %scan3A_36 = arith.constant 3 : i32
    %dma_wait3A = arith.constant 12 : i32
    %dma_wait3A_37 = arith.constant 0 : i32
    %dma_wait3A_38 = tpu.memref_slice %arg5[%dma_wait3A, %dma_wait3A_37] : memref<16x128xi32, #tpu.memory_space<vmem>> -> memref<1x128xi32, #tpu.memory_space<vmem>>
    %dma_wait3A_39 = tpu.memref_squeeze %dma_wait3A_38 : memref<1x128xi32, #tpu.memory_space<vmem>> -> memref<128xi32, #tpu.memory_space<vmem>>
    %dma_wait3A_40 = arith.constant 0 : i32
    %dma_wait3A_41 = arith.constant 0 : i32
    %dma_wait3A_42 = tpu.memref_slice %arg2[%dma_wait3A_40, %dma_wait3A_41] : memref<196608x128xf32, #tpu.memory_space<hbm>> -> memref<196608x128xf32, #tpu.memory_space<hbm>>
    tpu.wait_indirect_dma semaphore(%arg10 : memref<!tpu.dma_semaphore, #tpu.memory_space<semaphore_mem>>) src(%dma_wait3A_42 : memref<196608x128xf32, #tpu.memory_space<hbm>>) dst(%arg6 : memref<128x128xf32, #tpu.memory_space<vmem>>)
    %add3A_43 = arith.constant 12 : i32
    %add3A_44 = arith.addi %mul3A_2, %add3A_43 : i32
    %mul3A_45 = arith.constant 128 : i32
    %mul3A_46 = arith.muli %add3A_44, %mul3A_45 : i32
    "tpu.region"() ({
      %run_scoped3A = tpu.sem_alloc : memref<!tpu.dma_semaphore, #tpu.memory_space<semaphore_mem>>
      %dma_start3A_80 = arith.constant 0 : i32
      %dma_start3A_81 = tpu.memref_slice %arg4[%mul3A_46, %dma_start3A_80] : memref<65536x128xf32, #tpu.memory_space<hbm>> -> memref<128x128xf32, #tpu.memory_space<hbm>>
      %dma_start3A_82 = arith.constant 0 : i32
      %dma_start3A_83 = tpu.memref_slice %arg4[%mul3A_46, %dma_start3A_82] : memref<65536x128xf32, #tpu.memory_space<hbm>> -> memref<128x128xf32, #tpu.memory_space<hbm>>
      tpu.enqueue_dma source(%arg6 : memref<128x128xf32, #tpu.memory_space<vmem>>) target(%dma_start3A_83 : memref<128x128xf32, #tpu.memory_space<hbm>>) target_semaphore(%run_scoped3A : memref<!tpu.dma_semaphore, #tpu.memory_space<semaphore_mem>>)
      %dma_wait3A_84 = arith.constant 0 : i32
      %dma_wait3A_85 = tpu.memref_slice %arg4[%mul3A_46, %dma_wait3A_84] : memref<65536x128xf32, #tpu.memory_space<hbm>> -> memref<128x128xf32, #tpu.memory_space<hbm>>
      %dma_wait3A_86 = arith.constant 0 : i32
      %dma_wait3A_87 = tpu.memref_slice %arg4[%mul3A_46, %dma_wait3A_86] : memref<65536x128xf32, #tpu.memory_space<hbm>> -> memref<128x128xf32, #tpu.memory_space<hbm>>
      tpu.wait_dma2 semaphore(%run_scoped3A : memref<!tpu.dma_semaphore, #tpu.memory_space<semaphore_mem>>) src(%arg6 : memref<128x128xf32, #tpu.memory_space<vmem>>) dst(%dma_wait3A_87 : memref<128x128xf32, #tpu.memory_space<hbm>>)
      tpu.yield
    }) : () -> ()
    %dma_wait3A_47 = arith.constant 13 : i32
    %dma_wait3A_48 = arith.constant 0 : i32
    %dma_wait3A_49 = tpu.memref_slice %arg5[%dma_wait3A_47, %dma_wait3A_48] : memref<16x128xi32, #tpu.memory_space<vmem>> -> memref<1x128xi32, #tpu.memory_space<vmem>>
    %dma_wait3A_50 = tpu.memref_squeeze %dma_wait3A_49 : memref<1x128xi32, #tpu.memory_space<vmem>> -> memref<128xi32, #tpu.memory_space<vmem>>
    %dma_wait3A_51 = arith.constant 0 : i32
    %dma_wait3A_52 = arith.constant 0 : i32
    %dma_wait3A_53 = tpu.memref_slice %arg2[%dma_wait3A_51, %dma_wait3A_52] : memref<196608x128xf32, #tpu.memory_space<hbm>> -> memref<196608x128xf32, #tpu.memory_space<hbm>>
    tpu.wait_indirect_dma semaphore(%arg11 : memref<!tpu.dma_semaphore, #tpu.memory_space<semaphore_mem>>) src(%dma_wait3A_53 : memref<196608x128xf32, #tpu.memory_space<hbm>>) dst(%arg7 : memref<128x128xf32, #tpu.memory_space<vmem>>)
    %add3A_54 = arith.constant 13 : i32
    %add3A_55 = arith.addi %mul3A_2, %add3A_54 : i32
    %mul3A_56 = arith.constant 128 : i32
    %mul3A_57 = arith.muli %add3A_55, %mul3A_56 : i32
    "tpu.region"() ({
      %run_scoped3A = tpu.sem_alloc : memref<!tpu.dma_semaphore, #tpu.memory_space<semaphore_mem>>
      %dma_start3A_80 = arith.constant 0 : i32
      %dma_start3A_81 = tpu.memref_slice %arg4[%mul3A_57, %dma_start3A_80] : memref<65536x128xf32, #tpu.memory_space<hbm>> -> memref<128x128xf32, #tpu.memory_space<hbm>>
      %dma_start3A_82 = arith.constant 0 : i32
      %dma_start3A_83 = tpu.memref_slice %arg4[%mul3A_57, %dma_start3A_82] : memref<65536x128xf32, #tpu.memory_space<hbm>> -> memref<128x128xf32, #tpu.memory_space<hbm>>
      tpu.enqueue_dma source(%arg7 : memref<128x128xf32, #tpu.memory_space<vmem>>) target(%dma_start3A_83 : memref<128x128xf32, #tpu.memory_space<hbm>>) target_semaphore(%run_scoped3A : memref<!tpu.dma_semaphore, #tpu.memory_space<semaphore_mem>>)
      %dma_wait3A_84 = arith.constant 0 : i32
      %dma_wait3A_85 = tpu.memref_slice %arg4[%mul3A_57, %dma_wait3A_84] : memref<65536x128xf32, #tpu.memory_space<hbm>> -> memref<128x128xf32, #tpu.memory_space<hbm>>
      %dma_wait3A_86 = arith.constant 0 : i32
      %dma_wait3A_87 = tpu.memref_slice %arg4[%mul3A_57, %dma_wait3A_86] : memref<65536x128xf32, #tpu.memory_space<hbm>> -> memref<128x128xf32, #tpu.memory_space<hbm>>
      tpu.wait_dma2 semaphore(%run_scoped3A : memref<!tpu.dma_semaphore, #tpu.memory_space<semaphore_mem>>) src(%arg7 : memref<128x128xf32, #tpu.memory_space<vmem>>) dst(%dma_wait3A_87 : memref<128x128xf32, #tpu.memory_space<hbm>>)
      tpu.yield
    }) : () -> ()
    %dma_wait3A_58 = arith.constant 14 : i32
    %dma_wait3A_59 = arith.constant 0 : i32
    %dma_wait3A_60 = tpu.memref_slice %arg5[%dma_wait3A_58, %dma_wait3A_59] : memref<16x128xi32, #tpu.memory_space<vmem>> -> memref<1x128xi32, #tpu.memory_space<vmem>>
    %dma_wait3A_61 = tpu.memref_squeeze %dma_wait3A_60 : memref<1x128xi32, #tpu.memory_space<vmem>> -> memref<128xi32, #tpu.memory_space<vmem>>
    %dma_wait3A_62 = arith.constant 0 : i32
    %dma_wait3A_63 = arith.constant 0 : i32
    %dma_wait3A_64 = tpu.memref_slice %arg2[%dma_wait3A_62, %dma_wait3A_63] : memref<196608x128xf32, #tpu.memory_space<hbm>> -> memref<196608x128xf32, #tpu.memory_space<hbm>>
    tpu.wait_indirect_dma semaphore(%arg12 : memref<!tpu.dma_semaphore, #tpu.memory_space<semaphore_mem>>) src(%dma_wait3A_64 : memref<196608x128xf32, #tpu.memory_space<hbm>>) dst(%arg8 : memref<128x128xf32, #tpu.memory_space<vmem>>)
    %add3A_65 = arith.constant 14 : i32
    %add3A_66 = arith.addi %mul3A_2, %add3A_65 : i32
    %mul3A_67 = arith.constant 128 : i32
    %mul3A_68 = arith.muli %add3A_66, %mul3A_67 : i32
    "tpu.region"() ({
      %run_scoped3A = tpu.sem_alloc : memref<!tpu.dma_semaphore, #tpu.memory_space<semaphore_mem>>
      %dma_start3A_80 = arith.constant 0 : i32
      %dma_start3A_81 = tpu.memref_slice %arg4[%mul3A_68, %dma_start3A_80] : memref<65536x128xf32, #tpu.memory_space<hbm>> -> memref<128x128xf32, #tpu.memory_space<hbm>>
      %dma_start3A_82 = arith.constant 0 : i32
      %dma_start3A_83 = tpu.memref_slice %arg4[%mul3A_68, %dma_start3A_82] : memref<65536x128xf32, #tpu.memory_space<hbm>> -> memref<128x128xf32, #tpu.memory_space<hbm>>
      tpu.enqueue_dma source(%arg8 : memref<128x128xf32, #tpu.memory_space<vmem>>) target(%dma_start3A_83 : memref<128x128xf32, #tpu.memory_space<hbm>>) target_semaphore(%run_scoped3A : memref<!tpu.dma_semaphore, #tpu.memory_space<semaphore_mem>>)
      %dma_wait3A_84 = arith.constant 0 : i32
      %dma_wait3A_85 = tpu.memref_slice %arg4[%mul3A_68, %dma_wait3A_84] : memref<65536x128xf32, #tpu.memory_space<hbm>> -> memref<128x128xf32, #tpu.memory_space<hbm>>
      %dma_wait3A_86 = arith.constant 0 : i32
      %dma_wait3A_87 = tpu.memref_slice %arg4[%mul3A_68, %dma_wait3A_86] : memref<65536x128xf32, #tpu.memory_space<hbm>> -> memref<128x128xf32, #tpu.memory_space<hbm>>
      tpu.wait_dma2 semaphore(%run_scoped3A : memref<!tpu.dma_semaphore, #tpu.memory_space<semaphore_mem>>) src(%arg8 : memref<128x128xf32, #tpu.memory_space<vmem>>) dst(%dma_wait3A_87 : memref<128x128xf32, #tpu.memory_space<hbm>>)
      tpu.yield
    }) : () -> ()
    %dma_wait3A_69 = arith.constant 15 : i32
    %dma_wait3A_70 = arith.constant 0 : i32
    %dma_wait3A_71 = tpu.memref_slice %arg5[%dma_wait3A_69, %dma_wait3A_70] : memref<16x128xi32, #tpu.memory_space<vmem>> -> memref<1x128xi32, #tpu.memory_space<vmem>>
    %dma_wait3A_72 = tpu.memref_squeeze %dma_wait3A_71 : memref<1x128xi32, #tpu.memory_space<vmem>> -> memref<128xi32, #tpu.memory_space<vmem>>
    %dma_wait3A_73 = arith.constant 0 : i32
    %dma_wait3A_74 = arith.constant 0 : i32
    %dma_wait3A_75 = tpu.memref_slice %arg2[%dma_wait3A_73, %dma_wait3A_74] : memref<196608x128xf32, #tpu.memory_space<hbm>> -> memref<196608x128xf32, #tpu.memory_space<hbm>>
    tpu.wait_indirect_dma semaphore(%arg13 : memref<!tpu.dma_semaphore, #tpu.memory_space<semaphore_mem>>) src(%dma_wait3A_75 : memref<196608x128xf32, #tpu.memory_space<hbm>>) dst(%arg9 : memref<128x128xf32, #tpu.memory_space<vmem>>)
    %add3A_76 = arith.constant 15 : i32
    %add3A_77 = arith.addi %mul3A_2, %add3A_76 : i32
    %mul3A_78 = arith.constant 128 : i32
    %mul3A_79 = arith.muli %add3A_77, %mul3A_78 : i32
    "tpu.region"() ({
      %run_scoped3A = tpu.sem_alloc : memref<!tpu.dma_semaphore, #tpu.memory_space<semaphore_mem>>
      %dma_start3A_80 = arith.constant 0 : i32
      %dma_start3A_81 = tpu.memref_slice %arg4[%mul3A_79, %dma_start3A_80] : memref<65536x128xf32, #tpu.memory_space<hbm>> -> memref<128x128xf32, #tpu.memory_space<hbm>>
      %dma_start3A_82 = arith.constant 0 : i32
      %dma_start3A_83 = tpu.memref_slice %arg4[%mul3A_79, %dma_start3A_82] : memref<65536x128xf32, #tpu.memory_space<hbm>> -> memref<128x128xf32, #tpu.memory_space<hbm>>
      tpu.enqueue_dma source(%arg9 : memref<128x128xf32, #tpu.memory_space<vmem>>) target(%dma_start3A_83 : memref<128x128xf32, #tpu.memory_space<hbm>>) target_semaphore(%run_scoped3A : memref<!tpu.dma_semaphore, #tpu.memory_space<semaphore_mem>>)
      %dma_wait3A_84 = arith.constant 0 : i32
      %dma_wait3A_85 = tpu.memref_slice %arg4[%mul3A_79, %dma_wait3A_84] : memref<65536x128xf32, #tpu.memory_space<hbm>> -> memref<128x128xf32, #tpu.memory_space<hbm>>
      %dma_wait3A_86 = arith.constant 0 : i32
      %dma_wait3A_87 = tpu.memref_slice %arg4[%mul3A_79, %dma_wait3A_86] : memref<65536x128xf32, #tpu.memory_space<hbm>> -> memref<128x128xf32, #tpu.memory_space<hbm>>
      tpu.wait_dma2 semaphore(%run_scoped3A : memref<!tpu.dma_semaphore, #tpu.memory_space<semaphore_mem>>) src(%arg9 : memref<128x128xf32, #tpu.memory_space<vmem>>) dst(%dma_wait3A_87 : memref<128x128xf32, #tpu.memory_space<hbm>>)
      tpu.yield
    }) : () -> ()
    return
  }
}

module attributes {stable_mosaic.version = 14 : i64} {
  func.func @body(%arg0: i32, %arg1: memref<2048x128xf32, #tpu.memory_space<vmem>>, %arg2: memref<1x64x2048xf32, #tpu.memory_space<vmem>>, %arg3: memref<4x64x65536xf32, #tpu.memory_space<any>>, %arg4: memref<1x64x2048xf32, #tpu.memory_space<vmem>>) attributes {dimension_semantics = [#tpu.dimension_semantics<arbitrary>], iteration_bounds = array<i64: 32>, scalar_prefetch = 0 : i64, scratch_operands = 0 : i64, tpu.core_type = #tpu.core_type<tc>, window_params = [{transform_indices = @transform_0, window_bounds = array<i64: 2048, 128>}, {transform_indices = @transform_1, window_bounds = array<i64: 1, 64, 2048>}, {}, {transform_indices = @transform_3, window_bounds = array<i64: 1, 64, 2048>}]} {
    %get3A = arith.constant 0 : index
    %get3A_0 = arith.constant 0 : index
    %get3A_1 = vector.load %arg1[%get3A, %get3A_0] : memref<2048x128xf32, #tpu.memory_space<vmem>>, vector<2048x128xf32>
    %slice3A = vector.extract_strided_slice %get3A_1 {offsets = [0, 0], sizes = [2048, 64], strides = [1, 1]} : vector<2048x128xf32> to vector<2048x64xf32>
    %transpose3A = tpu.transpose %slice3A, [1, 0] : vector<2048x64xf32> -> vector<64x2048xf32>
    %slice3A_2 = vector.extract_strided_slice %get3A_1 {offsets = [0, 64], sizes = [2048, 64], strides = [1, 1]} : vector<2048x128xf32> to vector<2048x64xf32>
    %transpose3A_3 = tpu.transpose %slice3A_2, [1, 0] : vector<2048x64xf32> -> vector<64x2048xf32>
    %get3A_4 = arith.constant 0 : index
    %get3A_5 = arith.constant 0 : index
    %get3A_6 = arith.constant 0 : index
    %get3A_7 = vector.load %arg2[%get3A_4, %get3A_5, %get3A_6] : memref<1x64x2048xf32, #tpu.memory_space<vmem>>, vector<1x64x2048xf32>
    %get3A_8 = vector.shape_cast %get3A_7 : vector<1x64x2048xf32> to vector<64x2048xf32>
    %mul3A = arith.mulf %get3A_8, %transpose3A : vector<64x2048xf32>
    %add3A = arith.addf %mul3A, %transpose3A_3 : vector<64x2048xf32>
    %swap3A = arith.constant 0 : index
    %swap3A_9 = arith.constant 0 : index
    %swap3A_10 = arith.constant 0 : index
    %swap3A_11 = vector.load %arg4[%swap3A, %swap3A_9, %swap3A_10] : memref<1x64x2048xf32, #tpu.memory_space<vmem>>, vector<1x64x2048xf32>
    %swap3A_12 = vector.shape_cast %swap3A_11 : vector<1x64x2048xf32> to vector<64x2048xf32>
    %swap3A_13 = vector.shape_cast %add3A : vector<64x2048xf32> to vector<1x64x2048xf32>
    tpu.vector_store %arg4[%swap3A, %swap3A_9, %swap3A_10], %swap3A_13 {strides = array<i32>} : memref<1x64x2048xf32, #tpu.memory_space<vmem>>, vector<1x64x2048xf32>,
    return
  }
  func.func @transform_0(%arg0: i32) -> (i32, i32) {
    %c0_i32 = arith.constant 0 : i32
    %c0_i32_0 = arith.constant 0 : i32
    return %arg0, %c0_i32 : i32, i32
  }
  func.func @transform_1(%arg0: i32) -> (i32, i32, i32) {
    %c1_i32 = arith.constant 1 : i32
    %c0_i32 = arith.constant 0 : i32
    %c0_i32_0 = arith.constant 0 : i32
    return %c1_i32, %c0_i32, %arg0 : i32, i32, i32
  }
  func.func @transform_3(%arg0: i32) -> (i32, i32, i32) {
    %c1_i32 = arith.constant 1 : i32
    %c0_i32 = arith.constant 0 : i32
    %c0_i32_0 = arith.constant 0 : i32
    return %c1_i32, %c0_i32, %arg0 : i32, i32, i32
  }
}

module attributes {stable_mosaic.version = 14 : i64} {
  func.func @body(%arg0: i32, %arg1: memref<64x2048xf32, #tpu.memory_space<vmem>>, %arg2: memref<64x128xf32, #tpu.memory_space<vmem>>, %arg3: memref<1x128xf32, #tpu.memory_space<vmem>>, %arg4: memref<2048x128xf32, #tpu.memory_space<vmem>>) attributes {dimension_semantics = [#tpu.dimension_semantics<arbitrary>], iteration_bounds = array<i64: 96>, scalar_prefetch = 0 : i64, scratch_operands = 0 : i64, tpu.core_type = #tpu.core_type<tc>, window_params = [{transform_indices = @transform_0, window_bounds = array<i64: 64, 2048>}, {pipeline_mode = #tpu.pipeline_mode<synchronous>, transform_indices = @transform_1, window_bounds = array<i64: 64, 128>}, {pipeline_mode = #tpu.pipeline_mode<synchronous>, transform_indices = @transform_2, window_bounds = array<i64: 1, 128>}, {transform_indices = @transform_3, window_bounds = array<i64: 2048, 128>}]} {
    %get3A = arith.constant 0 : index
    %get3A_0 = arith.constant 0 : index
    %get3A_1 = vector.load %arg1[%get3A, %get3A_0] : memref<64x2048xf32, #tpu.memory_space<vmem>>, vector<64x2048xf32>
    %get3A_2 = arith.constant 0 : index
    %get3A_3 = arith.constant 0 : index
    %get3A_4 = vector.load %arg2[%get3A_2, %get3A_3] : memref<64x128xf32, #tpu.memory_space<vmem>>, vector<64x128xf32>
    %dot_general3A = arith.constant dense<0.000000e+00> : vector<2048x128xf32>
    %dot_general3A_5 = tpu.matmul %get3A_1, %get3A_4, %dot_general3A {dimension_numbers = #tpu.dot_dimension_numbers<[0], [0], [1], [1], [0, 1, 1, 1], [], []>, transpose_lhs_hint = false} : vector<64x2048xf32>, vector<64x128xf32>, vector<2048x128xf32> -> vector<2048x128xf32>
    %get3A_6 = arith.constant 0 : index
    %get3A_7 = arith.constant 0 : index
    %get3A_8 = vector.load %arg3[%get3A_6, %get3A_7] : memref<1x128xf32, #tpu.memory_space<vmem>>, vector<1x128xf32>
    %add3A = vector.broadcast %get3A_8 : vector<1x128xf32> to vector<2048x128xf32>
    %add3A_9 = arith.addf %dot_general3A_5, %add3A : vector<2048x128xf32>
    %swap3A = arith.constant 0 : index
    %swap3A_10 = arith.constant 0 : index
    %swap3A_11 = vector.load %arg4[%swap3A, %swap3A_10] : memref<2048x128xf32, #tpu.memory_space<vmem>>, vector<2048x128xf32>
    tpu.vector_store %arg4[%swap3A, %swap3A_10], %add3A_9 {strides = array<i32>} : memref<2048x128xf32, #tpu.memory_space<vmem>>, vector<2048x128xf32>,
    return
  }
  func.func @transform_0(%arg0: i32) -> (i32, i32) {
    %c0_i32 = arith.constant 0 : i32
    %c0_i32_0 = arith.constant 0 : i32
    return %c0_i32, %arg0 : i32, i32
  }
  func.func @transform_1(%arg0: i32) -> (i32, i32) {
    %c0_i32 = arith.constant 0 : i32
    %c0_i32_0 = arith.constant 0 : i32
    %c0_i32_1 = arith.constant 0 : i32
    return %c0_i32, %c0_i32_0 : i32, i32
  }
  func.func @transform_2(%arg0: i32) -> (i32, i32) {
    %c0_i32 = arith.constant 0 : i32
    %c0_i32_0 = arith.constant 0 : i32
    %c0_i32_1 = arith.constant 0 : i32
    return %c0_i32, %c0_i32_0 : i32, i32
  }
  func.func @transform_3(%arg0: i32) -> (i32, i32) {
    %c0_i32 = arith.constant 0 : i32
    %c0_i32_0 = arith.constant 0 : i32
    return %arg0, %c0_i32 : i32, i32
  }
}

module attributes {stable_mosaic.version = 14 : i64} {
  func.func @body(%arg0: i32, %arg1: memref<2048x128xf32, #tpu.memory_space<vmem>>, %arg2: memref<1x64x2048xf32, #tpu.memory_space<vmem>>, %arg3: memref<1x64x2048xf32, #tpu.memory_space<vmem>>) attributes {dimension_semantics = [#tpu.dimension_semantics<arbitrary>], iteration_bounds = array<i64: 32>, scalar_prefetch = 0 : i64, scratch_operands = 0 : i64, tpu.core_type = #tpu.core_type<tc>, window_params = [{transform_indices = @transform_0, window_bounds = array<i64: 2048, 128>}, {transform_indices = @transform_1, window_bounds = array<i64: 1, 64, 2048>}, {transform_indices = @transform_2, window_bounds = array<i64: 1, 64, 2048>}]} {
    %get3A = arith.constant 0 : index
    %get3A_0 = arith.constant 0 : index
    %get3A_1 = vector.load %arg1[%get3A, %get3A_0] : memref<2048x128xf32, #tpu.memory_space<vmem>>, vector<2048x128xf32>
    %slice3A = vector.extract_strided_slice %get3A_1 {offsets = [0, 0], sizes = [2048, 64], strides = [1, 1]} : vector<2048x128xf32> to vector<2048x64xf32>
    %transpose3A = tpu.transpose %slice3A, [1, 0] : vector<2048x64xf32> -> vector<64x2048xf32>
    %slice3A_2 = vector.extract_strided_slice %get3A_1 {offsets = [0, 64], sizes = [2048, 64], strides = [1, 1]} : vector<2048x128xf32> to vector<2048x64xf32>
    %transpose3A_3 = tpu.transpose %slice3A_2, [1, 0] : vector<2048x64xf32> -> vector<64x2048xf32>
    %get3A_4 = arith.constant 0 : index
    %get3A_5 = arith.constant 0 : index
    %get3A_6 = arith.constant 0 : index
    %get3A_7 = vector.load %arg2[%get3A_4, %get3A_5, %get3A_6] : memref<1x64x2048xf32, #tpu.memory_space<vmem>>, vector<1x64x2048xf32>
    %get3A_8 = vector.shape_cast %get3A_7 : vector<1x64x2048xf32> to vector<64x2048xf32>
    %mul3A = arith.mulf %get3A_8, %transpose3A : vector<64x2048xf32>
    %add3A = arith.addf %mul3A, %transpose3A_3 : vector<64x2048xf32>
    %swap3A = arith.constant 0 : index
    %swap3A_9 = arith.constant 0 : index
    %swap3A_10 = arith.constant 0 : index
    %swap3A_11 = vector.load %arg3[%swap3A, %swap3A_9, %swap3A_10] : memref<1x64x2048xf32, #tpu.memory_space<vmem>>, vector<1x64x2048xf32>
    %swap3A_12 = vector.shape_cast %swap3A_11 : vector<1x64x2048xf32> to vector<64x2048xf32>
    %swap3A_13 = vector.shape_cast %add3A : vector<64x2048xf32> to vector<1x64x2048xf32>
    tpu.vector_store %arg3[%swap3A, %swap3A_9, %swap3A_10], %swap3A_13 {strides = array<i32>} : memref<1x64x2048xf32, #tpu.memory_space<vmem>>, vector<1x64x2048xf32>,
    return
  }
  func.func @transform_0(%arg0: i32) -> (i32, i32) {
    %c0_i32 = arith.constant 0 : i32
    %c0_i32_0 = arith.constant 0 : i32
    return %arg0, %c0_i32 : i32, i32
  }
  func.func @transform_1(%arg0: i32) -> (i32, i32, i32) {
    %c0_i32 = arith.constant 0 : i32
    %c0_i32_0 = arith.constant 0 : i32
    %c0_i32_1 = arith.constant 0 : i32
    return %c0_i32, %c0_i32_0, %arg0 : i32, i32, i32
  }
  func.func @transform_2(%arg0: i32) -> (i32, i32, i32) {
    %c0_i32 = arith.constant 0 : i32
    %c0_i32_0 = arith.constant 0 : i32
    %c0_i32_1 = arith.constant 0 : i32
    return %c0_i32, %c0_i32_0, %arg0 : i32, i32, i32
  }
}

module attributes {stable_mosaic.version = 14 : i64} {
  func.func @body(%arg0: i32, %arg1: memref<2048x128xf32, #tpu.memory_space<vmem>>, %arg2: memref<1x64x2048xf32, #tpu.memory_space<vmem>>, %arg3: memref<4x64x65536xf32, #tpu.memory_space<any>>, %arg4: memref<1x64x2048xf32, #tpu.memory_space<vmem>>) attributes {dimension_semantics = [#tpu.dimension_semantics<arbitrary>], iteration_bounds = array<i64: 32>, scalar_prefetch = 0 : i64, scratch_operands = 0 : i64, tpu.core_type = #tpu.core_type<tc>, window_params = [{transform_indices = @transform_0, window_bounds = array<i64: 2048, 128>}, {transform_indices = @transform_1, window_bounds = array<i64: 1, 64, 2048>}, {}, {transform_indices = @transform_3, window_bounds = array<i64: 1, 64, 2048>}]} {
    %get3A = arith.constant 0 : index
    %get3A_0 = arith.constant 0 : index
    %get3A_1 = vector.load %arg1[%get3A, %get3A_0] : memref<2048x128xf32, #tpu.memory_space<vmem>>, vector<2048x128xf32>
    %slice3A = vector.extract_strided_slice %get3A_1 {offsets = [0, 0], sizes = [2048, 64], strides = [1, 1]} : vector<2048x128xf32> to vector<2048x64xf32>
    %transpose3A = tpu.transpose %slice3A, [1, 0] : vector<2048x64xf32> -> vector<64x2048xf32>
    %slice3A_2 = vector.extract_strided_slice %get3A_1 {offsets = [0, 64], sizes = [2048, 64], strides = [1, 1]} : vector<2048x128xf32> to vector<2048x64xf32>
    %transpose3A_3 = tpu.transpose %slice3A_2, [1, 0] : vector<2048x64xf32> -> vector<64x2048xf32>
    %get3A_4 = arith.constant 0 : index
    %get3A_5 = arith.constant 0 : index
    %get3A_6 = arith.constant 0 : index
    %get3A_7 = vector.load %arg2[%get3A_4, %get3A_5, %get3A_6] : memref<1x64x2048xf32, #tpu.memory_space<vmem>>, vector<1x64x2048xf32>
    %get3A_8 = vector.shape_cast %get3A_7 : vector<1x64x2048xf32> to vector<64x2048xf32>
    %mul3A = arith.mulf %get3A_8, %transpose3A : vector<64x2048xf32>
    %add3A = arith.addf %mul3A, %transpose3A_3 : vector<64x2048xf32>
    %swap3A = arith.constant 0 : index
    %swap3A_9 = arith.constant 0 : index
    %swap3A_10 = arith.constant 0 : index
    %swap3A_11 = vector.load %arg4[%swap3A, %swap3A_9, %swap3A_10] : memref<1x64x2048xf32, #tpu.memory_space<vmem>>, vector<1x64x2048xf32>
    %swap3A_12 = vector.shape_cast %swap3A_11 : vector<1x64x2048xf32> to vector<64x2048xf32>
    %swap3A_13 = vector.shape_cast %add3A : vector<64x2048xf32> to vector<1x64x2048xf32>
    tpu.vector_store %arg4[%swap3A, %swap3A_9, %swap3A_10], %swap3A_13 {strides = array<i32>} : memref<1x64x2048xf32, #tpu.memory_space<vmem>>, vector<1x64x2048xf32>,
    return
  }
  func.func @transform_0(%arg0: i32) -> (i32, i32) {
    %c0_i32 = arith.constant 0 : i32
    %c0_i32_0 = arith.constant 0 : i32
    return %arg0, %c0_i32 : i32, i32
  }
  func.func @transform_1(%arg0: i32) -> (i32, i32, i32) {
    %c2_i32 = arith.constant 2 : i32
    %c0_i32 = arith.constant 0 : i32
    %c0_i32_0 = arith.constant 0 : i32
    return %c2_i32, %c0_i32, %arg0 : i32, i32, i32
  }
  func.func @transform_3(%arg0: i32) -> (i32, i32, i32) {
    %c2_i32 = arith.constant 2 : i32
    %c0_i32 = arith.constant 0 : i32
    %c0_i32_0 = arith.constant 0 : i32
    return %c2_i32, %c0_i32, %arg0 : i32, i32, i32
  }
}

module attributes {stable_mosaic.version = 14 : i64} {
  func.func @body(%arg0: i32, %arg1: memref<2048x128xf32, #tpu.memory_space<vmem>>, %arg2: memref<1x64x2048xf32, #tpu.memory_space<vmem>>, %arg3: memref<4x64x65536xf32, #tpu.memory_space<any>>, %arg4: memref<1x64x2048xf32, #tpu.memory_space<vmem>>) attributes {dimension_semantics = [#tpu.dimension_semantics<arbitrary>], iteration_bounds = array<i64: 32>, scalar_prefetch = 0 : i64, scratch_operands = 0 : i64, tpu.core_type = #tpu.core_type<tc>, window_params = [{transform_indices = @transform_0, window_bounds = array<i64: 2048, 128>}, {transform_indices = @transform_1, window_bounds = array<i64: 1, 64, 2048>}, {}, {transform_indices = @transform_3, window_bounds = array<i64: 1, 64, 2048>}]} {
    %get3A = arith.constant 0 : index
    %get3A_0 = arith.constant 0 : index
    %get3A_1 = vector.load %arg1[%get3A, %get3A_0] : memref<2048x128xf32, #tpu.memory_space<vmem>>, vector<2048x128xf32>
    %slice3A = vector.extract_strided_slice %get3A_1 {offsets = [0, 0], sizes = [2048, 64], strides = [1, 1]} : vector<2048x128xf32> to vector<2048x64xf32>
    %transpose3A = tpu.transpose %slice3A, [1, 0] : vector<2048x64xf32> -> vector<64x2048xf32>
    %slice3A_2 = vector.extract_strided_slice %get3A_1 {offsets = [0, 64], sizes = [2048, 64], strides = [1, 1]} : vector<2048x128xf32> to vector<2048x64xf32>
    %transpose3A_3 = tpu.transpose %slice3A_2, [1, 0] : vector<2048x64xf32> -> vector<64x2048xf32>
    %get3A_4 = arith.constant 0 : index
    %get3A_5 = arith.constant 0 : index
    %get3A_6 = arith.constant 0 : index
    %get3A_7 = vector.load %arg2[%get3A_4, %get3A_5, %get3A_6] : memref<1x64x2048xf32, #tpu.memory_space<vmem>>, vector<1x64x2048xf32>
    %get3A_8 = vector.shape_cast %get3A_7 : vector<1x64x2048xf32> to vector<64x2048xf32>
    %mul3A = arith.mulf %get3A_8, %transpose3A : vector<64x2048xf32>
    %add3A = arith.addf %mul3A, %transpose3A_3 : vector<64x2048xf32>
    %swap3A = arith.constant 0 : index
    %swap3A_9 = arith.constant 0 : index
    %swap3A_10 = arith.constant 0 : index
    %swap3A_11 = vector.load %arg4[%swap3A, %swap3A_9, %swap3A_10] : memref<1x64x2048xf32, #tpu.memory_space<vmem>>, vector<1x64x2048xf32>
    %swap3A_12 = vector.shape_cast %swap3A_11 : vector<1x64x2048xf32> to vector<64x2048xf32>
    %swap3A_13 = vector.shape_cast %add3A : vector<64x2048xf32> to vector<1x64x2048xf32>
    tpu.vector_store %arg4[%swap3A, %swap3A_9, %swap3A_10], %swap3A_13 {strides = array<i32>} : memref<1x64x2048xf32, #tpu.memory_space<vmem>>, vector<1x64x2048xf32>,
    return
  }
  func.func @transform_0(%arg0: i32) -> (i32, i32) {
    %c0_i32 = arith.constant 0 : i32
    %c0_i32_0 = arith.constant 0 : i32
    return %arg0, %c0_i32 : i32, i32
  }
  func.func @transform_1(%arg0: i32) -> (i32, i32, i32) {
    %c3_i32 = arith.constant 3 : i32
    %c0_i32 = arith.constant 0 : i32
    %c0_i32_0 = arith.constant 0 : i32
    return %c3_i32, %c0_i32, %arg0 : i32, i32, i32
  }
  func.func @transform_3(%arg0: i32) -> (i32, i32, i32) {
    %c3_i32 = arith.constant 3 : i32
    %c0_i32 = arith.constant 0 : i32
    %c0_i32_0 = arith.constant 0 : i32
    return %c3_i32, %c0_i32, %arg0 : i32, i32, i32
  }
}

</mosaic_0001>

<sc_bundles>
// kernel: kernel.11.cloned.1.call-start
scs
__scs_entry_jumppad:
0x0: {  	(pc) =	sbr.rel $0x88, $3  }
0x1: {  	(tag) =	ssettag $0x0;
	lr =	simm.s32 $0x1  }
0x2: {  	[smem:$0x3F9C] =	sst lr;
	_ =	strace $0xD0000000  }
0x3: {  	_ = 	snop  }
0x4: {  	_ = 	snop  }
0x5: {  	_ = 	snop  }
0x6: {  	_ = 	snop  }
0x7: {  	_ = 	snop  }
__scs_overlays_trampoline_lowered:
0x8: {  	[smem:$0x3FAB] =	sst s0  }
0x9: {  	[smem:$0x3FAC] =	sst s1  }
0xa: {  	[smem:$0x3FAD] =	sst s2  }
0xb: {  	[smem:$0x3FAE] =	sst s3  }
0xc: {  	[smem:$0x3FAF] =	sst s4  }
0xd: {  	[smem:$0x3FB0] =	sst s5  }
0xe: {  	[smem:$0x3FB1] =	sst s6  }
0xf: {  	[smem:$0x3FB2] =	sst s7  }
0x10: {  	[smem:$0x3FB3] =	sst s8  }
0x11: {  	[smem:$0x3FB4] =	sst s9;
	s0 =	simm.s32 @!p0 $0x0  }
0x12: {  	s1 =	sld [smem:$0x3F9A];
	s0 =	simm.s32 @p0 $0x1  }
0x13: {  	[smem:$0x3FB5] =	sst s0;
	s0 =	simm.s32 @!p1 $0x0  }
0x14: {  	s2 =	sld [smem:$0x3F99];
	s0 =	simm.s32 @p1 $0x1  }
0x15: {  	[smem:$0x3FB6] =	sst s0;
	s0 =	simm.s32 @!p2 $0x0  }
0x16: {  	s3 =	sld [smem:$0x3FDB];
	s0 =	simm.s32 @p2 $0x1  }
0x17: {  	s4 =	simm.s32 $0x1BF5;
	[smem:$0x3FB8] =	sst s0  }
0x18: {  	s0 =	sld [smem:$0x3F9B];
	_ =	swait.ge [sflag:s4], $0x0  }
0x19: {  	s7 =	sld [smem:$0x3F9C]  }
0x1a: {  	s8 =	sadd.s32 $0xFFFFE003, lr  }
0x1b: {  	s9 =	sadd.s32 $0xFFFFFEF7, lr;
	s5 =	simm.s32 $0xFFFFFFFF;
	p2 =	slt.u32 s8, $0xFFFFF086  }
0x1c: {  	p1 =	slt.u32 s9, $0xF7A;
	s5 =	simm.s32 @!p2 $0x0  }
0x1d: {  	s5 =	simm.s32 @p1 $0x1;
	p0 =	seq.s32 s7, s2  }
0x1e: {  	s7 =	smul.u32 @!p0 $0xF7A, s2;
	p2 =	seq.s32 @!p0 s5, $0x0  }
0x1f: {  	s9 =	smul.u32 $0xF7A, s1;
	s8 =	simm.s32 @!p0 $0x1BF5;
	p2 =	por !p2, p0  }
0x20: {  	[sflag:s8] =	ssyncset.s32 @!p0 $0xFFFFF086;
	s6 =	sadd.s32 @!p0 s3, s7;
	s7 =	simm.s32 @!p0 $0x108  }
0x21: {  	s3 =	sadd.s32 s3, s9;
	s6 =	sadd.s32 @!p0 $0x88, s6;
	s7 =	simm.s32 @p2 $0x1082  }
0x22: {  	[simem:s7], [sflag:s8] =	dma.local @!p0 [hbm:s6], $0xF7A  }
0x23: {  	s9 =	sor.u32 $0xD0000000, s2;
	s6 =	simm.s32 $0x108;
	_ =	swait.ge @!p0 [sflag:s8], $0x0  }
0x24: {  	s3 =	sadd.s32 $0x88, s3;
	s6 =	simm.s32 @!p1 $0x1082;
	[sflag:s4] =	ssyncset.s32 $0xFFFFF086  }
0x25: {  	[simem:s6], [sflag:s4] =	dma.local [hbm:s3], $0xF7A  }
0x26: {  	[smem:$0x3F9C] =	sst s1;
	(tag) =	ssettag s2;
	_ =	strace s9  }
0x27: {  	s1 =	sld [smem:$0x3FAC]  }
0x28: {  	s2 =	sld [smem:$0x3FAD]  }
0x29: {  	s4 =	sld [smem:$0x3FAF]  }
0x2a: {  	p0 =	seq.s32 s5, $0x0;
	s5 =	sld [smem:$0x3FB0]  }
0x2b: {  	s6 =	sld [smem:$0x3FB1]  }
0x2c: {  	s7 =	sld [smem:$0x3FB2]  }
0x2d: {  	s3 =	simm.s32 $0x108;
	s8 =	sld [smem:$0x3FB3]  }
0x2e: {  	s3 =	simm.s32 @!p0 $0x1082;
	s9 =	sld [smem:$0x3FB4]  }
0x2f: {  	lr =	sadd.s32 s0, s3;
	s0 =	sld [smem:$0x3FAB]  }
0x30: {  	s3 =	sld [smem:$0x3FAE]  }
0x31: {  	[smem:$0x3FB7] =	sst s10  }
0x32: {  	s10 =	sld [smem:$0x3FB5];
	_ =	sdelay $0x3  }
0x33: {  	p0 =	seq.s32 s10, $0x1;
	s10 =	sld [smem:$0x3FB7];
	_ =	sdelay $0x3  }
0x34: {  	[smem:$0x3FB7] =	sst s10  }
0x35: {  	s10 =	sld [smem:$0x3FB6];
	_ =	sdelay $0x3  }
0x36: {  	p1 =	seq.s32 s10, $0x1;
	s10 =	sld [smem:$0x3FB7];
	_ =	sdelay $0x3  }
0x37: {  	[smem:$0x3FB7] =	sst s10  }
0x38: {  	s10 =	sld [smem:$0x3FB8]  }
0x39: {  	_ = 	snop;
	(pc) =	sbr.ind lr, $3  }
0x3a: {  	_ = 	snop  }
0x3b: {  	_ = 	snop  }
0x3c: {  	p2 =	seq.s32 s10, $0x1;
	s10 =	sld [smem:$0x3FB7]  }
0x3d: {  	_ =	shalt  }
0x3e: {  	_ =	shalt  }
0x3f: {  	_ =	shalt  }
0x40: {  	_ =	shalt  }
0x41: {  	_ =	shalt  }
0x42: {  	_ =	shalt  }
0x43: {  	_ =	shalt  }
0x44: {  	_ =	shalt  }
0x45: {  	_ =	shalt  }
0x46: {  	_ =	shalt  }
0x47: {  	_ =	shalt  }
0x48: {  	_ =	shalt  }
0x49: {  	_ =	shalt  }
0x4a: {  	_ =	shalt  }
0x4b: {  	_ =	shalt  }
0x4c: {  	_ =	shalt  }
0x4d: {  	_ =	shalt  }
0x4e: {  	_ =	shalt  }
0x4f: {  	_ =	shalt  }
0x50: {  	_ =	shalt  }
0x51: {  	_ =	shalt  }
0x52: {  	_ =	shalt  }
0x53: {  	_ =	shalt  }
0x54: {  	_ =	shalt  }
0x55: {  	_ =	shalt  }
0x56: {  	_ =	shalt  }
0x57: {  	_ =	shalt  }
0x58: {  	_ =	shalt  }
0x59: {  	_ =	shalt  }
0x5a: {  	_ =	shalt  }
0x5b: {  	_ =	shalt  }
0x5c: {  	_ =	shalt  }
0x5d: {  	_ =	shalt  }
0x5e: {  	_ =	shalt  }
0x5f: {  	_ =	shalt  }
0x60: {  	_ =	shalt  }
0x61: {  	_ =	shalt  }
0x62: {  	_ =	shalt  }
0x63: {  	_ =	shalt  }
0x64: {  	_ =	shalt  }
0x65: {  	_ =	shalt  }
0x66: {  	_ =	shalt  }
0x67: {  	_ =	shalt  }
0x68: {  	_ =	shalt  }
0x69: {  	_ =	shalt  }
0x6a: {  	_ =	shalt  }
0x6b: {  	_ =	shalt  }
0x6c: {  	_ =	shalt  }
0x6d: {  	_ =	shalt  }
0x6e: {  	_ =	shalt  }
0x6f: {  	_ =	shalt  }
0x70: {  	_ =	shalt  }
0x71: {  	_ =	shalt  }
0x72: {  	_ =	shalt  }
0x73: {  	_ =	shalt  }
0x74: {  	_ =	shalt  }
0x75: {  	_ =	shalt  }
0x76: {  	_ =	shalt  }
0x77: {  	_ =	shalt  }
0x78: {  	_ =	shalt  }
0x79: {  	_ =	shalt  }
0x7a: {  	_ =	shalt  }
0x7b: {  	_ =	shalt  }
0x7c: {  	_ =	shalt  }
0x7d: {  	_ =	shalt  }
0x7e: {  	_ =	shalt  }
0x7f: {  	_ =	shalt  }
0x80: {  	_ =	shalt  }
0x81: {  	_ =	shalt  }
0x82: {  	_ =	shalt  }
0x83: {  	_ =	shalt  }
0x84: {  	_ =	shalt  }
0x85: {  	_ =	shalt  }
0x86: {  	_ =	shalt  }
0x87: {  	_ =	shalt  }
.Lfunc_end0:
.L_simem_size_0:
called_computation_lowered:
.L_overlay_start_0:
0x88: {  	s2 =	sld [smem:$0x3FD9]  }
0x89: {  	s3 =	sld [smem:$0x3FFE];
	_ =	sdelay $0x1  }
0x8a: {  	s1 =	srdreg.scid  }
0x8b: {  	s0 =	sand.u32 $0x1, s1  }
0x8c: {  	s16 =	sshll.u32 s0, $0xA;
	s2 =	sadd.s32 s3, s2  }
0x8d: {  	s2 =	sadd.s32 s2, s16  }
0x8e: {  	[smem:$0x3FC3] =	sst s2  }
0x8f: {  	_ = 	snop  }
0x90: {  	(tm) =	ssettm $0x1  }
0x91: {  	s17 =	sld [smem:$0x3FFB];
	_ =	sdelay $0x3  }
0x92: {  	_ =	strace s17  }
0x93: {  	s2 =	sld [smem:$0x3FFC];
	_ =	sdelay $0x3  }
0x94: {  	_ =	strace s2  }
0x95: {  	s2 =	sld [smem:$0x3FFD];
	_ =	sdelay $0x3  }
0x96: {  	_ =	strace s2  }
0x97: {  	_ =	strace $0x8FFFFFFF  }
0x98: {  	s18 =	sld [smem:$0x3FDB];
	_ =	sdelay $0x1  }
0x99: {  	s19 =	simm.s32 $_scs_section_size  }
0x9a: {  	s4 =	simm.s32 $_size__tile_overlayer_lowered;
	s5 =	simm.s32 $_tile_overlayer_lowered  }
0x9b: {  	s22 =	simm.s32 $0x1BFF;
	s21 =	sshll.u32 s5, $0x1;
	s2 =	sadd.s32 s19, s18  }
0x9c: {  	s6 =	simm.s32 $0x0;
	s20 =	sshll.u32 s4, $0x1;
	s4 =	sadd.s32 s21, s2  }
0x9d: {  	[timem:s6], [sflag:s22] =	dma.local [hbm:s4], s20  }
0x9e: {  	_ =	swait.ge [sflag:s22], s20  }
0x9f: {  	s3 =	ssub.s32 $0x0, s20;
	[sflag:s22] =	ssyncset.done $0x0  }
0xa0: {  	[sflag:s22] =	ssyncadd.s32 s3;
	_ =	sdelay $0x1  }
0xa1: {  	s23 =	simm.s32 $0x1B8B  }
0xa2: {  	_ =	swait.ge [sflag:s23], $0x1  }
0xa3: {  	[sflag:s23] =	ssyncset.done $0x0  }
0xa4: {  	s25 =	simm.s32 $0x1B8E;
	s24 =	sld [smem:$0x3FFE];
	[sflag:s23] =	ssyncadd.s32 $0xFFFFFFFF  }
0xa5: {  	s26 =	simm.s32 $execute0_lowered;
	[smem:$0x3FD2] =	sst s25  }
0xa6: {  	s4 =	sshll.u32 s26, $0x1;
	_ =	strace $0x80000046;
	[dreg:$0x1] =	wrdreg $0xFFFFFFFF  }
0xa7: {  	s28 =	simm.s32 $_size_execute0_lowered;
	s2 =	sadd.s32 s2, s4;
	[dreg:$0x0] =	wrdreg $0x0  }
0xa8: {  	s4 =	sshll.u32 s28, $0x1;
	[dreg:$0x2] =	wrdreg s2  }
0xa9: {  	[dreg:$0x3] =	wrdreg s4  }
0xaa: {  	[dreg:$0x4] =	wrdreg $0xC0  }
0xab: {  	_ =	task [dreg:s6], $0x5FFFF  }
0xac: {  	[dreg:$0x1] =	wrdreg $0xFFFFFFFF  }
0xad: {  	[dreg:$0x0] =	wrdreg $0x60  }
0xae: {  	[dreg:$0x2] =	wrdreg s24  }
0xaf: {  	[dreg:$0x3] =	wrdreg $0x9  }
0xb0: {  	_ =	task.clear_ibuf [dreg:s6], $0x4FFFF;
	_ =	strace $0x90000046  }
0xb1: {  	s29 =	simm.s32 $0x9;
	_ =	strace $0x80000048  }
0xb2: {  	_ =	swait.ge [sflag:s29], $0x1  }
0xb3: {  	[sflag:s29] =	ssyncadd.s32 $0xFFFFFFFF  }
0xb4: {  	_ =	strace $0x90000048  }
0xb5: {  	_ =	sfence  }
0xb6: {  	s30 =	sld [smem:$0x0];
	_ =	sdelay $0x2  }
0xb7: {  	s31 =	sshll.u32 s1, $0xD;
	s1 =	sshrl.u32 s1, $0x2  }
0xb8: {  	s3 =	sand.u32 $0x4000, s31;
	s1 =	sadd.s32 s1, s30  }
0xb9: {  	s0 =	sor.u32 s3, s0;
	s1 =	sshll.u32 s1, $0x11  }
0xba: {  	s0 =	sor.u32 s1, s0  }
0xbb: {  	s0 =	sadd.s32 $0x8F2B, s0  }
0xbc: {  	[sflag:s0] =	ssyncadd.remote.s32 $0x1  }
0xbd: {  	_ =	sfence.sel $0xFFFF  }
0xbe: {  	[dreg:$0x0] =	wrdreg $0xFFFFFFFF;
	(pc) =	sbr.abs _section_cstart, $3  }
0xbf: {  	[dreg:$0x1] =	wrdreg $0xFFFFFFFF  }
0xc0: {  	_ =	task.clear_ibuf [dreg:s6], $0x2FFFF;
	_ =	strace $0x9FFFFFFF  }
0xc1: {  	(tm) =	ssettm $0x7FFFFFFF  }
tec
execute0_lowered:
.L_overlay_start_1:
0x0: {  	(tag) =	ssettag $0x1  }
0x1: {  	s0 =	srdreg.scid  }
0x2: {  	s1 =	stileid.u32;
	s3 =	rddreg [dreg:$0x0];
	s12 =	simm.s32 $0x80  }
0x3: {  	s10 =	simm.s32 $0x800;
	s8 =	simm.s32 $0x4800;
	s0 =	sand.u32 $0x1, s0  }
0x4: {  	s30 =	simm.s32 $0x100;
	s1 =	sshll.u32 s1, $0x5;
	s2 =	sshll.u32 s0, $0x4  }
0x5: {  	s6 =	simm.s32 $0x8800;
	s31 =	simm.s32 $0x180;
	s1 =	sor.u32 s2, s1  }
0x6: {  	s29 =	simm.s32 $0x200;
	s11 =	simm.s32 $0x2;
	s4 =	sshll.u32 s1, $0x4  }
0x7: {  	s2 =	simm.s32 $0x0;
	s1 =	sshll.u32 s1, $0xB;
	s4 =	sadd.s32 s4, s3  }
0x8: {  	[smem:$0x7FF] =	sst s2;
	s1 =	sadd.s32 s1, s3;
	s4 =	sadd.s32 $0x1400, s4  }
0x9: {  	_ =	strace $0x80000047;
	s13 =	sadd.s32 $0x30F400, s1;
	[dreg:$0x2] =	wrdreg s4  }
0xa: {  	s28 =	simm.s32 $0x280;
	s14 =	sadd.s32 $0x30FC00, s1;
	[dreg:$0x3] =	wrdreg s13  }
0xb: {  	s9 =	simm.s32 $0x3;
	s15 =	sadd.s32 $0x310400, s1;
	[dreg:$0x4] =	wrdreg s14  }
0xc: {  	s7 =	simm.s32 $0x4;
	s16 =	sadd.s32 $0x310C00, s1;
	[dreg:$0x5] =	wrdreg s15  }
0xd: {  	p0 =	por $0x0, $0x0;
	s17 =	sadd.s32 $0x309400, s1;
	[dreg:$0x6] =	wrdreg s16  }
0xe: {  	s5 =	sadd.s32 $0x9400, s3;
	s18 =	sadd.s32 $0x309C00, s1;
	[dreg:$0x7] =	wrdreg s17  }
0xf: {  	s0 =	ssub.s32 $0x2, s0;
	s19 =	sadd.s32 $0x30A400, s1;
	[dreg:$0x8] =	wrdreg s18  }
0x10: {  	s24 =	sshrl.u32 s0, $0x1;
	s20 =	sadd.s32 $0x30AC00, s1;
	[dreg:$0x9] =	wrdreg s19  }
0x11: {  	s0 =	ssub.s32 s0, s24;
	s21 =	sadd.s32 $0x30B400, s1;
	[dreg:$0xa] =	wrdreg s20  }
0x12: {  	s24 =	simm.s32 $0x400;
	s22 =	sadd.s32 $0x30BC00, s1;
	[dreg:$0xb] =	wrdreg s21  }
0x13: {  	s0 =	smax.u32 s0, $0x1;
	s23 =	sadd.s32 $0x30C400, s1;
	[dreg:$0xc] =	wrdreg s22  }
0x14: {  	s3 =	simm.s32 $0x5;
	s25 =	sadd.s32 $0x30CC00, s1;
	[dreg:$0xd] =	wrdreg s23  }
0x15: {  	s26 =	sadd.s32 $0x30D400, s1;
	p1 =	sne.s32 s0, $0x1;
	[dreg:$0xe] =	wrdreg s25  }
0x16: {  	[dreg:$0xf] =	wrdreg s26;
	s16 =	sadd.s32 $0x30DC00, s1;
	s15 =	sadd.s32 $0x30E400, s1  }
.Ltmp0:
0x17: {  	s13 =	sadd.s32 $0x30EC00, s1;
	s4 =	simm.s32 $0xC800;
	(pc) =	sbr.rel @!p1 .LBB2_3-.Ltmp0, $4  }
0x18: {  	s14 =	simm.s32 $0x1;
	s26 =	simm.s32 $0x300;
	s25 =	simm.s32 $0x380  }
0x19: {  	s23 =	simm.s32 $0x480;
	s1 =	sadd.s32 $0xFFFFFFFF, s0;
	s22 =	simm.s32 $0x500  }
0x1a: {  	s21 =	simm.s32 $0x580;
	s20 =	simm.s32 $0x600;
	s19 =	simm.s32 $0x680  }
0x1b: {  	s18 =	simm.s32 $0x700;
	s17 =	simm.s32 $0x780;
	s0 =	rddreg [dreg:$0x2]  }
0x1c: {  	[tilespmem:s2], [sflag:$0x5] =	stream.linear.gather [hbm4b:s0+s2], $0x800, $0x38;
	[tilespmem:$0x10800] =	vst v63  }
0x1d: {  	_ =	swait.ge [sflag:s3], $0x800  }
0x1e: {  	[sflag:s3] =	ssyncset.done $0x0  }
0x1f: {  	[sflag:s3] =	ssyncadd.s32 $0xFFFFF800  }
0x20: {  	[tilespmem:s10], [sflag:$0x1] =	stream.indirect.gather [hbm4b:s5+s12], $0x80, s2, s12, $0xb8;
	[tilespmem:$0x10800] =	vst v63  }
0x21: {  	_ = 	snop  }
0x22: {  	[tilespmem:s8], [sflag:$0x2] =	stream.indirect.gather [hbm4b:s5+s12], $0x80, s12, s12, $0xb8;
	[tilespmem:$0x10800] =	vst v63  }
0x23: {  	_ = 	snop  }
0x24: {  	[tilespmem:s6], [sflag:$0x3] =	stream.indirect.gather [hbm4b:s5+s12], $0x80, s30, s12, $0xb8;
	[tilespmem:$0x10800] =	vst v63  }
0x25: {  	_ = 	snop  }
0x26: {  	[tilespmem:s4], [sflag:$0x4] =	stream.indirect.gather [hbm4b:s5+s12], $0x80, s31, s12, $0xb8;
	[tilespmem:$0x10800] =	vst v63  }
0x27: {  	_ =	swait.ge [sflag:s14], $0x4000  }
0x28: {  	[sflag:s14] =	ssyncset.done $0x0  }
0x29: {  	s0 =	rddreg [dreg:$0x7];
	[sflag:s14] =	ssyncadd.s32 $0xFFFFC000  }
0x2a: {  	[hbm4b:s0+s2] =	stream.linear.scatter [tilespmem:s10], [sflag:$0x5], $0x4000, $0x38;
	[tilespmem:$0x10800] =	vst v63  }
0x2b: {  	_ =	swait.ge [sflag:s3], $0x4000  }
0x2c: {  	[sflag:s3] =	ssyncset.done $0x0  }
0x2d: {  	[sflag:s3] =	ssyncadd.s32 $0xFFFFC000  }
0x2e: {  	[tilespmem:s10], [sflag:$0x1] =	stream.indirect.gather [hbm4b:s5+s12], $0x80, s29, s12, $0xb8;
	[tilespmem:$0x10800] =	vst v63  }
0x2f: {  	_ =	swait.ge [sflag:s11], $0x4000  }
0x30: {  	[sflag:s11] =	ssyncset.done $0x0  }
0x31: {  	s0 =	rddreg [dreg:$0x8];
	[sflag:s11] =	ssyncadd.s32 $0xFFFFC000  }
0x32: {  	[hbm4b:s0+s2] =	stream.linear.scatter [tilespmem:s8], [sflag:$0x5], $0x4000, $0x38;
	[tilespmem:$0x10800] =	vst v63  }
0x33: {  	_ =	swait.ge [sflag:s3], $0x4000  }
0x34: {  	[sflag:s3] =	ssyncset.done $0x0  }
0x35: {  	[sflag:s3] =	ssyncadd.s32 $0xFFFFC000  }
0x36: {  	[tilespmem:s8], [sflag:$0x2] =	stream.indirect.gather [hbm4b:s5+s12], $0x80, s28, s12, $0xb8;
	[tilespmem:$0x10800] =	vst v63  }
0x37: {  	_ =	swait.ge [sflag:s9], $0x4000  }
0x38: {  	[sflag:s9] =	ssyncset.done $0x0  }
0x39: {  	s0 =	rddreg [dreg:$0x9];
	[sflag:s9] =	ssyncadd.s32 $0xFFFFC000  }
0x3a: {  	[hbm4b:s0+s2] =	stream.linear.scatter [tilespmem:s6], [sflag:$0x5], $0x4000, $0x38;
	[tilespmem:$0x10800] =	vst v63  }
0x3b: {  	_ =	swait.ge [sflag:s3], $0x4000  }
0x3c: {  	[sflag:s3] =	ssyncset.done $0x0  }
0x3d: {  	[sflag:s3] =	ssyncadd.s32 $0xFFFFC000  }
0x3e: {  	[tilespmem:s6], [sflag:$0x3] =	stream.indirect.gather [hbm4b:s5+s12], $0x80, s26, s12, $0xb8;
	[tilespmem:$0x10800] =	vst v63  }
0x3f: {  	_ =	swait.ge [sflag:s7], $0x4000  }
0x40: {  	[sflag:s7] =	ssyncset.done $0x0  }
0x41: {  	s0 =	rddreg [dreg:$0xa];
	[sflag:s7] =	ssyncadd.s32 $0xFFFFC000  }
0x42: {  	[hbm4b:s0+s2] =	stream.linear.scatter [tilespmem:s4], [sflag:$0x5], $0x4000, $0x38;
	[tilespmem:$0x10800] =	vst v63  }
0x43: {  	_ =	swait.ge [sflag:s3], $0x4000  }
0x44: {  	[sflag:s3] =	ssyncset.done $0x0  }
0x45: {  	[sflag:s3] =	ssyncadd.s32 $0xFFFFC000  }
0x46: {  	[tilespmem:s4], [sflag:$0x4] =	stream.indirect.gather [hbm4b:s5+s12], $0x80, s25, s12, $0xb8;
	[tilespmem:$0x10800] =	vst v63  }
0x47: {  	_ =	swait.ge [sflag:s14], $0x4000  }
0x48: {  	[sflag:s14] =	ssyncset.done $0x0  }
0x49: {  	s0 =	rddreg [dreg:$0xb];
	[sflag:s14] =	ssyncadd.s32 $0xFFFFC000  }
0x4a: {  	[hbm4b:s0+s2] =	stream.linear.scatter [tilespmem:s10], [sflag:$0x5], $0x4000, $0x38;
	[tilespmem:$0x10800] =	vst v63  }
0x4b: {  	_ =	swait.ge [sflag:s3], $0x4000  }
0x4c: {  	[sflag:s3] =	ssyncset.done $0x0  }
0x4d: {  	[sflag:s3] =	ssyncadd.s32 $0xFFFFC000  }
0x4e: {  	[tilespmem:s10], [sflag:$0x1] =	stream.indirect.gather [hbm4b:s5+s12], $0x80, s24, s12, $0xb8;
	[tilespmem:$0x10800] =	vst v63  }
0x4f: {  	_ =	swait.ge [sflag:s11], $0x4000  }
0x50: {  	[sflag:s11] =	ssyncset.done $0x0  }
0x51: {  	s0 =	rddreg [dreg:$0xc];
	[sflag:s11] =	ssyncadd.s32 $0xFFFFC000  }
0x52: {  	[hbm4b:s0+s2] =	stream.linear.scatter [tilespmem:s8], [sflag:$0x5], $0x4000, $0x38;
	[tilespmem:$0x10800] =	vst v63  }
0x53: {  	_ =	swait.ge [sflag:s3], $0x4000  }
0x54: {  	[sflag:s3] =	ssyncset.done $0x0  }
0x55: {  	[sflag:s3] =	ssyncadd.s32 $0xFFFFC000  }
0x56: {  	[tilespmem:s8], [sflag:$0x2] =	stream.indirect.gather [hbm4b:s5+s12], $0x80, s23, s12, $0xb8;
	[tilespmem:$0x10800] =	vst v63  }
0x57: {  	_ =	swait.ge [sflag:s9], $0x4000  }
0x58: {  	[sflag:s9] =	ssyncset.done $0x0  }
0x59: {  	s0 =	rddreg [dreg:$0xd];
	[sflag:s9] =	ssyncadd.s32 $0xFFFFC000  }
0x5a: {  	[hbm4b:s0+s2] =	stream.linear.scatter [tilespmem:s6], [sflag:$0x5], $0x4000, $0x38;
	[tilespmem:$0x10800] =	vst v63  }
0x5b: {  	_ =	swait.ge [sflag:s3], $0x4000  }
0x5c: {  	[sflag:s3] =	ssyncset.done $0x0  }
0x5d: {  	[sflag:s3] =	ssyncadd.s32 $0xFFFFC000  }
0x5e: {  	[tilespmem:s6], [sflag:$0x3] =	stream.indirect.gather [hbm4b:s5+s12], $0x80, s22, s12, $0xb8;
	[tilespmem:$0x10800] =	vst v63  }
0x5f: {  	_ =	swait.ge [sflag:s7], $0x4000  }
0x60: {  	[sflag:s7] =	ssyncset.done $0x0  }
0x61: {  	s0 =	rddreg [dreg:$0xe];
	[sflag:s7] =	ssyncadd.s32 $0xFFFFC000  }
0x62: {  	[hbm4b:s0+s2] =	stream.linear.scatter [tilespmem:s4], [sflag:$0x5], $0x4000, $0x38;
	[tilespmem:$0x10800] =	vst v63  }
0x63: {  	_ =	swait.ge [sflag:s3], $0x4000  }
0x64: {  	[sflag:s3] =	ssyncset.done $0x0  }
0x65: {  	[sflag:s3] =	ssyncadd.s32 $0xFFFFC000  }
0x66: {  	[tilespmem:s4], [sflag:$0x4] =	stream.indirect.gather [hbm4b:s5+s12], $0x80, s21, s12, $0xb8;
	[tilespmem:$0x10800] =	vst v63  }
0x67: {  	_ =	swait.ge [sflag:s14], $0x4000  }
0x68: {  	[sflag:s14] =	ssyncset.done $0x0  }
0x69: {  	s0 =	rddreg [dreg:$0xf];
	[sflag:s14] =	ssyncadd.s32 $0xFFFFC000  }
0x6a: {  	[hbm4b:s0+s2] =	stream.linear.scatter [tilespmem:s10], [sflag:$0x5], $0x4000, $0x38;
	[tilespmem:$0x10800] =	vst v63  }
0x6b: {  	_ =	swait.ge [sflag:s3], $0x4000  }
0x6c: {  	[sflag:s3] =	ssyncset.done $0x0  }
0x6d: {  	[sflag:s3] =	ssyncadd.s32 $0xFFFFC000  }
0x6e: {  	[tilespmem:s10], [sflag:$0x1] =	stream.indirect.gather [hbm4b:s5+s12], $0x80, s20, s12, $0xb8;
	[tilespmem:$0x10800] =	vst v63  }
0x6f: {  	_ =	swait.ge [sflag:s11], $0x4000  }
0x70: {  	[sflag:s11] =	ssyncset.done $0x0  }
0x71: {  	[sflag:s11] =	ssyncadd.s32 $0xFFFFC000  }
0x72: {  	[hbm4b:s16+s2] =	stream.linear.scatter [tilespmem:s8], [sflag:$0x5], $0x4000, $0x38;
	[tilespmem:$0x10800] =	vst v63  }
0x73: {  	_ =	swait.ge [sflag:s3], $0x4000  }
0x74: {  	[sflag:s3] =	ssyncset.done $0x0  }
0x75: {  	[sflag:s3] =	ssyncadd.s32 $0xFFFFC000  }
0x76: {  	[tilespmem:s8], [sflag:$0x2] =	stream.indirect.gather [hbm4b:s5+s12], $0x80, s19, s12, $0xb8;
	[tilespmem:$0x10800] =	vst v63  }
0x77: {  	_ =	swait.ge [sflag:s9], $0x4000  }
0x78: {  	[sflag:s9] =	ssyncset.done $0x0  }
0x79: {  	[sflag:s9] =	ssyncadd.s32 $0xFFFFC000  }
0x7a: {  	[hbm4b:s15+s2] =	stream.linear.scatter [tilespmem:s6], [sflag:$0x5], $0x4000, $0x38;
	[tilespmem:$0x10800] =	vst v63  }
0x7b: {  	_ =	swait.ge [sflag:s3], $0x4000  }
0x7c: {  	[sflag:s3] =	ssyncset.done $0x0  }
0x7d: {  	[sflag:s3] =	ssyncadd.s32 $0xFFFFC000  }
0x7e: {  	[tilespmem:s6], [sflag:$0x3] =	stream.indirect.gather [hbm4b:s5+s12], $0x80, s18, s12, $0xb8;
	[tilespmem:$0x10800] =	vst v63  }
0x7f: {  	_ =	swait.ge [sflag:s7], $0x4000  }
0x80: {  	[sflag:s7] =	ssyncset.done $0x0  }
0x81: {  	[sflag:s7] =	ssyncadd.s32 $0xFFFFC000  }
0x82: {  	[hbm4b:s13+s2] =	stream.linear.scatter [tilespmem:s4], [sflag:$0x5], $0x4000, $0x38;
	[tilespmem:$0x10800] =	vst v63  }
0x83: {  	_ =	swait.ge [sflag:s3], $0x4000  }
0x84: {  	[sflag:s3] =	ssyncset.done $0x0  }
0x85: {  	[sflag:s3] =	ssyncadd.s32 $0xFFFFC000  }
0x86: {  	[tilespmem:s4], [sflag:$0x4] =	stream.indirect.gather [hbm4b:s5+s12], $0x80, s17, s12, $0xb8;
	[tilespmem:$0x10800] =	vst v63  }
0x87: {  	_ =	swait.ge [sflag:s14], $0x4000  }
0x88: {  	[sflag:s14] =	ssyncset.done $0x0  }
0x89: {  	s0 =	rddreg [dreg:$0x3];
	[sflag:s14] =	ssyncadd.s32 $0xFFFFC000  }
0x8a: {  	[hbm4b:s0+s2] =	stream.linear.scatter [tilespmem:s10], [sflag:$0x5], $0x4000, $0x38;
	[tilespmem:$0x10800] =	vst v63  }
0x8b: {  	_ =	swait.ge [sflag:s3], $0x4000  }
0x8c: {  	[sflag:s3] =	ssyncset.done $0x0  }
0x8d: {  	[sflag:s3] =	ssyncadd.s32 $0xFFFFC000  }
0x8e: {  	_ =	swait.ge [sflag:s11], $0x4000  }
0x8f: {  	[sflag:s11] =	ssyncset.done $0x0  }
0x90: {  	s0 =	rddreg [dreg:$0x4];
	[sflag:s11] =	ssyncadd.s32 $0xFFFFC000  }
0x91: {  	[hbm4b:s0+s2] =	stream.linear.scatter [tilespmem:s8], [sflag:$0x5], $0x4000, $0x38;
	[tilespmem:$0x10800] =	vst v63  }
0x92: {  	_ =	swait.ge [sflag:s3], $0x4000  }
0x93: {  	[sflag:s3] =	ssyncset.done $0x0  }
0x94: {  	[sflag:s3] =	ssyncadd.s32 $0xFFFFC000  }
0x95: {  	_ =	swait.ge [sflag:s9], $0x4000  }
0x96: {  	[sflag:s9] =	ssyncset.done $0x0  }
0x97: {  	s0 =	rddreg [dreg:$0x5];
	[sflag:s9] =	ssyncadd.s32 $0xFFFFC000  }
0x98: {  	[hbm4b:s0+s2] =	stream.linear.scatter [tilespmem:s6], [sflag:$0x5], $0x4000, $0x38;
	[tilespmem:$0x10800] =	vst v63  }
0x99: {  	_ =	swait.ge [sflag:s3], $0x4000  }
0x9a: {  	[sflag:s3] =	ssyncset.done $0x0  }
0x9b: {  	[sflag:s3] =	ssyncadd.s32 $0xFFFFC000  }
0x9c: {  	p1 =	sne.s32 s1, $0x1;
	_ =	swait.ge [sflag:s7], $0x4000  }
.Ltmp1:
0x9d: {  	[sflag:s7] =	ssyncset.done $0x0;
	(pc) =	sbr.rel @!p1 .LBB2_3-.Ltmp1, $4  }
0x9e: {  	s0 =	rddreg [dreg:$0x6];
	[sflag:s7] =	ssyncadd.s32 $0xFFFFC000  }
0x9f: {  	[hbm4b:s0+s2] =	stream.linear.scatter [tilespmem:s4], [sflag:$0x5], $0x4000, $0x38;
	[tilespmem:$0x10800] =	vst v63  }
0xa0: {  	s1 =	sadd.s32 $0xFFFFFFFF, s1;
	_ =	swait.ge [sflag:s3], $0x4000  }
0xa1: {  	p0 =	por $0x1, $0x1;
	s0 =	rddreg [dreg:$0x2];
	[sflag:s3] =	ssyncset.done $0x0  }
.LBB2_2:
0xa2: {  	[sflag:s3] =	ssyncadd.s32 $0xFFFFC000  }
0xa3: {  	[tilespmem:s2], [sflag:$0x5] =	stream.linear.gather [hbm4b:s0+s2], $0x800, $0x38;
	[tilespmem:$0x10800] =	vst v63  }
0xa4: {  	_ =	swait.ge [sflag:s3], $0x800  }
0xa5: {  	[sflag:s3] =	ssyncset.done $0x0  }
0xa6: {  	[sflag:s3] =	ssyncadd.s32 $0xFFFFF800  }
0xa7: {  	[tilespmem:s10], [sflag:$0x1] =	stream.indirect.gather [hbm4b:s5+s12], $0x80, s2, s12, $0xb8;
	[tilespmem:$0x10800] =	vst v63  }
0xa8: {  	_ = 	snop  }
0xa9: {  	[tilespmem:s8], [sflag:$0x2] =	stream.indirect.gather [hbm4b:s5+s12], $0x80, s12, s12, $0xb8;
	[tilespmem:$0x10800] =	vst v63  }
0xaa: {  	_ = 	snop  }
0xab: {  	[tilespmem:s6], [sflag:$0x3] =	stream.indirect.gather [hbm4b:s5+s12], $0x80, s30, s12, $0xb8;
	[tilespmem:$0x10800] =	vst v63  }
0xac: {  	_ = 	snop  }
0xad: {  	[tilespmem:s4], [sflag:$0x4] =	stream.indirect.gather [hbm4b:s5+s12], $0x80, s31, s12, $0xb8;
	[tilespmem:$0x10800] =	vst v63  }
0xae: {  	_ =	swait.ge [sflag:s14], $0x4000  }
0xaf: {  	[sflag:s14] =	ssyncset.done $0x0  }
0xb0: {  	s0 =	rddreg [dreg:$0x7];
	[sflag:s14] =	ssyncadd.s32 $0xFFFFC000  }
0xb1: {  	[hbm4b:s0+s2] =	stream.linear.scatter [tilespmem:s10], [sflag:$0x5], $0x4000, $0x38;
	[tilespmem:$0x10800] =	vst v63  }
0xb2: {  	_ =	swait.ge [sflag:s3], $0x4000  }
0xb3: {  	[sflag:s3] =	ssyncset.done $0x0  }
0xb4: {  	[sflag:s3] =	ssyncadd.s32 $0xFFFFC000  }
0xb5: {  	[tilespmem:s10], [sflag:$0x1] =	stream.indirect.gather [hbm4b:s5+s12], $0x80, s29, s12, $0xb8;
	[tilespmem:$0x10800] =	vst v63  }
0xb6: {  	_ =	swait.ge [sflag:s11], $0x4000  }
0xb7: {  	[sflag:s11] =	ssyncset.done $0x0  }
0xb8: {  	s0 =	rddreg [dreg:$0x8];
	[sflag:s11] =	ssyncadd.s32 $0xFFFFC000  }
0xb9: {  	[hbm4b:s0+s2] =	stream.linear.scatter [tilespmem:s8], [sflag:$0x5], $0x4000, $0x38;
	[tilespmem:$0x10800] =	vst v63  }
0xba: {  	_ =	swait.ge [sflag:s3], $0x4000  }
0xbb: {  	[sflag:s3] =	ssyncset.done $0x0  }
0xbc: {  	[sflag:s3] =	ssyncadd.s32 $0xFFFFC000  }
0xbd: {  	[tilespmem:s8], [sflag:$0x2] =	stream.indirect.gather [hbm4b:s5+s12], $0x80, s28, s12, $0xb8;
	[tilespmem:$0x10800] =	vst v63  }
0xbe: {  	_ =	swait.ge [sflag:s9], $0x4000  }
0xbf: {  	[sflag:s9] =	ssyncset.done $0x0  }
0xc0: {  	s0 =	rddreg [dreg:$0x9];
	[sflag:s9] =	ssyncadd.s32 $0xFFFFC000  }
0xc1: {  	[hbm4b:s0+s2] =	stream.linear.scatter [tilespmem:s6], [sflag:$0x5], $0x4000, $0x38;
	[tilespmem:$0x10800] =	vst v63  }
0xc2: {  	_ =	swait.ge [sflag:s3], $0x4000  }
0xc3: {  	[sflag:s3] =	ssyncset.done $0x0  }
0xc4: {  	[sflag:s3] =	ssyncadd.s32 $0xFFFFC000  }
0xc5: {  	[tilespmem:s6], [sflag:$0x3] =	stream.indirect.gather [hbm4b:s5+s12], $0x80, s26, s12, $0xb8;
	[tilespmem:$0x10800] =	vst v63  }
0xc6: {  	_ =	swait.ge [sflag:s7], $0x4000  }
0xc7: {  	[sflag:s7] =	ssyncset.done $0x0  }
0xc8: {  	s0 =	rddreg [dreg:$0xa];
	[sflag:s7] =	ssyncadd.s32 $0xFFFFC000  }
0xc9: {  	[hbm4b:s0+s2] =	stream.linear.scatter [tilespmem:s4], [sflag:$0x5], $0x4000, $0x38;
	[tilespmem:$0x10800] =	vst v63  }
0xca: {  	_ =	swait.ge [sflag:s3], $0x4000  }
0xcb: {  	[sflag:s3] =	ssyncset.done $0x0  }
0xcc: {  	[sflag:s3] =	ssyncadd.s32 $0xFFFFC000  }
0xcd: {  	[tilespmem:s4], [sflag:$0x4] =	stream.indirect.gather [hbm4b:s5+s12], $0x80, s25, s12, $0xb8;
	[tilespmem:$0x10800] =	vst v63  }
0xce: {  	_ =	swait.ge [sflag:s14], $0x4000  }
0xcf: {  	[sflag:s14] =	ssyncset.done $0x0  }
0xd0: {  	s0 =	rddreg [dreg:$0xb];
	[sflag:s14] =	ssyncadd.s32 $0xFFFFC000  }
0xd1: {  	[hbm4b:s0+s2] =	stream.linear.scatter [tilespmem:s10], [sflag:$0x5], $0x4000, $0x38;
	[tilespmem:$0x10800] =	vst v63  }
0xd2: {  	_ =	swait.ge [sflag:s3], $0x4000  }
0xd3: {  	[sflag:s3] =	ssyncset.done $0x0  }
0xd4: {  	[sflag:s3] =	ssyncadd.s32 $0xFFFFC000  }
0xd5: {  	[tilespmem:s10], [sflag:$0x1] =	stream.indirect.gather [hbm4b:s5+s12], $0x80, s24, s12, $0xb8;
	[tilespmem:$0x10800] =	vst v63  }
0xd6: {  	_ =	swait.ge [sflag:s11], $0x4000  }
0xd7: {  	[sflag:s11] =	ssyncset.done $0x0  }
0xd8: {  	s0 =	rddreg [dreg:$0xc];
	[sflag:s11] =	ssyncadd.s32 $0xFFFFC000  }
0xd9: {  	[hbm4b:s0+s2] =	stream.linear.scatter [tilespmem:s8], [sflag:$0x5], $0x4000, $0x38;
	[tilespmem:$0x10800] =	vst v63  }
0xda: {  	_ =	swait.ge [sflag:s3], $0x4000  }
0xdb: {  	[sflag:s3] =	ssyncset.done $0x0  }
0xdc: {  	[sflag:s3] =	ssyncadd.s32 $0xFFFFC000  }
0xdd: {  	[tilespmem:s8], [sflag:$0x2] =	stream.indirect.gather [hbm4b:s5+s12], $0x80, s23, s12, $0xb8;
	[tilespmem:$0x10800] =	vst v63  }
0xde: {  	_ =	swait.ge [sflag:s9], $0x4000  }
0xdf: {  	[sflag:s9] =	ssyncset.done $0x0  }
0xe0: {  	s0 =	rddreg [dreg:$0xd];
	[sflag:s9] =	ssyncadd.s32 $0xFFFFC000  }
0xe1: {  	[hbm4b:s0+s2] =	stream.linear.scatter [tilespmem:s6], [sflag:$0x5], $0x4000, $0x38;
	[tilespmem:$0x10800] =	vst v63  }
0xe2: {  	_ =	swait.ge [sflag:s3], $0x4000  }
0xe3: {  	[sflag:s3] =	ssyncset.done $0x0  }
0xe4: {  	[sflag:s3] =	ssyncadd.s32 $0xFFFFC000  }
0xe5: {  	[tilespmem:s6], [sflag:$0x3] =	stream.indirect.gather [hbm4b:s5+s12], $0x80, s22, s12, $0xb8;
	[tilespmem:$0x10800] =	vst v63  }
0xe6: {  	_ =	swait.ge [sflag:s7], $0x4000  }
0xe7: {  	[sflag:s7] =	ssyncset.done $0x0  }
0xe8: {  	s0 =	rddreg [dreg:$0xe];
	[sflag:s7] =	ssyncadd.s32 $0xFFFFC000  }
0xe9: {  	[hbm4b:s0+s2] =	stream.linear.scatter [tilespmem:s4], [sflag:$0x5], $0x4000, $0x38;
	[tilespmem:$0x10800] =	vst v63  }
0xea: {  	_ =	swait.ge [sflag:s3], $0x4000  }
0xeb: {  	[sflag:s3] =	ssyncset.done $0x0  }
0xec: {  	[sflag:s3] =	ssyncadd.s32 $0xFFFFC000  }
0xed: {  	[tilespmem:s4], [sflag:$0x4] =	stream.indirect.gather [hbm4b:s5+s12], $0x80, s21, s12, $0xb8;
	[tilespmem:$0x10800] =	vst v63  }
0xee: {  	_ =	swait.ge [sflag:s14], $0x4000  }
0xef: {  	[sflag:s14] =	ssyncset.done $0x0  }
0xf0: {  	s0 =	rddreg [dreg:$0xf];
	[sflag:s14] =	ssyncadd.s32 $0xFFFFC000  }
0xf1: {  	[hbm4b:s0+s2] =	stream.linear.scatter [tilespmem:s10], [sflag:$0x5], $0x4000, $0x38;
	[tilespmem:$0x10800] =	vst v63  }
0xf2: {  	_ =	swait.ge [sflag:s3], $0x4000  }
0xf3: {  	[sflag:s3] =	ssyncset.done $0x0  }
0xf4: {  	[sflag:s3] =	ssyncadd.s32 $0xFFFFC000  }
0xf5: {  	[tilespmem:s10], [sflag:$0x1] =	stream.indirect.gather [hbm4b:s5+s12], $0x80, s20, s12, $0xb8;
	[tilespmem:$0x10800] =	vst v63  }
0xf6: {  	_ =	swait.ge [sflag:s11], $0x4000  }
0xf7: {  	[sflag:s11] =	ssyncset.done $0x0  }
0xf8: {  	[sflag:s11] =	ssyncadd.s32 $0xFFFFC000  }
0xf9: {  	[hbm4b:s16+s2] =	stream.linear.scatter [tilespmem:s8], [sflag:$0x5], $0x4000, $0x38;
	[tilespmem:$0x10800] =	vst v63  }
0xfa: {  	_ =	swait.ge [sflag:s3], $0x4000  }
0xfb: {  	[sflag:s3] =	ssyncset.done $0x0  }
0xfc: {  	[sflag:s3] =	ssyncadd.s32 $0xFFFFC000  }
0xfd: {  	[tilespmem:s8], [sflag:$0x2] =	stream.indirect.gather [hbm4b:s5+s12], $0x80, s19, s12, $0xb8;
	[tilespmem:$0x10800] =	vst v63  }
0xfe: {  	_ =	swait.ge [sflag:s9], $0x4000  }
0xff: {  	[sflag:s9] =	ssyncset.done $0x0  }
0x100: {  	[sflag:s9] =	ssyncadd.s32 $0xFFFFC000  }
0x101: {  	[hbm4b:s15+s2] =	stream.linear.scatter [tilespmem:s6], [sflag:$0x5], $0x4000, $0x38;
	[tilespmem:$0x10800] =	vst v63  }
0x102: {  	_ =	swait.ge [sflag:s3], $0x4000  }
0x103: {  	[sflag:s3] =	ssyncset.done $0x0  }
0x104: {  	[sflag:s3] =	ssyncadd.s32 $0xFFFFC000  }
0x105: {  	[tilespmem:s6], [sflag:$0x3] =	stream.indirect.gather [hbm4b:s5+s12], $0x80, s18, s12, $0xb8;
	[tilespmem:$0x10800] =	vst v63  }
0x106: {  	_ =	swait.ge [sflag:s7], $0x4000  }
0x107: {  	[sflag:s7] =	ssyncset.done $0x0  }
0x108: {  	[sflag:s7] =	ssyncadd.s32 $0xFFFFC000  }
0x109: {  	[hbm4b:s13+s2] =	stream.linear.scatter [tilespmem:s4], [sflag:$0x5], $0x4000, $0x38;
	[tilespmem:$0x10800] =	vst v63  }
0x10a: {  	_ =	swait.ge [sflag:s3], $0x4000  }
0x10b: {  	[sflag:s3] =	ssyncset.done $0x0  }
0x10c: {  	[sflag:s3] =	ssyncadd.s32 $0xFFFFC000  }
0x10d: {  	[tilespmem:s4], [sflag:$0x4] =	stream.indirect.gather [hbm4b:s5+s12], $0x80, s17, s12, $0xb8;
	[tilespmem:$0x10800] =	vst v63  }
0x10e: {  	_ =	swait.ge [sflag:s14], $0x4000  }
0x10f: {  	[sflag:s14] =	ssyncset.done $0x0  }
0x110: {  	s0 =	rddreg [dreg:$0x3];
	[sflag:s14] =	ssyncadd.s32 $0xFFFFC000  }
0x111: {  	[hbm4b:s0+s2] =	stream.linear.scatter [tilespmem:s10], [sflag:$0x5], $0x4000, $0x38;
	[tilespmem:$0x10800] =	vst v63  }
0x112: {  	_ =	swait.ge [sflag:s3], $0x4000  }
0x113: {  	[sflag:s3] =	ssyncset.done $0x0  }
0x114: {  	[sflag:s3] =	ssyncadd.s32 $0xFFFFC000  }
0x115: {  	_ =	swait.ge [sflag:s11], $0x4000  }
0x116: {  	[sflag:s11] =	ssyncset.done $0x0  }
0x117: {  	s0 =	rddreg [dreg:$0x4];
	[sflag:s11] =	ssyncadd.s32 $0xFFFFC000  }
0x118: {  	[hbm4b:s0+s2] =	stream.linear.scatter [tilespmem:s8], [sflag:$0x5], $0x4000, $0x38;
	[tilespmem:$0x10800] =	vst v63  }
0x119: {  	_ =	swait.ge [sflag:s3], $0x4000  }
0x11a: {  	[sflag:s3] =	ssyncset.done $0x0  }
0x11b: {  	[sflag:s3] =	ssyncadd.s32 $0xFFFFC000  }
0x11c: {  	_ =	swait.ge [sflag:s9], $0x4000  }
0x11d: {  	[sflag:s9] =	ssyncset.done $0x0  }
0x11e: {  	s0 =	rddreg [dreg:$0x5];
	[sflag:s9] =	ssyncadd.s32 $0xFFFFC000  }
0x11f: {  	[hbm4b:s0+s2] =	stream.linear.scatter [tilespmem:s6], [sflag:$0x5], $0x4000, $0x38;
	[tilespmem:$0x10800] =	vst v63  }
0x120: {  	_ =	swait.ge [sflag:s3], $0x4000  }
0x121: {  	[sflag:s3] =	ssyncset.done $0x0  }
0x122: {  	[sflag:s3] =	ssyncadd.s32 $0xFFFFC000  }
0x123: {  	p1 =	sne.s32 s1, $0x1;
	_ =	swait.ge [sflag:s7], $0x4000  }
.Ltmp2:
0x124: {  	[sflag:s7] =	ssyncset.done $0x0;
	(pc) =	sbr.rel @p1 .LBB2_2-.Ltmp2, $4  }
0x125: {  	s0 =	rddreg [dreg:$0x6];
	[sflag:s7] =	ssyncadd.s32 $0xFFFFC000  }
0x126: {  	[hbm4b:s0+s2] =	stream.linear.scatter [tilespmem:s4], [sflag:$0x5], $0x4000, $0x38;
	[tilespmem:$0x10800] =	vst v63  }
0x127: {  	_ =	swait.ge [sflag:s3], $0x4000  }
0x128: {  	s1 =	sadd.s32 $0xFFFFFFFF, s1;
	s0 =	rddreg [dreg:$0x2];
	[sflag:s3] =	ssyncset.done $0x0  }
.LBB2_3:
0x129: {  	[sflag:s3] =	ssyncadd.s32 @p0 $0xFFFFC000  }
0x12a: {  	[tilespmem:s2], [sflag:$0x5] =	stream.linear.gather [hbm4b:s0+s2], $0x800, $0x38;
	[tilespmem:$0x10800] =	vst v63  }
0x12b: {  	_ =	swait.ge [sflag:s3], $0x800  }
0x12c: {  	[sflag:s3] =	ssyncset.done $0x0  }
0x12d: {  	[sflag:s3] =	ssyncadd.s32 $0xFFFFF800  }
0x12e: {  	[tilespmem:s10], [sflag:$0x1] =	stream.indirect.gather [hbm4b:s5+s12], $0x80, s2, s12, $0xb8;
	[tilespmem:$0x10800] =	vst v63  }
0x12f: {  	_ = 	snop  }
0x130: {  	[tilespmem:s8], [sflag:$0x2] =	stream.indirect.gather [hbm4b:s5+s12], $0x80, s12, s12, $0xb8;
	[tilespmem:$0x10800] =	vst v63  }
0x131: {  	_ = 	snop  }
0x132: {  	[tilespmem:s6], [sflag:$0x3] =	stream.indirect.gather [hbm4b:s5+s12], $0x80, s30, s12, $0xb8;
	[tilespmem:$0x10800] =	vst v63  }
0x133: {  	_ = 	snop  }
0x134: {  	[tilespmem:s4], [sflag:$0x4] =	stream.indirect.gather [hbm4b:s5+s12], $0x80, s31, s12, $0xb8;
	[tilespmem:$0x10800] =	vst v63  }
0x135: {  	_ =	swait.ge [sflag:s14], $0x4000  }
0x136: {  	[sflag:s14] =	ssyncset.done $0x0  }
0x137: {  	s31 =	rddreg [dreg:$0x7];
	[sflag:s14] =	ssyncadd.s32 $0xFFFFC000  }
0x138: {  	[hbm4b:s31+s2] =	stream.linear.scatter [tilespmem:s10], [sflag:$0x5], $0x4000, $0x38;
	[tilespmem:$0x10800] =	vst v63  }
0x139: {  	_ =	swait.ge [sflag:s3], $0x4000  }
0x13a: {  	[sflag:s3] =	ssyncset.done $0x0  }
0x13b: {  	[sflag:s3] =	ssyncadd.s32 $0xFFFFC000  }
0x13c: {  	[tilespmem:s10], [sflag:$0x1] =	stream.indirect.gather [hbm4b:s5+s12], $0x80, s29, s12, $0xb8;
	[tilespmem:$0x10800] =	vst v63  }
0x13d: {  	_ =	swait.ge [sflag:s11], $0x4000  }
0x13e: {  	[sflag:s11] =	ssyncset.done $0x0  }
0x13f: {  	s1 =	rddreg [dreg:$0x8];
	[sflag:s11] =	ssyncadd.s32 $0xFFFFC000  }
0x140: {  	[hbm4b:s1+s2] =	stream.linear.scatter [tilespmem:s8], [sflag:$0x5], $0x4000, $0x38;
	[tilespmem:$0x10800] =	vst v63  }
0x141: {  	_ =	swait.ge [sflag:s3], $0x4000  }
0x142: {  	[sflag:s3] =	ssyncset.done $0x0  }
0x143: {  	[sflag:s3] =	ssyncadd.s32 $0xFFFFC000  }
0x144: {  	[tilespmem:s8], [sflag:$0x2] =	stream.indirect.gather [hbm4b:s5+s12], $0x80, s28, s12, $0xb8;
	[tilespmem:$0x10800] =	vst v63  }
0x145: {  	_ =	swait.ge [sflag:s9], $0x4000  }
0x146: {  	[sflag:s9] =	ssyncset.done $0x0  }
0x147: {  	s29 =	rddreg [dreg:$0x9];
	[sflag:s9] =	ssyncadd.s32 $0xFFFFC000  }
0x148: {  	[hbm4b:s29+s2] =	stream.linear.scatter [tilespmem:s6], [sflag:$0x5], $0x4000, $0x38;
	[tilespmem:$0x10800] =	vst v63  }
0x149: {  	_ =	swait.ge [sflag:s3], $0x4000  }
0x14a: {  	[sflag:s3] =	ssyncset.done $0x0  }
0x14b: {  	[sflag:s3] =	ssyncadd.s32 $0xFFFFC000  }
0x14c: {  	[tilespmem:s6], [sflag:$0x3] =	stream.indirect.gather [hbm4b:s5+s12], $0x80, s26, s12, $0xb8;
	[tilespmem:$0x10800] =	vst v63  }
0x14d: {  	_ =	swait.ge [sflag:s7], $0x4000  }
0x14e: {  	[sflag:s7] =	ssyncset.done $0x0  }
0x14f: {  	s30 =	rddreg [dreg:$0xa];
	[sflag:s7] =	ssyncadd.s32 $0xFFFFC000  }
0x150: {  	[hbm4b:s30+s2] =	stream.linear.scatter [tilespmem:s4], [sflag:$0x5], $0x4000, $0x38;
	[tilespmem:$0x10800] =	vst v63  }
0x151: {  	_ =	swait.ge [sflag:s3], $0x4000  }
0x152: {  	[sflag:s3] =	ssyncset.done $0x0  }
0x153: {  	[sflag:s3] =	ssyncadd.s32 $0xFFFFC000  }
0x154: {  	[tilespmem:s4], [sflag:$0x4] =	stream.indirect.gather [hbm4b:s5+s12], $0x80, s25, s12, $0xb8;
	[tilespmem:$0x10800] =	vst v63  }
0x155: {  	_ =	swait.ge [sflag:s14], $0x4000  }
0x156: {  	[sflag:s14] =	ssyncset.done $0x0  }
0x157: {  	s31 =	rddreg [dreg:$0xb];
	[sflag:s14] =	ssyncadd.s32 $0xFFFFC000  }
0x158: {  	[hbm4b:s31+s2] =	stream.linear.scatter [tilespmem:s10], [sflag:$0x5], $0x4000, $0x38;
	[tilespmem:$0x10800] =	vst v63  }
0x159: {  	_ =	swait.ge [sflag:s3], $0x4000  }
0x15a: {  	[sflag:s3] =	ssyncset.done $0x0  }
0x15b: {  	[sflag:s3] =	ssyncadd.s32 $0xFFFFC000  }
0x15c: {  	[tilespmem:s10], [sflag:$0x1] =	stream.indirect.gather [hbm4b:s5+s12], $0x80, s24, s12, $0xb8;
	[tilespmem:$0x10800] =	vst v63  }
0x15d: {  	_ =	swait.ge [sflag:s11], $0x4000  }
0x15e: {  	[sflag:s11] =	ssyncset.done $0x0  }
0x15f: {  	s1 =	rddreg [dreg:$0xc];
	[sflag:s11] =	ssyncadd.s32 $0xFFFFC000  }
0x160: {  	[hbm4b:s1+s2] =	stream.linear.scatter [tilespmem:s8], [sflag:$0x5], $0x4000, $0x38;
	[tilespmem:$0x10800] =	vst v63  }
0x161: {  	_ =	swait.ge [sflag:s3], $0x4000  }
0x162: {  	[sflag:s3] =	ssyncset.done $0x0  }
0x163: {  	[sflag:s3] =	ssyncadd.s32 $0xFFFFC000  }
0x164: {  	[tilespmem:s8], [sflag:$0x2] =	stream.indirect.gather [hbm4b:s5+s12], $0x80, s23, s12, $0xb8;
	[tilespmem:$0x10800] =	vst v63  }
0x165: {  	_ =	swait.ge [sflag:s9], $0x4000  }
0x166: {  	[sflag:s9] =	ssyncset.done $0x0  }
0x167: {  	s23 =	rddreg [dreg:$0xd];
	[sflag:s9] =	ssyncadd.s32 $0xFFFFC000  }
0x168: {  	[hbm4b:s23+s2] =	stream.linear.scatter [tilespmem:s6], [sflag:$0x5], $0x4000, $0x38;
	[tilespmem:$0x10800] =	vst v63  }
0x169: {  	_ =	swait.ge [sflag:s3], $0x4000  }
0x16a: {  	[sflag:s3] =	ssyncset.done $0x0  }
0x16b: {  	[sflag:s3] =	ssyncadd.s32 $0xFFFFC000  }
0x16c: {  	[tilespmem:s6], [sflag:$0x3] =	stream.indirect.gather [hbm4b:s5+s12], $0x80, s22, s12, $0xb8;
	[tilespmem:$0x10800] =	vst v63  }
0x16d: {  	_ =	swait.ge [sflag:s7], $0x4000  }
0x16e: {  	[sflag:s7] =	ssyncset.done $0x0  }
0x16f: {  	s24 =	rddreg [dreg:$0xe];
	[sflag:s7] =	ssyncadd.s32 $0xFFFFC000  }
0x170: {  	[hbm4b:s24+s2] =	stream.linear.scatter [tilespmem:s4], [sflag:$0x5], $0x4000, $0x38;
	[tilespmem:$0x10800] =	vst v63  }
0x171: {  	_ =	swait.ge [sflag:s3], $0x4000  }
0x172: {  	[sflag:s3] =	ssyncset.done $0x0  }
0x173: {  	[sflag:s3] =	ssyncadd.s32 $0xFFFFC000  }
0x174: {  	[tilespmem:s4], [sflag:$0x4] =	stream.indirect.gather [hbm4b:s5+s12], $0x80, s21, s12, $0xb8;
	[tilespmem:$0x10800] =	vst v63  }
0x175: {  	_ =	swait.ge [sflag:s14], $0x4000  }
0x176: {  	[sflag:s14] =	ssyncset.done $0x0  }
0x177: {  	s25 =	rddreg [dreg:$0xf];
	[sflag:s14] =	ssyncadd.s32 $0xFFFFC000  }
0x178: {  	[hbm4b:s25+s2] =	stream.linear.scatter [tilespmem:s10], [sflag:$0x5], $0x4000, $0x38;
	[tilespmem:$0x10800] =	vst v63  }
0x179: {  	_ =	swait.ge [sflag:s3], $0x4000  }
0x17a: {  	[sflag:s3] =	ssyncset.done $0x0  }
0x17b: {  	[sflag:s3] =	ssyncadd.s32 $0xFFFFC000  }
0x17c: {  	[tilespmem:s10], [sflag:$0x1] =	stream.indirect.gather [hbm4b:s5+s12], $0x80, s20, s12, $0xb8;
	[tilespmem:$0x10800] =	vst v63  }
0x17d: {  	_ =	swait.ge [sflag:s11], $0x4000  }
0x17e: {  	[sflag:s11] =	ssyncset.done $0x0  }
0x17f: {  	[sflag:s11] =	ssyncadd.s32 $0xFFFFC000  }
0x180: {  	[hbm4b:s16+s2] =	stream.linear.scatter [tilespmem:s8], [sflag:$0x5], $0x4000, $0x38;
	[tilespmem:$0x10800] =	vst v63  }
0x181: {  	_ =	swait.ge [sflag:s3], $0x4000  }
0x182: {  	[sflag:s3] =	ssyncset.done $0x0  }
0x183: {  	[sflag:s3] =	ssyncadd.s32 $0xFFFFC000  }
0x184: {  	[tilespmem:s8], [sflag:$0x2] =	stream.indirect.gather [hbm4b:s5+s12], $0x80, s19, s12, $0xb8;
	[tilespmem:$0x10800] =	vst v63  }
0x185: {  	_ =	swait.ge [sflag:s9], $0x4000  }
0x186: {  	[sflag:s9] =	ssyncset.done $0x0  }
0x187: {  	[sflag:s9] =	ssyncadd.s32 $0xFFFFC000  }
0x188: {  	[hbm4b:s15+s2] =	stream.linear.scatter [tilespmem:s6], [sflag:$0x5], $0x4000, $0x38;
	[tilespmem:$0x10800] =	vst v63  }
0x189: {  	_ =	swait.ge [sflag:s3], $0x4000  }
0x18a: {  	[sflag:s3] =	ssyncset.done $0x0  }
0x18b: {  	[sflag:s3] =	ssyncadd.s32 $0xFFFFC000  }
0x18c: {  	[tilespmem:s6], [sflag:$0x3] =	stream.indirect.gather [hbm4b:s5+s12], $0x80, s18, s12, $0xb8;
	[tilespmem:$0x10800] =	vst v63  }
0x18d: {  	_ =	swait.ge [sflag:s7], $0x4000  }
0x18e: {  	[sflag:s7] =	ssyncset.done $0x0  }
0x18f: {  	[sflag:s7] =	ssyncadd.s32 $0xFFFFC000  }
0x190: {  	[hbm4b:s13+s2] =	stream.linear.scatter [tilespmem:s4], [sflag:$0x5], $0x4000, $0x38;
	[tilespmem:$0x10800] =	vst v63  }
0x191: {  	_ =	swait.ge [sflag:s3], $0x4000  }
0x192: {  	[sflag:s3] =	ssyncset.done $0x0  }
0x193: {  	[sflag:s3] =	ssyncadd.s32 $0xFFFFC000  }
0x194: {  	[tilespmem:s4], [sflag:$0x4] =	stream.indirect.gather [hbm4b:s5+s12], $0x80, s17, s12, $0xb8;
	[tilespmem:$0x10800] =	vst v63  }
0x195: {  	_ =	swait.ge [sflag:s14], $0x4000  }
0x196: {  	[sflag:s14] =	ssyncset.done $0x0  }
0x197: {  	s26 =	rddreg [dreg:$0x3];
	[sflag:s14] =	ssyncadd.s32 $0xFFFFC000  }
0x198: {  	[hbm4b:s26+s2] =	stream.linear.scatter [tilespmem:s10], [sflag:$0x5], $0x4000, $0x38;
	[tilespmem:$0x10800] =	vst v63  }
0x199: {  	_ =	swait.ge [sflag:s3], $0x4000  }
0x19a: {  	[sflag:s3] =	ssyncset.done $0x0  }
0x19b: {  	[sflag:s3] =	ssyncadd.s32 $0xFFFFC000  }
0x19c: {  	_ =	swait.ge [sflag:s11], $0x4000  }
0x19d: {  	[sflag:s11] =	ssyncset.done $0x0  }
0x19e: {  	s28 =	rddreg [dreg:$0x4];
	[sflag:s11] =	ssyncadd.s32 $0xFFFFC000  }
0x19f: {  	[hbm4b:s28+s2] =	stream.linear.scatter [tilespmem:s8], [sflag:$0x5], $0x4000, $0x38;
	[tilespmem:$0x10800] =	vst v63  }
0x1a0: {  	_ =	swait.ge [sflag:s3], $0x4000  }
0x1a1: {  	[sflag:s3] =	ssyncset.done $0x0  }
0x1a2: {  	[sflag:s3] =	ssyncadd.s32 $0xFFFFC000  }
0x1a3: {  	_ =	swait.ge [sflag:s9], $0x4000  }
0x1a4: {  	[sflag:s9] =	ssyncset.done $0x0  }
0x1a5: {  	s29 =	rddreg [dreg:$0x5];
	[sflag:s9] =	ssyncadd.s32 $0xFFFFC000  }
0x1a6: {  	[hbm4b:s29+s2] =	stream.linear.scatter [tilespmem:s6], [sflag:$0x5], $0x4000, $0x38;
	[tilespmem:$0x10800] =	vst v63  }
0x1a7: {  	_ =	swait.ge [sflag:s3], $0x4000  }
0x1a8: {  	[sflag:s3] =	ssyncset.done $0x0  }
0x1a9: {  	[sflag:s3] =	ssyncadd.s32 $0xFFFFC000  }
0x1aa: {  	_ =	swait.ge [sflag:s7], $0x4000  }
0x1ab: {  	[sflag:s7] =	ssyncset.done $0x0  }
0x1ac: {  	s30 =	rddreg [dreg:$0x6];
	[sflag:s7] =	ssyncadd.s32 $0xFFFFC000  }
0x1ad: {  	[hbm4b:s30+s2] =	stream.linear.scatter [tilespmem:s4], [sflag:$0x5], $0x4000, $0x38;
	[tilespmem:$0x10800] =	vst v63  }
0x1ae: {  	_ =	swait.ge [sflag:s3], $0x4000  }
0x1af: {  	[sflag:s3] =	ssyncset.done $0x0  }
0x1b0: {  	[sflag:s3] =	ssyncadd.s32 $0xFFFFC000  }
0x1b1: {  	_ =	sfence.sel $0x180000  }
0x1b2: {  	[bflag:$0x0] =	sbarrier.arrive $0xFFFF  }
0x1b3: {  	_ =	strace $0x90000047  }
0x1b4: {  	s31 =	stileid.u32;
	[bflag:$0x2] =	sbarrier.arrive $0xFFFF  }
0x1b5: {  	p0 =	sne.s32 s31, $0x0;
	s0 =	rddreg [dreg:$0x1]  }
0x1b6: {  	s0 =	sadd.s32 @!p0 $0x100000, s0  }
0x1b7: {  	[sflag:s0] =	ssyncadd.tile.s32 @!p0 $0x1;
	_ =	shalt  }
.Lfunc_end2:
_tile_overlayer_lowered:
.L_overlay_start_2:
0x1b8: {  	(tag) =	ssettag $0x2  }
0x1b9: {  	s0 =	rddreg [dreg:$0x0];
	s2 =	stileid.u32  }
0x1ba: {  	s1 =	rddreg [dreg:$0x1];
	p0 =	sne.s32 s2, $0x0  }
0x1bb: {  	s3 =	rddreg [dreg:$0x2];
	[bflag:$0x3] =	sbarrier.arrive $0xFFFF;
	s2 =	simm.s32 @!p0 $0x1C05  }
0x1bc: {  	[timem:s3], [sflag:s2] =	dma.local @!p0 [hbm:s0], s1  }
0x1bd: {  	s0 =	simm.s32 @!p0 $0x5  }
0x1be: {  	_ =	swait.ge @!p0 [sflag:s0], s1  }
0x1bf: {  	s1 =	ssub.s32 @!p0 $0x0, s1;
	[sflag:s0] =	ssyncset.done @!p0 $0x0  }
0x1c0: {  	[sflag:s0] =	ssyncadd.s32 @!p0 s1  }
0x1c1: {  	[bflag:$0x3] =	sbarrier.arrive $0xFFFF  }
0x1c2: {  	_ =	shalt  }

// kernel: kernel.14.cloned.1.call-start
scs
__scs_entry_jumppad:
0x0: {  	(pc) =	sbr.rel $0x88, $3  }
0x1: {  	(tag) =	ssettag $0x0;
	lr =	simm.s32 $0x1  }
0x2: {  	[smem:$0x3F9C] =	sst lr;
	_ =	strace $0xD0000000  }
0x3: {  	_ = 	snop  }
0x4: {  	_ = 	snop  }
0x5: {  	_ = 	snop  }
0x6: {  	_ = 	snop  }
0x7: {  	_ = 	snop  }
__scs_overlays_trampoline_lowered:
0x8: {  	[smem:$0x3FAB] =	sst s0  }
0x9: {  	[smem:$0x3FAC] =	sst s1  }
0xa: {  	[smem:$0x3FAD] =	sst s2  }
0xb: {  	[smem:$0x3FAE] =	sst s3  }
0xc: {  	[smem:$0x3FAF] =	sst s4  }
0xd: {  	[smem:$0x3FB0] =	sst s5  }
0xe: {  	[smem:$0x3FB1] =	sst s6  }
0xf: {  	[smem:$0x3FB2] =	sst s7  }
0x10: {  	[smem:$0x3FB3] =	sst s8  }
0x11: {  	[smem:$0x3FB4] =	sst s9;
	s0 =	simm.s32 @!p0 $0x0  }
0x12: {  	s1 =	sld [smem:$0x3F9A];
	s0 =	simm.s32 @p0 $0x1  }
0x13: {  	[smem:$0x3FB5] =	sst s0;
	s0 =	simm.s32 @!p1 $0x0  }
0x14: {  	s2 =	sld [smem:$0x3F99];
	s0 =	simm.s32 @p1 $0x1  }
0x15: {  	[smem:$0x3FB6] =	sst s0;
	s0 =	simm.s32 @!p2 $0x0  }
0x16: {  	s3 =	sld [smem:$0x3FDB];
	s0 =	simm.s32 @p2 $0x1  }
0x17: {  	s4 =	simm.s32 $0x1BF5;
	[smem:$0x3FB8] =	sst s0  }
0x18: {  	s0 =	sld [smem:$0x3F9B];
	_ =	swait.ge [sflag:s4], $0x0  }
0x19: {  	s7 =	sld [smem:$0x3F9C]  }
0x1a: {  	s8 =	sadd.s32 $0xFFFFE003, lr  }
0x1b: {  	s9 =	sadd.s32 $0xFFFFFEF7, lr;
	s5 =	simm.s32 $0xFFFFFFFF;
	p2 =	slt.u32 s8, $0xFFFFF086  }
0x1c: {  	p1 =	slt.u32 s9, $0xF7A;
	s5 =	simm.s32 @!p2 $0x0  }
0x1d: {  	s5 =	simm.s32 @p1 $0x1;
	p0 =	seq.s32 s7, s2  }
0x1e: {  	s7 =	smul.u32 @!p0 $0xF7A, s2;
	p2 =	seq.s32 @!p0 s5, $0x0  }
0x1f: {  	s9 =	smul.u32 $0xF7A, s1;
	s8 =	simm.s32 @!p0 $0x1BF5;
	p2 =	por !p2, p0  }
0x20: {  	[sflag:s8] =	ssyncset.s32 @!p0 $0xFFFFF086;
	s6 =	sadd.s32 @!p0 s3, s7;
	s7 =	simm.s32 @!p0 $0x108  }
0x21: {  	s3 =	sadd.s32 s3, s9;
	s6 =	sadd.s32 @!p0 $0x88, s6;
	s7 =	simm.s32 @p2 $0x1082  }
0x22: {  	[simem:s7], [sflag:s8] =	dma.local @!p0 [hbm:s6], $0xF7A  }
0x23: {  	s9 =	sor.u32 $0xD0000000, s2;
	s6 =	simm.s32 $0x108;
	_ =	swait.ge @!p0 [sflag:s8], $0x0  }
0x24: {  	s3 =	sadd.s32 $0x88, s3;
	s6 =	simm.s32 @!p1 $0x1082;
	[sflag:s4] =	ssyncset.s32 $0xFFFFF086  }
0x25: {  	[simem:s6], [sflag:s4] =	dma.local [hbm:s3], $0xF7A  }
0x26: {  	[smem:$0x3F9C] =	sst s1;
	(tag) =	ssettag s2;
	_ =	strace s9  }
0x27: {  	s1 =	sld [smem:$0x3FAC]  }
0x28: {  	s2 =	sld [smem:$0x3FAD]  }
0x29: {  	s4 =	sld [smem:$0x3FAF]  }
0x2a: {  	p0 =	seq.s32 s5, $0x0;
	s5 =	sld [smem:$0x3FB0]  }
0x2b: {  	s6 =	sld [smem:$0x3FB1]  }
0x2c: {  	s7 =	sld [smem:$0x3FB2]  }
0x2d: {  	s3 =	simm.s32 $0x108;
	s8 =	sld [smem:$0x3FB3]  }
0x2e: {  	s3 =	simm.s32 @!p0 $0x1082;
	s9 =	sld [smem:$0x3FB4]  }
0x2f: {  	lr =	sadd.s32 s0, s3;
	s0 =	sld [smem:$0x3FAB]  }
0x30: {  	s3 =	sld [smem:$0x3FAE]  }
0x31: {  	[smem:$0x3FB7] =	sst s10  }
0x32: {  	s10 =	sld [smem:$0x3FB5];
	_ =	sdelay $0x3  }
0x33: {  	p0 =	seq.s32 s10, $0x1;
	s10 =	sld [smem:$0x3FB7];
	_ =	sdelay $0x3  }
0x34: {  	[smem:$0x3FB7] =	sst s10  }
0x35: {  	s10 =	sld [smem:$0x3FB6];
	_ =	sdelay $0x3  }
0x36: {  	p1 =	seq.s32 s10, $0x1;
	s10 =	sld [smem:$0x3FB7];
	_ =	sdelay $0x3  }
0x37: {  	[smem:$0x3FB7] =	sst s10  }
0x38: {  	s10 =	sld [smem:$0x3FB8]  }
0x39: {  	_ = 	snop;
	(pc) =	sbr.ind lr, $3  }
0x3a: {  	_ = 	snop  }
0x3b: {  	_ = 	snop  }
0x3c: {  	p2 =	seq.s32 s10, $0x1;
	s10 =	sld [smem:$0x3FB7]  }
0x3d: {  	_ =	shalt  }
0x3e: {  	_ =	shalt  }
0x3f: {  	_ =	shalt  }
0x40: {  	_ =	shalt  }
0x41: {  	_ =	shalt  }
0x42: {  	_ =	shalt  }
0x43: {  	_ =	shalt  }
0x44: {  	_ =	shalt  }
0x45: {  	_ =	shalt  }
0x46: {  	_ =	shalt  }
0x47: {  	_ =	shalt  }
0x48: {  	_ =	shalt  }
0x49: {  	_ =	shalt  }
0x4a: {  	_ =	shalt  }
0x4b: {  	_ =	shalt  }
0x4c: {  	_ =	shalt  }
0x4d: {  	_ =	shalt  }
0x4e: {  	_ =	shalt  }
0x4f: {  	_ =	shalt  }
0x50: {  	_ =	shalt  }
0x51: {  	_ =	shalt  }
0x52: {  	_ =	shalt  }
0x53: {  	_ =	shalt  }
0x54: {  	_ =	shalt  }
0x55: {  	_ =	shalt  }
0x56: {  	_ =	shalt  }
0x57: {  	_ =	shalt  }
0x58: {  	_ =	shalt  }
0x59: {  	_ =	shalt  }
0x5a: {  	_ =	shalt  }
0x5b: {  	_ =	shalt  }
0x5c: {  	_ =	shalt  }
0x5d: {  	_ =	shalt  }
0x5e: {  	_ =	shalt  }
0x5f: {  	_ =	shalt  }
0x60: {  	_ =	shalt  }
0x61: {  	_ =	shalt  }
0x62: {  	_ =	shalt  }
0x63: {  	_ =	shalt  }
0x64: {  	_ =	shalt  }
0x65: {  	_ =	shalt  }
0x66: {  	_ =	shalt  }
0x67: {  	_ =	shalt  }
0x68: {  	_ =	shalt  }
0x69: {  	_ =	shalt  }
0x6a: {  	_ =	shalt  }
0x6b: {  	_ =	shalt  }
0x6c: {  	_ =	shalt  }
0x6d: {  	_ =	shalt  }
0x6e: {  	_ =	shalt  }
0x6f: {  	_ =	shalt  }
0x70: {  	_ =	shalt  }
0x71: {  	_ =	shalt  }
0x72: {  	_ =	shalt  }
0x73: {  	_ =	shalt  }
0x74: {  	_ =	shalt  }
0x75: {  	_ =	shalt  }
0x76: {  	_ =	shalt  }
0x77: {  	_ =	shalt  }
0x78: {  	_ =	shalt  }
0x79: {  	_ =	shalt  }
0x7a: {  	_ =	shalt  }
0x7b: {  	_ =	shalt  }
0x7c: {  	_ =	shalt  }
0x7d: {  	_ =	shalt  }
0x7e: {  	_ =	shalt  }
0x7f: {  	_ =	shalt  }
0x80: {  	_ =	shalt  }
0x81: {  	_ =	shalt  }
0x82: {  	_ =	shalt  }
0x83: {  	_ =	shalt  }
0x84: {  	_ =	shalt  }
0x85: {  	_ =	shalt  }
0x86: {  	_ =	shalt  }
0x87: {  	_ =	shalt  }
.Lfunc_end0:
.L_simem_size_0:
called_computation.1_lowered:
.L_overlay_start_0:
0x88: {  	s2 =	sld [smem:$0x3FD9]  }
0x89: {  	s3 =	sld [smem:$0x3FFE];
	_ =	sdelay $0x1  }
0x8a: {  	s1 =	srdreg.scid  }
0x8b: {  	s0 =	sand.u32 $0x1, s1  }
0x8c: {  	s17 =	sshll.u32 s0, $0xA;
	s2 =	sadd.s32 s3, s2  }
0x8d: {  	s2 =	sadd.s32 s2, s17  }
0x8e: {  	[smem:$0x3FC3] =	sst s2  }
0x8f: {  	_ = 	snop  }
0x90: {  	(tm) =	ssettm $0x1  }
0x91: {  	s18 =	sld [smem:$0x3FFB];
	_ =	sdelay $0x3  }
0x92: {  	_ =	strace s18  }
0x93: {  	s2 =	sld [smem:$0x3FFC];
	_ =	sdelay $0x3  }
0x94: {  	_ =	strace s2  }
0x95: {  	s2 =	sld [smem:$0x3FFD];
	_ =	sdelay $0x3  }
0x96: {  	_ =	strace s2  }
0x97: {  	_ =	strace $0x8FFFFFFF  }
0x98: {  	s19 =	sld [smem:$0x3FDB];
	_ =	sdelay $0x1  }
0x99: {  	s20 =	simm.s32 $_scs_section_size  }
0x9a: {  	s4 =	simm.s32 $_size__tile_overlayer_lowered;
	s5 =	simm.s32 $_tile_overlayer_lowered  }
0x9b: {  	s6 =	simm.s32 $0x1BFF;
	s21 =	sshll.u32 s5, $0x1;
	s3 =	sadd.s32 s20, s19  }
0x9c: {  	s22 =	simm.s32 $0x0;
	s4 =	sshll.u32 s4, $0x1;
	s5 =	sadd.s32 s21, s3  }
0x9d: {  	[timem:s22], [sflag:s6] =	dma.local [hbm:s5], s4  }
0x9e: {  	_ =	swait.ge [sflag:s6], s4  }
0x9f: {  	s4 =	ssub.s32 $0x0, s4;
	[sflag:s6] =	ssyncset.done $0x0  }
0xa0: {  	[sflag:s6] =	ssyncadd.s32 s4;
	_ =	sdelay $0x1  }
0xa1: {  	s23 =	simm.s32 $0x1B8B  }
0xa2: {  	_ =	swait.ge [sflag:s23], $0x1  }
0xa3: {  	[sflag:s23] =	ssyncset.done $0x0  }
0xa4: {  	[sflag:s23] =	ssyncadd.s32 $0xFFFFFFFF  }
0xa5: {  	s4 =	sld [smem:$0x0]  }
0xa6: {  	s5 =	sand.u32 $0xFFFFFFFE, s1  }
0xa7: {  	p0 =	sne.s32 s1, s5  }
0xa8: {  	s5 =	sshll.u32 @p0 s5, $0xE  }
0xa9: {  	s5 =	sadd.s32 @p0 $0x11B8D, s5;
	s6 =	sshll.u32 @p0 s4, $0x11  }
0xaa: {  	s5 =	sor.u32 @p0 s6, s5  }
0xab: {  	[sflag:s5] =	ssyncadd.remote.s32 @p0 $0x1;
	_ =	sdelay $0x1  }
0xac: {  	s5 =	simm.s32 @p0 $0x1B8D  }
0xad: {  	_ =	swait.eq @p0 [sflag:s5], $0x1  }
0xae: {  	[sflag:s5] =	ssyncadd.s32 @p0 $0xFFFFFFFF  }
0xaf: {  	s6 =	sshll.u32 @!p0 s1, $0xE  }
0xb0: {  	s6 =	sor.u32 @!p0 $0x4000, s6;
	s5 =	simm.s32 @!p0 $0x1B8D  }
0xb1: {  	s4 =	sshll.u32 @!p0 s4, $0x11;
	s6 =	sadd.s32 @!p0 $0x11B8D, s6;
	_ =	swait.eq @!p0 [sflag:s5], $0x1  }
0xb2: {  	s4 =	sor.u32 @!p0 s4, s6;
	[sflag:s5] =	ssyncadd.s32 @!p0 $0xFFFFFFFF  }
0xb3: {  	s25 =	simm.s32 $0x1B8E;
	s24 =	sld [smem:$0x3FFE];
	[sflag:s4] =	ssyncadd.remote.s32 @!p0 $0x1  }
0xb4: {  	s26 =	simm.s32 $execute0_lowered;
	[smem:$0x3FD2] =	sst s25  }
0xb5: {  	s5 =	sshll.u32 s26, $0x1;
	_ =	strace $0x80000049;
	[dreg:$0x1] =	wrdreg $0xFFFFFFFF  }
0xb6: {  	s28 =	simm.s32 $_size_execute0_lowered;
	s3 =	sadd.s32 s3, s5;
	[dreg:$0x0] =	wrdreg $0x0  }
0xb7: {  	s5 =	sshll.u32 s28, $0x1;
	[dreg:$0x2] =	wrdreg s3  }
0xb8: {  	[dreg:$0x3] =	wrdreg s5  }
0xb9: {  	[dreg:$0x4] =	wrdreg $0xC0  }
0xba: {  	_ =	task [dreg:s22], $0x5FFFF  }
0xbb: {  	[dreg:$0x1] =	wrdreg $0xFFFFFFFF  }
0xbc: {  	[dreg:$0x0] =	wrdreg $0x60  }
0xbd: {  	[dreg:$0x2] =	wrdreg s24  }
0xbe: {  	[dreg:$0x3] =	wrdreg $0xA  }
0xbf: {  	_ =	task.clear_ibuf [dreg:s22], $0x4FFFF;
	_ =	strace $0x90000049  }
0xc0: {  	s29 =	simm.s32 $0xA;
	_ =	strace $0x8000004B  }
0xc1: {  	_ =	swait.ge [sflag:s29], $0x1  }
0xc2: {  	[sflag:s29] =	ssyncadd.s32 $0xFFFFFFFF  }
0xc3: {  	_ =	strace $0x9000004B  }
0xc4: {  	_ =	sfence  }
0xc5: {  	s30 =	sld [smem:$0x0];
	_ =	sdelay $0x2  }
0xc6: {  	s31 =	sshll.u32 s1, $0xD;
	s1 =	sshrl.u32 s1, $0x2  }
0xc7: {  	s4 =	sand.u32 $0x4000, s31;
	s1 =	sadd.s32 s1, s30  }
0xc8: {  	s0 =	sor.u32 s4, s0;
	s1 =	sshll.u32 s1, $0x11  }
0xc9: {  	s0 =	sor.u32 s1, s0  }
0xca: {  	s0 =	sadd.s32 $0x8F2B, s0  }
0xcb: {  	[sflag:s0] =	ssyncadd.remote.s32 $0x1  }
0xcc: {  	_ =	sfence.sel $0xFFFF  }
0xcd: {  	[dreg:$0x0] =	wrdreg $0xFFFFFFFF;
	(pc) =	sbr.abs _section_cstart, $3  }
0xce: {  	[dreg:$0x1] =	wrdreg $0xFFFFFFFF  }
0xcf: {  	_ =	task.clear_ibuf [dreg:s22], $0x2FFFF;
	_ =	strace $0x9FFFFFFF  }
0xd0: {  	(tm) =	ssettm $0x7FFFFFFF  }
0xd1: {  	_ =	shalt  }
tec
execute0_lowered:
.L_overlay_start_1:
0x0: {  	(tag) =	ssettag $0x1  }
0x1: {  	s0 =	srdreg.scid  }
0x2: {  	s1 =	stileid.u32;
	s3 =	rddreg [dreg:$0x0];
	s12 =	simm.s32 $0x80  }
0x3: {  	s10 =	simm.s32 $0x800;
	s8 =	simm.s32 $0x4800;
	s0 =	sand.u32 $0x1, s0  }
0x4: {  	s30 =	simm.s32 $0x100;
	s1 =	sshll.u32 s1, $0x5;
	s2 =	sshll.u32 s0, $0x4  }
0x5: {  	s6 =	simm.s32 $0x8800;
	s31 =	simm.s32 $0x180;
	s1 =	sor.u32 s2, s1  }
0x6: {  	s29 =	simm.s32 $0x200;
	s11 =	simm.s32 $0x2;
	s4 =	sshll.u32 s1, $0x4  }
0x7: {  	s2 =	simm.s32 $0x0;
	s1 =	sshll.u32 s1, $0xB;
	s4 =	sadd.s32 s4, s3  }
0x8: {  	[smem:$0x7FF] =	sst s2;
	s1 =	sadd.s32 s1, s3;
	s4 =	sadd.s32 $0x3400, s4  }
0x9: {  	_ =	strace $0x8000004A;
	s13 =	sadd.s32 $0x40F400, s1;
	[dreg:$0x2] =	wrdreg s4  }
0xa: {  	s28 =	simm.s32 $0x280;
	s14 =	sadd.s32 $0x40FC00, s1;
	[dreg:$0x3] =	wrdreg s13  }
0xb: {  	s9 =	simm.s32 $0x3;
	s15 =	sadd.s32 $0x410400, s1;
	[dreg:$0x4] =	wrdreg s14  }
0xc: {  	s7 =	simm.s32 $0x4;
	s16 =	sadd.s32 $0x410C00, s1;
	[dreg:$0x5] =	wrdreg s15  }
0xd: {  	p0 =	por $0x0, $0x0;
	s17 =	sadd.s32 $0x409400, s1;
	[dreg:$0x6] =	wrdreg s16  }
0xe: {  	s5 =	sadd.s32 $0x9400, s3;
	s18 =	sadd.s32 $0x409C00, s1;
	[dreg:$0x7] =	wrdreg s17  }
0xf: {  	s0 =	ssub.s32 $0x2, s0;
	s19 =	sadd.s32 $0x40A400, s1;
	[dreg:$0x8] =	wrdreg s18  }
0x10: {  	s24 =	sshrl.u32 s0, $0x1;
	s20 =	sadd.s32 $0x40AC00, s1;
	[dreg:$0x9] =	wrdreg s19  }
0x11: {  	s0 =	ssub.s32 s0, s24;
	s21 =	sadd.s32 $0x40B400, s1;
	[dreg:$0xa] =	wrdreg s20  }
0x12: {  	s24 =	simm.s32 $0x400;
	s22 =	sadd.s32 $0x40BC00, s1;
	[dreg:$0xb] =	wrdreg s21  }
0x13: {  	s0 =	smax.u32 s0, $0x1;
	s23 =	sadd.s32 $0x40C400, s1;
	[dreg:$0xc] =	wrdreg s22  }
0x14: {  	s3 =	simm.s32 $0x5;
	s25 =	sadd.s32 $0x40CC00, s1;
	[dreg:$0xd] =	wrdreg s23  }
0x15: {  	s26 =	sadd.s32 $0x40D400, s1;
	p1 =	sne.s32 s0, $0x1;
	[dreg:$0xe] =	wrdreg s25  }
0x16: {  	[dreg:$0xf] =	wrdreg s26;
	s16 =	sadd.s32 $0x40DC00, s1;
	s15 =	sadd.s32 $0x40E400, s1  }
.Ltmp0:
0x17: {  	s13 =	sadd.s32 $0x40EC00, s1;
	s4 =	simm.s32 $0xC800;
	(pc) =	sbr.rel @!p1 .LBB2_3-.Ltmp0, $4  }
0x18: {  	s14 =	simm.s32 $0x1;
	s26 =	simm.s32 $0x300;
	s25 =	simm.s32 $0x380  }
0x19: {  	s23 =	simm.s32 $0x480;
	s1 =	sadd.s32 $0xFFFFFFFF, s0;
	s22 =	simm.s32 $0x500  }
0x1a: {  	s21 =	simm.s32 $0x580;
	s20 =	simm.s32 $0x600;
	s19 =	simm.s32 $0x680  }
0x1b: {  	s18 =	simm.s32 $0x700;
	s17 =	simm.s32 $0x780;
	s0 =	rddreg [dreg:$0x2]  }
0x1c: {  	[tilespmem:s2], [sflag:$0x5] =	stream.linear.gather [hbm4b:s0+s2], $0x800, $0x38;
	[tilespmem:$0x10800] =	vst v63  }
0x1d: {  	_ =	swait.ge [sflag:s3], $0x800  }
0x1e: {  	[sflag:s3] =	ssyncset.done $0x0  }
0x1f: {  	[sflag:s3] =	ssyncadd.s32 $0xFFFFF800  }
0x20: {  	[tilespmem:s10], [sflag:$0x1] =	stream.indirect.gather [hbm4b:s5+s12], $0x80, s2, s12, $0xb8;
	[tilespmem:$0x10800] =	vst v63  }
0x21: {  	_ = 	snop  }
0x22: {  	[tilespmem:s8], [sflag:$0x2] =	stream.indirect.gather [hbm4b:s5+s12], $0x80, s12, s12, $0xb8;
	[tilespmem:$0x10800] =	vst v63  }
0x23: {  	_ = 	snop  }
0x24: {  	[tilespmem:s6], [sflag:$0x3] =	stream.indirect.gather [hbm4b:s5+s12], $0x80, s30, s12, $0xb8;
	[tilespmem:$0x10800] =	vst v63  }
0x25: {  	_ = 	snop  }
0x26: {  	[tilespmem:s4], [sflag:$0x4] =	stream.indirect.gather [hbm4b:s5+s12], $0x80, s31, s12, $0xb8;
	[tilespmem:$0x10800] =	vst v63  }
0x27: {  	_ =	swait.ge [sflag:s14], $0x4000  }
0x28: {  	[sflag:s14] =	ssyncset.done $0x0  }
0x29: {  	s0 =	rddreg [dreg:$0x7];
	[sflag:s14] =	ssyncadd.s32 $0xFFFFC000  }
0x2a: {  	[hbm4b:s0+s2] =	stream.linear.scatter [tilespmem:s10], [sflag:$0x5], $0x4000, $0x38;
	[tilespmem:$0x10800] =	vst v63  }
0x2b: {  	_ =	swait.ge [sflag:s3], $0x4000  }
0x2c: {  	[sflag:s3] =	ssyncset.done $0x0  }
0x2d: {  	[sflag:s3] =	ssyncadd.s32 $0xFFFFC000  }
0x2e: {  	[tilespmem:s10], [sflag:$0x1] =	stream.indirect.gather [hbm4b:s5+s12], $0x80, s29, s12, $0xb8;
	[tilespmem:$0x10800] =	vst v63  }
0x2f: {  	_ =	swait.ge [sflag:s11], $0x4000  }
0x30: {  	[sflag:s11] =	ssyncset.done $0x0  }
0x31: {  	s0 =	rddreg [dreg:$0x8];
	[sflag:s11] =	ssyncadd.s32 $0xFFFFC000  }
0x32: {  	[hbm4b:s0+s2] =	stream.linear.scatter [tilespmem:s8], [sflag:$0x5], $0x4000, $0x38;
	[tilespmem:$0x10800] =	vst v63  }
0x33: {  	_ =	swait.ge [sflag:s3], $0x4000  }
0x34: {  	[sflag:s3] =	ssyncset.done $0x0  }
0x35: {  	[sflag:s3] =	ssyncadd.s32 $0xFFFFC000  }
0x36: {  	[tilespmem:s8], [sflag:$0x2] =	stream.indirect.gather [hbm4b:s5+s12], $0x80, s28, s12, $0xb8;
	[tilespmem:$0x10800] =	vst v63  }
0x37: {  	_ =	swait.ge [sflag:s9], $0x4000  }
0x38: {  	[sflag:s9] =	ssyncset.done $0x0  }
0x39: {  	s0 =	rddreg [dreg:$0x9];
	[sflag:s9] =	ssyncadd.s32 $0xFFFFC000  }
0x3a: {  	[hbm4b:s0+s2] =	stream.linear.scatter [tilespmem:s6], [sflag:$0x5], $0x4000, $0x38;
	[tilespmem:$0x10800] =	vst v63  }
0x3b: {  	_ =	swait.ge [sflag:s3], $0x4000  }
0x3c: {  	[sflag:s3] =	ssyncset.done $0x0  }
0x3d: {  	[sflag:s3] =	ssyncadd.s32 $0xFFFFC000  }
0x3e: {  	[tilespmem:s6], [sflag:$0x3] =	stream.indirect.gather [hbm4b:s5+s12], $0x80, s26, s12, $0xb8;
	[tilespmem:$0x10800] =	vst v63  }
0x3f: {  	_ =	swait.ge [sflag:s7], $0x4000  }
0x40: {  	[sflag:s7] =	ssyncset.done $0x0  }
0x41: {  	s0 =	rddreg [dreg:$0xa];
	[sflag:s7] =	ssyncadd.s32 $0xFFFFC000  }
0x42: {  	[hbm4b:s0+s2] =	stream.linear.scatter [tilespmem:s4], [sflag:$0x5], $0x4000, $0x38;
	[tilespmem:$0x10800] =	vst v63  }
0x43: {  	_ =	swait.ge [sflag:s3], $0x4000  }
0x44: {  	[sflag:s3] =	ssyncset.done $0x0  }
0x45: {  	[sflag:s3] =	ssyncadd.s32 $0xFFFFC000  }
0x46: {  	[tilespmem:s4], [sflag:$0x4] =	stream.indirect.gather [hbm4b:s5+s12], $0x80, s25, s12, $0xb8;
	[tilespmem:$0x10800] =	vst v63  }
0x47: {  	_ =	swait.ge [sflag:s14], $0x4000  }
0x48: {  	[sflag:s14] =	ssyncset.done $0x0  }
0x49: {  	s0 =	rddreg [dreg:$0xb];
	[sflag:s14] =	ssyncadd.s32 $0xFFFFC000  }
0x4a: {  	[hbm4b:s0+s2] =	stream.linear.scatter [tilespmem:s10], [sflag:$0x5], $0x4000, $0x38;
	[tilespmem:$0x10800] =	vst v63  }
0x4b: {  	_ =	swait.ge [sflag:s3], $0x4000  }
0x4c: {  	[sflag:s3] =	ssyncset.done $0x0  }
0x4d: {  	[sflag:s3] =	ssyncadd.s32 $0xFFFFC000  }
0x4e: {  	[tilespmem:s10], [sflag:$0x1] =	stream.indirect.gather [hbm4b:s5+s12], $0x80, s24, s12, $0xb8;
	[tilespmem:$0x10800] =	vst v63  }
0x4f: {  	_ =	swait.ge [sflag:s11], $0x4000  }
0x50: {  	[sflag:s11] =	ssyncset.done $0x0  }
0x51: {  	s0 =	rddreg [dreg:$0xc];
	[sflag:s11] =	ssyncadd.s32 $0xFFFFC000  }
0x52: {  	[hbm4b:s0+s2] =	stream.linear.scatter [tilespmem:s8], [sflag:$0x5], $0x4000, $0x38;
	[tilespmem:$0x10800] =	vst v63  }
0x53: {  	_ =	swait.ge [sflag:s3], $0x4000  }
0x54: {  	[sflag:s3] =	ssyncset.done $0x0  }
0x55: {  	[sflag:s3] =	ssyncadd.s32 $0xFFFFC000  }
0x56: {  	[tilespmem:s8], [sflag:$0x2] =	stream.indirect.gather [hbm4b:s5+s12], $0x80, s23, s12, $0xb8;
	[tilespmem:$0x10800] =	vst v63  }
0x57: {  	_ =	swait.ge [sflag:s9], $0x4000  }
0x58: {  	[sflag:s9] =	ssyncset.done $0x0  }
0x59: {  	s0 =	rddreg [dreg:$0xd];
	[sflag:s9] =	ssyncadd.s32 $0xFFFFC000  }
0x5a: {  	[hbm4b:s0+s2] =	stream.linear.scatter [tilespmem:s6], [sflag:$0x5], $0x4000, $0x38;
	[tilespmem:$0x10800] =	vst v63  }
0x5b: {  	_ =	swait.ge [sflag:s3], $0x4000  }
0x5c: {  	[sflag:s3] =	ssyncset.done $0x0  }
0x5d: {  	[sflag:s3] =	ssyncadd.s32 $0xFFFFC000  }
0x5e: {  	[tilespmem:s6], [sflag:$0x3] =	stream.indirect.gather [hbm4b:s5+s12], $0x80, s22, s12, $0xb8;
	[tilespmem:$0x10800] =	vst v63  }
0x5f: {  	_ =	swait.ge [sflag:s7], $0x4000  }
0x60: {  	[sflag:s7] =	ssyncset.done $0x0  }
0x61: {  	s0 =	rddreg [dreg:$0xe];
	[sflag:s7] =	ssyncadd.s32 $0xFFFFC000  }
0x62: {  	[hbm4b:s0+s2] =	stream.linear.scatter [tilespmem:s4], [sflag:$0x5], $0x4000, $0x38;
	[tilespmem:$0x10800] =	vst v63  }
0x63: {  	_ =	swait.ge [sflag:s3], $0x4000  }
0x64: {  	[sflag:s3] =	ssyncset.done $0x0  }
0x65: {  	[sflag:s3] =	ssyncadd.s32 $0xFFFFC000  }
0x66: {  	[tilespmem:s4], [sflag:$0x4] =	stream.indirect.gather [hbm4b:s5+s12], $0x80, s21, s12, $0xb8;
	[tilespmem:$0x10800] =	vst v63  }
0x67: {  	_ =	swait.ge [sflag:s14], $0x4000  }
0x68: {  	[sflag:s14] =	ssyncset.done $0x0  }
0x69: {  	s0 =	rddreg [dreg:$0xf];
	[sflag:s14] =	ssyncadd.s32 $0xFFFFC000  }
0x6a: {  	[hbm4b:s0+s2] =	stream.linear.scatter [tilespmem:s10], [sflag:$0x5], $0x4000, $0x38;
	[tilespmem:$0x10800] =	vst v63  }
0x6b: {  	_ =	swait.ge [sflag:s3], $0x4000  }
0x6c: {  	[sflag:s3] =	ssyncset.done $0x0  }
0x6d: {  	[sflag:s3] =	ssyncadd.s32 $0xFFFFC000  }
0x6e: {  	[tilespmem:s10], [sflag:$0x1] =	stream.indirect.gather [hbm4b:s5+s12], $0x80, s20, s12, $0xb8;
	[tilespmem:$0x10800] =	vst v63  }
0x6f: {  	_ =	swait.ge [sflag:s11], $0x4000  }
0x70: {  	[sflag:s11] =	ssyncset.done $0x0  }
0x71: {  	[sflag:s11] =	ssyncadd.s32 $0xFFFFC000  }
0x72: {  	[hbm4b:s16+s2] =	stream.linear.scatter [tilespmem:s8], [sflag:$0x5], $0x4000, $0x38;
	[tilespmem:$0x10800] =	vst v63  }
0x73: {  	_ =	swait.ge [sflag:s3], $0x4000  }
0x74: {  	[sflag:s3] =	ssyncset.done $0x0  }
0x75: {  	[sflag:s3] =	ssyncadd.s32 $0xFFFFC000  }
0x76: {  	[tilespmem:s8], [sflag:$0x2] =	stream.indirect.gather [hbm4b:s5+s12], $0x80, s19, s12, $0xb8;
	[tilespmem:$0x10800] =	vst v63  }
0x77: {  	_ =	swait.ge [sflag:s9], $0x4000  }
0x78: {  	[sflag:s9] =	ssyncset.done $0x0  }
0x79: {  	[sflag:s9] =	ssyncadd.s32 $0xFFFFC000  }
0x7a: {  	[hbm4b:s15+s2] =	stream.linear.scatter [tilespmem:s6], [sflag:$0x5], $0x4000, $0x38;
	[tilespmem:$0x10800] =	vst v63  }
0x7b: {  	_ =	swait.ge [sflag:s3], $0x4000  }
0x7c: {  	[sflag:s3] =	ssyncset.done $0x0  }
0x7d: {  	[sflag:s3] =	ssyncadd.s32 $0xFFFFC000  }
0x7e: {  	[tilespmem:s6], [sflag:$0x3] =	stream.indirect.gather [hbm4b:s5+s12], $0x80, s18, s12, $0xb8;
	[tilespmem:$0x10800] =	vst v63  }
0x7f: {  	_ =	swait.ge [sflag:s7], $0x4000  }
0x80: {  	[sflag:s7] =	ssyncset.done $0x0  }
0x81: {  	[sflag:s7] =	ssyncadd.s32 $0xFFFFC000  }
0x82: {  	[hbm4b:s13+s2] =	stream.linear.scatter [tilespmem:s4], [sflag:$0x5], $0x4000, $0x38;
	[tilespmem:$0x10800] =	vst v63  }
0x83: {  	_ =	swait.ge [sflag:s3], $0x4000  }
0x84: {  	[sflag:s3] =	ssyncset.done $0x0  }
0x85: {  	[sflag:s3] =	ssyncadd.s32 $0xFFFFC000  }
0x86: {  	[tilespmem:s4], [sflag:$0x4] =	stream.indirect.gather [hbm4b:s5+s12], $0x80, s17, s12, $0xb8;
	[tilespmem:$0x10800] =	vst v63  }
0x87: {  	_ =	swait.ge [sflag:s14], $0x4000  }
0x88: {  	[sflag:s14] =	ssyncset.done $0x0  }
0x89: {  	s0 =	rddreg [dreg:$0x3];
	[sflag:s14] =	ssyncadd.s32 $0xFFFFC000  }
0x8a: {  	[hbm4b:s0+s2] =	stream.linear.scatter [tilespmem:s10], [sflag:$0x5], $0x4000, $0x38;
	[tilespmem:$0x10800] =	vst v63  }
0x8b: {  	_ =	swait.ge [sflag:s3], $0x4000  }
0x8c: {  	[sflag:s3] =	ssyncset.done $0x0  }
0x8d: {  	[sflag:s3] =	ssyncadd.s32 $0xFFFFC000  }
0x8e: {  	_ =	swait.ge [sflag:s11], $0x4000  }
0x8f: {  	[sflag:s11] =	ssyncset.done $0x0  }
0x90: {  	s0 =	rddreg [dreg:$0x4];
	[sflag:s11] =	ssyncadd.s32 $0xFFFFC000  }
0x91: {  	[hbm4b:s0+s2] =	stream.linear.scatter [tilespmem:s8], [sflag:$0x5], $0x4000, $0x38;
	[tilespmem:$0x10800] =	vst v63  }
0x92: {  	_ =	swait.ge [sflag:s3], $0x4000  }
0x93: {  	[sflag:s3] =	ssyncset.done $0x0  }
0x94: {  	[sflag:s3] =	ssyncadd.s32 $0xFFFFC000  }
0x95: {  	_ =	swait.ge [sflag:s9], $0x4000  }
0x96: {  	[sflag:s9] =	ssyncset.done $0x0  }
0x97: {  	s0 =	rddreg [dreg:$0x5];
	[sflag:s9] =	ssyncadd.s32 $0xFFFFC000  }
0x98: {  	[hbm4b:s0+s2] =	stream.linear.scatter [tilespmem:s6], [sflag:$0x5], $0x4000, $0x38;
	[tilespmem:$0x10800] =	vst v63  }
0x99: {  	_ =	swait.ge [sflag:s3], $0x4000  }
0x9a: {  	[sflag:s3] =	ssyncset.done $0x0  }
0x9b: {  	[sflag:s3] =	ssyncadd.s32 $0xFFFFC000  }
0x9c: {  	p1 =	sne.s32 s1, $0x1;
	_ =	swait.ge [sflag:s7], $0x4000  }
.Ltmp1:
0x9d: {  	[sflag:s7] =	ssyncset.done $0x0;
	(pc) =	sbr.rel @!p1 .LBB2_3-.Ltmp1, $4  }
0x9e: {  	s0 =	rddreg [dreg:$0x6];
	[sflag:s7] =	ssyncadd.s32 $0xFFFFC000  }
0x9f: {  	[hbm4b:s0+s2] =	stream.linear.scatter [tilespmem:s4], [sflag:$0x5], $0x4000, $0x38;
	[tilespmem:$0x10800] =	vst v63  }
0xa0: {  	s1 =	sadd.s32 $0xFFFFFFFF, s1;
	_ =	swait.ge [sflag:s3], $0x4000  }
0xa1: {  	p0 =	por $0x1, $0x1;
	s0 =	rddreg [dreg:$0x2];
	[sflag:s3] =	ssyncset.done $0x0  }
.LBB2_2:
0xa2: {  	[sflag:s3] =	ssyncadd.s32 $0xFFFFC000  }
0xa3: {  	[tilespmem:s2], [sflag:$0x5] =	stream.linear.gather [hbm4b:s0+s2], $0x800, $0x38;
	[tilespmem:$0x10800] =	vst v63  }
0xa4: {  	_ =	swait.ge [sflag:s3], $0x800  }
0xa5: {  	[sflag:s3] =	ssyncset.done $0x0  }
0xa6: {  	[sflag:s3] =	ssyncadd.s32 $0xFFFFF800  }
0xa7: {  	[tilespmem:s10], [sflag:$0x1] =	stream.indirect.gather [hbm4b:s5+s12], $0x80, s2, s12, $0xb8;
	[tilespmem:$0x10800] =	vst v63  }
0xa8: {  	_ = 	snop  }
0xa9: {  	[tilespmem:s8], [sflag:$0x2] =	stream.indirect.gather [hbm4b:s5+s12], $0x80, s12, s12, $0xb8;
	[tilespmem:$0x10800] =	vst v63  }
0xaa: {  	_ = 	snop  }
0xab: {  	[tilespmem:s6], [sflag:$0x3] =	stream.indirect.gather [hbm4b:s5+s12], $0x80, s30, s12, $0xb8;
	[tilespmem:$0x10800] =	vst v63  }
0xac: {  	_ = 	snop  }
0xad: {  	[tilespmem:s4], [sflag:$0x4] =	stream.indirect.gather [hbm4b:s5+s12], $0x80, s31, s12, $0xb8;
	[tilespmem:$0x10800] =	vst v63  }
0xae: {  	_ =	swait.ge [sflag:s14], $0x4000  }
0xaf: {  	[sflag:s14] =	ssyncset.done $0x0  }
0xb0: {  	s0 =	rddreg [dreg:$0x7];
	[sflag:s14] =	ssyncadd.s32 $0xFFFFC000  }
0xb1: {  	[hbm4b:s0+s2] =	stream.linear.scatter [tilespmem:s10], [sflag:$0x5], $0x4000, $0x38;
	[tilespmem:$0x10800] =	vst v63  }
0xb2: {  	_ =	swait.ge [sflag:s3], $0x4000  }
0xb3: {  	[sflag:s3] =	ssyncset.done $0x0  }
0xb4: {  	[sflag:s3] =	ssyncadd.s32 $0xFFFFC000  }
0xb5: {  	[tilespmem:s10], [sflag:$0x1] =	stream.indirect.gather [hbm4b:s5+s12], $0x80, s29, s12, $0xb8;
	[tilespmem:$0x10800] =	vst v63  }
0xb6: {  	_ =	swait.ge [sflag:s11], $0x4000  }
0xb7: {  	[sflag:s11] =	ssyncset.done $0x0  }
0xb8: {  	s0 =	rddreg [dreg:$0x8];
	[sflag:s11] =	ssyncadd.s32 $0xFFFFC000  }
0xb9: {  	[hbm4b:s0+s2] =	stream.linear.scatter [tilespmem:s8], [sflag:$0x5], $0x4000, $0x38;
	[tilespmem:$0x10800] =	vst v63  }
0xba: {  	_ =	swait.ge [sflag:s3], $0x4000  }
0xbb: {  	[sflag:s3] =	ssyncset.done $0x0  }
0xbc: {  	[sflag:s3] =	ssyncadd.s32 $0xFFFFC000  }
0xbd: {  	[tilespmem:s8], [sflag:$0x2] =	stream.indirect.gather [hbm4b:s5+s12], $0x80, s28, s12, $0xb8;
	[tilespmem:$0x10800] =	vst v63  }
0xbe: {  	_ =	swait.ge [sflag:s9], $0x4000  }
0xbf: {  	[sflag:s9] =	ssyncset.done $0x0  }
0xc0: {  	s0 =	rddreg [dreg:$0x9];
	[sflag:s9] =	ssyncadd.s32 $0xFFFFC000  }
0xc1: {  	[hbm4b:s0+s2] =	stream.linear.scatter [tilespmem:s6], [sflag:$0x5], $0x4000, $0x38;
	[tilespmem:$0x10800] =	vst v63  }
0xc2: {  	_ =	swait.ge [sflag:s3], $0x4000  }
0xc3: {  	[sflag:s3] =	ssyncset.done $0x0  }
0xc4: {  	[sflag:s3] =	ssyncadd.s32 $0xFFFFC000  }
0xc5: {  	[tilespmem:s6], [sflag:$0x3] =	stream.indirect.gather [hbm4b:s5+s12], $0x80, s26, s12, $0xb8;
	[tilespmem:$0x10800] =	vst v63  }
0xc6: {  	_ =	swait.ge [sflag:s7], $0x4000  }
0xc7: {  	[sflag:s7] =	ssyncset.done $0x0  }
0xc8: {  	s0 =	rddreg [dreg:$0xa];
	[sflag:s7] =	ssyncadd.s32 $0xFFFFC000  }
0xc9: {  	[hbm4b:s0+s2] =	stream.linear.scatter [tilespmem:s4], [sflag:$0x5], $0x4000, $0x38;
	[tilespmem:$0x10800] =	vst v63  }
0xca: {  	_ =	swait.ge [sflag:s3], $0x4000  }
0xcb: {  	[sflag:s3] =	ssyncset.done $0x0  }
0xcc: {  	[sflag:s3] =	ssyncadd.s32 $0xFFFFC000  }
0xcd: {  	[tilespmem:s4], [sflag:$0x4] =	stream.indirect.gather [hbm4b:s5+s12], $0x80, s25, s12, $0xb8;
	[tilespmem:$0x10800] =	vst v63  }
0xce: {  	_ =	swait.ge [sflag:s14], $0x4000  }
0xcf: {  	[sflag:s14] =	ssyncset.done $0x0  }
0xd0: {  	s0 =	rddreg [dreg:$0xb];
	[sflag:s14] =	ssyncadd.s32 $0xFFFFC000  }
0xd1: {  	[hbm4b:s0+s2] =	stream.linear.scatter [tilespmem:s10], [sflag:$0x5], $0x4000, $0x38;
	[tilespmem:$0x10800] =	vst v63  }
0xd2: {  	_ =	swait.ge [sflag:s3], $0x4000  }
0xd3: {  	[sflag:s3] =	ssyncset.done $0x0  }
0xd4: {  	[sflag:s3] =	ssyncadd.s32 $0xFFFFC000  }
0xd5: {  	[tilespmem:s10], [sflag:$0x1] =	stream.indirect.gather [hbm4b:s5+s12], $0x80, s24, s12, $0xb8;
	[tilespmem:$0x10800] =	vst v63  }
0xd6: {  	_ =	swait.ge [sflag:s11], $0x4000  }
0xd7: {  	[sflag:s11] =	ssyncset.done $0x0  }
0xd8: {  	s0 =	rddreg [dreg:$0xc];
	[sflag:s11] =	ssyncadd.s32 $0xFFFFC000  }
0xd9: {  	[hbm4b:s0+s2] =	stream.linear.scatter [tilespmem:s8], [sflag:$0x5], $0x4000, $0x38;
	[tilespmem:$0x10800] =	vst v63  }
0xda: {  	_ =	swait.ge [sflag:s3], $0x4000  }
0xdb: {  	[sflag:s3] =	ssyncset.done $0x0  }
0xdc: {  	[sflag:s3] =	ssyncadd.s32 $0xFFFFC000  }
0xdd: {  	[tilespmem:s8], [sflag:$0x2] =	stream.indirect.gather [hbm4b:s5+s12], $0x80, s23, s12, $0xb8;
	[tilespmem:$0x10800] =	vst v63  }
0xde: {  	_ =	swait.ge [sflag:s9], $0x4000  }
0xdf: {  	[sflag:s9] =	ssyncset.done $0x0  }
0xe0: {  	s0 =	rddreg [dreg:$0xd];
	[sflag:s9] =	ssyncadd.s32 $0xFFFFC000  }
0xe1: {  	[hbm4b:s0+s2] =	stream.linear.scatter [tilespmem:s6], [sflag:$0x5], $0x4000, $0x38;
	[tilespmem:$0x10800] =	vst v63  }
0xe2: {  	_ =	swait.ge [sflag:s3], $0x4000  }
0xe3: {  	[sflag:s3] =	ssyncset.done $0x0  }
0xe4: {  	[sflag:s3] =	ssyncadd.s32 $0xFFFFC000  }
0xe5: {  	[tilespmem:s6], [sflag:$0x3] =	stream.indirect.gather [hbm4b:s5+s12], $0x80, s22, s12, $0xb8;
	[tilespmem:$0x10800] =	vst v63  }
0xe6: {  	_ =	swait.ge [sflag:s7], $0x4000  }
0xe7: {  	[sflag:s7] =	ssyncset.done $0x0  }
0xe8: {  	s0 =	rddreg [dreg:$0xe];
	[sflag:s7] =	ssyncadd.s32 $0xFFFFC000  }
0xe9: {  	[hbm4b:s0+s2] =	stream.linear.scatter [tilespmem:s4], [sflag:$0x5], $0x4000, $0x38;
	[tilespmem:$0x10800] =	vst v63  }
0xea: {  	_ =	swait.ge [sflag:s3], $0x4000  }
0xeb: {  	[sflag:s3] =	ssyncset.done $0x0  }
0xec: {  	[sflag:s3] =	ssyncadd.s32 $0xFFFFC000  }
0xed: {  	[tilespmem:s4], [sflag:$0x4] =	stream.indirect.gather [hbm4b:s5+s12], $0x80, s21, s12, $0xb8;
	[tilespmem:$0x10800] =	vst v63  }
0xee: {  	_ =	swait.ge [sflag:s14], $0x4000  }
0xef: {  	[sflag:s14] =	ssyncset.done $0x0  }
0xf0: {  	s0 =	rddreg [dreg:$0xf];
	[sflag:s14] =	ssyncadd.s32 $0xFFFFC000  }
0xf1: {  	[hbm4b:s0+s2] =	stream.linear.scatter [tilespmem:s10], [sflag:$0x5], $0x4000, $0x38;
	[tilespmem:$0x10800] =	vst v63  }
0xf2: {  	_ =	swait.ge [sflag:s3], $0x4000  }
0xf3: {  	[sflag:s3] =	ssyncset.done $0x0  }
0xf4: {  	[sflag:s3] =	ssyncadd.s32 $0xFFFFC000  }
0xf5: {  	[tilespmem:s10], [sflag:$0x1] =	stream.indirect.gather [hbm4b:s5+s12], $0x80, s20, s12, $0xb8;
	[tilespmem:$0x10800] =	vst v63  }
0xf6: {  	_ =	swait.ge [sflag:s11], $0x4000  }
0xf7: {  	[sflag:s11] =	ssyncset.done $0x0  }
0xf8: {  	[sflag:s11] =	ssyncadd.s32 $0xFFFFC000  }
0xf9: {  	[hbm4b:s16+s2] =	stream.linear.scatter [tilespmem:s8], [sflag:$0x5], $0x4000, $0x38;
	[tilespmem:$0x10800] =	vst v63  }
0xfa: {  	_ =	swait.ge [sflag:s3], $0x4000  }
0xfb: {  	[sflag:s3] =	ssyncset.done $0x0  }
0xfc: {  	[sflag:s3] =	ssyncadd.s32 $0xFFFFC000  }
0xfd: {  	[tilespmem:s8], [sflag:$0x2] =	stream.indirect.gather [hbm4b:s5+s12], $0x80, s19, s12, $0xb8;
	[tilespmem:$0x10800] =	vst v63  }
0xfe: {  	_ =	swait.ge [sflag:s9], $0x4000  }
0xff: {  	[sflag:s9] =	ssyncset.done $0x0  }
0x100: {  	[sflag:s9] =	ssyncadd.s32 $0xFFFFC000  }
0x101: {  	[hbm4b:s15+s2] =	stream.linear.scatter [tilespmem:s6], [sflag:$0x5], $0x4000, $0x38;
	[tilespmem:$0x10800] =	vst v63  }
0x102: {  	_ =	swait.ge [sflag:s3], $0x4000  }
0x103: {  	[sflag:s3] =	ssyncset.done $0x0  }
0x104: {  	[sflag:s3] =	ssyncadd.s32 $0xFFFFC000  }
0x105: {  	[tilespmem:s6], [sflag:$0x3] =	stream.indirect.gather [hbm4b:s5+s12], $0x80, s18, s12, $0xb8;
	[tilespmem:$0x10800] =	vst v63  }
0x106: {  	_ =	swait.ge [sflag:s7], $0x4000  }
0x107: {  	[sflag:s7] =	ssyncset.done $0x0  }
0x108: {  	[sflag:s7] =	ssyncadd.s32 $0xFFFFC000  }
0x109: {  	[hbm4b:s13+s2] =	stream.linear.scatter [tilespmem:s4], [sflag:$0x5], $0x4000, $0x38;
	[tilespmem:$0x10800] =	vst v63  }
0x10a: {  	_ =	swait.ge [sflag:s3], $0x4000  }
0x10b: {  	[sflag:s3] =	ssyncset.done $0x0  }
0x10c: {  	[sflag:s3] =	ssyncadd.s32 $0xFFFFC000  }
0x10d: {  	[tilespmem:s4], [sflag:$0x4] =	stream.indirect.gather [hbm4b:s5+s12], $0x80, s17, s12, $0xb8;
	[tilespmem:$0x10800] =	vst v63  }
0x10e: {  	_ =	swait.ge [sflag:s14], $0x4000  }
0x10f: {  	[sflag:s14] =	ssyncset.done $0x0  }
0x110: {  	s0 =	rddreg [dreg:$0x3];
	[sflag:s14] =	ssyncadd.s32 $0xFFFFC000  }
0x111: {  	[hbm4b:s0+s2] =	stream.linear.scatter [tilespmem:s10], [sflag:$0x5], $0x4000, $0x38;
	[tilespmem:$0x10800] =	vst v63  }
0x112: {  	_ =	swait.ge [sflag:s3], $0x4000  }
0x113: {  	[sflag:s3] =	ssyncset.done $0x0  }
0x114: {  	[sflag:s3] =	ssyncadd.s32 $0xFFFFC000  }
0x115: {  	_ =	swait.ge [sflag:s11], $0x4000  }
0x116: {  	[sflag:s11] =	ssyncset.done $0x0  }
0x117: {  	s0 =	rddreg [dreg:$0x4];
	[sflag:s11] =	ssyncadd.s32 $0xFFFFC000  }
0x118: {  	[hbm4b:s0+s2] =	stream.linear.scatter [tilespmem:s8], [sflag:$0x5], $0x4000, $0x38;
	[tilespmem:$0x10800] =	vst v63  }
0x119: {  	_ =	swait.ge [sflag:s3], $0x4000  }
0x11a: {  	[sflag:s3] =	ssyncset.done $0x0  }
0x11b: {  	[sflag:s3] =	ssyncadd.s32 $0xFFFFC000  }
0x11c: {  	_ =	swait.ge [sflag:s9], $0x4000  }
0x11d: {  	[sflag:s9] =	ssyncset.done $0x0  }
0x11e: {  	s0 =	rddreg [dreg:$0x5];
	[sflag:s9] =	ssyncadd.s32 $0xFFFFC000  }
0x11f: {  	[hbm4b:s0+s2] =	stream.linear.scatter [tilespmem:s6], [sflag:$0x5], $0x4000, $0x38;
	[tilespmem:$0x10800] =	vst v63  }
0x120: {  	_ =	swait.ge [sflag:s3], $0x4000  }
0x121: {  	[sflag:s3] =	ssyncset.done $0x0  }
0x122: {  	[sflag:s3] =	ssyncadd.s32 $0xFFFFC000  }
0x123: {  	p1 =	sne.s32 s1, $0x1;
	_ =	swait.ge [sflag:s7], $0x4000  }
.Ltmp2:
0x124: {  	[sflag:s7] =	ssyncset.done $0x0;
	(pc) =	sbr.rel @p1 .LBB2_2-.Ltmp2, $4  }
0x125: {  	s0 =	rddreg [dreg:$0x6];
	[sflag:s7] =	ssyncadd.s32 $0xFFFFC000  }
0x126: {  	[hbm4b:s0+s2] =	stream.linear.scatter [tilespmem:s4], [sflag:$0x5], $0x4000, $0x38;
	[tilespmem:$0x10800] =	vst v63  }
0x127: {  	_ =	swait.ge [sflag:s3], $0x4000  }
0x128: {  	s1 =	sadd.s32 $0xFFFFFFFF, s1;
	s0 =	rddreg [dreg:$0x2];
	[sflag:s3] =	ssyncset.done $0x0  }
.LBB2_3:
0x129: {  	[sflag:s3] =	ssyncadd.s32 @p0 $0xFFFFC000  }
0x12a: {  	[tilespmem:s2], [sflag:$0x5] =	stream.linear.gather [hbm4b:s0+s2], $0x800, $0x38;
	[tilespmem:$0x10800] =	vst v63  }
0x12b: {  	_ =	swait.ge [sflag:s3], $0x800  }
0x12c: {  	[sflag:s3] =	ssyncset.done $0x0  }
0x12d: {  	[sflag:s3] =	ssyncadd.s32 $0xFFFFF800  }
0x12e: {  	[tilespmem:s10], [sflag:$0x1] =	stream.indirect.gather [hbm4b:s5+s12], $0x80, s2, s12, $0xb8;
	[tilespmem:$0x10800] =	vst v63  }
0x12f: {  	_ = 	snop  }
0x130: {  	[tilespmem:s8], [sflag:$0x2] =	stream.indirect.gather [hbm4b:s5+s12], $0x80, s12, s12, $0xb8;
	[tilespmem:$0x10800] =	vst v63  }
0x131: {  	_ = 	snop  }
0x132: {  	[tilespmem:s6], [sflag:$0x3] =	stream.indirect.gather [hbm4b:s5+s12], $0x80, s30, s12, $0xb8;
	[tilespmem:$0x10800] =	vst v63  }
0x133: {  	_ = 	snop  }
0x134: {  	[tilespmem:s4], [sflag:$0x4] =	stream.indirect.gather [hbm4b:s5+s12], $0x80, s31, s12, $0xb8;
	[tilespmem:$0x10800] =	vst v63  }
0x135: {  	_ =	swait.ge [sflag:s14], $0x4000  }
0x136: {  	[sflag:s14] =	ssyncset.done $0x0  }
0x137: {  	s31 =	rddreg [dreg:$0x7];
	[sflag:s14] =	ssyncadd.s32 $0xFFFFC000  }
0x138: {  	[hbm4b:s31+s2] =	stream.linear.scatter [tilespmem:s10], [sflag:$0x5], $0x4000, $0x38;
	[tilespmem:$0x10800] =	vst v63  }
0x139: {  	_ =	swait.ge [sflag:s3], $0x4000  }
0x13a: {  	[sflag:s3] =	ssyncset.done $0x0  }
0x13b: {  	[sflag:s3] =	ssyncadd.s32 $0xFFFFC000  }
0x13c: {  	[tilespmem:s10], [sflag:$0x1] =	stream.indirect.gather [hbm4b:s5+s12], $0x80, s29, s12, $0xb8;
	[tilespmem:$0x10800] =	vst v63  }
0x13d: {  	_ =	swait.ge [sflag:s11], $0x4000  }
0x13e: {  	[sflag:s11] =	ssyncset.done $0x0  }
0x13f: {  	s1 =	rddreg [dreg:$0x8];
	[sflag:s11] =	ssyncadd.s32 $0xFFFFC000  }
0x140: {  	[hbm4b:s1+s2] =	stream.linear.scatter [tilespmem:s8], [sflag:$0x5], $0x4000, $0x38;
	[tilespmem:$0x10800] =	vst v63  }
0x141: {  	_ =	swait.ge [sflag:s3], $0x4000  }
0x142: {  	[sflag:s3] =	ssyncset.done $0x0  }
0x143: {  	[sflag:s3] =	ssyncadd.s32 $0xFFFFC000  }
0x144: {  	[tilespmem:s8], [sflag:$0x2] =	stream.indirect.gather [hbm4b:s5+s12], $0x80, s28, s12, $0xb8;
	[tilespmem:$0x10800] =	vst v63  }
0x145: {  	_ =	swait.ge [sflag:s9], $0x4000  }
0x146: {  	[sflag:s9] =	ssyncset.done $0x0  }
0x147: {  	s29 =	rddreg [dreg:$0x9];
	[sflag:s9] =	ssyncadd.s32 $0xFFFFC000  }
0x148: {  	[hbm4b:s29+s2] =	stream.linear.scatter [tilespmem:s6], [sflag:$0x5], $0x4000, $0x38;
	[tilespmem:$0x10800] =	vst v63  }
0x149: {  	_ =	swait.ge [sflag:s3], $0x4000  }
0x14a: {  	[sflag:s3] =	ssyncset.done $0x0  }
0x14b: {  	[sflag:s3] =	ssyncadd.s32 $0xFFFFC000  }
0x14c: {  	[tilespmem:s6], [sflag:$0x3] =	stream.indirect.gather [hbm4b:s5+s12], $0x80, s26, s12, $0xb8;
	[tilespmem:$0x10800] =	vst v63  }
0x14d: {  	_ =	swait.ge [sflag:s7], $0x4000  }
0x14e: {  	[sflag:s7] =	ssyncset.done $0x0  }
0x14f: {  	s30 =	rddreg [dreg:$0xa];
	[sflag:s7] =	ssyncadd.s32 $0xFFFFC000  }
0x150: {  	[hbm4b:s30+s2] =	stream.linear.scatter [tilespmem:s4], [sflag:$0x5], $0x4000, $0x38;
	[tilespmem:$0x10800] =	vst v63  }
0x151: {  	_ =	swait.ge [sflag:s3], $0x4000  }
0x152: {  	[sflag:s3] =	ssyncset.done $0x0  }
0x153: {  	[sflag:s3] =	ssyncadd.s32 $0xFFFFC000  }
0x154: {  	[tilespmem:s4], [sflag:$0x4] =	stream.indirect.gather [hbm4b:s5+s12], $0x80, s25, s12, $0xb8;
	[tilespmem:$0x10800] =	vst v63  }
0x155: {  	_ =	swait.ge [sflag:s14], $0x4000  }
0x156: {  	[sflag:s14] =	ssyncset.done $0x0  }
0x157: {  	s31 =	rddreg [dreg:$0xb];
	[sflag:s14] =	ssyncadd.s32 $0xFFFFC000  }
0x158: {  	[hbm4b:s31+s2] =	stream.linear.scatter [tilespmem:s10], [sflag:$0x5], $0x4000, $0x38;
	[tilespmem:$0x10800] =	vst v63  }
0x159: {  	_ =	swait.ge [sflag:s3], $0x4000  }
0x15a: {  	[sflag:s3] =	ssyncset.done $0x0  }
0x15b: {  	[sflag:s3] =	ssyncadd.s32 $0xFFFFC000  }
0x15c: {  	[tilespmem:s10], [sflag:$0x1] =	stream.indirect.gather [hbm4b:s5+s12], $0x80, s24, s12, $0xb8;
	[tilespmem:$0x10800] =	vst v63  }
0x15d: {  	_ =	swait.ge [sflag:s11], $0x4000  }
0x15e: {  	[sflag:s11] =	ssyncset.done $0x0  }
0x15f: {  	s1 =	rddreg [dreg:$0xc];
	[sflag:s11] =	ssyncadd.s32 $0xFFFFC000  }
0x160: {  	[hbm4b:s1+s2] =	stream.linear.scatter [tilespmem:s8], [sflag:$0x5], $0x4000, $0x38;
	[tilespmem:$0x10800] =	vst v63  }
0x161: {  	_ =	swait.ge [sflag:s3], $0x4000  }
0x162: {  	[sflag:s3] =	ssyncset.done $0x0  }
0x163: {  	[sflag:s3] =	ssyncadd.s32 $0xFFFFC000  }
0x164: {  	[tilespmem:s8], [sflag:$0x2] =	stream.indirect.gather [hbm4b:s5+s12], $0x80, s23, s12, $0xb8;
	[tilespmem:$0x10800] =	vst v63  }
0x165: {  	_ =	swait.ge [sflag:s9], $0x4000  }
0x166: {  	[sflag:s9] =	ssyncset.done $0x0  }
0x167: {  	s23 =	rddreg [dreg:$0xd];
	[sflag:s9] =	ssyncadd.s32 $0xFFFFC000  }
0x168: {  	[hbm4b:s23+s2] =	stream.linear.scatter [tilespmem:s6], [sflag:$0x5], $0x4000, $0x38;
	[tilespmem:$0x10800] =	vst v63  }
0x169: {  	_ =	swait.ge [sflag:s3], $0x4000  }
0x16a: {  	[sflag:s3] =	ssyncset.done $0x0  }
0x16b: {  	[sflag:s3] =	ssyncadd.s32 $0xFFFFC000  }
0x16c: {  	[tilespmem:s6], [sflag:$0x3] =	stream.indirect.gather [hbm4b:s5+s12], $0x80, s22, s12, $0xb8;
	[tilespmem:$0x10800] =	vst v63  }
0x16d: {  	_ =	swait.ge [sflag:s7], $0x4000  }
0x16e: {  	[sflag:s7] =	ssyncset.done $0x0  }
0x16f: {  	s24 =	rddreg [dreg:$0xe];
	[sflag:s7] =	ssyncadd.s32 $0xFFFFC000  }
0x170: {  	[hbm4b:s24+s2] =	stream.linear.scatter [tilespmem:s4], [sflag:$0x5], $0x4000, $0x38;
	[tilespmem:$0x10800] =	vst v63  }
0x171: {  	_ =	swait.ge [sflag:s3], $0x4000  }
0x172: {  	[sflag:s3] =	ssyncset.done $0x0  }
0x173: {  	[sflag:s3] =	ssyncadd.s32 $0xFFFFC000  }
0x174: {  	[tilespmem:s4], [sflag:$0x4] =	stream.indirect.gather [hbm4b:s5+s12], $0x80, s21, s12, $0xb8;
	[tilespmem:$0x10800] =	vst v63  }
0x175: {  	_ =	swait.ge [sflag:s14], $0x4000  }
0x176: {  	[sflag:s14] =	ssyncset.done $0x0  }
0x177: {  	s25 =	rddreg [dreg:$0xf];
	[sflag:s14] =	ssyncadd.s32 $0xFFFFC000  }
0x178: {  	[hbm4b:s25+s2] =	stream.linear.scatter [tilespmem:s10], [sflag:$0x5], $0x4000, $0x38;
	[tilespmem:$0x10800] =	vst v63  }
0x179: {  	_ =	swait.ge [sflag:s3], $0x4000  }
0x17a: {  	[sflag:s3] =	ssyncset.done $0x0  }
0x17b: {  	[sflag:s3] =	ssyncadd.s32 $0xFFFFC000  }
0x17c: {  	[tilespmem:s10], [sflag:$0x1] =	stream.indirect.gather [hbm4b:s5+s12], $0x80, s20, s12, $0xb8;
	[tilespmem:$0x10800] =	vst v63  }
0x17d: {  	_ =	swait.ge [sflag:s11], $0x4000  }
0x17e: {  	[sflag:s11] =	ssyncset.done $0x0  }
0x17f: {  	[sflag:s11] =	ssyncadd.s32 $0xFFFFC000  }
0x180: {  	[hbm4b:s16+s2] =	stream.linear.scatter [tilespmem:s8], [sflag:$0x5], $0x4000, $0x38;
	[tilespmem:$0x10800] =	vst v63  }
0x181: {  	_ =	swait.ge [sflag:s3], $0x4000  }
0x182: {  	[sflag:s3] =	ssyncset.done $0x0  }
0x183: {  	[sflag:s3] =	ssyncadd.s32 $0xFFFFC000  }
0x184: {  	[tilespmem:s8], [sflag:$0x2] =	stream.indirect.gather [hbm4b:s5+s12], $0x80, s19, s12, $0xb8;
	[tilespmem:$0x10800] =	vst v63  }
0x185: {  	_ =	swait.ge [sflag:s9], $0x4000  }
0x186: {  	[sflag:s9] =	ssyncset.done $0x0  }
0x187: {  	[sflag:s9] =	ssyncadd.s32 $0xFFFFC000  }
0x188: {  	[hbm4b:s15+s2] =	stream.linear.scatter [tilespmem:s6], [sflag:$0x5], $0x4000, $0x38;
	[tilespmem:$0x10800] =	vst v63  }
0x189: {  	_ =	swait.ge [sflag:s3], $0x4000  }
0x18a: {  	[sflag:s3] =	ssyncset.done $0x0  }
0x18b: {  	[sflag:s3] =	ssyncadd.s32 $0xFFFFC000  }
0x18c: {  	[tilespmem:s6], [sflag:$0x3] =	stream.indirect.gather [hbm4b:s5+s12], $0x80, s18, s12, $0xb8;
	[tilespmem:$0x10800] =	vst v63  }
0x18d: {  	_ =	swait.ge [sflag:s7], $0x4000  }
0x18e: {  	[sflag:s7] =	ssyncset.done $0x0  }
0x18f: {  	[sflag:s7] =	ssyncadd.s32 $0xFFFFC000  }
0x190: {  	[hbm4b:s13+s2] =	stream.linear.scatter [tilespmem:s4], [sflag:$0x5], $0x4000, $0x38;
	[tilespmem:$0x10800] =	vst v63  }
0x191: {  	_ =	swait.ge [sflag:s3], $0x4000  }
0x192: {  	[sflag:s3] =	ssyncset.done $0x0  }
0x193: {  	[sflag:s3] =	ssyncadd.s32 $0xFFFFC000  }
0x194: {  	[tilespmem:s4], [sflag:$0x4] =	stream.indirect.gather [hbm4b:s5+s12], $0x80, s17, s12, $0xb8;
	[tilespmem:$0x10800] =	vst v63  }
0x195: {  	_ =	swait.ge [sflag:s14], $0x4000  }
0x196: {  	[sflag:s14] =	ssyncset.done $0x0  }
0x197: {  	s26 =	rddreg [dreg:$0x3];
	[sflag:s14] =	ssyncadd.s32 $0xFFFFC000  }
0x198: {  	[hbm4b:s26+s2] =	stream.linear.scatter [tilespmem:s10], [sflag:$0x5], $0x4000, $0x38;
	[tilespmem:$0x10800] =	vst v63  }
0x199: {  	_ =	swait.ge [sflag:s3], $0x4000  }
0x19a: {  	[sflag:s3] =	ssyncset.done $0x0  }
0x19b: {  	[sflag:s3] =	ssyncadd.s32 $0xFFFFC000  }
0x19c: {  	_ =	swait.ge [sflag:s11], $0x4000  }
0x19d: {  	[sflag:s11] =	ssyncset.done $0x0  }
0x19e: {  	s28 =	rddreg [dreg:$0x4];
	[sflag:s11] =	ssyncadd.s32 $0xFFFFC000  }
0x19f: {  	[hbm4b:s28+s2] =	stream.linear.scatter [tilespmem:s8], [sflag:$0x5], $0x4000, $0x38;
	[tilespmem:$0x10800] =	vst v63  }
0x1a0: {  	_ =	swait.ge [sflag:s3], $0x4000  }
0x1a1: {  	[sflag:s3] =	ssyncset.done $0x0  }
0x1a2: {  	[sflag:s3] =	ssyncadd.s32 $0xFFFFC000  }
0x1a3: {  	_ =	swait.ge [sflag:s9], $0x4000  }
0x1a4: {  	[sflag:s9] =	ssyncset.done $0x0  }
0x1a5: {  	s29 =	rddreg [dreg:$0x5];
	[sflag:s9] =	ssyncadd.s32 $0xFFFFC000  }
0x1a6: {  	[hbm4b:s29+s2] =	stream.linear.scatter [tilespmem:s6], [sflag:$0x5], $0x4000, $0x38;
	[tilespmem:$0x10800] =	vst v63  }
0x1a7: {  	_ =	swait.ge [sflag:s3], $0x4000  }
0x1a8: {  	[sflag:s3] =	ssyncset.done $0x0  }
0x1a9: {  	[sflag:s3] =	ssyncadd.s32 $0xFFFFC000  }
0x1aa: {  	_ =	swait.ge [sflag:s7], $0x4000  }
0x1ab: {  	[sflag:s7] =	ssyncset.done $0x0  }
0x1ac: {  	s30 =	rddreg [dreg:$0x6];
	[sflag:s7] =	ssyncadd.s32 $0xFFFFC000  }
0x1ad: {  	[hbm4b:s30+s2] =	stream.linear.scatter [tilespmem:s4], [sflag:$0x5], $0x4000, $0x38;
	[tilespmem:$0x10800] =	vst v63  }
0x1ae: {  	_ =	swait.ge [sflag:s3], $0x4000  }
0x1af: {  	[sflag:s3] =	ssyncset.done $0x0  }
0x1b0: {  	[sflag:s3] =	ssyncadd.s32 $0xFFFFC000  }
0x1b1: {  	_ =	sfence.sel $0x180000  }
0x1b2: {  	[bflag:$0x0] =	sbarrier.arrive $0xFFFF  }
0x1b3: {  	_ =	strace $0x9000004A  }
0x1b4: {  	s31 =	stileid.u32;
	[bflag:$0x2] =	sbarrier.arrive $0xFFFF  }
0x1b5: {  	p0 =	sne.s32 s31, $0x0;
	s0 =	rddreg [dreg:$0x1]  }
0x1b6: {  	s0 =	sadd.s32 @!p0 $0x100000, s0  }
0x1b7: {  	[sflag:s0] =	ssyncadd.tile.s32 @!p0 $0x1;
	_ =	shalt  }
.Lfunc_end2:
_tile_overlayer_lowered:
.L_overlay_start_2:
0x1b8: {  	(tag) =	ssettag $0x2  }
0x1b9: {  	s0 =	rddreg [dreg:$0x0];
	s2 =	stileid.u32  }
0x1ba: {  	s1 =	rddreg [dreg:$0x1];
	p0 =	sne.s32 s2, $0x0  }
0x1bb: {  	s3 =	rddreg [dreg:$0x2];
	[bflag:$0x3] =	sbarrier.arrive $0xFFFF;
	s2 =	simm.s32 @!p0 $0x1C05  }
0x1bc: {  	[timem:s3], [sflag:s2] =	dma.local @!p0 [hbm:s0], s1  }
0x1bd: {  	s0 =	simm.s32 @!p0 $0x5  }
0x1be: {  	_ =	swait.ge @!p0 [sflag:s0], s1  }
0x1bf: {  	s1 =	ssub.s32 @!p0 $0x0, s1;
	[sflag:s0] =	ssyncset.done @!p0 $0x0  }
0x1c0: {  	[sflag:s0] =	ssyncadd.s32 @!p0 s1  }
0x1c1: {  	[bflag:$0x3] =	sbarrier.arrive $0xFFFF  }
0x1c2: {  	_ =	shalt  }

// kernel: kernel.17.cloned.1.call-start
scs
__scs_entry_jumppad:
0x0: {  	(pc) =	sbr.rel $0x88, $3  }
0x1: {  	(tag) =	ssettag $0x0;
	lr =	simm.s32 $0x1  }
0x2: {  	[smem:$0x3F9C] =	sst lr;
	_ =	strace $0xD0000000  }
0x3: {  	_ = 	snop  }
0x4: {  	_ = 	snop  }
0x5: {  	_ = 	snop  }
0x6: {  	_ = 	snop  }
0x7: {  	_ = 	snop  }
__scs_overlays_trampoline_lowered:
0x8: {  	[smem:$0x3FAB] =	sst s0  }
0x9: {  	[smem:$0x3FAC] =	sst s1  }
0xa: {  	[smem:$0x3FAD] =	sst s2  }
0xb: {  	[smem:$0x3FAE] =	sst s3  }
0xc: {  	[smem:$0x3FAF] =	sst s4  }
0xd: {  	[smem:$0x3FB0] =	sst s5  }
0xe: {  	[smem:$0x3FB1] =	sst s6  }
0xf: {  	[smem:$0x3FB2] =	sst s7  }
0x10: {  	[smem:$0x3FB3] =	sst s8  }
0x11: {  	[smem:$0x3FB4] =	sst s9;
	s0 =	simm.s32 @!p0 $0x0  }
0x12: {  	s1 =	sld [smem:$0x3F9A];
	s0 =	simm.s32 @p0 $0x1  }
0x13: {  	[smem:$0x3FB5] =	sst s0;
	s0 =	simm.s32 @!p1 $0x0  }
0x14: {  	s2 =	sld [smem:$0x3F99];
	s0 =	simm.s32 @p1 $0x1  }
0x15: {  	[smem:$0x3FB6] =	sst s0;
	s0 =	simm.s32 @!p2 $0x0  }
0x16: {  	s3 =	sld [smem:$0x3FDB];
	s0 =	simm.s32 @p2 $0x1  }
0x17: {  	s4 =	simm.s32 $0x1BF5;
	[smem:$0x3FB8] =	sst s0  }
0x18: {  	s0 =	sld [smem:$0x3F9B];
	_ =	swait.ge [sflag:s4], $0x0  }
0x19: {  	s7 =	sld [smem:$0x3F9C]  }
0x1a: {  	s8 =	sadd.s32 $0xFFFFE003, lr  }
0x1b: {  	s9 =	sadd.s32 $0xFFFFFEF7, lr;
	s5 =	simm.s32 $0xFFFFFFFF;
	p2 =	slt.u32 s8, $0xFFFFF086  }
0x1c: {  	p1 =	slt.u32 s9, $0xF7A;
	s5 =	simm.s32 @!p2 $0x0  }
0x1d: {  	s5 =	simm.s32 @p1 $0x1;
	p0 =	seq.s32 s7, s2  }
0x1e: {  	s7 =	smul.u32 @!p0 $0xF7A, s2;
	p2 =	seq.s32 @!p0 s5, $0x0  }
0x1f: {  	s9 =	smul.u32 $0xF7A, s1;
	s8 =	simm.s32 @!p0 $0x1BF5;
	p2 =	por !p2, p0  }
0x20: {  	[sflag:s8] =	ssyncset.s32 @!p0 $0xFFFFF086;
	s6 =	sadd.s32 @!p0 s3, s7;
	s7 =	simm.s32 @!p0 $0x108  }
0x21: {  	s3 =	sadd.s32 s3, s9;
	s6 =	sadd.s32 @!p0 $0x88, s6;
	s7 =	simm.s32 @p2 $0x1082  }
0x22: {  	[simem:s7], [sflag:s8] =	dma.local @!p0 [hbm:s6], $0xF7A  }
0x23: {  	s9 =	sor.u32 $0xD0000000, s2;
	s6 =	simm.s32 $0x108;
	_ =	swait.ge @!p0 [sflag:s8], $0x0  }
0x24: {  	s3 =	sadd.s32 $0x88, s3;
	s6 =	simm.s32 @!p1 $0x1082;
	[sflag:s4] =	ssyncset.s32 $0xFFFFF086  }
0x25: {  	[simem:s6], [sflag:s4] =	dma.local [hbm:s3], $0xF7A  }
0x26: {  	[smem:$0x3F9C] =	sst s1;
	(tag) =	ssettag s2;
	_ =	strace s9  }
0x27: {  	s1 =	sld [smem:$0x3FAC]  }
0x28: {  	s2 =	sld [smem:$0x3FAD]  }
0x29: {  	s4 =	sld [smem:$0x3FAF]  }
0x2a: {  	p0 =	seq.s32 s5, $0x0;
	s5 =	sld [smem:$0x3FB0]  }
0x2b: {  	s6 =	sld [smem:$0x3FB1]  }
0x2c: {  	s7 =	sld [smem:$0x3FB2]  }
0x2d: {  	s3 =	simm.s32 $0x108;
	s8 =	sld [smem:$0x3FB3]  }
0x2e: {  	s3 =	simm.s32 @!p0 $0x1082;
	s9 =	sld [smem:$0x3FB4]  }
0x2f: {  	lr =	sadd.s32 s0, s3;
	s0 =	sld [smem:$0x3FAB]  }
0x30: {  	s3 =	sld [smem:$0x3FAE]  }
0x31: {  	[smem:$0x3FB7] =	sst s10  }
0x32: {  	s10 =	sld [smem:$0x3FB5];
	_ =	sdelay $0x3  }
0x33: {  	p0 =	seq.s32 s10, $0x1;
	s10 =	sld [smem:$0x3FB7];
	_ =	sdelay $0x3  }
0x34: {  	[smem:$0x3FB7] =	sst s10  }
0x35: {  	s10 =	sld [smem:$0x3FB6];
	_ =	sdelay $0x3  }
0x36: {  	p1 =	seq.s32 s10, $0x1;
	s10 =	sld [smem:$0x3FB7];
	_ =	sdelay $0x3  }
0x37: {  	[smem:$0x3FB7] =	sst s10  }
0x38: {  	s10 =	sld [smem:$0x3FB8]  }
0x39: {  	_ = 	snop;
	(pc) =	sbr.ind lr, $3  }
0x3a: {  	_ = 	snop  }
0x3b: {  	_ = 	snop  }
0x3c: {  	p2 =	seq.s32 s10, $0x1;
	s10 =	sld [smem:$0x3FB7]  }
0x3d: {  	_ =	shalt  }
0x3e: {  	_ =	shalt  }
0x3f: {  	_ =	shalt  }
0x40: {  	_ =	shalt  }
0x41: {  	_ =	shalt  }
0x42: {  	_ =	shalt  }
0x43: {  	_ =	shalt  }
0x44: {  	_ =	shalt  }
0x45: {  	_ =	shalt  }
0x46: {  	_ =	shalt  }
0x47: {  	_ =	shalt  }
0x48: {  	_ =	shalt  }
0x49: {  	_ =	shalt  }
0x4a: {  	_ =	shalt  }
0x4b: {  	_ =	shalt  }
0x4c: {  	_ =	shalt  }
0x4d: {  	_ =	shalt  }
0x4e: {  	_ =	shalt  }
0x4f: {  	_ =	shalt  }
0x50: {  	_ =	shalt  }
0x51: {  	_ =	shalt  }
0x52: {  	_ =	shalt  }
0x53: {  	_ =	shalt  }
0x54: {  	_ =	shalt  }
0x55: {  	_ =	shalt  }
0x56: {  	_ =	shalt  }
0x57: {  	_ =	shalt  }
0x58: {  	_ =	shalt  }
0x59: {  	_ =	shalt  }
0x5a: {  	_ =	shalt  }
0x5b: {  	_ =	shalt  }
0x5c: {  	_ =	shalt  }
0x5d: {  	_ =	shalt  }
0x5e: {  	_ =	shalt  }
0x5f: {  	_ =	shalt  }
0x60: {  	_ =	shalt  }
0x61: {  	_ =	shalt  }
0x62: {  	_ =	shalt  }
0x63: {  	_ =	shalt  }
0x64: {  	_ =	shalt  }
0x65: {  	_ =	shalt  }
0x66: {  	_ =	shalt  }
0x67: {  	_ =	shalt  }
0x68: {  	_ =	shalt  }
0x69: {  	_ =	shalt  }
0x6a: {  	_ =	shalt  }
0x6b: {  	_ =	shalt  }
0x6c: {  	_ =	shalt  }
0x6d: {  	_ =	shalt  }
0x6e: {  	_ =	shalt  }
0x6f: {  	_ =	shalt  }
0x70: {  	_ =	shalt  }
0x71: {  	_ =	shalt  }
0x72: {  	_ =	shalt  }
0x73: {  	_ =	shalt  }
0x74: {  	_ =	shalt  }
0x75: {  	_ =	shalt  }
0x76: {  	_ =	shalt  }
0x77: {  	_ =	shalt  }
0x78: {  	_ =	shalt  }
0x79: {  	_ =	shalt  }
0x7a: {  	_ =	shalt  }
0x7b: {  	_ =	shalt  }
0x7c: {  	_ =	shalt  }
0x7d: {  	_ =	shalt  }
0x7e: {  	_ =	shalt  }
0x7f: {  	_ =	shalt  }
0x80: {  	_ =	shalt  }
0x81: {  	_ =	shalt  }
0x82: {  	_ =	shalt  }
0x83: {  	_ =	shalt  }
0x84: {  	_ =	shalt  }
0x85: {  	_ =	shalt  }
0x86: {  	_ =	shalt  }
0x87: {  	_ =	shalt  }
.Lfunc_end0:
.L_simem_size_0:
called_computation.2_lowered:
.L_overlay_start_0:
0x88: {  	s2 =	sld [smem:$0x3FD9]  }
0x89: {  	s3 =	sld [smem:$0x3FFE];
	_ =	sdelay $0x1  }
0x8a: {  	s1 =	srdreg.scid  }
0x8b: {  	s0 =	sand.u32 $0x1, s1  }
0x8c: {  	s17 =	sshll.u32 s0, $0xA;
	s2 =	sadd.s32 s3, s2  }
0x8d: {  	s2 =	sadd.s32 s2, s17  }
0x8e: {  	[smem:$0x3FC3] =	sst s2  }
0x8f: {  	_ = 	snop  }
0x90: {  	(tm) =	ssettm $0x1  }
0x91: {  	s18 =	sld [smem:$0x3FFB];
	_ =	sdelay $0x3  }
0x92: {  	_ =	strace s18  }
0x93: {  	s2 =	sld [smem:$0x3FFC];
	_ =	sdelay $0x3  }
0x94: {  	_ =	strace s2  }
0x95: {  	s2 =	sld [smem:$0x3FFD];
	_ =	sdelay $0x3  }
0x96: {  	_ =	strace s2  }
0x97: {  	_ =	strace $0x8FFFFFFF  }
0x98: {  	s19 =	sld [smem:$0x3FDB];
	_ =	sdelay $0x1  }
0x99: {  	s20 =	simm.s32 $_scs_section_size  }
0x9a: {  	s4 =	simm.s32 $_size__tile_overlayer_lowered;
	s5 =	simm.s32 $_tile_overlayer_lowered  }
0x9b: {  	s6 =	simm.s32 $0x1BFF;
	s21 =	sshll.u32 s5, $0x1;
	s3 =	sadd.s32 s20, s19  }
0x9c: {  	s22 =	simm.s32 $0x0;
	s4 =	sshll.u32 s4, $0x1;
	s5 =	sadd.s32 s21, s3  }
0x9d: {  	[timem:s22], [sflag:s6] =	dma.local [hbm:s5], s4  }
0x9e: {  	_ =	swait.ge [sflag:s6], s4  }
0x9f: {  	s4 =	ssub.s32 $0x0, s4;
	[sflag:s6] =	ssyncset.done $0x0  }
0xa0: {  	[sflag:s6] =	ssyncadd.s32 s4;
	_ =	sdelay $0x1  }
0xa1: {  	s23 =	simm.s32 $0x1B8B  }
0xa2: {  	_ =	swait.ge [sflag:s23], $0x1  }
0xa3: {  	[sflag:s23] =	ssyncset.done $0x0  }
0xa4: {  	[sflag:s23] =	ssyncadd.s32 $0xFFFFFFFF  }
0xa5: {  	s4 =	sld [smem:$0x0]  }
0xa6: {  	s5 =	sand.u32 $0xFFFFFFFE, s1  }
0xa7: {  	p0 =	sne.s32 s1, s5  }
0xa8: {  	s5 =	sshll.u32 @p0 s5, $0xE  }
0xa9: {  	s5 =	sadd.s32 @p0 $0x11B8D, s5;
	s6 =	sshll.u32 @p0 s4, $0x11  }
0xaa: {  	s5 =	sor.u32 @p0 s6, s5  }
0xab: {  	[sflag:s5] =	ssyncadd.remote.s32 @p0 $0x1;
	_ =	sdelay $0x1  }
0xac: {  	s5 =	simm.s32 @p0 $0x1B8D  }
0xad: {  	_ =	swait.eq @p0 [sflag:s5], $0x1  }
0xae: {  	[sflag:s5] =	ssyncadd.s32 @p0 $0xFFFFFFFF  }
0xaf: {  	s6 =	sshll.u32 @!p0 s1, $0xE  }
0xb0: {  	s6 =	sor.u32 @!p0 $0x4000, s6;
	s5 =	simm.s32 @!p0 $0x1B8D  }
0xb1: {  	s4 =	sshll.u32 @!p0 s4, $0x11;
	s6 =	sadd.s32 @!p0 $0x11B8D, s6;
	_ =	swait.eq @!p0 [sflag:s5], $0x1  }
0xb2: {  	s4 =	sor.u32 @!p0 s4, s6;
	[sflag:s5] =	ssyncadd.s32 @!p0 $0xFFFFFFFF  }
0xb3: {  	s25 =	simm.s32 $0x1B8E;
	s24 =	sld [smem:$0x3FFE];
	[sflag:s4] =	ssyncadd.remote.s32 @!p0 $0x1  }
0xb4: {  	s26 =	simm.s32 $execute0_lowered;
	[smem:$0x3FD2] =	sst s25  }
0xb5: {  	s5 =	sshll.u32 s26, $0x1;
	_ =	strace $0x8000004C;
	[dreg:$0x1] =	wrdreg $0xFFFFFFFF  }
0xb6: {  	s28 =	simm.s32 $_size_execute0_lowered;
	s3 =	sadd.s32 s3, s5;
	[dreg:$0x0] =	wrdreg $0x0  }
0xb7: {  	s5 =	sshll.u32 s28, $0x1;
	[dreg:$0x2] =	wrdreg s3  }
0xb8: {  	[dreg:$0x3] =	wrdreg s5  }
0xb9: {  	[dreg:$0x4] =	wrdreg $0xC0  }
0xba: {  	_ =	task [dreg:s22], $0x5FFFF  }
0xbb: {  	[dreg:$0x1] =	wrdreg $0xFFFFFFFF  }
0xbc: {  	[dreg:$0x0] =	wrdreg $0x60  }
0xbd: {  	[dreg:$0x2] =	wrdreg s24  }
0xbe: {  	[dreg:$0x3] =	wrdreg $0xB  }
0xbf: {  	_ =	task.clear_ibuf [dreg:s22], $0x4FFFF;
	_ =	strace $0x9000004C  }
0xc0: {  	s29 =	simm.s32 $0xB;
	_ =	strace $0x8000004E  }
0xc1: {  	_ =	swait.ge [sflag:s29], $0x1  }
0xc2: {  	[sflag:s29] =	ssyncadd.s32 $0xFFFFFFFF  }
0xc3: {  	_ =	strace $0x9000004E  }
0xc4: {  	_ =	sfence  }
0xc5: {  	s30 =	sld [smem:$0x0];
	_ =	sdelay $0x2  }
0xc6: {  	s31 =	sshll.u32 s1, $0xD;
	s1 =	sshrl.u32 s1, $0x2  }
0xc7: {  	s4 =	sand.u32 $0x4000, s31;
	s1 =	sadd.s32 s1, s30  }
0xc8: {  	s0 =	sor.u32 s4, s0;
	s1 =	sshll.u32 s1, $0x11  }
0xc9: {  	s0 =	sor.u32 s1, s0  }
0xca: {  	s0 =	sadd.s32 $0x8F2B, s0  }
0xcb: {  	[sflag:s0] =	ssyncadd.remote.s32 $0x1  }
0xcc: {  	_ =	sfence.sel $0xFFFF  }
0xcd: {  	[dreg:$0x0] =	wrdreg $0xFFFFFFFF;
	(pc) =	sbr.abs _section_cstart, $3  }
0xce: {  	[dreg:$0x1] =	wrdreg $0xFFFFFFFF  }
0xcf: {  	_ =	task.clear_ibuf [dreg:s22], $0x2FFFF;
	_ =	strace $0x9FFFFFFF  }
0xd0: {  	(tm) =	ssettm $0x7FFFFFFF  }
0xd1: {  	_ =	shalt  }
tec
execute0_lowered:
.L_overlay_start_1:
0x0: {  	(tag) =	ssettag $0x1  }
0x1: {  	s0 =	srdreg.scid  }
0x2: {  	s1 =	stileid.u32;
	s3 =	rddreg [dreg:$0x0];
	s12 =	simm.s32 $0x80  }
0x3: {  	s10 =	simm.s32 $0x800;
	s8 =	simm.s32 $0x4800;
	s0 =	sand.u32 $0x1, s0  }
0x4: {  	s30 =	simm.s32 $0x100;
	s1 =	sshll.u32 s1, $0x5;
	s2 =	sshll.u32 s0, $0x4  }
0x5: {  	s6 =	simm.s32 $0x8800;
	s31 =	simm.s32 $0x180;
	s1 =	sor.u32 s2, s1  }
0x6: {  	s29 =	simm.s32 $0x200;
	s11 =	simm.s32 $0x2;
	s4 =	sshll.u32 s1, $0x4  }
0x7: {  	s2 =	simm.s32 $0x0;
	s1 =	sshll.u32 s1, $0xB;
	s4 =	sadd.s32 s4, s3  }
0x8: {  	[smem:$0x7FF] =	sst s2;
	s1 =	sadd.s32 s1, s3;
	s4 =	sadd.s32 $0x5400, s4  }
0x9: {  	_ =	strace $0x8000004D;
	s13 =	sadd.s32 $0x50F400, s1;
	[dreg:$0x2] =	wrdreg s4  }
0xa: {  	s28 =	simm.s32 $0x280;
	s14 =	sadd.s32 $0x50FC00, s1;
	[dreg:$0x3] =	wrdreg s13  }
0xb: {  	s9 =	simm.s32 $0x3;
	s15 =	sadd.s32 $0x510400, s1;
	[dreg:$0x4] =	wrdreg s14  }
0xc: {  	s7 =	simm.s32 $0x4;
	s16 =	sadd.s32 $0x510C00, s1;
	[dreg:$0x5] =	wrdreg s15  }
0xd: {  	p0 =	por $0x0, $0x0;
	s17 =	sadd.s32 $0x509400, s1;
	[dreg:$0x6] =	wrdreg s16  }
0xe: {  	s5 =	sadd.s32 $0x9400, s3;
	s18 =	sadd.s32 $0x509C00, s1;
	[dreg:$0x7] =	wrdreg s17  }
0xf: {  	s0 =	ssub.s32 $0x2, s0;
	s19 =	sadd.s32 $0x50A400, s1;
	[dreg:$0x8] =	wrdreg s18  }
0x10: {  	s24 =	sshrl.u32 s0, $0x1;
	s20 =	sadd.s32 $0x50AC00, s1;
	[dreg:$0x9] =	wrdreg s19  }
0x11: {  	s0 =	ssub.s32 s0, s24;
	s21 =	sadd.s32 $0x50B400, s1;
	[dreg:$0xa] =	wrdreg s20  }
0x12: {  	s24 =	simm.s32 $0x400;
	s22 =	sadd.s32 $0x50BC00, s1;
	[dreg:$0xb] =	wrdreg s21  }
0x13: {  	s0 =	smax.u32 s0, $0x1;
	s23 =	sadd.s32 $0x50C400, s1;
	[dreg:$0xc] =	wrdreg s22  }
0x14: {  	s3 =	simm.s32 $0x5;
	s25 =	sadd.s32 $0x50CC00, s1;
	[dreg:$0xd] =	wrdreg s23  }
0x15: {  	s26 =	sadd.s32 $0x50D400, s1;
	p1 =	sne.s32 s0, $0x1;
	[dreg:$0xe] =	wrdreg s25  }
0x16: {  	[dreg:$0xf] =	wrdreg s26;
	s16 =	sadd.s32 $0x50DC00, s1;
	s15 =	sadd.s32 $0x50E400, s1  }
.Ltmp0:
0x17: {  	s13 =	sadd.s32 $0x50EC00, s1;
	s4 =	simm.s32 $0xC800;
	(pc) =	sbr.rel @!p1 .LBB2_3-.Ltmp0, $4  }
0x18: {  	s14 =	simm.s32 $0x1;
	s26 =	simm.s32 $0x300;
	s25 =	simm.s32 $0x380  }
0x19: {  	s23 =	simm.s32 $0x480;
	s1 =	sadd.s32 $0xFFFFFFFF, s0;
	s22 =	simm.s32 $0x500  }
0x1a: {  	s21 =	simm.s32 $0x580;
	s20 =	simm.s32 $0x600;
	s19 =	simm.s32 $0x680  }
0x1b: {  	s18 =	simm.s32 $0x700;
	s17 =	simm.s32 $0x780;
	s0 =	rddreg [dreg:$0x2]  }
0x1c: {  	[tilespmem:s2], [sflag:$0x5] =	stream.linear.gather [hbm4b:s0+s2], $0x800, $0x38;
	[tilespmem:$0x10800] =	vst v63  }
0x1d: {  	_ =	swait.ge [sflag:s3], $0x800  }
0x1e: {  	[sflag:s3] =	ssyncset.done $0x0  }
0x1f: {  	[sflag:s3] =	ssyncadd.s32 $0xFFFFF800  }
0x20: {  	[tilespmem:s10], [sflag:$0x1] =	stream.indirect.gather [hbm4b:s5+s12], $0x80, s2, s12, $0xb8;
	[tilespmem:$0x10800] =	vst v63  }
0x21: {  	_ = 	snop  }
0x22: {  	[tilespmem:s8], [sflag:$0x2] =	stream.indirect.gather [hbm4b:s5+s12], $0x80, s12, s12, $0xb8;
	[tilespmem:$0x10800] =	vst v63  }
0x23: {  	_ = 	snop  }
0x24: {  	[tilespmem:s6], [sflag:$0x3] =	stream.indirect.gather [hbm4b:s5+s12], $0x80, s30, s12, $0xb8;
	[tilespmem:$0x10800] =	vst v63  }
0x25: {  	_ = 	snop  }
0x26: {  	[tilespmem:s4], [sflag:$0x4] =	stream.indirect.gather [hbm4b:s5+s12], $0x80, s31, s12, $0xb8;
	[tilespmem:$0x10800] =	vst v63  }
0x27: {  	_ =	swait.ge [sflag:s14], $0x4000  }
0x28: {  	[sflag:s14] =	ssyncset.done $0x0  }
0x29: {  	s0 =	rddreg [dreg:$0x7];
	[sflag:s14] =	ssyncadd.s32 $0xFFFFC000  }
0x2a: {  	[hbm4b:s0+s2] =	stream.linear.scatter [tilespmem:s10], [sflag:$0x5], $0x4000, $0x38;
	[tilespmem:$0x10800] =	vst v63  }
0x2b: {  	_ =	swait.ge [sflag:s3], $0x4000  }
0x2c: {  	[sflag:s3] =	ssyncset.done $0x0  }
0x2d: {  	[sflag:s3] =	ssyncadd.s32 $0xFFFFC000  }
0x2e: {  	[tilespmem:s10], [sflag:$0x1] =	stream.indirect.gather [hbm4b:s5+s12], $0x80, s29, s12, $0xb8;
	[tilespmem:$0x10800] =	vst v63  }
0x2f: {  	_ =	swait.ge [sflag:s11], $0x4000  }
0x30: {  	[sflag:s11] =	ssyncset.done $0x0  }
0x31: {  	s0 =	rddreg [dreg:$0x8];
	[sflag:s11] =	ssyncadd.s32 $0xFFFFC000  }
0x32: {  	[hbm4b:s0+s2] =	stream.linear.scatter [tilespmem:s8], [sflag:$0x5], $0x4000, $0x38;
	[tilespmem:$0x10800] =	vst v63  }
0x33: {  	_ =	swait.ge [sflag:s3], $0x4000  }
0x34: {  	[sflag:s3] =	ssyncset.done $0x0  }
0x35: {  	[sflag:s3] =	ssyncadd.s32 $0xFFFFC000  }
0x36: {  	[tilespmem:s8], [sflag:$0x2] =	stream.indirect.gather [hbm4b:s5+s12], $0x80, s28, s12, $0xb8;
	[tilespmem:$0x10800] =	vst v63  }
0x37: {  	_ =	swait.ge [sflag:s9], $0x4000  }
0x38: {  	[sflag:s9] =	ssyncset.done $0x0  }
0x39: {  	s0 =	rddreg [dreg:$0x9];
	[sflag:s9] =	ssyncadd.s32 $0xFFFFC000  }
0x3a: {  	[hbm4b:s0+s2] =	stream.linear.scatter [tilespmem:s6], [sflag:$0x5], $0x4000, $0x38;
	[tilespmem:$0x10800] =	vst v63  }
0x3b: {  	_ =	swait.ge [sflag:s3], $0x4000  }
0x3c: {  	[sflag:s3] =	ssyncset.done $0x0  }
0x3d: {  	[sflag:s3] =	ssyncadd.s32 $0xFFFFC000  }
0x3e: {  	[tilespmem:s6], [sflag:$0x3] =	stream.indirect.gather [hbm4b:s5+s12], $0x80, s26, s12, $0xb8;
	[tilespmem:$0x10800] =	vst v63  }
0x3f: {  	_ =	swait.ge [sflag:s7], $0x4000  }
0x40: {  	[sflag:s7] =	ssyncset.done $0x0  }
0x41: {  	s0 =	rddreg [dreg:$0xa];
	[sflag:s7] =	ssyncadd.s32 $0xFFFFC000  }
0x42: {  	[hbm4b:s0+s2] =	stream.linear.scatter [tilespmem:s4], [sflag:$0x5], $0x4000, $0x38;
	[tilespmem:$0x10800] =	vst v63  }
0x43: {  	_ =	swait.ge [sflag:s3], $0x4000  }
0x44: {  	[sflag:s3] =	ssyncset.done $0x0  }
0x45: {  	[sflag:s3] =	ssyncadd.s32 $0xFFFFC000  }
0x46: {  	[tilespmem:s4], [sflag:$0x4] =	stream.indirect.gather [hbm4b:s5+s12], $0x80, s25, s12, $0xb8;
	[tilespmem:$0x10800] =	vst v63  }
0x47: {  	_ =	swait.ge [sflag:s14], $0x4000  }
0x48: {  	[sflag:s14] =	ssyncset.done $0x0  }
0x49: {  	s0 =	rddreg [dreg:$0xb];
	[sflag:s14] =	ssyncadd.s32 $0xFFFFC000  }
0x4a: {  	[hbm4b:s0+s2] =	stream.linear.scatter [tilespmem:s10], [sflag:$0x5], $0x4000, $0x38;
	[tilespmem:$0x10800] =	vst v63  }
0x4b: {  	_ =	swait.ge [sflag:s3], $0x4000  }
0x4c: {  	[sflag:s3] =	ssyncset.done $0x0  }
0x4d: {  	[sflag:s3] =	ssyncadd.s32 $0xFFFFC000  }
0x4e: {  	[tilespmem:s10], [sflag:$0x1] =	stream.indirect.gather [hbm4b:s5+s12], $0x80, s24, s12, $0xb8;
	[tilespmem:$0x10800] =	vst v63  }
0x4f: {  	_ =	swait.ge [sflag:s11], $0x4000  }
0x50: {  	[sflag:s11] =	ssyncset.done $0x0  }
0x51: {  	s0 =	rddreg [dreg:$0xc];
	[sflag:s11] =	ssyncadd.s32 $0xFFFFC000  }
0x52: {  	[hbm4b:s0+s2] =	stream.linear.scatter [tilespmem:s8], [sflag:$0x5], $0x4000, $0x38;
	[tilespmem:$0x10800] =	vst v63  }
0x53: {  	_ =	swait.ge [sflag:s3], $0x4000  }
0x54: {  	[sflag:s3] =	ssyncset.done $0x0  }
0x55: {  	[sflag:s3] =	ssyncadd.s32 $0xFFFFC000  }
0x56: {  	[tilespmem:s8], [sflag:$0x2] =	stream.indirect.gather [hbm4b:s5+s12], $0x80, s23, s12, $0xb8;
	[tilespmem:$0x10800] =	vst v63  }
0x57: {  	_ =	swait.ge [sflag:s9], $0x4000  }
0x58: {  	[sflag:s9] =	ssyncset.done $0x0  }
0x59: {  	s0 =	rddreg [dreg:$0xd];
	[sflag:s9] =	ssyncadd.s32 $0xFFFFC000  }
0x5a: {  	[hbm4b:s0+s2] =	stream.linear.scatter [tilespmem:s6], [sflag:$0x5], $0x4000, $0x38;
	[tilespmem:$0x10800] =	vst v63  }
0x5b: {  	_ =	swait.ge [sflag:s3], $0x4000  }
0x5c: {  	[sflag:s3] =	ssyncset.done $0x0  }
0x5d: {  	[sflag:s3] =	ssyncadd.s32 $0xFFFFC000  }
0x5e: {  	[tilespmem:s6], [sflag:$0x3] =	stream.indirect.gather [hbm4b:s5+s12], $0x80, s22, s12, $0xb8;
	[tilespmem:$0x10800] =	vst v63  }
0x5f: {  	_ =	swait.ge [sflag:s7], $0x4000  }
0x60: {  	[sflag:s7] =	ssyncset.done $0x0  }
0x61: {  	s0 =	rddreg [dreg:$0xe];
	[sflag:s7] =	ssyncadd.s32 $0xFFFFC000  }
0x62: {  	[hbm4b:s0+s2] =	stream.linear.scatter [tilespmem:s4], [sflag:$0x5], $0x4000, $0x38;
	[tilespmem:$0x10800] =	vst v63  }
0x63: {  	_ =	swait.ge [sflag:s3], $0x4000  }
0x64: {  	[sflag:s3] =	ssyncset.done $0x0  }
0x65: {  	[sflag:s3] =	ssyncadd.s32 $0xFFFFC000  }
0x66: {  	[tilespmem:s4], [sflag:$0x4] =	stream.indirect.gather [hbm4b:s5+s12], $0x80, s21, s12, $0xb8;
	[tilespmem:$0x10800] =	vst v63  }
0x67: {  	_ =	swait.ge [sflag:s14], $0x4000  }
0x68: {  	[sflag:s14] =	ssyncset.done $0x0  }
0x69: {  	s0 =	rddreg [dreg:$0xf];
	[sflag:s14] =	ssyncadd.s32 $0xFFFFC000  }
0x6a: {  	[hbm4b:s0+s2] =	stream.linear.scatter [tilespmem:s10], [sflag:$0x5], $0x4000, $0x38;
	[tilespmem:$0x10800] =	vst v63  }
0x6b: {  	_ =	swait.ge [sflag:s3], $0x4000  }
0x6c: {  	[sflag:s3] =	ssyncset.done $0x0  }
0x6d: {  	[sflag:s3] =	ssyncadd.s32 $0xFFFFC000  }
0x6e: {  	[tilespmem:s10], [sflag:$0x1] =	stream.indirect.gather [hbm4b:s5+s12], $0x80, s20, s12, $0xb8;
	[tilespmem:$0x10800] =	vst v63  }
0x6f: {  	_ =	swait.ge [sflag:s11], $0x4000  }
0x70: {  	[sflag:s11] =	ssyncset.done $0x0  }
0x71: {  	[sflag:s11] =	ssyncadd.s32 $0xFFFFC000  }
0x72: {  	[hbm4b:s16+s2] =	stream.linear.scatter [tilespmem:s8], [sflag:$0x5], $0x4000, $0x38;
	[tilespmem:$0x10800] =	vst v63  }
0x73: {  	_ =	swait.ge [sflag:s3], $0x4000  }
0x74: {  	[sflag:s3] =	ssyncset.done $0x0  }
0x75: {  	[sflag:s3] =	ssyncadd.s32 $0xFFFFC000  }
0x76: {  	[tilespmem:s8], [sflag:$0x2] =	stream.indirect.gather [hbm4b:s5+s12], $0x80, s19, s12, $0xb8;
	[tilespmem:$0x10800] =	vst v63  }
0x77: {  	_ =	swait.ge [sflag:s9], $0x4000  }
0x78: {  	[sflag:s9] =	ssyncset.done $0x0  }
0x79: {  	[sflag:s9] =	ssyncadd.s32 $0xFFFFC000  }
0x7a: {  	[hbm4b:s15+s2] =	stream.linear.scatter [tilespmem:s6], [sflag:$0x5], $0x4000, $0x38;
	[tilespmem:$0x10800] =	vst v63  }
0x7b: {  	_ =	swait.ge [sflag:s3], $0x4000  }
0x7c: {  	[sflag:s3] =	ssyncset.done $0x0  }
0x7d: {  	[sflag:s3] =	ssyncadd.s32 $0xFFFFC000  }
0x7e: {  	[tilespmem:s6], [sflag:$0x3] =	stream.indirect.gather [hbm4b:s5+s12], $0x80, s18, s12, $0xb8;
	[tilespmem:$0x10800] =	vst v63  }
0x7f: {  	_ =	swait.ge [sflag:s7], $0x4000  }
0x80: {  	[sflag:s7] =	ssyncset.done $0x0  }
0x81: {  	[sflag:s7] =	ssyncadd.s32 $0xFFFFC000  }
0x82: {  	[hbm4b:s13+s2] =	stream.linear.scatter [tilespmem:s4], [sflag:$0x5], $0x4000, $0x38;
	[tilespmem:$0x10800] =	vst v63  }
0x83: {  	_ =	swait.ge [sflag:s3], $0x4000  }
0x84: {  	[sflag:s3] =	ssyncset.done $0x0  }
0x85: {  	[sflag:s3] =	ssyncadd.s32 $0xFFFFC000  }
0x86: {  	[tilespmem:s4], [sflag:$0x4] =	stream.indirect.gather [hbm4b:s5+s12], $0x80, s17, s12, $0xb8;
	[tilespmem:$0x10800] =	vst v63  }
0x87: {  	_ =	swait.ge [sflag:s14], $0x4000  }
0x88: {  	[sflag:s14] =	ssyncset.done $0x0  }
0x89: {  	s0 =	rddreg [dreg:$0x3];
	[sflag:s14] =	ssyncadd.s32 $0xFFFFC000  }
0x8a: {  	[hbm4b:s0+s2] =	stream.linear.scatter [tilespmem:s10], [sflag:$0x5], $0x4000, $0x38;
	[tilespmem:$0x10800] =	vst v63  }
0x8b: {  	_ =	swait.ge [sflag:s3], $0x4000  }
0x8c: {  	[sflag:s3] =	ssyncset.done $0x0  }
0x8d: {  	[sflag:s3] =	ssyncadd.s32 $0xFFFFC000  }
0x8e: {  	_ =	swait.ge [sflag:s11], $0x4000  }
0x8f: {  	[sflag:s11] =	ssyncset.done $0x0  }
0x90: {  	s0 =	rddreg [dreg:$0x4];
	[sflag:s11] =	ssyncadd.s32 $0xFFFFC000  }
0x91: {  	[hbm4b:s0+s2] =	stream.linear.scatter [tilespmem:s8], [sflag:$0x5], $0x4000, $0x38;
	[tilespmem:$0x10800] =	vst v63  }
0x92: {  	_ =	swait.ge [sflag:s3], $0x4000  }
0x93: {  	[sflag:s3] =	ssyncset.done $0x0  }
0x94: {  	[sflag:s3] =	ssyncadd.s32 $0xFFFFC000  }
0x95: {  	_ =	swait.ge [sflag:s9], $0x4000  }
0x96: {  	[sflag:s9] =	ssyncset.done $0x0  }
0x97: {  	s0 =	rddreg [dreg:$0x5];
	[sflag:s9] =	ssyncadd.s32 $0xFFFFC000  }
0x98: {  	[hbm4b:s0+s2] =	stream.linear.scatter [tilespmem:s6], [sflag:$0x5], $0x4000, $0x38;
	[tilespmem:$0x10800] =	vst v63  }
0x99: {  	_ =	swait.ge [sflag:s3], $0x4000  }
0x9a: {  	[sflag:s3] =	ssyncset.done $0x0  }
0x9b: {  	[sflag:s3] =	ssyncadd.s32 $0xFFFFC000  }
0x9c: {  	p1 =	sne.s32 s1, $0x1;
	_ =	swait.ge [sflag:s7], $0x4000  }
.Ltmp1:
0x9d: {  	[sflag:s7] =	ssyncset.done $0x0;
	(pc) =	sbr.rel @!p1 .LBB2_3-.Ltmp1, $4  }
0x9e: {  	s0 =	rddreg [dreg:$0x6];
	[sflag:s7] =	ssyncadd.s32 $0xFFFFC000  }
0x9f: {  	[hbm4b:s0+s2] =	stream.linear.scatter [tilespmem:s4], [sflag:$0x5], $0x4000, $0x38;
	[tilespmem:$0x10800] =	vst v63  }
0xa0: {  	s1 =	sadd.s32 $0xFFFFFFFF, s1;
	_ =	swait.ge [sflag:s3], $0x4000  }
0xa1: {  	p0 =	por $0x1, $0x1;
	s0 =	rddreg [dreg:$0x2];
	[sflag:s3] =	ssyncset.done $0x0  }
.LBB2_2:
0xa2: {  	[sflag:s3] =	ssyncadd.s32 $0xFFFFC000  }
0xa3: {  	[tilespmem:s2], [sflag:$0x5] =	stream.linear.gather [hbm4b:s0+s2], $0x800, $0x38;
	[tilespmem:$0x10800] =	vst v63  }
0xa4: {  	_ =	swait.ge [sflag:s3], $0x800  }
0xa5: {  	[sflag:s3] =	ssyncset.done $0x0  }
0xa6: {  	[sflag:s3] =	ssyncadd.s32 $0xFFFFF800  }
0xa7: {  	[tilespmem:s10], [sflag:$0x1] =	stream.indirect.gather [hbm4b:s5+s12], $0x80, s2, s12, $0xb8;
	[tilespmem:$0x10800] =	vst v63  }
0xa8: {  	_ = 	snop  }
0xa9: {  	[tilespmem:s8], [sflag:$0x2] =	stream.indirect.gather [hbm4b:s5+s12], $0x80, s12, s12, $0xb8;
	[tilespmem:$0x10800] =	vst v63  }
0xaa: {  	_ = 	snop  }
0xab: {  	[tilespmem:s6], [sflag:$0x3] =	stream.indirect.gather [hbm4b:s5+s12], $0x80, s30, s12, $0xb8;
	[tilespmem:$0x10800] =	vst v63  }
0xac: {  	_ = 	snop  }
0xad: {  	[tilespmem:s4], [sflag:$0x4] =	stream.indirect.gather [hbm4b:s5+s12], $0x80, s31, s12, $0xb8;
	[tilespmem:$0x10800] =	vst v63  }
0xae: {  	_ =	swait.ge [sflag:s14], $0x4000  }
0xaf: {  	[sflag:s14] =	ssyncset.done $0x0  }
0xb0: {  	s0 =	rddreg [dreg:$0x7];
	[sflag:s14] =	ssyncadd.s32 $0xFFFFC000  }
0xb1: {  	[hbm4b:s0+s2] =	stream.linear.scatter [tilespmem:s10], [sflag:$0x5], $0x4000, $0x38;
	[tilespmem:$0x10800] =	vst v63  }
0xb2: {  	_ =	swait.ge [sflag:s3], $0x4000  }
0xb3: {  	[sflag:s3] =	ssyncset.done $0x0  }
0xb4: {  	[sflag:s3] =	ssyncadd.s32 $0xFFFFC000  }
0xb5: {  	[tilespmem:s10], [sflag:$0x1] =	stream.indirect.gather [hbm4b:s5+s12], $0x80, s29, s12, $0xb8;
	[tilespmem:$0x10800] =	vst v63  }
0xb6: {  	_ =	swait.ge [sflag:s11], $0x4000  }
0xb7: {  	[sflag:s11] =	ssyncset.done $0x0  }
0xb8: {  	s0 =	rddreg [dreg:$0x8];
	[sflag:s11] =	ssyncadd.s32 $0xFFFFC000  }
0xb9: {  	[hbm4b:s0+s2] =	stream.linear.scatter [tilespmem:s8], [sflag:$0x5], $0x4000, $0x38;
	[tilespmem:$0x10800] =	vst v63  }
0xba: {  	_ =	swait.ge [sflag:s3], $0x4000  }
0xbb: {  	[sflag:s3] =	ssyncset.done $0x0  }
0xbc: {  	[sflag:s3] =	ssyncadd.s32 $0xFFFFC000  }
0xbd: {  	[tilespmem:s8], [sflag:$0x2] =	stream.indirect.gather [hbm4b:s5+s12], $0x80, s28, s12, $0xb8;
	[tilespmem:$0x10800] =	vst v63  }
0xbe: {  	_ =	swait.ge [sflag:s9], $0x4000  }
0xbf: {  	[sflag:s9] =	ssyncset.done $0x0  }
0xc0: {  	s0 =	rddreg [dreg:$0x9];
	[sflag:s9] =	ssyncadd.s32 $0xFFFFC000  }
0xc1: {  	[hbm4b:s0+s2] =	stream.linear.scatter [tilespmem:s6], [sflag:$0x5], $0x4000, $0x38;
	[tilespmem:$0x10800] =	vst v63  }
0xc2: {  	_ =	swait.ge [sflag:s3], $0x4000  }
0xc3: {  	[sflag:s3] =	ssyncset.done $0x0  }
0xc4: {  	[sflag:s3] =	ssyncadd.s32 $0xFFFFC000  }
0xc5: {  	[tilespmem:s6], [sflag:$0x3] =	stream.indirect.gather [hbm4b:s5+s12], $0x80, s26, s12, $0xb8;
	[tilespmem:$0x10800] =	vst v63  }
0xc6: {  	_ =	swait.ge [sflag:s7], $0x4000  }
0xc7: {  	[sflag:s7] =	ssyncset.done $0x0  }
0xc8: {  	s0 =	rddreg [dreg:$0xa];
	[sflag:s7] =	ssyncadd.s32 $0xFFFFC000  }
0xc9: {  	[hbm4b:s0+s2] =	stream.linear.scatter [tilespmem:s4], [sflag:$0x5], $0x4000, $0x38;
	[tilespmem:$0x10800] =	vst v63  }
0xca: {  	_ =	swait.ge [sflag:s3], $0x4000  }
0xcb: {  	[sflag:s3] =	ssyncset.done $0x0  }
0xcc: {  	[sflag:s3] =	ssyncadd.s32 $0xFFFFC000  }
0xcd: {  	[tilespmem:s4], [sflag:$0x4] =	stream.indirect.gather [hbm4b:s5+s12], $0x80, s25, s12, $0xb8;
	[tilespmem:$0x10800] =	vst v63  }
0xce: {  	_ =	swait.ge [sflag:s14], $0x4000  }
0xcf: {  	[sflag:s14] =	ssyncset.done $0x0  }
0xd0: {  	s0 =	rddreg [dreg:$0xb];
	[sflag:s14] =	ssyncadd.s32 $0xFFFFC000  }
0xd1: {  	[hbm4b:s0+s2] =	stream.linear.scatter [tilespmem:s10], [sflag:$0x5], $0x4000, $0x38;
	[tilespmem:$0x10800] =	vst v63  }
0xd2: {  	_ =	swait.ge [sflag:s3], $0x4000  }
0xd3: {  	[sflag:s3] =	ssyncset.done $0x0  }
0xd4: {  	[sflag:s3] =	ssyncadd.s32 $0xFFFFC000  }
0xd5: {  	[tilespmem:s10], [sflag:$0x1] =	stream.indirect.gather [hbm4b:s5+s12], $0x80, s24, s12, $0xb8;
	[tilespmem:$0x10800] =	vst v63  }
0xd6: {  	_ =	swait.ge [sflag:s11], $0x4000  }
0xd7: {  	[sflag:s11] =	ssyncset.done $0x0  }
0xd8: {  	s0 =	rddreg [dreg:$0xc];
	[sflag:s11] =	ssyncadd.s32 $0xFFFFC000  }
0xd9: {  	[hbm4b:s0+s2] =	stream.linear.scatter [tilespmem:s8], [sflag:$0x5], $0x4000, $0x38;
	[tilespmem:$0x10800] =	vst v63  }
0xda: {  	_ =	swait.ge [sflag:s3], $0x4000  }
0xdb: {  	[sflag:s3] =	ssyncset.done $0x0  }
0xdc: {  	[sflag:s3] =	ssyncadd.s32 $0xFFFFC000  }
0xdd: {  	[tilespmem:s8], [sflag:$0x2] =	stream.indirect.gather [hbm4b:s5+s12], $0x80, s23, s12, $0xb8;
	[tilespmem:$0x10800] =	vst v63  }
0xde: {  	_ =	swait.ge [sflag:s9], $0x4000  }
0xdf: {  	[sflag:s9] =	ssyncset.done $0x0  }
0xe0: {  	s0 =	rddreg [dreg:$0xd];
	[sflag:s9] =	ssyncadd.s32 $0xFFFFC000  }
0xe1: {  	[hbm4b:s0+s2] =	stream.linear.scatter [tilespmem:s6], [sflag:$0x5], $0x4000, $0x38;
	[tilespmem:$0x10800] =	vst v63  }
0xe2: {  	_ =	swait.ge [sflag:s3], $0x4000  }
0xe3: {  	[sflag:s3] =	ssyncset.done $0x0  }
0xe4: {  	[sflag:s3] =	ssyncadd.s32 $0xFFFFC000  }
0xe5: {  	[tilespmem:s6], [sflag:$0x3] =	stream.indirect.gather [hbm4b:s5+s12], $0x80, s22, s12, $0xb8;
	[tilespmem:$0x10800] =	vst v63  }
0xe6: {  	_ =	swait.ge [sflag:s7], $0x4000  }
0xe7: {  	[sflag:s7] =	ssyncset.done $0x0  }
0xe8: {  	s0 =	rddreg [dreg:$0xe];
	[sflag:s7] =	ssyncadd.s32 $0xFFFFC000  }
0xe9: {  	[hbm4b:s0+s2] =	stream.linear.scatter [tilespmem:s4], [sflag:$0x5], $0x4000, $0x38;
	[tilespmem:$0x10800] =	vst v63  }
0xea: {  	_ =	swait.ge [sflag:s3], $0x4000  }
0xeb: {  	[sflag:s3] =	ssyncset.done $0x0  }
0xec: {  	[sflag:s3] =	ssyncadd.s32 $0xFFFFC000  }
0xed: {  	[tilespmem:s4], [sflag:$0x4] =	stream.indirect.gather [hbm4b:s5+s12], $0x80, s21, s12, $0xb8;
	[tilespmem:$0x10800] =	vst v63  }
0xee: {  	_ =	swait.ge [sflag:s14], $0x4000  }
0xef: {  	[sflag:s14] =	ssyncset.done $0x0  }
0xf0: {  	s0 =	rddreg [dreg:$0xf];
	[sflag:s14] =	ssyncadd.s32 $0xFFFFC000  }
0xf1: {  	[hbm4b:s0+s2] =	stream.linear.scatter [tilespmem:s10], [sflag:$0x5], $0x4000, $0x38;
	[tilespmem:$0x10800] =	vst v63  }
0xf2: {  	_ =	swait.ge [sflag:s3], $0x4000  }
0xf3: {  	[sflag:s3] =	ssyncset.done $0x0  }
0xf4: {  	[sflag:s3] =	ssyncadd.s32 $0xFFFFC000  }
0xf5: {  	[tilespmem:s10], [sflag:$0x1] =	stream.indirect.gather [hbm4b:s5+s12], $0x80, s20, s12, $0xb8;
	[tilespmem:$0x10800] =	vst v63  }
0xf6: {  	_ =	swait.ge [sflag:s11], $0x4000  }
0xf7: {  	[sflag:s11] =	ssyncset.done $0x0  }
0xf8: {  	[sflag:s11] =	ssyncadd.s32 $0xFFFFC000  }
0xf9: {  	[hbm4b:s16+s2] =	stream.linear.scatter [tilespmem:s8], [sflag:$0x5], $0x4000, $0x38;
	[tilespmem:$0x10800] =	vst v63  }
0xfa: {  	_ =	swait.ge [sflag:s3], $0x4000  }
0xfb: {  	[sflag:s3] =	ssyncset.done $0x0  }
0xfc: {  	[sflag:s3] =	ssyncadd.s32 $0xFFFFC000  }
0xfd: {  	[tilespmem:s8], [sflag:$0x2] =	stream.indirect.gather [hbm4b:s5+s12], $0x80, s19, s12, $0xb8;
	[tilespmem:$0x10800] =	vst v63  }
0xfe: {  	_ =	swait.ge [sflag:s9], $0x4000  }
0xff: {  	[sflag:s9] =	ssyncset.done $0x0  }
0x100: {  	[sflag:s9] =	ssyncadd.s32 $0xFFFFC000  }
0x101: {  	[hbm4b:s15+s2] =	stream.linear.scatter [tilespmem:s6], [sflag:$0x5], $0x4000, $0x38;
	[tilespmem:$0x10800] =	vst v63  }
0x102: {  	_ =	swait.ge [sflag:s3], $0x4000  }
0x103: {  	[sflag:s3] =	ssyncset.done $0x0  }
0x104: {  	[sflag:s3] =	ssyncadd.s32 $0xFFFFC000  }
0x105: {  	[tilespmem:s6], [sflag:$0x3] =	stream.indirect.gather [hbm4b:s5+s12], $0x80, s18, s12, $0xb8;
	[tilespmem:$0x10800] =	vst v63  }
0x106: {  	_ =	swait.ge [sflag:s7], $0x4000  }
0x107: {  	[sflag:s7] =	ssyncset.done $0x0  }
0x108: {  	[sflag:s7] =	ssyncadd.s32 $0xFFFFC000  }
0x109: {  	[hbm4b:s13+s2] =	stream.linear.scatter [tilespmem:s4], [sflag:$0x5], $0x4000, $0x38;
	[tilespmem:$0x10800] =	vst v63  }
0x10a: {  	_ =	swait.ge [sflag:s3], $0x4000  }
0x10b: {  	[sflag:s3] =	ssyncset.done $0x0  }
0x10c: {  	[sflag:s3] =	ssyncadd.s32 $0xFFFFC000  }
0x10d: {  	[tilespmem:s4], [sflag:$0x4] =	stream.indirect.gather [hbm4b:s5+s12], $0x80, s17, s12, $0xb8;
	[tilespmem:$0x10800] =	vst v63  }
0x10e: {  	_ =	swait.ge [sflag:s14], $0x4000  }
0x10f: {  	[sflag:s14] =	ssyncset.done $0x0  }
0x110: {  	s0 =	rddreg [dreg:$0x3];
	[sflag:s14] =	ssyncadd.s32 $0xFFFFC000  }
0x111: {  	[hbm4b:s0+s2] =	stream.linear.scatter [tilespmem:s10], [sflag:$0x5], $0x4000, $0x38;
	[tilespmem:$0x10800] =	vst v63  }
0x112: {  	_ =	swait.ge [sflag:s3], $0x4000  }
0x113: {  	[sflag:s3] =	ssyncset.done $0x0  }
0x114: {  	[sflag:s3] =	ssyncadd.s32 $0xFFFFC000  }
0x115: {  	_ =	swait.ge [sflag:s11], $0x4000  }
0x116: {  	[sflag:s11] =	ssyncset.done $0x0  }
0x117: {  	s0 =	rddreg [dreg:$0x4];
	[sflag:s11] =	ssyncadd.s32 $0xFFFFC000  }
0x118: {  	[hbm4b:s0+s2] =	stream.linear.scatter [tilespmem:s8], [sflag:$0x5], $0x4000, $0x38;
	[tilespmem:$0x10800] =	vst v63  }
0x119: {  	_ =	swait.ge [sflag:s3], $0x4000  }
0x11a: {  	[sflag:s3] =	ssyncset.done $0x0  }
0x11b: {  	[sflag:s3] =	ssyncadd.s32 $0xFFFFC000  }
0x11c: {  	_ =	swait.ge [sflag:s9], $0x4000  }
0x11d: {  	[sflag:s9] =	ssyncset.done $0x0  }
0x11e: {  	s0 =	rddreg [dreg:$0x5];
	[sflag:s9] =	ssyncadd.s32 $0xFFFFC000  }
0x11f: {  	[hbm4b:s0+s2] =	stream.linear.scatter [tilespmem:s6], [sflag:$0x5], $0x4000, $0x38;
	[tilespmem:$0x10800] =	vst v63  }
0x120: {  	_ =	swait.ge [sflag:s3], $0x4000  }
0x121: {  	[sflag:s3] =	ssyncset.done $0x0  }
0x122: {  	[sflag:s3] =	ssyncadd.s32 $0xFFFFC000  }
0x123: {  	p1 =	sne.s32 s1, $0x1;
	_ =	swait.ge [sflag:s7], $0x4000  }
.Ltmp2:
0x124: {  	[sflag:s7] =	ssyncset.done $0x0;
	(pc) =	sbr.rel @p1 .LBB2_2-.Ltmp2, $4  }
0x125: {  	s0 =	rddreg [dreg:$0x6];
	[sflag:s7] =	ssyncadd.s32 $0xFFFFC000  }
0x126: {  	[hbm4b:s0+s2] =	stream.linear.scatter [tilespmem:s4], [sflag:$0x5], $0x4000, $0x38;
	[tilespmem:$0x10800] =	vst v63  }
0x127: {  	_ =	swait.ge [sflag:s3], $0x4000  }
0x128: {  	s1 =	sadd.s32 $0xFFFFFFFF, s1;
	s0 =	rddreg [dreg:$0x2];
	[sflag:s3] =	ssyncset.done $0x0  }
.LBB2_3:
0x129: {  	[sflag:s3] =	ssyncadd.s32 @p0 $0xFFFFC000  }
0x12a: {  	[tilespmem:s2], [sflag:$0x5] =	stream.linear.gather [hbm4b:s0+s2], $0x800, $0x38;
	[tilespmem:$0x10800] =	vst v63  }
0x12b: {  	_ =	swait.ge [sflag:s3], $0x800  }
0x12c: {  	[sflag:s3] =	ssyncset.done $0x0  }
0x12d: {  	[sflag:s3] =	ssyncadd.s32 $0xFFFFF800  }
0x12e: {  	[tilespmem:s10], [sflag:$0x1] =	stream.indirect.gather [hbm4b:s5+s12], $0x80, s2, s12, $0xb8;
	[tilespmem:$0x10800] =	vst v63  }
0x12f: {  	_ = 	snop  }
0x130: {  	[tilespmem:s8], [sflag:$0x2] =	stream.indirect.gather [hbm4b:s5+s12], $0x80, s12, s12, $0xb8;
	[tilespmem:$0x10800] =	vst v63  }
0x131: {  	_ = 	snop  }
0x132: {  	[tilespmem:s6], [sflag:$0x3] =	stream.indirect.gather [hbm4b:s5+s12], $0x80, s30, s12, $0xb8;
	[tilespmem:$0x10800] =	vst v63  }
0x133: {  	_ = 	snop  }
0x134: {  	[tilespmem:s4], [sflag:$0x4] =	stream.indirect.gather [hbm4b:s5+s12], $0x80, s31, s12, $0xb8;
	[tilespmem:$0x10800] =	vst v63  }
0x135: {  	_ =	swait.ge [sflag:s14], $0x4000  }
0x136: {  	[sflag:s14] =	ssyncset.done $0x0  }
0x137: {  	s31 =	rddreg [dreg:$0x7];
	[sflag:s14] =	ssyncadd.s32 $0xFFFFC000  }
0x138: {  	[hbm4b:s31+s2] =	stream.linear.scatter [tilespmem:s10], [sflag:$0x5], $0x4000, $0x38;
	[tilespmem:$0x10800] =	vst v63  }
0x139: {  	_ =	swait.ge [sflag:s3], $0x4000  }
0x13a: {  	[sflag:s3] =	ssyncset.done $0x0  }
0x13b: {  	[sflag:s3] =	ssyncadd.s32 $0xFFFFC000  }
0x13c: {  	[tilespmem:s10], [sflag:$0x1] =	stream.indirect.gather [hbm4b:s5+s12], $0x80, s29, s12, $0xb8;
	[tilespmem:$0x10800] =	vst v63  }
0x13d: {  	_ =	swait.ge [sflag:s11], $0x4000  }
0x13e: {  	[sflag:s11] =	ssyncset.done $0x0  }
0x13f: {  	s1 =	rddreg [dreg:$0x8];
	[sflag:s11] =	ssyncadd.s32 $0xFFFFC000  }
0x140: {  	[hbm4b:s1+s2] =	stream.linear.scatter [tilespmem:s8], [sflag:$0x5], $0x4000, $0x38;
	[tilespmem:$0x10800] =	vst v63  }
0x141: {  	_ =	swait.ge [sflag:s3], $0x4000  }
0x142: {  	[sflag:s3] =	ssyncset.done $0x0  }
0x143: {  	[sflag:s3] =	ssyncadd.s32 $0xFFFFC000  }
0x144: {  	[tilespmem:s8], [sflag:$0x2] =	stream.indirect.gather [hbm4b:s5+s12], $0x80, s28, s12, $0xb8;
	[tilespmem:$0x10800] =	vst v63  }
0x145: {  	_ =	swait.ge [sflag:s9], $0x4000  }
0x146: {  	[sflag:s9] =	ssyncset.done $0x0  }
0x147: {  	s29 =	rddreg [dreg:$0x9];
	[sflag:s9] =	ssyncadd.s32 $0xFFFFC000  }
0x148: {  	[hbm4b:s29+s2] =	stream.linear.scatter [tilespmem:s6], [sflag:$0x5], $0x4000, $0x38;
	[tilespmem:$0x10800] =	vst v63  }
0x149: {  	_ =	swait.ge [sflag:s3], $0x4000  }
0x14a: {  	[sflag:s3] =	ssyncset.done $0x0  }
0x14b: {  	[sflag:s3] =	ssyncadd.s32 $0xFFFFC000  }
0x14c: {  	[tilespmem:s6], [sflag:$0x3] =	stream.indirect.gather [hbm4b:s5+s12], $0x80, s26, s12, $0xb8;
	[tilespmem:$0x10800] =	vst v63  }
0x14d: {  	_ =	swait.ge [sflag:s7], $0x4000  }
0x14e: {  	[sflag:s7] =	ssyncset.done $0x0  }
0x14f: {  	s30 =	rddreg [dreg:$0xa];
	[sflag:s7] =	ssyncadd.s32 $0xFFFFC000  }
0x150: {  	[hbm4b:s30+s2] =	stream.linear.scatter [tilespmem:s4], [sflag:$0x5], $0x4000, $0x38;
	[tilespmem:$0x10800] =	vst v63  }
0x151: {  	_ =	swait.ge [sflag:s3], $0x4000  }
0x152: {  	[sflag:s3] =	ssyncset.done $0x0  }
0x153: {  	[sflag:s3] =	ssyncadd.s32 $0xFFFFC000  }
0x154: {  	[tilespmem:s4], [sflag:$0x4] =	stream.indirect.gather [hbm4b:s5+s12], $0x80, s25, s12, $0xb8;
	[tilespmem:$0x10800] =	vst v63  }
0x155: {  	_ =	swait.ge [sflag:s14], $0x4000  }
0x156: {  	[sflag:s14] =	ssyncset.done $0x0  }
0x157: {  	s31 =	rddreg [dreg:$0xb];
	[sflag:s14] =	ssyncadd.s32 $0xFFFFC000  }
0x158: {  	[hbm4b:s31+s2] =	stream.linear.scatter [tilespmem:s10], [sflag:$0x5], $0x4000, $0x38;
	[tilespmem:$0x10800] =	vst v63  }
0x159: {  	_ =	swait.ge [sflag:s3], $0x4000  }
0x15a: {  	[sflag:s3] =	ssyncset.done $0x0  }
0x15b: {  	[sflag:s3] =	ssyncadd.s32 $0xFFFFC000  }
0x15c: {  	[tilespmem:s10], [sflag:$0x1] =	stream.indirect.gather [hbm4b:s5+s12], $0x80, s24, s12, $0xb8;
	[tilespmem:$0x10800] =	vst v63  }
0x15d: {  	_ =	swait.ge [sflag:s11], $0x4000  }
0x15e: {  	[sflag:s11] =	ssyncset.done $0x0  }
0x15f: {  	s1 =	rddreg [dreg:$0xc];
	[sflag:s11] =	ssyncadd.s32 $0xFFFFC000  }
0x160: {  	[hbm4b:s1+s2] =	stream.linear.scatter [tilespmem:s8], [sflag:$0x5], $0x4000, $0x38;
	[tilespmem:$0x10800] =	vst v63  }
0x161: {  	_ =	swait.ge [sflag:s3], $0x4000  }
0x162: {  	[sflag:s3] =	ssyncset.done $0x0  }
0x163: {  	[sflag:s3] =	ssyncadd.s32 $0xFFFFC000  }
0x164: {  	[tilespmem:s8], [sflag:$0x2] =	stream.indirect.gather [hbm4b:s5+s12], $0x80, s23, s12, $0xb8;
	[tilespmem:$0x10800] =	vst v63  }
0x165: {  	_ =	swait.ge [sflag:s9], $0x4000  }
0x166: {  	[sflag:s9] =	ssyncset.done $0x0  }
0x167: {  	s23 =	rddreg [dreg:$0xd];
	[sflag:s9] =	ssyncadd.s32 $0xFFFFC000  }
0x168: {  	[hbm4b:s23+s2] =	stream.linear.scatter [tilespmem:s6], [sflag:$0x5], $0x4000, $0x38;
	[tilespmem:$0x10800] =	vst v63  }
0x169: {  	_ =	swait.ge [sflag:s3], $0x4000  }
0x16a: {  	[sflag:s3] =	ssyncset.done $0x0  }
0x16b: {  	[sflag:s3] =	ssyncadd.s32 $0xFFFFC000  }
0x16c: {  	[tilespmem:s6], [sflag:$0x3] =	stream.indirect.gather [hbm4b:s5+s12], $0x80, s22, s12, $0xb8;
	[tilespmem:$0x10800] =	vst v63  }
0x16d: {  	_ =	swait.ge [sflag:s7], $0x4000  }
0x16e: {  	[sflag:s7] =	ssyncset.done $0x0  }
0x16f: {  	s24 =	rddreg [dreg:$0xe];
	[sflag:s7] =	ssyncadd.s32 $0xFFFFC000  }
0x170: {  	[hbm4b:s24+s2] =	stream.linear.scatter [tilespmem:s4], [sflag:$0x5], $0x4000, $0x38;
	[tilespmem:$0x10800] =	vst v63  }
0x171: {  	_ =	swait.ge [sflag:s3], $0x4000  }
0x172: {  	[sflag:s3] =	ssyncset.done $0x0  }
0x173: {  	[sflag:s3] =	ssyncadd.s32 $0xFFFFC000  }
0x174: {  	[tilespmem:s4], [sflag:$0x4] =	stream.indirect.gather [hbm4b:s5+s12], $0x80, s21, s12, $0xb8;
	[tilespmem:$0x10800] =	vst v63  }
0x175: {  	_ =	swait.ge [sflag:s14], $0x4000  }
0x176: {  	[sflag:s14] =	ssyncset.done $0x0  }
0x177: {  	s25 =	rddreg [dreg:$0xf];
	[sflag:s14] =	ssyncadd.s32 $0xFFFFC000  }
0x178: {  	[hbm4b:s25+s2] =	stream.linear.scatter [tilespmem:s10], [sflag:$0x5], $0x4000, $0x38;
	[tilespmem:$0x10800] =	vst v63  }
0x179: {  	_ =	swait.ge [sflag:s3], $0x4000  }
0x17a: {  	[sflag:s3] =	ssyncset.done $0x0  }
0x17b: {  	[sflag:s3] =	ssyncadd.s32 $0xFFFFC000  }
0x17c: {  	[tilespmem:s10], [sflag:$0x1] =	stream.indirect.gather [hbm4b:s5+s12], $0x80, s20, s12, $0xb8;
	[tilespmem:$0x10800] =	vst v63  }
0x17d: {  	_ =	swait.ge [sflag:s11], $0x4000  }
0x17e: {  	[sflag:s11] =	ssyncset.done $0x0  }
0x17f: {  	[sflag:s11] =	ssyncadd.s32 $0xFFFFC000  }
0x180: {  	[hbm4b:s16+s2] =	stream.linear.scatter [tilespmem:s8], [sflag:$0x5], $0x4000, $0x38;
	[tilespmem:$0x10800] =	vst v63  }
0x181: {  	_ =	swait.ge [sflag:s3], $0x4000  }
0x182: {  	[sflag:s3] =	ssyncset.done $0x0  }
0x183: {  	[sflag:s3] =	ssyncadd.s32 $0xFFFFC000  }
0x184: {  	[tilespmem:s8], [sflag:$0x2] =	stream.indirect.gather [hbm4b:s5+s12], $0x80, s19, s12, $0xb8;
	[tilespmem:$0x10800] =	vst v63  }
0x185: {  	_ =	swait.ge [sflag:s9], $0x4000  }
0x186: {  	[sflag:s9] =	ssyncset.done $0x0  }
0x187: {  	[sflag:s9] =	ssyncadd.s32 $0xFFFFC000  }
0x188: {  	[hbm4b:s15+s2] =	stream.linear.scatter [tilespmem:s6], [sflag:$0x5], $0x4000, $0x38;
	[tilespmem:$0x10800] =	vst v63  }
0x189: {  	_ =	swait.ge [sflag:s3], $0x4000  }
0x18a: {  	[sflag:s3] =	ssyncset.done $0x0  }
0x18b: {  	[sflag:s3] =	ssyncadd.s32 $0xFFFFC000  }
0x18c: {  	[tilespmem:s6], [sflag:$0x3] =	stream.indirect.gather [hbm4b:s5+s12], $0x80, s18, s12, $0xb8;
	[tilespmem:$0x10800] =	vst v63  }
0x18d: {  	_ =	swait.ge [sflag:s7], $0x4000  }
0x18e: {  	[sflag:s7] =	ssyncset.done $0x0  }
0x18f: {  	[sflag:s7] =	ssyncadd.s32 $0xFFFFC000  }
0x190: {  	[hbm4b:s13+s2] =	stream.linear.scatter [tilespmem:s4], [sflag:$0x5], $0x4000, $0x38;
	[tilespmem:$0x10800] =	vst v63  }
0x191: {  	_ =	swait.ge [sflag:s3], $0x4000  }
0x192: {  	[sflag:s3] =	ssyncset.done $0x0  }
0x193: {  	[sflag:s3] =	ssyncadd.s32 $0xFFFFC000  }
0x194: {  	[tilespmem:s4], [sflag:$0x4] =	stream.indirect.gather [hbm4b:s5+s12], $0x80, s17, s12, $0xb8;
	[tilespmem:$0x10800] =	vst v63  }
0x195: {  	_ =	swait.ge [sflag:s14], $0x4000  }
0x196: {  	[sflag:s14] =	ssyncset.done $0x0  }
0x197: {  	s26 =	rddreg [dreg:$0x3];
	[sflag:s14] =	ssyncadd.s32 $0xFFFFC000  }
0x198: {  	[hbm4b:s26+s2] =	stream.linear.scatter [tilespmem:s10], [sflag:$0x5], $0x4000, $0x38;
	[tilespmem:$0x10800] =	vst v63  }
0x199: {  	_ =	swait.ge [sflag:s3], $0x4000  }
0x19a: {  	[sflag:s3] =	ssyncset.done $0x0  }
0x19b: {  	[sflag:s3] =	ssyncadd.s32 $0xFFFFC000  }
0x19c: {  	_ =	swait.ge [sflag:s11], $0x4000  }
0x19d: {  	[sflag:s11] =	ssyncset.done $0x0  }
0x19e: {  	s28 =	rddreg [dreg:$0x4];
	[sflag:s11] =	ssyncadd.s32 $0xFFFFC000  }
0x19f: {  	[hbm4b:s28+s2] =	stream.linear.scatter [tilespmem:s8], [sflag:$0x5], $0x4000, $0x38;
	[tilespmem:$0x10800] =	vst v63  }
0x1a0: {  	_ =	swait.ge [sflag:s3], $0x4000  }
0x1a1: {  	[sflag:s3] =	ssyncset.done $0x0  }
0x1a2: {  	[sflag:s3] =	ssyncadd.s32 $0xFFFFC000  }
0x1a3: {  	_ =	swait.ge [sflag:s9], $0x4000  }
0x1a4: {  	[sflag:s9] =	ssyncset.done $0x0  }
0x1a5: {  	s29 =	rddreg [dreg:$0x5];
	[sflag:s9] =	ssyncadd.s32 $0xFFFFC000  }
0x1a6: {  	[hbm4b:s29+s2] =	stream.linear.scatter [tilespmem:s6], [sflag:$0x5], $0x4000, $0x38;
	[tilespmem:$0x10800] =	vst v63  }
0x1a7: {  	_ =	swait.ge [sflag:s3], $0x4000  }
0x1a8: {  	[sflag:s3] =	ssyncset.done $0x0  }
0x1a9: {  	[sflag:s3] =	ssyncadd.s32 $0xFFFFC000  }
0x1aa: {  	_ =	swait.ge [sflag:s7], $0x4000  }
0x1ab: {  	[sflag:s7] =	ssyncset.done $0x0  }
0x1ac: {  	s30 =	rddreg [dreg:$0x6];
	[sflag:s7] =	ssyncadd.s32 $0xFFFFC000  }
0x1ad: {  	[hbm4b:s30+s2] =	stream.linear.scatter [tilespmem:s4], [sflag:$0x5], $0x4000, $0x38;
	[tilespmem:$0x10800] =	vst v63  }
0x1ae: {  	_ =	swait.ge [sflag:s3], $0x4000  }
0x1af: {  	[sflag:s3] =	ssyncset.done $0x0  }
0x1b0: {  	[sflag:s3] =	ssyncadd.s32 $0xFFFFC000  }
0x1b1: {  	_ =	sfence.sel $0x180000  }
0x1b2: {  	[bflag:$0x0] =	sbarrier.arrive $0xFFFF  }
0x1b3: {  	_ =	strace $0x9000004D  }
0x1b4: {  	s31 =	stileid.u32;
	[bflag:$0x2] =	sbarrier.arrive $0xFFFF  }
0x1b5: {  	p0 =	sne.s32 s31, $0x0;
	s0 =	rddreg [dreg:$0x1]  }
0x1b6: {  	s0 =	sadd.s32 @!p0 $0x100000, s0  }
0x1b7: {  	[sflag:s0] =	ssyncadd.tile.s32 @!p0 $0x1;
	_ =	shalt  }
.Lfunc_end2:
_tile_overlayer_lowered:
.L_overlay_start_2:
0x1b8: {  	(tag) =	ssettag $0x2  }
0x1b9: {  	s0 =	rddreg [dreg:$0x0];
	s2 =	stileid.u32  }
0x1ba: {  	s1 =	rddreg [dreg:$0x1];
	p0 =	sne.s32 s2, $0x0  }
0x1bb: {  	s3 =	rddreg [dreg:$0x2];
	[bflag:$0x3] =	sbarrier.arrive $0xFFFF;
	s2 =	simm.s32 @!p0 $0x1C05  }
0x1bc: {  	[timem:s3], [sflag:s2] =	dma.local @!p0 [hbm:s0], s1  }
0x1bd: {  	s0 =	simm.s32 @!p0 $0x5  }
0x1be: {  	_ =	swait.ge @!p0 [sflag:s0], s1  }
0x1bf: {  	s1 =	ssub.s32 @!p0 $0x0, s1;
	[sflag:s0] =	ssyncset.done @!p0 $0x0  }
0x1c0: {  	[sflag:s0] =	ssyncadd.s32 @!p0 s1  }
0x1c1: {  	[bflag:$0x3] =	sbarrier.arrive $0xFFFF  }
0x1c2: {  	_ =	shalt  }

// kernel: kernel.20.cloned.1.call-start
scs
__scs_entry_jumppad:
0x0: {  	(pc) =	sbr.rel $0x88, $3  }
0x1: {  	(tag) =	ssettag $0x0;
	lr =	simm.s32 $0x1  }
0x2: {  	[smem:$0x3F9C] =	sst lr;
	_ =	strace $0xD0000000  }
0x3: {  	_ = 	snop  }
0x4: {  	_ = 	snop  }
0x5: {  	_ = 	snop  }
0x6: {  	_ = 	snop  }
0x7: {  	_ = 	snop  }
__scs_overlays_trampoline_lowered:
0x8: {  	[smem:$0x3FAB] =	sst s0  }
0x9: {  	[smem:$0x3FAC] =	sst s1  }
0xa: {  	[smem:$0x3FAD] =	sst s2  }
0xb: {  	[smem:$0x3FAE] =	sst s3  }
0xc: {  	[smem:$0x3FAF] =	sst s4  }
0xd: {  	[smem:$0x3FB0] =	sst s5  }
0xe: {  	[smem:$0x3FB1] =	sst s6  }
0xf: {  	[smem:$0x3FB2] =	sst s7  }
0x10: {  	[smem:$0x3FB3] =	sst s8  }
0x11: {  	[smem:$0x3FB4] =	sst s9;
	s0 =	simm.s32 @!p0 $0x0  }
0x12: {  	s1 =	sld [smem:$0x3F9A];
	s0 =	simm.s32 @p0 $0x1  }
0x13: {  	[smem:$0x3FB5] =	sst s0;
	s0 =	simm.s32 @!p1 $0x0  }
0x14: {  	s2 =	sld [smem:$0x3F99];
	s0 =	simm.s32 @p1 $0x1  }
0x15: {  	[smem:$0x3FB6] =	sst s0;
	s0 =	simm.s32 @!p2 $0x0  }
0x16: {  	s3 =	sld [smem:$0x3FDB];
	s0 =	simm.s32 @p2 $0x1  }
0x17: {  	s4 =	simm.s32 $0x1BF5;
	[smem:$0x3FB8] =	sst s0  }
0x18: {  	s0 =	sld [smem:$0x3F9B];
	_ =	swait.ge [sflag:s4], $0x0  }
0x19: {  	s7 =	sld [smem:$0x3F9C]  }
0x1a: {  	s8 =	sadd.s32 $0xFFFFE003, lr  }
0x1b: {  	s9 =	sadd.s32 $0xFFFFFEF7, lr;
	s5 =	simm.s32 $0xFFFFFFFF;
	p2 =	slt.u32 s8, $0xFFFFF086  }
0x1c: {  	p1 =	slt.u32 s9, $0xF7A;
	s5 =	simm.s32 @!p2 $0x0  }
0x1d: {  	s5 =	simm.s32 @p1 $0x1;
	p0 =	seq.s32 s7, s2  }
0x1e: {  	s7 =	smul.u32 @!p0 $0xF7A, s2;
	p2 =	seq.s32 @!p0 s5, $0x0  }
0x1f: {  	s9 =	smul.u32 $0xF7A, s1;
	s8 =	simm.s32 @!p0 $0x1BF5;
	p2 =	por !p2, p0  }
0x20: {  	[sflag:s8] =	ssyncset.s32 @!p0 $0xFFFFF086;
	s6 =	sadd.s32 @!p0 s3, s7;
	s7 =	simm.s32 @!p0 $0x108  }
0x21: {  	s3 =	sadd.s32 s3, s9;
	s6 =	sadd.s32 @!p0 $0x88, s6;
	s7 =	simm.s32 @p2 $0x1082  }
0x22: {  	[simem:s7], [sflag:s8] =	dma.local @!p0 [hbm:s6], $0xF7A  }
0x23: {  	s9 =	sor.u32 $0xD0000000, s2;
	s6 =	simm.s32 $0x108;
	_ =	swait.ge @!p0 [sflag:s8], $0x0  }
0x24: {  	s3 =	sadd.s32 $0x88, s3;
	s6 =	simm.s32 @!p1 $0x1082;
	[sflag:s4] =	ssyncset.s32 $0xFFFFF086  }
0x25: {  	[simem:s6], [sflag:s4] =	dma.local [hbm:s3], $0xF7A  }
0x26: {  	[smem:$0x3F9C] =	sst s1;
	(tag) =	ssettag s2;
	_ =	strace s9  }
0x27: {  	s1 =	sld [smem:$0x3FAC]  }
0x28: {  	s2 =	sld [smem:$0x3FAD]  }
0x29: {  	s4 =	sld [smem:$0x3FAF]  }
0x2a: {  	p0 =	seq.s32 s5, $0x0;
	s5 =	sld [smem:$0x3FB0]  }
0x2b: {  	s6 =	sld [smem:$0x3FB1]  }
0x2c: {  	s7 =	sld [smem:$0x3FB2]  }
0x2d: {  	s3 =	simm.s32 $0x108;
	s8 =	sld [smem:$0x3FB3]  }
0x2e: {  	s3 =	simm.s32 @!p0 $0x1082;
	s9 =	sld [smem:$0x3FB4]  }
0x2f: {  	lr =	sadd.s32 s0, s3;
	s0 =	sld [smem:$0x3FAB]  }
0x30: {  	s3 =	sld [smem:$0x3FAE]  }
0x31: {  	[smem:$0x3FB7] =	sst s10  }
0x32: {  	s10 =	sld [smem:$0x3FB5];
	_ =	sdelay $0x3  }
0x33: {  	p0 =	seq.s32 s10, $0x1;
	s10 =	sld [smem:$0x3FB7];
	_ =	sdelay $0x3  }
0x34: {  	[smem:$0x3FB7] =	sst s10  }
0x35: {  	s10 =	sld [smem:$0x3FB6];
	_ =	sdelay $0x3  }
0x36: {  	p1 =	seq.s32 s10, $0x1;
	s10 =	sld [smem:$0x3FB7];
	_ =	sdelay $0x3  }
0x37: {  	[smem:$0x3FB7] =	sst s10  }
0x38: {  	s10 =	sld [smem:$0x3FB8]  }
0x39: {  	_ = 	snop;
	(pc) =	sbr.ind lr, $3  }
0x3a: {  	_ = 	snop  }
0x3b: {  	_ = 	snop  }
0x3c: {  	p2 =	seq.s32 s10, $0x1;
	s10 =	sld [smem:$0x3FB7]  }
0x3d: {  	_ =	shalt  }
0x3e: {  	_ =	shalt  }
0x3f: {  	_ =	shalt  }
0x40: {  	_ =	shalt  }
0x41: {  	_ =	shalt  }
0x42: {  	_ =	shalt  }
0x43: {  	_ =	shalt  }
0x44: {  	_ =	shalt  }
0x45: {  	_ =	shalt  }
0x46: {  	_ =	shalt  }
0x47: {  	_ =	shalt  }
0x48: {  	_ =	shalt  }
0x49: {  	_ =	shalt  }
0x4a: {  	_ =	shalt  }
0x4b: {  	_ =	shalt  }
0x4c: {  	_ =	shalt  }
0x4d: {  	_ =	shalt  }
0x4e: {  	_ =	shalt  }
0x4f: {  	_ =	shalt  }
0x50: {  	_ =	shalt  }
0x51: {  	_ =	shalt  }
0x52: {  	_ =	shalt  }
0x53: {  	_ =	shalt  }
0x54: {  	_ =	shalt  }
0x55: {  	_ =	shalt  }
0x56: {  	_ =	shalt  }
0x57: {  	_ =	shalt  }
0x58: {  	_ =	shalt  }
0x59: {  	_ =	shalt  }
0x5a: {  	_ =	shalt  }
0x5b: {  	_ =	shalt  }
0x5c: {  	_ =	shalt  }
0x5d: {  	_ =	shalt  }
0x5e: {  	_ =	shalt  }
0x5f: {  	_ =	shalt  }
0x60: {  	_ =	shalt  }
0x61: {  	_ =	shalt  }
0x62: {  	_ =	shalt  }
0x63: {  	_ =	shalt  }
0x64: {  	_ =	shalt  }
0x65: {  	_ =	shalt  }
0x66: {  	_ =	shalt  }
0x67: {  	_ =	shalt  }
0x68: {  	_ =	shalt  }
0x69: {  	_ =	shalt  }
0x6a: {  	_ =	shalt  }
0x6b: {  	_ =	shalt  }
0x6c: {  	_ =	shalt  }
0x6d: {  	_ =	shalt  }
0x6e: {  	_ =	shalt  }
0x6f: {  	_ =	shalt  }
0x70: {  	_ =	shalt  }
0x71: {  	_ =	shalt  }
0x72: {  	_ =	shalt  }
0x73: {  	_ =	shalt  }
0x74: {  	_ =	shalt  }
0x75: {  	_ =	shalt  }
0x76: {  	_ =	shalt  }
0x77: {  	_ =	shalt  }
0x78: {  	_ =	shalt  }
0x79: {  	_ =	shalt  }
0x7a: {  	_ =	shalt  }
0x7b: {  	_ =	shalt  }
0x7c: {  	_ =	shalt  }
0x7d: {  	_ =	shalt  }
0x7e: {  	_ =	shalt  }
0x7f: {  	_ =	shalt  }
0x80: {  	_ =	shalt  }
0x81: {  	_ =	shalt  }
0x82: {  	_ =	shalt  }
0x83: {  	_ =	shalt  }
0x84: {  	_ =	shalt  }
0x85: {  	_ =	shalt  }
0x86: {  	_ =	shalt  }
0x87: {  	_ =	shalt  }
.Lfunc_end0:
.L_simem_size_0:
called_computation.3_lowered:
.L_overlay_start_0:
0x88: {  	s2 =	sld [smem:$0x3FD9]  }
0x89: {  	s3 =	sld [smem:$0x3FFE];
	_ =	sdelay $0x1  }
0x8a: {  	s1 =	srdreg.scid  }
0x8b: {  	s0 =	sand.u32 $0x1, s1  }
0x8c: {  	s17 =	sshll.u32 s0, $0xA;
	s2 =	sadd.s32 s3, s2  }
0x8d: {  	s2 =	sadd.s32 s2, s17  }
0x8e: {  	[smem:$0x3FC3] =	sst s2  }
0x8f: {  	_ = 	snop  }
0x90: {  	(tm) =	ssettm $0x1  }
0x91: {  	s18 =	sld [smem:$0x3FFB];
	_ =	sdelay $0x3  }
0x92: {  	_ =	strace s18  }
0x93: {  	s2 =	sld [smem:$0x3FFC];
	_ =	sdelay $0x3  }
0x94: {  	_ =	strace s2  }
0x95: {  	s2 =	sld [smem:$0x3FFD];
	_ =	sdelay $0x3  }
0x96: {  	_ =	strace s2  }
0x97: {  	_ =	strace $0x8FFFFFFF  }
0x98: {  	s19 =	sld [smem:$0x3FDB];
	_ =	sdelay $0x1  }
0x99: {  	s20 =	simm.s32 $_scs_section_size  }
0x9a: {  	s4 =	simm.s32 $_size__tile_overlayer_lowered;
	s5 =	simm.s32 $_tile_overlayer_lowered  }
0x9b: {  	s6 =	simm.s32 $0x1BFF;
	s21 =	sshll.u32 s5, $0x1;
	s3 =	sadd.s32 s20, s19  }
0x9c: {  	s22 =	simm.s32 $0x0;
	s4 =	sshll.u32 s4, $0x1;
	s5 =	sadd.s32 s21, s3  }
0x9d: {  	[timem:s22], [sflag:s6] =	dma.local [hbm:s5], s4  }
0x9e: {  	_ =	swait.ge [sflag:s6], s4  }
0x9f: {  	s4 =	ssub.s32 $0x0, s4;
	[sflag:s6] =	ssyncset.done $0x0  }
0xa0: {  	[sflag:s6] =	ssyncadd.s32 s4;
	_ =	sdelay $0x1  }
0xa1: {  	s23 =	simm.s32 $0x1B8B  }
0xa2: {  	_ =	swait.ge [sflag:s23], $0x1  }
0xa3: {  	[sflag:s23] =	ssyncset.done $0x0  }
0xa4: {  	[sflag:s23] =	ssyncadd.s32 $0xFFFFFFFF  }
0xa5: {  	s4 =	sld [smem:$0x0]  }
0xa6: {  	s5 =	sand.u32 $0xFFFFFFFE, s1  }
0xa7: {  	p0 =	sne.s32 s1, s5  }
0xa8: {  	s5 =	sshll.u32 @p0 s5, $0xE  }
0xa9: {  	s5 =	sadd.s32 @p0 $0x11B8D, s5;
	s6 =	sshll.u32 @p0 s4, $0x11  }
0xaa: {  	s5 =	sor.u32 @p0 s6, s5  }
0xab: {  	[sflag:s5] =	ssyncadd.remote.s32 @p0 $0x1;
	_ =	sdelay $0x1  }
0xac: {  	s5 =	simm.s32 @p0 $0x1B8D  }
0xad: {  	_ =	swait.eq @p0 [sflag:s5], $0x1  }
0xae: {  	[sflag:s5] =	ssyncadd.s32 @p0 $0xFFFFFFFF  }
0xaf: {  	s6 =	sshll.u32 @!p0 s1, $0xE  }
0xb0: {  	s6 =	sor.u32 @!p0 $0x4000, s6;
	s5 =	simm.s32 @!p0 $0x1B8D  }
0xb1: {  	s4 =	sshll.u32 @!p0 s4, $0x11;
	s6 =	sadd.s32 @!p0 $0x11B8D, s6;
	_ =	swait.eq @!p0 [sflag:s5], $0x1  }
0xb2: {  	s4 =	sor.u32 @!p0 s4, s6;
	[sflag:s5] =	ssyncadd.s32 @!p0 $0xFFFFFFFF  }
0xb3: {  	s25 =	simm.s32 $0x1B8E;
	s24 =	sld [smem:$0x3FFE];
	[sflag:s4] =	ssyncadd.remote.s32 @!p0 $0x1  }
0xb4: {  	s26 =	simm.s32 $execute0_lowered;
	[smem:$0x3FD2] =	sst s25  }
0xb5: {  	s5 =	sshll.u32 s26, $0x1;
	_ =	strace $0x8000004F;
	[dreg:$0x1] =	wrdreg $0xFFFFFFFF  }
0xb6: {  	s28 =	simm.s32 $_size_execute0_lowered;
	s3 =	sadd.s32 s3, s5;
	[dreg:$0x0] =	wrdreg $0x0  }
0xb7: {  	s5 =	sshll.u32 s28, $0x1;
	[dreg:$0x2] =	wrdreg s3  }
0xb8: {  	[dreg:$0x3] =	wrdreg s5  }
0xb9: {  	[dreg:$0x4] =	wrdreg $0xC0  }
0xba: {  	_ =	task [dreg:s22], $0x5FFFF  }
0xbb: {  	[dreg:$0x1] =	wrdreg $0xFFFFFFFF  }
0xbc: {  	[dreg:$0x0] =	wrdreg $0x60  }
0xbd: {  	[dreg:$0x2] =	wrdreg s24  }
0xbe: {  	[dreg:$0x3] =	wrdreg $0xC  }
0xbf: {  	_ =	task.clear_ibuf [dreg:s22], $0x4FFFF;
	_ =	strace $0x9000004F  }
0xc0: {  	s29 =	simm.s32 $0xC;
	_ =	strace $0x80000051  }
0xc1: {  	_ =	swait.ge [sflag:s29], $0x1  }
0xc2: {  	[sflag:s29] =	ssyncadd.s32 $0xFFFFFFFF  }
0xc3: {  	_ =	strace $0x90000051  }
0xc4: {  	_ =	sfence  }
0xc5: {  	s30 =	sld [smem:$0x0];
	_ =	sdelay $0x2  }
0xc6: {  	s31 =	sshll.u32 s1, $0xD;
	s1 =	sshrl.u32 s1, $0x2  }
0xc7: {  	s4 =	sand.u32 $0x4000, s31;
	s1 =	sadd.s32 s1, s30  }
0xc8: {  	s0 =	sor.u32 s4, s0;
	s1 =	sshll.u32 s1, $0x11  }
0xc9: {  	s0 =	sor.u32 s1, s0  }
0xca: {  	s0 =	sadd.s32 $0x8F2B, s0  }
0xcb: {  	[sflag:s0] =	ssyncadd.remote.s32 $0x1  }
0xcc: {  	_ =	sfence.sel $0xFFFF  }
0xcd: {  	[dreg:$0x0] =	wrdreg $0xFFFFFFFF;
	(pc) =	sbr.abs _section_cstart, $3  }
0xce: {  	[dreg:$0x1] =	wrdreg $0xFFFFFFFF  }
0xcf: {  	_ =	task.clear_ibuf [dreg:s22], $0x2FFFF;
	_ =	strace $0x9FFFFFFF  }
0xd0: {  	(tm) =	ssettm $0x7FFFFFFF  }
0xd1: {  	_ =	shalt  }
tec
execute0_lowered:
.L_overlay_start_1:
0x0: {  	(tag) =	ssettag $0x1  }
0x1: {  	s0 =	srdreg.scid  }
0x2: {  	s1 =	stileid.u32;
	s3 =	rddreg [dreg:$0x0];
	s12 =	simm.s32 $0x80  }
0x3: {  	s10 =	simm.s32 $0x800;
	s8 =	simm.s32 $0x4800;
	s0 =	sand.u32 $0x1, s0  }
0x4: {  	s30 =	simm.s32 $0x100;
	s1 =	sshll.u32 s1, $0x5;
	s2 =	sshll.u32 s0, $0x4  }
0x5: {  	s6 =	simm.s32 $0x8800;
	s31 =	simm.s32 $0x180;
	s1 =	sor.u32 s2, s1  }
0x6: {  	s29 =	simm.s32 $0x200;
	s11 =	simm.s32 $0x2;
	s4 =	sshll.u32 s1, $0x4  }
0x7: {  	s2 =	simm.s32 $0x0;
	s1 =	sshll.u32 s1, $0xB;
	s4 =	sadd.s32 s4, s3  }
0x8: {  	[smem:$0x7FF] =	sst s2;
	s1 =	sadd.s32 s1, s3;
	s4 =	sadd.s32 $0x7400, s4  }
0x9: {  	_ =	strace $0x80000050;
	s13 =	sadd.s32 $0x60F400, s1;
	[dreg:$0x2] =	wrdreg s4  }
0xa: {  	s28 =	simm.s32 $0x280;
	s14 =	sadd.s32 $0x60FC00, s1;
	[dreg:$0x3] =	wrdreg s13  }
0xb: {  	s9 =	simm.s32 $0x3;
	s15 =	sadd.s32 $0x610400, s1;
	[dreg:$0x4] =	wrdreg s14  }
0xc: {  	s7 =	simm.s32 $0x4;
	s16 =	sadd.s32 $0x610C00, s1;
	[dreg:$0x5] =	wrdreg s15  }
0xd: {  	p0 =	por $0x0, $0x0;
	s17 =	sadd.s32 $0x609400, s1;
	[dreg:$0x6] =	wrdreg s16  }
0xe: {  	s5 =	sadd.s32 $0x9400, s3;
	s18 =	sadd.s32 $0x609C00, s1;
	[dreg:$0x7] =	wrdreg s17  }
0xf: {  	s0 =	ssub.s32 $0x2, s0;
	s19 =	sadd.s32 $0x60A400, s1;
	[dreg:$0x8] =	wrdreg s18  }
0x10: {  	s24 =	sshrl.u32 s0, $0x1;
	s20 =	sadd.s32 $0x60AC00, s1;
	[dreg:$0x9] =	wrdreg s19  }
0x11: {  	s0 =	ssub.s32 s0, s24;
	s21 =	sadd.s32 $0x60B400, s1;
	[dreg:$0xa] =	wrdreg s20  }
0x12: {  	s24 =	simm.s32 $0x400;
	s22 =	sadd.s32 $0x60BC00, s1;
	[dreg:$0xb] =	wrdreg s21  }
0x13: {  	s0 =	smax.u32 s0, $0x1;
	s23 =	sadd.s32 $0x60C400, s1;
	[dreg:$0xc] =	wrdreg s22  }
0x14: {  	s3 =	simm.s32 $0x5;
	s25 =	sadd.s32 $0x60CC00, s1;
	[dreg:$0xd] =	wrdreg s23  }
0x15: {  	s26 =	sadd.s32 $0x60D400, s1;
	p1 =	sne.s32 s0, $0x1;
	[dreg:$0xe] =	wrdreg s25  }
0x16: {  	[dreg:$0xf] =	wrdreg s26;
	s16 =	sadd.s32 $0x60DC00, s1;
	s15 =	sadd.s32 $0x60E400, s1  }
.Ltmp0:
0x17: {  	s13 =	sadd.s32 $0x60EC00, s1;
	s4 =	simm.s32 $0xC800;
	(pc) =	sbr.rel @!p1 .LBB2_3-.Ltmp0, $4  }
0x18: {  	s14 =	simm.s32 $0x1;
	s26 =	simm.s32 $0x300;
	s25 =	simm.s32 $0x380  }
0x19: {  	s23 =	simm.s32 $0x480;
	s1 =	sadd.s32 $0xFFFFFFFF, s0;
	s22 =	simm.s32 $0x500  }
0x1a: {  	s21 =	simm.s32 $0x580;
	s20 =	simm.s32 $0x600;
	s19 =	simm.s32 $0x680  }
0x1b: {  	s18 =	simm.s32 $0x700;
	s17 =	simm.s32 $0x780;
	s0 =	rddreg [dreg:$0x2]  }
0x1c: {  	[tilespmem:s2], [sflag:$0x5] =	stream.linear.gather [hbm4b:s0+s2], $0x800, $0x38;
	[tilespmem:$0x10800] =	vst v63  }
0x1d: {  	_ =	swait.ge [sflag:s3], $0x800  }
0x1e: {  	[sflag:s3] =	ssyncset.done $0x0  }
0x1f: {  	[sflag:s3] =	ssyncadd.s32 $0xFFFFF800  }
0x20: {  	[tilespmem:s10], [sflag:$0x1] =	stream.indirect.gather [hbm4b:s5+s12], $0x80, s2, s12, $0xb8;
	[tilespmem:$0x10800] =	vst v63  }
0x21: {  	_ = 	snop  }
0x22: {  	[tilespmem:s8], [sflag:$0x2] =	stream.indirect.gather [hbm4b:s5+s12], $0x80, s12, s12, $0xb8;
	[tilespmem:$0x10800] =	vst v63  }
0x23: {  	_ = 	snop  }
0x24: {  	[tilespmem:s6], [sflag:$0x3] =	stream.indirect.gather [hbm4b:s5+s12], $0x80, s30, s12, $0xb8;
	[tilespmem:$0x10800] =	vst v63  }
0x25: {  	_ = 	snop  }
0x26: {  	[tilespmem:s4], [sflag:$0x4] =	stream.indirect.gather [hbm4b:s5+s12], $0x80, s31, s12, $0xb8;
	[tilespmem:$0x10800] =	vst v63  }
0x27: {  	_ =	swait.ge [sflag:s14], $0x4000  }
0x28: {  	[sflag:s14] =	ssyncset.done $0x0  }
0x29: {  	s0 =	rddreg [dreg:$0x7];
	[sflag:s14] =	ssyncadd.s32 $0xFFFFC000  }
0x2a: {  	[hbm4b:s0+s2] =	stream.linear.scatter [tilespmem:s10], [sflag:$0x5], $0x4000, $0x38;
	[tilespmem:$0x10800] =	vst v63  }
0x2b: {  	_ =	swait.ge [sflag:s3], $0x4000  }
0x2c: {  	[sflag:s3] =	ssyncset.done $0x0  }
0x2d: {  	[sflag:s3] =	ssyncadd.s32 $0xFFFFC000  }
0x2e: {  	[tilespmem:s10], [sflag:$0x1] =	stream.indirect.gather [hbm4b:s5+s12], $0x80, s29, s12, $0xb8;
	[tilespmem:$0x10800] =	vst v63  }
0x2f: {  	_ =	swait.ge [sflag:s11], $0x4000  }
0x30: {  	[sflag:s11] =	ssyncset.done $0x0  }
0x31: {  	s0 =	rddreg [dreg:$0x8];
	[sflag:s11] =	ssyncadd.s32 $0xFFFFC000  }
0x32: {  	[hbm4b:s0+s2] =	stream.linear.scatter [tilespmem:s8], [sflag:$0x5], $0x4000, $0x38;
	[tilespmem:$0x10800] =	vst v63  }
0x33: {  	_ =	swait.ge [sflag:s3], $0x4000  }
0x34: {  	[sflag:s3] =	ssyncset.done $0x0  }
0x35: {  	[sflag:s3] =	ssyncadd.s32 $0xFFFFC000  }
0x36: {  	[tilespmem:s8], [sflag:$0x2] =	stream.indirect.gather [hbm4b:s5+s12], $0x80, s28, s12, $0xb8;
	[tilespmem:$0x10800] =	vst v63  }
0x37: {  	_ =	swait.ge [sflag:s9], $0x4000  }
0x38: {  	[sflag:s9] =	ssyncset.done $0x0  }
0x39: {  	s0 =	rddreg [dreg:$0x9];
	[sflag:s9] =	ssyncadd.s32 $0xFFFFC000  }
0x3a: {  	[hbm4b:s0+s2] =	stream.linear.scatter [tilespmem:s6], [sflag:$0x5], $0x4000, $0x38;
	[tilespmem:$0x10800] =	vst v63  }
0x3b: {  	_ =	swait.ge [sflag:s3], $0x4000  }
0x3c: {  	[sflag:s3] =	ssyncset.done $0x0  }
0x3d: {  	[sflag:s3] =	ssyncadd.s32 $0xFFFFC000  }
0x3e: {  	[tilespmem:s6], [sflag:$0x3] =	stream.indirect.gather [hbm4b:s5+s12], $0x80, s26, s12, $0xb8;
	[tilespmem:$0x10800] =	vst v63  }
0x3f: {  	_ =	swait.ge [sflag:s7], $0x4000  }
0x40: {  	[sflag:s7] =	ssyncset.done $0x0  }
0x41: {  	s0 =	rddreg [dreg:$0xa];
	[sflag:s7] =	ssyncadd.s32 $0xFFFFC000  }
0x42: {  	[hbm4b:s0+s2] =	stream.linear.scatter [tilespmem:s4], [sflag:$0x5], $0x4000, $0x38;
	[tilespmem:$0x10800] =	vst v63  }
0x43: {  	_ =	swait.ge [sflag:s3], $0x4000  }
0x44: {  	[sflag:s3] =	ssyncset.done $0x0  }
0x45: {  	[sflag:s3] =	ssyncadd.s32 $0xFFFFC000  }
0x46: {  	[tilespmem:s4], [sflag:$0x4] =	stream.indirect.gather [hbm4b:s5+s12], $0x80, s25, s12, $0xb8;
	[tilespmem:$0x10800] =	vst v63  }
0x47: {  	_ =	swait.ge [sflag:s14], $0x4000  }
0x48: {  	[sflag:s14] =	ssyncset.done $0x0  }
0x49: {  	s0 =	rddreg [dreg:$0xb];
	[sflag:s14] =	ssyncadd.s32 $0xFFFFC000  }
0x4a: {  	[hbm4b:s0+s2] =	stream.linear.scatter [tilespmem:s10], [sflag:$0x5], $0x4000, $0x38;
	[tilespmem:$0x10800] =	vst v63  }
0x4b: {  	_ =	swait.ge [sflag:s3], $0x4000  }
0x4c: {  	[sflag:s3] =	ssyncset.done $0x0  }
0x4d: {  	[sflag:s3] =	ssyncadd.s32 $0xFFFFC000  }
0x4e: {  	[tilespmem:s10], [sflag:$0x1] =	stream.indirect.gather [hbm4b:s5+s12], $0x80, s24, s12, $0xb8;
	[tilespmem:$0x10800] =	vst v63  }
0x4f: {  	_ =	swait.ge [sflag:s11], $0x4000  }
0x50: {  	[sflag:s11] =	ssyncset.done $0x0  }
0x51: {  	s0 =	rddreg [dreg:$0xc];
	[sflag:s11] =	ssyncadd.s32 $0xFFFFC000  }
0x52: {  	[hbm4b:s0+s2] =	stream.linear.scatter [tilespmem:s8], [sflag:$0x5], $0x4000, $0x38;
	[tilespmem:$0x10800] =	vst v63  }
0x53: {  	_ =	swait.ge [sflag:s3], $0x4000  }
0x54: {  	[sflag:s3] =	ssyncset.done $0x0  }
0x55: {  	[sflag:s3] =	ssyncadd.s32 $0xFFFFC000  }
0x56: {  	[tilespmem:s8], [sflag:$0x2] =	stream.indirect.gather [hbm4b:s5+s12], $0x80, s23, s12, $0xb8;
	[tilespmem:$0x10800] =	vst v63  }
0x57: {  	_ =	swait.ge [sflag:s9], $0x4000  }
0x58: {  	[sflag:s9] =	ssyncset.done $0x0  }
0x59: {  	s0 =	rddreg [dreg:$0xd];
	[sflag:s9] =	ssyncadd.s32 $0xFFFFC000  }
0x5a: {  	[hbm4b:s0+s2] =	stream.linear.scatter [tilespmem:s6], [sflag:$0x5], $0x4000, $0x38;
	[tilespmem:$0x10800] =	vst v63  }
0x5b: {  	_ =	swait.ge [sflag:s3], $0x4000  }
0x5c: {  	[sflag:s3] =	ssyncset.done $0x0  }
0x5d: {  	[sflag:s3] =	ssyncadd.s32 $0xFFFFC000  }
0x5e: {  	[tilespmem:s6], [sflag:$0x3] =	stream.indirect.gather [hbm4b:s5+s12], $0x80, s22, s12, $0xb8;
	[tilespmem:$0x10800] =	vst v63  }
0x5f: {  	_ =	swait.ge [sflag:s7], $0x4000  }
0x60: {  	[sflag:s7] =	ssyncset.done $0x0  }
0x61: {  	s0 =	rddreg [dreg:$0xe];
	[sflag:s7] =	ssyncadd.s32 $0xFFFFC000  }
0x62: {  	[hbm4b:s0+s2] =	stream.linear.scatter [tilespmem:s4], [sflag:$0x5], $0x4000, $0x38;
	[tilespmem:$0x10800] =	vst v63  }
0x63: {  	_ =	swait.ge [sflag:s3], $0x4000  }
0x64: {  	[sflag:s3] =	ssyncset.done $0x0  }
0x65: {  	[sflag:s3] =	ssyncadd.s32 $0xFFFFC000  }
0x66: {  	[tilespmem:s4], [sflag:$0x4] =	stream.indirect.gather [hbm4b:s5+s12], $0x80, s21, s12, $0xb8;
	[tilespmem:$0x10800] =	vst v63  }
0x67: {  	_ =	swait.ge [sflag:s14], $0x4000  }
0x68: {  	[sflag:s14] =	ssyncset.done $0x0  }
0x69: {  	s0 =	rddreg [dreg:$0xf];
	[sflag:s14] =	ssyncadd.s32 $0xFFFFC000  }
0x6a: {  	[hbm4b:s0+s2] =	stream.linear.scatter [tilespmem:s10], [sflag:$0x5], $0x4000, $0x38;
	[tilespmem:$0x10800] =	vst v63  }
0x6b: {  	_ =	swait.ge [sflag:s3], $0x4000  }
0x6c: {  	[sflag:s3] =	ssyncset.done $0x0  }
0x6d: {  	[sflag:s3] =	ssyncadd.s32 $0xFFFFC000  }
0x6e: {  	[tilespmem:s10], [sflag:$0x1] =	stream.indirect.gather [hbm4b:s5+s12], $0x80, s20, s12, $0xb8;
	[tilespmem:$0x10800] =	vst v63  }
0x6f: {  	_ =	swait.ge [sflag:s11], $0x4000  }
0x70: {  	[sflag:s11] =	ssyncset.done $0x0  }
0x71: {  	[sflag:s11] =	ssyncadd.s32 $0xFFFFC000  }
0x72: {  	[hbm4b:s16+s2] =	stream.linear.scatter [tilespmem:s8], [sflag:$0x5], $0x4000, $0x38;
	[tilespmem:$0x10800] =	vst v63  }
0x73: {  	_ =	swait.ge [sflag:s3], $0x4000  }
0x74: {  	[sflag:s3] =	ssyncset.done $0x0  }
0x75: {  	[sflag:s3] =	ssyncadd.s32 $0xFFFFC000  }
0x76: {  	[tilespmem:s8], [sflag:$0x2] =	stream.indirect.gather [hbm4b:s5+s12], $0x80, s19, s12, $0xb8;
	[tilespmem:$0x10800] =	vst v63  }
0x77: {  	_ =	swait.ge [sflag:s9], $0x4000  }
0x78: {  	[sflag:s9] =	ssyncset.done $0x0  }
0x79: {  	[sflag:s9] =	ssyncadd.s32 $0xFFFFC000  }
0x7a: {  	[hbm4b:s15+s2] =	stream.linear.scatter [tilespmem:s6], [sflag:$0x5], $0x4000, $0x38;
	[tilespmem:$0x10800] =	vst v63  }
0x7b: {  	_ =	swait.ge [sflag:s3], $0x4000  }
0x7c: {  	[sflag:s3] =	ssyncset.done $0x0  }
0x7d: {  	[sflag:s3] =	ssyncadd.s32 $0xFFFFC000  }
0x7e: {  	[tilespmem:s6], [sflag:$0x3] =	stream.indirect.gather [hbm4b:s5+s12], $0x80, s18, s12, $0xb8;
	[tilespmem:$0x10800] =	vst v63  }
0x7f: {  	_ =	swait.ge [sflag:s7], $0x4000  }
0x80: {  	[sflag:s7] =	ssyncset.done $0x0  }
0x81: {  	[sflag:s7] =	ssyncadd.s32 $0xFFFFC000  }
0x82: {  	[hbm4b:s13+s2] =	stream.linear.scatter [tilespmem:s4], [sflag:$0x5], $0x4000, $0x38;
	[tilespmem:$0x10800] =	vst v63  }
0x83: {  	_ =	swait.ge [sflag:s3], $0x4000  }
0x84: {  	[sflag:s3] =	ssyncset.done $0x0  }
0x85: {  	[sflag:s3] =	ssyncadd.s32 $0xFFFFC000  }
0x86: {  	[tilespmem:s4], [sflag:$0x4] =	stream.indirect.gather [hbm4b:s5+s12], $0x80, s17, s12, $0xb8;
	[tilespmem:$0x10800] =	vst v63  }
0x87: {  	_ =	swait.ge [sflag:s14], $0x4000  }
0x88: {  	[sflag:s14] =	ssyncset.done $0x0  }
0x89: {  	s0 =	rddreg [dreg:$0x3];
	[sflag:s14] =	ssyncadd.s32 $0xFFFFC000  }
0x8a: {  	[hbm4b:s0+s2] =	stream.linear.scatter [tilespmem:s10], [sflag:$0x5], $0x4000, $0x38;
	[tilespmem:$0x10800] =	vst v63  }
0x8b: {  	_ =	swait.ge [sflag:s3], $0x4000  }
0x8c: {  	[sflag:s3] =	ssyncset.done $0x0  }
0x8d: {  	[sflag:s3] =	ssyncadd.s32 $0xFFFFC000  }
0x8e: {  	_ =	swait.ge [sflag:s11], $0x4000  }
0x8f: {  	[sflag:s11] =	ssyncset.done $0x0  }
0x90: {  	s0 =	rddreg [dreg:$0x4];
	[sflag:s11] =	ssyncadd.s32 $0xFFFFC000  }
0x91: {  	[hbm4b:s0+s2] =	stream.linear.scatter [tilespmem:s8], [sflag:$0x5], $0x4000, $0x38;
	[tilespmem:$0x10800] =	vst v63  }
0x92: {  	_ =	swait.ge [sflag:s3], $0x4000  }
0x93: {  	[sflag:s3] =	ssyncset.done $0x0  }
0x94: {  	[sflag:s3] =	ssyncadd.s32 $0xFFFFC000  }
0x95: {  	_ =	swait.ge [sflag:s9], $0x4000  }
0x96: {  	[sflag:s9] =	ssyncset.done $0x0  }
0x97: {  	s0 =	rddreg [dreg:$0x5];
	[sflag:s9] =	ssyncadd.s32 $0xFFFFC000  }
0x98: {  	[hbm4b:s0+s2] =	stream.linear.scatter [tilespmem:s6], [sflag:$0x5], $0x4000, $0x38;
	[tilespmem:$0x10800] =	vst v63  }
0x99: {  	_ =	swait.ge [sflag:s3], $0x4000  }
0x9a: {  	[sflag:s3] =	ssyncset.done $0x0  }
0x9b: {  	[sflag:s3] =	ssyncadd.s32 $0xFFFFC000  }
0x9c: {  	p1 =	sne.s32 s1, $0x1;
	_ =	swait.ge [sflag:s7], $0x4000  }
.Ltmp1:
0x9d: {  	[sflag:s7] =	ssyncset.done $0x0;
	(pc) =	sbr.rel @!p1 .LBB2_3-.Ltmp1, $4  }
0x9e: {  	s0 =	rddreg [dreg:$0x6];
	[sflag:s7] =	ssyncadd.s32 $0xFFFFC000  }
0x9f: {  	[hbm4b:s0+s2] =	stream.linear.scatter [tilespmem:s4], [sflag:$0x5], $0x4000, $0x38;
	[tilespmem:$0x10800] =	vst v63  }
0xa0: {  	s1 =	sadd.s32 $0xFFFFFFFF, s1;
	_ =	swait.ge [sflag:s3], $0x4000  }
0xa1: {  	p0 =	por $0x1, $0x1;
	s0 =	rddreg [dreg:$0x2];
	[sflag:s3] =	ssyncset.done $0x0  }
.LBB2_2:
0xa2: {  	[sflag:s3] =	ssyncadd.s32 $0xFFFFC000  }
0xa3: {  	[tilespmem:s2], [sflag:$0x5] =	stream.linear.gather [hbm4b:s0+s2], $0x800, $0x38;
	[tilespmem:$0x10800] =	vst v63  }
0xa4: {  	_ =	swait.ge [sflag:s3], $0x800  }
0xa5: {  	[sflag:s3] =	ssyncset.done $0x0  }
0xa6: {  	[sflag:s3] =	ssyncadd.s32 $0xFFFFF800  }
0xa7: {  	[tilespmem:s10], [sflag:$0x1] =	stream.indirect.gather [hbm4b:s5+s12], $0x80, s2, s12, $0xb8;
	[tilespmem:$0x10800] =	vst v63  }
0xa8: {  	_ = 	snop  }
0xa9: {  	[tilespmem:s8], [sflag:$0x2] =	stream.indirect.gather [hbm4b:s5+s12], $0x80, s12, s12, $0xb8;
	[tilespmem:$0x10800] =	vst v63  }
0xaa: {  	_ = 	snop  }
0xab: {  	[tilespmem:s6], [sflag:$0x3] =	stream.indirect.gather [hbm4b:s5+s12], $0x80, s30, s12, $0xb8;
	[tilespmem:$0x10800] =	vst v63  }
0xac: {  	_ = 	snop  }
0xad: {  	[tilespmem:s4], [sflag:$0x4] =	stream.indirect.gather [hbm4b:s5+s12], $0x80, s31, s12, $0xb8;
	[tilespmem:$0x10800] =	vst v63  }
0xae: {  	_ =	swait.ge [sflag:s14], $0x4000  }
0xaf: {  	[sflag:s14] =	ssyncset.done $0x0  }
0xb0: {  	s0 =	rddreg [dreg:$0x7];
	[sflag:s14] =	ssyncadd.s32 $0xFFFFC000  }
0xb1: {  	[hbm4b:s0+s2] =	stream.linear.scatter [tilespmem:s10], [sflag:$0x5], $0x4000, $0x38;
	[tilespmem:$0x10800] =	vst v63  }
0xb2: {  	_ =	swait.ge [sflag:s3], $0x4000  }
0xb3: {  	[sflag:s3] =	ssyncset.done $0x0  }
0xb4: {  	[sflag:s3] =	ssyncadd.s32 $0xFFFFC000  }
0xb5: {  	[tilespmem:s10], [sflag:$0x1] =	stream.indirect.gather [hbm4b:s5+s12], $0x80, s29, s12, $0xb8;
	[tilespmem:$0x10800] =	vst v63  }
0xb6: {  	_ =	swait.ge [sflag:s11], $0x4000  }
0xb7: {  	[sflag:s11] =	ssyncset.done $0x0  }
0xb8: {  	s0 =	rddreg [dreg:$0x8];
	[sflag:s11] =	ssyncadd.s32 $0xFFFFC000  }
0xb9: {  	[hbm4b:s0+s2] =	stream.linear.scatter [tilespmem:s8], [sflag:$0x5], $0x4000, $0x38;
	[tilespmem:$0x10800] =	vst v63  }
0xba: {  	_ =	swait.ge [sflag:s3], $0x4000  }
0xbb: {  	[sflag:s3] =	ssyncset.done $0x0  }
0xbc: {  	[sflag:s3] =	ssyncadd.s32 $0xFFFFC000  }
0xbd: {  	[tilespmem:s8], [sflag:$0x2] =	stream.indirect.gather [hbm4b:s5+s12], $0x80, s28, s12, $0xb8;
	[tilespmem:$0x10800] =	vst v63  }
0xbe: {  	_ =	swait.ge [sflag:s9], $0x4000  }
0xbf: {  	[sflag:s9] =	ssyncset.done $0x0  }
0xc0: {  	s0 =	rddreg [dreg:$0x9];
	[sflag:s9] =	ssyncadd.s32 $0xFFFFC000  }
0xc1: {  	[hbm4b:s0+s2] =	stream.linear.scatter [tilespmem:s6], [sflag:$0x5], $0x4000, $0x38;
	[tilespmem:$0x10800] =	vst v63  }
0xc2: {  	_ =	swait.ge [sflag:s3], $0x4000  }
0xc3: {  	[sflag:s3] =	ssyncset.done $0x0  }
0xc4: {  	[sflag:s3] =	ssyncadd.s32 $0xFFFFC000  }
0xc5: {  	[tilespmem:s6], [sflag:$0x3] =	stream.indirect.gather [hbm4b:s5+s12], $0x80, s26, s12, $0xb8;
	[tilespmem:$0x10800] =	vst v63  }
0xc6: {  	_ =	swait.ge [sflag:s7], $0x4000  }
0xc7: {  	[sflag:s7] =	ssyncset.done $0x0  }
0xc8: {  	s0 =	rddreg [dreg:$0xa];
	[sflag:s7] =	ssyncadd.s32 $0xFFFFC000  }
0xc9: {  	[hbm4b:s0+s2] =	stream.linear.scatter [tilespmem:s4], [sflag:$0x5], $0x4000, $0x38;
	[tilespmem:$0x10800] =	vst v63  }
0xca: {  	_ =	swait.ge [sflag:s3], $0x4000  }
0xcb: {  	[sflag:s3] =	ssyncset.done $0x0  }
0xcc: {  	[sflag:s3] =	ssyncadd.s32 $0xFFFFC000  }
0xcd: {  	[tilespmem:s4], [sflag:$0x4] =	stream.indirect.gather [hbm4b:s5+s12], $0x80, s25, s12, $0xb8;
	[tilespmem:$0x10800] =	vst v63  }
0xce: {  	_ =	swait.ge [sflag:s14], $0x4000  }
0xcf: {  	[sflag:s14] =	ssyncset.done $0x0  }
0xd0: {  	s0 =	rddreg [dreg:$0xb];
	[sflag:s14] =	ssyncadd.s32 $0xFFFFC000  }
0xd1: {  	[hbm4b:s0+s2] =	stream.linear.scatter [tilespmem:s10], [sflag:$0x5], $0x4000, $0x38;
	[tilespmem:$0x10800] =	vst v63  }
0xd2: {  	_ =	swait.ge [sflag:s3], $0x4000  }
0xd3: {  	[sflag:s3] =	ssyncset.done $0x0  }
0xd4: {  	[sflag:s3] =	ssyncadd.s32 $0xFFFFC000  }
0xd5: {  	[tilespmem:s10], [sflag:$0x1] =	stream.indirect.gather [hbm4b:s5+s12], $0x80, s24, s12, $0xb8;
	[tilespmem:$0x10800] =	vst v63  }
0xd6: {  	_ =	swait.ge [sflag:s11], $0x4000  }
0xd7: {  	[sflag:s11] =	ssyncset.done $0x0  }
0xd8: {  	s0 =	rddreg [dreg:$0xc];
	[sflag:s11] =	ssyncadd.s32 $0xFFFFC000  }
0xd9: {  	[hbm4b:s0+s2] =	stream.linear.scatter [tilespmem:s8], [sflag:$0x5], $0x4000, $0x38;
	[tilespmem:$0x10800] =	vst v63  }
0xda: {  	_ =	swait.ge [sflag:s3], $0x4000  }
0xdb: {  	[sflag:s3] =	ssyncset.done $0x0  }
0xdc: {  	[sflag:s3] =	ssyncadd.s32 $0xFFFFC000  }
0xdd: {  	[tilespmem:s8], [sflag:$0x2] =	stream.indirect.gather [hbm4b:s5+s12], $0x80, s23, s12, $0xb8;
	[tilespmem:$0x10800] =	vst v63  }
0xde: {  	_ =	swait.ge [sflag:s9], $0x4000  }
0xdf: {  	[sflag:s9] =	ssyncset.done $0x0  }
0xe0: {  	s0 =	rddreg [dreg:$0xd];
	[sflag:s9] =	ssyncadd.s32 $0xFFFFC000  }
0xe1: {  	[hbm4b:s0+s2] =	stream.linear.scatter [tilespmem:s6], [sflag:$0x5], $0x4000, $0x38;
	[tilespmem:$0x10800] =	vst v63  }
0xe2: {  	_ =	swait.ge [sflag:s3], $0x4000  }
0xe3: {  	[sflag:s3] =	ssyncset.done $0x0  }
0xe4: {  	[sflag:s3] =	ssyncadd.s32 $0xFFFFC000  }
0xe5: {  	[tilespmem:s6], [sflag:$0x3] =	stream.indirect.gather [hbm4b:s5+s12], $0x80, s22, s12, $0xb8;
	[tilespmem:$0x10800] =	vst v63  }
0xe6: {  	_ =	swait.ge [sflag:s7], $0x4000  }
0xe7: {  	[sflag:s7] =	ssyncset.done $0x0  }
0xe8: {  	s0 =	rddreg [dreg:$0xe];
	[sflag:s7] =	ssyncadd.s32 $0xFFFFC000  }
0xe9: {  	[hbm4b:s0+s2] =	stream.linear.scatter [tilespmem:s4], [sflag:$0x5], $0x4000, $0x38;
	[tilespmem:$0x10800] =	vst v63  }
0xea: {  	_ =	swait.ge [sflag:s3], $0x4000  }
0xeb: {  	[sflag:s3] =	ssyncset.done $0x0  }
0xec: {  	[sflag:s3] =	ssyncadd.s32 $0xFFFFC000  }
0xed: {  	[tilespmem:s4], [sflag:$0x4] =	stream.indirect.gather [hbm4b:s5+s12], $0x80, s21, s12, $0xb8;
	[tilespmem:$0x10800] =	vst v63  }
0xee: {  	_ =	swait.ge [sflag:s14], $0x4000  }
0xef: {  	[sflag:s14] =	ssyncset.done $0x0  }
0xf0: {  	s0 =	rddreg [dreg:$0xf];
	[sflag:s14] =	ssyncadd.s32 $0xFFFFC000  }
0xf1: {  	[hbm4b:s0+s2] =	stream.linear.scatter [tilespmem:s10], [sflag:$0x5], $0x4000, $0x38;
	[tilespmem:$0x10800] =	vst v63  }
0xf2: {  	_ =	swait.ge [sflag:s3], $0x4000  }
0xf3: {  	[sflag:s3] =	ssyncset.done $0x0  }
0xf4: {  	[sflag:s3] =	ssyncadd.s32 $0xFFFFC000  }
0xf5: {  	[tilespmem:s10], [sflag:$0x1] =	stream.indirect.gather [hbm4b:s5+s12], $0x80, s20, s12, $0xb8;
	[tilespmem:$0x10800] =	vst v63  }
0xf6: {  	_ =	swait.ge [sflag:s11], $0x4000  }
0xf7: {  	[sflag:s11] =	ssyncset.done $0x0  }
0xf8: {  	[sflag:s11] =	ssyncadd.s32 $0xFFFFC000  }
0xf9: {  	[hbm4b:s16+s2] =	stream.linear.scatter [tilespmem:s8], [sflag:$0x5], $0x4000, $0x38;
	[tilespmem:$0x10800] =	vst v63  }
0xfa: {  	_ =	swait.ge [sflag:s3], $0x4000  }
0xfb: {  	[sflag:s3] =	ssyncset.done $0x0  }
0xfc: {  	[sflag:s3] =	ssyncadd.s32 $0xFFFFC000  }
0xfd: {  	[tilespmem:s8], [sflag:$0x2] =	stream.indirect.gather [hbm4b:s5+s12], $0x80, s19, s12, $0xb8;
	[tilespmem:$0x10800] =	vst v63  }
0xfe: {  	_ =	swait.ge [sflag:s9], $0x4000  }
0xff: {  	[sflag:s9] =	ssyncset.done $0x0  }
0x100: {  	[sflag:s9] =	ssyncadd.s32 $0xFFFFC000  }
0x101: {  	[hbm4b:s15+s2] =	stream.linear.scatter [tilespmem:s6], [sflag:$0x5], $0x4000, $0x38;
	[tilespmem:$0x10800] =	vst v63  }
0x102: {  	_ =	swait.ge [sflag:s3], $0x4000  }
0x103: {  	[sflag:s3] =	ssyncset.done $0x0  }
0x104: {  	[sflag:s3] =	ssyncadd.s32 $0xFFFFC000  }
0x105: {  	[tilespmem:s6], [sflag:$0x3] =	stream.indirect.gather [hbm4b:s5+s12], $0x80, s18, s12, $0xb8;
	[tilespmem:$0x10800] =	vst v63  }
0x106: {  	_ =	swait.ge [sflag:s7], $0x4000  }
0x107: {  	[sflag:s7] =	ssyncset.done $0x0  }
0x108: {  	[sflag:s7] =	ssyncadd.s32 $0xFFFFC000  }
0x109: {  	[hbm4b:s13+s2] =	stream.linear.scatter [tilespmem:s4], [sflag:$0x5], $0x4000, $0x38;
	[tilespmem:$0x10800] =	vst v63  }
0x10a: {  	_ =	swait.ge [sflag:s3], $0x4000  }
0x10b: {  	[sflag:s3] =	ssyncset.done $0x0  }
0x10c: {  	[sflag:s3] =	ssyncadd.s32 $0xFFFFC000  }
0x10d: {  	[tilespmem:s4], [sflag:$0x4] =	stream.indirect.gather [hbm4b:s5+s12], $0x80, s17, s12, $0xb8;
	[tilespmem:$0x10800] =	vst v63  }
0x10e: {  	_ =	swait.ge [sflag:s14], $0x4000  }
0x10f: {  	[sflag:s14] =	ssyncset.done $0x0  }
0x110: {  	s0 =	rddreg [dreg:$0x3];
	[sflag:s14] =	ssyncadd.s32 $0xFFFFC000  }
0x111: {  	[hbm4b:s0+s2] =	stream.linear.scatter [tilespmem:s10], [sflag:$0x5], $0x4000, $0x38;
	[tilespmem:$0x10800] =	vst v63  }
0x112: {  	_ =	swait.ge [sflag:s3], $0x4000  }
0x113: {  	[sflag:s3] =	ssyncset.done $0x0  }
0x114: {  	[sflag:s3] =	ssyncadd.s32 $0xFFFFC000  }
0x115: {  	_ =	swait.ge [sflag:s11], $0x4000  }
0x116: {  	[sflag:s11] =	ssyncset.done $0x0  }
0x117: {  	s0 =	rddreg [dreg:$0x4];
	[sflag:s11] =	ssyncadd.s32 $0xFFFFC000  }
0x118: {  	[hbm4b:s0+s2] =	stream.linear.scatter [tilespmem:s8], [sflag:$0x5], $0x4000, $0x38;
	[tilespmem:$0x10800] =	vst v63  }
0x119: {  	_ =	swait.ge [sflag:s3], $0x4000  }
0x11a: {  	[sflag:s3] =	ssyncset.done $0x0  }
0x11b: {  	[sflag:s3] =	ssyncadd.s32 $0xFFFFC000  }
0x11c: {  	_ =	swait.ge [sflag:s9], $0x4000  }
0x11d: {  	[sflag:s9] =	ssyncset.done $0x0  }
0x11e: {  	s0 =	rddreg [dreg:$0x5];
	[sflag:s9] =	ssyncadd.s32 $0xFFFFC000  }
0x11f: {  	[hbm4b:s0+s2] =	stream.linear.scatter [tilespmem:s6], [sflag:$0x5], $0x4000, $0x38;
	[tilespmem:$0x10800] =	vst v63  }
0x120: {  	_ =	swait.ge [sflag:s3], $0x4000  }
0x121: {  	[sflag:s3] =	ssyncset.done $0x0  }
0x122: {  	[sflag:s3] =	ssyncadd.s32 $0xFFFFC000  }
0x123: {  	p1 =	sne.s32 s1, $0x1;
	_ =	swait.ge [sflag:s7], $0x4000  }
.Ltmp2:
0x124: {  	[sflag:s7] =	ssyncset.done $0x0;
	(pc) =	sbr.rel @p1 .LBB2_2-.Ltmp2, $4  }
0x125: {  	s0 =	rddreg [dreg:$0x6];
	[sflag:s7] =	ssyncadd.s32 $0xFFFFC000  }
0x126: {  	[hbm4b:s0+s2] =	stream.linear.scatter [tilespmem:s4], [sflag:$0x5], $0x4000, $0x38;
	[tilespmem:$0x10800] =	vst v63  }
0x127: {  	_ =	swait.ge [sflag:s3], $0x4000  }
0x128: {  	s1 =	sadd.s32 $0xFFFFFFFF, s1;
	s0 =	rddreg [dreg:$0x2];
	[sflag:s3] =	ssyncset.done $0x0  }
.LBB2_3:
0x129: {  	[sflag:s3] =	ssyncadd.s32 @p0 $0xFFFFC000  }
0x12a: {  	[tilespmem:s2], [sflag:$0x5] =	stream.linear.gather [hbm4b:s0+s2], $0x800, $0x38;
	[tilespmem:$0x10800] =	vst v63  }
0x12b: {  	_ =	swait.ge [sflag:s3], $0x800  }
0x12c: {  	[sflag:s3] =	ssyncset.done $0x0  }
0x12d: {  	[sflag:s3] =	ssyncadd.s32 $0xFFFFF800  }
0x12e: {  	[tilespmem:s10], [sflag:$0x1] =	stream.indirect.gather [hbm4b:s5+s12], $0x80, s2, s12, $0xb8;
	[tilespmem:$0x10800] =	vst v63  }
0x12f: {  	_ = 	snop  }
0x130: {  	[tilespmem:s8], [sflag:$0x2] =	stream.indirect.gather [hbm4b:s5+s12], $0x80, s12, s12, $0xb8;
	[tilespmem:$0x10800] =	vst v63  }
0x131: {  	_ = 	snop  }
0x132: {  	[tilespmem:s6], [sflag:$0x3] =	stream.indirect.gather [hbm4b:s5+s12], $0x80, s30, s12, $0xb8;
	[tilespmem:$0x10800] =	vst v63  }
0x133: {  	_ = 	snop  }
0x134: {  	[tilespmem:s4], [sflag:$0x4] =	stream.indirect.gather [hbm4b:s5+s12], $0x80, s31, s12, $0xb8;
	[tilespmem:$0x10800] =	vst v63  }
0x135: {  	_ =	swait.ge [sflag:s14], $0x4000  }
0x136: {  	[sflag:s14] =	ssyncset.done $0x0  }
0x137: {  	s31 =	rddreg [dreg:$0x7];
	[sflag:s14] =	ssyncadd.s32 $0xFFFFC000  }
0x138: {  	[hbm4b:s31+s2] =	stream.linear.scatter [tilespmem:s10], [sflag:$0x5], $0x4000, $0x38;
	[tilespmem:$0x10800] =	vst v63  }
0x139: {  	_ =	swait.ge [sflag:s3], $0x4000  }
0x13a: {  	[sflag:s3] =	ssyncset.done $0x0  }
0x13b: {  	[sflag:s3] =	ssyncadd.s32 $0xFFFFC000  }
0x13c: {  	[tilespmem:s10], [sflag:$0x1] =	stream.indirect.gather [hbm4b:s5+s12], $0x80, s29, s12, $0xb8;
	[tilespmem:$0x10800] =	vst v63  }
0x13d: {  	_ =	swait.ge [sflag:s11], $0x4000  }
0x13e: {  	[sflag:s11] =	ssyncset.done $0x0  }
0x13f: {  	s1 =	rddreg [dreg:$0x8];
	[sflag:s11] =	ssyncadd.s32 $0xFFFFC000  }
0x140: {  	[hbm4b:s1+s2] =	stream.linear.scatter [tilespmem:s8], [sflag:$0x5], $0x4000, $0x38;
	[tilespmem:$0x10800] =	vst v63  }
0x141: {  	_ =	swait.ge [sflag:s3], $0x4000  }
0x142: {  	[sflag:s3] =	ssyncset.done $0x0  }
0x143: {  	[sflag:s3] =	ssyncadd.s32 $0xFFFFC000  }
0x144: {  	[tilespmem:s8], [sflag:$0x2] =	stream.indirect.gather [hbm4b:s5+s12], $0x80, s28, s12, $0xb8;
	[tilespmem:$0x10800] =	vst v63  }
0x145: {  	_ =	swait.ge [sflag:s9], $0x4000  }
0x146: {  	[sflag:s9] =	ssyncset.done $0x0  }
0x147: {  	s29 =	rddreg [dreg:$0x9];
	[sflag:s9] =	ssyncadd.s32 $0xFFFFC000  }
0x148: {  	[hbm4b:s29+s2] =	stream.linear.scatter [tilespmem:s6], [sflag:$0x5], $0x4000, $0x38;
	[tilespmem:$0x10800] =	vst v63  }
0x149: {  	_ =	swait.ge [sflag:s3], $0x4000  }
0x14a: {  	[sflag:s3] =	ssyncset.done $0x0  }
0x14b: {  	[sflag:s3] =	ssyncadd.s32 $0xFFFFC000  }
0x14c: {  	[tilespmem:s6], [sflag:$0x3] =	stream.indirect.gather [hbm4b:s5+s12], $0x80, s26, s12, $0xb8;
	[tilespmem:$0x10800] =	vst v63  }
0x14d: {  	_ =	swait.ge [sflag:s7], $0x4000  }
0x14e: {  	[sflag:s7] =	ssyncset.done $0x0  }
0x14f: {  	s30 =	rddreg [dreg:$0xa];
	[sflag:s7] =	ssyncadd.s32 $0xFFFFC000  }
0x150: {  	[hbm4b:s30+s2] =	stream.linear.scatter [tilespmem:s4], [sflag:$0x5], $0x4000, $0x38;
	[tilespmem:$0x10800] =	vst v63  }
0x151: {  	_ =	swait.ge [sflag:s3], $0x4000  }
0x152: {  	[sflag:s3] =	ssyncset.done $0x0  }
0x153: {  	[sflag:s3] =	ssyncadd.s32 $0xFFFFC000  }
0x154: {  	[tilespmem:s4], [sflag:$0x4] =	stream.indirect.gather [hbm4b:s5+s12], $0x80, s25, s12, $0xb8;
	[tilespmem:$0x10800] =	vst v63  }
0x155: {  	_ =	swait.ge [sflag:s14], $0x4000  }
0x156: {  	[sflag:s14] =	ssyncset.done $0x0  }
0x157: {  	s31 =	rddreg [dreg:$0xb];
	[sflag:s14] =	ssyncadd.s32 $0xFFFFC000  }
0x158: {  	[hbm4b:s31+s2] =	stream.linear.scatter [tilespmem:s10], [sflag:$0x5], $0x4000, $0x38;
	[tilespmem:$0x10800] =	vst v63  }
0x159: {  	_ =	swait.ge [sflag:s3], $0x4000  }
0x15a: {  	[sflag:s3] =	ssyncset.done $0x0  }
0x15b: {  	[sflag:s3] =	ssyncadd.s32 $0xFFFFC000  }
0x15c: {  	[tilespmem:s10], [sflag:$0x1] =	stream.indirect.gather [hbm4b:s5+s12], $0x80, s24, s12, $0xb8;
	[tilespmem:$0x10800] =	vst v63  }
0x15d: {  	_ =	swait.ge [sflag:s11], $0x4000  }
0x15e: {  	[sflag:s11] =	ssyncset.done $0x0  }
0x15f: {  	s1 =	rddreg [dreg:$0xc];
	[sflag:s11] =	ssyncadd.s32 $0xFFFFC000  }
0x160: {  	[hbm4b:s1+s2] =	stream.linear.scatter [tilespmem:s8], [sflag:$0x5], $0x4000, $0x38;
	[tilespmem:$0x10800] =	vst v63  }
0x161: {  	_ =	swait.ge [sflag:s3], $0x4000  }
0x162: {  	[sflag:s3] =	ssyncset.done $0x0  }
0x163: {  	[sflag:s3] =	ssyncadd.s32 $0xFFFFC000  }
0x164: {  	[tilespmem:s8], [sflag:$0x2] =	stream.indirect.gather [hbm4b:s5+s12], $0x80, s23, s12, $0xb8;
	[tilespmem:$0x10800] =	vst v63  }
0x165: {  	_ =	swait.ge [sflag:s9], $0x4000  }
0x166: {  	[sflag:s9] =	ssyncset.done $0x0  }
0x167: {  	s23 =	rddreg [dreg:$0xd];
	[sflag:s9] =	ssyncadd.s32 $0xFFFFC000  }
0x168: {  	[hbm4b:s23+s2] =	stream.linear.scatter [tilespmem:s6], [sflag:$0x5], $0x4000, $0x38;
	[tilespmem:$0x10800] =	vst v63  }
0x169: {  	_ =	swait.ge [sflag:s3], $0x4000  }
0x16a: {  	[sflag:s3] =	ssyncset.done $0x0  }
0x16b: {  	[sflag:s3] =	ssyncadd.s32 $0xFFFFC000  }
0x16c: {  	[tilespmem:s6], [sflag:$0x3] =	stream.indirect.gather [hbm4b:s5+s12], $0x80, s22, s12, $0xb8;
	[tilespmem:$0x10800] =	vst v63  }
0x16d: {  	_ =	swait.ge [sflag:s7], $0x4000  }
0x16e: {  	[sflag:s7] =	ssyncset.done $0x0  }
0x16f: {  	s24 =	rddreg [dreg:$0xe];
	[sflag:s7] =	ssyncadd.s32 $0xFFFFC000  }
0x170: {  	[hbm4b:s24+s2] =	stream.linear.scatter [tilespmem:s4], [sflag:$0x5], $0x4000, $0x38;
	[tilespmem:$0x10800] =	vst v63  }
0x171: {  	_ =	swait.ge [sflag:s3], $0x4000  }
0x172: {  	[sflag:s3] =	ssyncset.done $0x0  }
0x173: {  	[sflag:s3] =	ssyncadd.s32 $0xFFFFC000  }
0x174: {  	[tilespmem:s4], [sflag:$0x4] =	stream.indirect.gather [hbm4b:s5+s12], $0x80, s21, s12, $0xb8;
	[tilespmem:$0x10800] =	vst v63  }
0x175: {  	_ =	swait.ge [sflag:s14], $0x4000  }
0x176: {  	[sflag:s14] =	ssyncset.done $0x0  }
0x177: {  	s25 =	rddreg [dreg:$0xf];
	[sflag:s14] =	ssyncadd.s32 $0xFFFFC000  }
0x178: {  	[hbm4b:s25+s2] =	stream.linear.scatter [tilespmem:s10], [sflag:$0x5], $0x4000, $0x38;
	[tilespmem:$0x10800] =	vst v63  }
0x179: {  	_ =	swait.ge [sflag:s3], $0x4000  }
0x17a: {  	[sflag:s3] =	ssyncset.done $0x0  }
0x17b: {  	[sflag:s3] =	ssyncadd.s32 $0xFFFFC000  }
0x17c: {  	[tilespmem:s10], [sflag:$0x1] =	stream.indirect.gather [hbm4b:s5+s12], $0x80, s20, s12, $0xb8;
	[tilespmem:$0x10800] =	vst v63  }
0x17d: {  	_ =	swait.ge [sflag:s11], $0x4000  }
0x17e: {  	[sflag:s11] =	ssyncset.done $0x0  }
0x17f: {  	[sflag:s11] =	ssyncadd.s32 $0xFFFFC000  }
0x180: {  	[hbm4b:s16+s2] =	stream.linear.scatter [tilespmem:s8], [sflag:$0x5], $0x4000, $0x38;
	[tilespmem:$0x10800] =	vst v63  }
0x181: {  	_ =	swait.ge [sflag:s3], $0x4000  }
0x182: {  	[sflag:s3] =	ssyncset.done $0x0  }
0x183: {  	[sflag:s3] =	ssyncadd.s32 $0xFFFFC000  }
0x184: {  	[tilespmem:s8], [sflag:$0x2] =	stream.indirect.gather [hbm4b:s5+s12], $0x80, s19, s12, $0xb8;
	[tilespmem:$0x10800] =	vst v63  }
0x185: {  	_ =	swait.ge [sflag:s9], $0x4000  }
0x186: {  	[sflag:s9] =	ssyncset.done $0x0  }
0x187: {  	[sflag:s9] =	ssyncadd.s32 $0xFFFFC000  }
0x188: {  	[hbm4b:s15+s2] =	stream.linear.scatter [tilespmem:s6], [sflag:$0x5], $0x4000, $0x38;
	[tilespmem:$0x10800] =	vst v63  }
0x189: {  	_ =	swait.ge [sflag:s3], $0x4000  }
0x18a: {  	[sflag:s3] =	ssyncset.done $0x0  }
0x18b: {  	[sflag:s3] =	ssyncadd.s32 $0xFFFFC000  }
0x18c: {  	[tilespmem:s6], [sflag:$0x3] =	stream.indirect.gather [hbm4b:s5+s12], $0x80, s18, s12, $0xb8;
	[tilespmem:$0x10800] =	vst v63  }
0x18d: {  	_ =	swait.ge [sflag:s7], $0x4000  }
0x18e: {  	[sflag:s7] =	ssyncset.done $0x0  }
0x18f: {  	[sflag:s7] =	ssyncadd.s32 $0xFFFFC000  }
0x190: {  	[hbm4b:s13+s2] =	stream.linear.scatter [tilespmem:s4], [sflag:$0x5], $0x4000, $0x38;
	[tilespmem:$0x10800] =	vst v63  }
0x191: {  	_ =	swait.ge [sflag:s3], $0x4000  }
0x192: {  	[sflag:s3] =	ssyncset.done $0x0  }
0x193: {  	[sflag:s3] =	ssyncadd.s32 $0xFFFFC000  }
0x194: {  	[tilespmem:s4], [sflag:$0x4] =	stream.indirect.gather [hbm4b:s5+s12], $0x80, s17, s12, $0xb8;
	[tilespmem:$0x10800] =	vst v63  }
0x195: {  	_ =	swait.ge [sflag:s14], $0x4000  }
0x196: {  	[sflag:s14] =	ssyncset.done $0x0  }
0x197: {  	s26 =	rddreg [dreg:$0x3];
	[sflag:s14] =	ssyncadd.s32 $0xFFFFC000  }
0x198: {  	[hbm4b:s26+s2] =	stream.linear.scatter [tilespmem:s10], [sflag:$0x5], $0x4000, $0x38;
	[tilespmem:$0x10800] =	vst v63  }
0x199: {  	_ =	swait.ge [sflag:s3], $0x4000  }
0x19a: {  	[sflag:s3] =	ssyncset.done $0x0  }
0x19b: {  	[sflag:s3] =	ssyncadd.s32 $0xFFFFC000  }
0x19c: {  	_ =	swait.ge [sflag:s11], $0x4000  }
0x19d: {  	[sflag:s11] =	ssyncset.done $0x0  }
0x19e: {  	s28 =	rddreg [dreg:$0x4];
	[sflag:s11] =	ssyncadd.s32 $0xFFFFC000  }
0x19f: {  	[hbm4b:s28+s2] =	stream.linear.scatter [tilespmem:s8], [sflag:$0x5], $0x4000, $0x38;
	[tilespmem:$0x10800] =	vst v63  }
0x1a0: {  	_ =	swait.ge [sflag:s3], $0x4000  }
0x1a1: {  	[sflag:s3] =	ssyncset.done $0x0  }
0x1a2: {  	[sflag:s3] =	ssyncadd.s32 $0xFFFFC000  }
0x1a3: {  	_ =	swait.ge [sflag:s9], $0x4000  }
0x1a4: {  	[sflag:s9] =	ssyncset.done $0x0  }
0x1a5: {  	s29 =	rddreg [dreg:$0x5];
	[sflag:s9] =	ssyncadd.s32 $0xFFFFC000  }
0x1a6: {  	[hbm4b:s29+s2] =	stream.linear.scatter [tilespmem:s6], [sflag:$0x5], $0x4000, $0x38;
	[tilespmem:$0x10800] =	vst v63  }
0x1a7: {  	_ =	swait.ge [sflag:s3], $0x4000  }
0x1a8: {  	[sflag:s3] =	ssyncset.done $0x0  }
0x1a9: {  	[sflag:s3] =	ssyncadd.s32 $0xFFFFC000  }
0x1aa: {  	_ =	swait.ge [sflag:s7], $0x4000  }
0x1ab: {  	[sflag:s7] =	ssyncset.done $0x0  }
0x1ac: {  	s30 =	rddreg [dreg:$0x6];
	[sflag:s7] =	ssyncadd.s32 $0xFFFFC000  }
0x1ad: {  	[hbm4b:s30+s2] =	stream.linear.scatter [tilespmem:s4], [sflag:$0x5], $0x4000, $0x38;
	[tilespmem:$0x10800] =	vst v63  }
0x1ae: {  	_ =	swait.ge [sflag:s3], $0x4000  }
0x1af: {  	[sflag:s3] =	ssyncset.done $0x0  }
0x1b0: {  	[sflag:s3] =	ssyncadd.s32 $0xFFFFC000  }
0x1b1: {  	_ =	sfence.sel $0x180000  }
0x1b2: {  	[bflag:$0x0] =	sbarrier.arrive $0xFFFF  }
0x1b3: {  	_ =	strace $0x90000050  }
0x1b4: {  	s31 =	stileid.u32;
	[bflag:$0x2] =	sbarrier.arrive $0xFFFF  }
0x1b5: {  	p0 =	sne.s32 s31, $0x0;
	s0 =	rddreg [dreg:$0x1]  }
0x1b6: {  	s0 =	sadd.s32 @!p0 $0x100000, s0  }
0x1b7: {  	[sflag:s0] =	ssyncadd.tile.s32 @!p0 $0x1;
	_ =	shalt  }
.Lfunc_end2:
_tile_overlayer_lowered:
.L_overlay_start_2:
0x1b8: {  	(tag) =	ssettag $0x2  }
0x1b9: {  	s0 =	rddreg [dreg:$0x0];
	s2 =	stileid.u32  }
0x1ba: {  	s1 =	rddreg [dreg:$0x1];
	p0 =	sne.s32 s2, $0x0  }
0x1bb: {  	s3 =	rddreg [dreg:$0x2];
	[bflag:$0x3] =	sbarrier.arrive $0xFFFF;
	s2 =	simm.s32 @!p0 $0x1C05  }
0x1bc: {  	[timem:s3], [sflag:s2] =	dma.local @!p0 [hbm:s0], s1  }
0x1bd: {  	s0 =	simm.s32 @!p0 $0x5  }
0x1be: {  	_ =	swait.ge @!p0 [sflag:s0], s1  }
0x1bf: {  	s1 =	ssub.s32 @!p0 $0x0, s1;
	[sflag:s0] =	ssyncset.done @!p0 $0x0  }
0x1c0: {  	[sflag:s0] =	ssyncadd.s32 @!p0 s1  }
0x1c1: {  	[bflag:$0x3] =	sbarrier.arrive $0xFFFF  }
0x1c2: {  	_ =	shalt  }

</sc_bundles>
